<compile_context>
chip_gen: v7x
topology: tpu7x:2x2x1
jax: 0.10.2.dev20260603
libtpu: 0.0.44.dev20260713+nightly
codegen_flags: <defaults>
</compile_context>

<pallas_src>
import dataclasses
import functools

import jax
import jax.numpy as jnp
from jax import lax
from jax.experimental import pallas as pl
from jax.experimental.pallas import tpu as pltpu
from jax.experimental.pallas import tpu_sc as plsc

NC = 2
NS = 16
LN = 16


def _sc_params():
    cp = pltpu.CompilerParams()
    if "needs_layout_passes" in pltpu.CompilerParams.__dataclass_fields__:
        cp = dataclasses.replace(cp, needs_layout_passes=False)
    return cp


def _mm_cat_kernel(x_ref, w_ref, b_ref, ps_ref, pd_ref, nt_ref):
    p = lax.dot_general(x_ref[...], w_ref[...], (((1,), (0,)), ((), ())),
                        preferred_element_type=jnp.float32,
                        precision=lax.Precision.HIGHEST)
    p = p + b_ref[...]
    ps_ref[...] = p[:, 0:512]
    pd_ref[...] = p[:, 512:1024]
    nt_ref[...] = p[:, 1024:1536]


def _mm_edge_kernel(x_ref, w_ref, b_ref, o_ref):
    p = lax.dot_general(x_ref[...], w_ref[...], (((1,), (0,)), ((), ())),
                        preferred_element_type=jnp.float32,
                        precision=lax.Precision.HIGHEST)
    o_ref[...] = p + b_ref[...]


def _lane_iota():
    return lax.broadcasted_iota(jnp.int32, (LN,), 0)


def _bcast_lane(v, lane):
    s = jnp.sum(jnp.where(_lane_iota() == lane, v, 0.0))
    return jnp.zeros((LN,), jnp.float32) + s


def _edge_sc_kernel(E, N):
    EPT = E // (NC * NS)
    CB = 40
    NCHUNK = EPT // CB
    mesh = plsc.VectorSubcoreMesh(core_axis_name="c", subcore_axis_name="s")

    @functools.partial(
        pl.kernel,
        out_type=(
            jax.ShapeDtypeStruct((E, 512), jnp.float32),
            jax.ShapeDtypeStruct((E, 16), jnp.float32),
        ),
        mesh=mesh,
        compiler_params=_sc_params(),
        scratch_types=[
            pltpu.VMEM((CB,), jnp.int32),
            pltpu.VMEM((CB,), jnp.int32),
            pltpu.VMEM((CB, 512), jnp.float32),
            pltpu.VMEM((CB, 512), jnp.float32),
            pltpu.VMEM((CB, 512), jnp.float32),
            pltpu.VMEM((CB, 16), jnp.float32),
            pltpu.VMEM((64,), jnp.float32),
            pltpu.SemaphoreType.DMA,
            pltpu.SemaphoreType.DMA,
        ],
    )
    def k(psrc, pdst, eproj, src, dst, wsum, fout, arow,
          srcb, dstb, psb, pdb, epb, arb, wsb, sem0, sem1):
        cid = lax.axis_index("c")
        sid = lax.axis_index("s")
        wid = sid * NC + cid
        base = wid * EPT

        pltpu.sync_copy(wsum, wsb)
        wv = [wsb[pl.ds(m * LN, LN)] for m in range(4)]

        @pl.loop(0, NCHUNK)
        def _(i):
            e0 = base + i * CB
            pltpu.sync_copy(src.at[pl.ds(e0, CB)], srcb)
            pltpu.sync_copy(dst.at[pl.ds(e0, CB)], dstb)
            g1 = pltpu.async_copy(psrc.at[srcb], psb, sem0)
            g2 = pltpu.async_copy(pdst.at[dstb], pdb, sem1)
            pltpu.sync_copy(eproj.at[pl.ds(e0, CB), :], epb)
            g1.wait()
            g2.wait()

            @pl.loop(0, CB)
            def _(j):
                accs = [None] * 8
                for kk in range(32):
                    sl = pl.ds(kk * LN, LN)
                    v = psb[j, sl] + pdb[j, sl] + epb[j, sl]
                    f = jnp.maximum(v, 0.01 * v)
                    epb[j, sl] = f
                    h, m = kk // 4, kk % 4
                    t = f * wv[m]
                    accs[h] = t if accs[h] is None else accs[h] + t
                lanes = _lane_iota()
                z = jnp.zeros((LN,), jnp.float32)
                for h in range(8):
                    z = jnp.where(lanes == h, jnp.sum(accs[h]), z)
                ev = jnp.exp(z)
                row = jnp.where(lanes < 8, ev,
                                jnp.where(lanes == 8, 1.0, 0.0))
                arb[j] = row

            pltpu.sync_copy(epb, fout.at[pl.ds(e0, CB), :])
            pltpu.sync_copy(arb, arow.at[pl.ds(e0, CB), :])

    return k


def _denom_sc_kernel(E, N):
    EPT = E // (NC * NS)
    CB = 40
    NCHUNK = EPT // CB
    ZR = 16
    NZC = N // ZR
    NQ = (NZC + NS - 1) // NS
    mesh = plsc.VectorSubcoreMesh(core_axis_name="c", subcore_axis_name="s")

    @functools.partial(
        pl.kernel,
        out_type=(
            jax.ShapeDtypeStruct((N, 128), jnp.float32),
            jax.ShapeDtypeStruct((N, 128), jnp.float32),
        ),
        mesh=mesh,
        compiler_params=_sc_params(),
        scratch_types=[
            pltpu.VMEM((CB,), jnp.int32),
            pltpu.VMEM((CB, 16), jnp.float32),
            pltpu.VMEM((CB, 128), jnp.float32),
            pltpu.VMEM((ZR, 128), jnp.float32),
            pltpu.VMEM_SHARED((N, 128), jnp.float32),
        ],
    )
    def k(arow, dst, den0, den1, dstb, arb, vb, zb, acc):
        cid = lax.axis_index("c")
        sid = lax.axis_index("s")
        wid = sid * NC + cid
        base = wid * EPT

        @pl.loop(0, ZR)
        def _(m):
            for kk in range(8):
                zb[m, pl.ds(kk * LN, LN)] = jnp.zeros((LN,), jnp.float32)

        @pl.loop(0, CB)
        def _(m):
            for kk in range(8):
                vb[m, pl.ds(kk * LN, LN)] = jnp.zeros((LN,), jnp.float32)

        @pl.loop(0, NQ)
        def _(q):
            cix = sid + q * NS

            @pl.when(cix < NZC)
            def _():
                pltpu.sync_copy(zb, acc.at[pl.ds(cix * ZR, ZR), :])
        plsc.subcore_barrier()

        @pl.loop(0, NCHUNK)
        def _(i):
            e0 = base + i * CB
            pltpu.sync_copy(dst.at[pl.ds(e0, CB)], dstb)
            pltpu.sync_copy(arow.at[pl.ds(e0, CB), :], arb)

            @pl.loop(0, CB)
            def _(j):
                vb[j, pl.ds(0, LN)] = arb[j]

            pltpu.sync_copy(vb, acc.at[dstb], add=True)

        plsc.subcore_barrier()

        @pl.loop(0, NQ)
        def _(q):
            cix = sid + q * NS

            @pl.when((cix < NZC) & (cid == 0))
            def _():
                sl = pl.ds(cix * ZR, ZR)
                pltpu.sync_copy(acc.at[sl, :], den0.at[sl, :])

            @pl.when((cix < NZC) & (cid == 1))
            def _():
                sl = pl.ds(cix * ZR, ZR)
                pltpu.sync_copy(acc.at[sl, :], den1.at[sl, :])

    return k


def _agg_sc_kernel(E, N):
    EPT = E // NS
    CB = 80
    NCHUNK = EPT // CB
    ZR = 16
    NZC = N // ZR
    NQ = (NZC + NS - 1) // NS
    mesh = plsc.VectorSubcoreMesh(core_axis_name="c", subcore_axis_name="s")

    @functools.partial(
        pl.kernel,
        out_type=jax.ShapeDtypeStruct((4, N, 128), jnp.float32),
        mesh=mesh,
        compiler_params=_sc_params(),
        scratch_types=[
            pltpu.VMEM((CB,), jnp.int32),
            pltpu.VMEM((CB,), jnp.int32),
            pltpu.VMEM((CB,), jnp.int32),
            pltpu.VMEM((CB, 128), jnp.float32),
            pltpu.VMEM((CB, 16), jnp.float32),
            pltpu.VMEM((ZR, 128), jnp.float32),
            pltpu.VMEM((ZR, 128), jnp.float32),
            pltpu.VMEM((ZR, 128), jnp.float32),
            pltpu.VMEM((ZR, 128), jnp.float32),
            pltpu.VMEM_SHARED((N, 128), jnp.float32),
            pltpu.SemaphoreType.DMA,
        ],
    )
    def k(ntg, arow, src, dst, den0, den1, hnew,
          srcb, dstb, idxb, rowb, arb, zb, ntb, q0, q1,
          acc, sem0):
        cid = lax.axis_index("c")
        sid = lax.axis_index("s")

        for gg in range(2):
            g = cid * 2 + gg

            @pl.loop(0, ZR)
            def _(m):
                for kk in range(8):
                    zb[m, pl.ds(kk * LN, LN)] = jnp.zeros((LN,), jnp.float32)

            @pl.loop(0, NQ)
            def _(q):
                cix = sid + q * NS

                @pl.when(cix < NZC)
                def _():
                    pltpu.sync_copy(zb, acc.at[pl.ds(cix * ZR, ZR), :])
            plsc.subcore_barrier()

            @pl.loop(0, NCHUNK)
            def _(i):
                e0 = sid * EPT + i * CB
                pltpu.sync_copy(src.at[pl.ds(e0, CB)], srcb)
                pltpu.sync_copy(dst.at[pl.ds(e0, CB)], dstb)

                @pl.loop(0, CB // LN)
                def _(m):
                    sl = pl.ds(m * LN, LN)
                    idxb[sl] = srcb[sl] + g * N

                g1 = pltpu.async_copy(ntg.at[idxb], rowb, sem0)
                pltpu.sync_copy(arow.at[pl.ds(e0, CB), :], arb)
                g1.wait()

                @pl.loop(0, CB)
                def _(j):
                    crow = arb[j]
                    c0 = _bcast_lane(crow, 2 * g)
                    c1 = _bcast_lane(crow, 2 * g + 1)
                    for kk in range(8):
                        sl = pl.ds(kk * LN, LN)
                        cv = c0 if kk < 4 else c1
                        rowb[j, sl] = rowb[j, sl] * cv

                pltpu.sync_copy(rowb, acc.at[dstb], add=True)

            plsc.subcore_barrier()

            @pl.loop(0, NQ)
            def _(q):
                cix = sid + q * NS

                @pl.when(cix < NZC)
                def _():
                    n0 = cix * ZR
                    pltpu.sync_copy(acc.at[pl.ds(n0, ZR), :], zb)
                    pltpu.sync_copy(ntg.at[pl.ds(g * N + n0, ZR), :], ntb)
                    pltpu.sync_copy(den0.at[pl.ds(n0, ZR), :], q0)
                    pltpu.sync_copy(den1.at[pl.ds(n0, ZR), :], q1)

                    @pl.loop(0, ZR)
                    def _(m):
                        dv = q0[m, pl.ds(0, LN)] + q1[m, pl.ds(0, LN)]
                        pos = _bcast_lane(dv, 8) > 0.0
                        d0 = _bcast_lane(dv, 2 * g)
                        d1 = _bcast_lane(dv, 2 * g + 1)
                        for kk in range(8):
                            sl = pl.ds(kk * LN, LN)
                            dd = d0 if kk < 4 else d1
                            zb[m, sl] = jnp.where(pos, zb[m, sl] / dd,
                                                  ntb[m, sl])

                    pltpu.sync_copy(zb, hnew.at[g, pl.ds(n0, ZR), :])
            plsc.subcore_barrier()

    return k


def kernel(nfeats, efeats, edge_index, W_nodes, b_nodes, W_edges, b_edges, W_attn):
    N, D_IN = nfeats.shape
    E = efeats.shape[0]
    H = W_attn.shape[0]
    DO = W_attn.shape[1]

    src = edge_index[0]
    dst = edge_index[1]

    w_cat = jnp.concatenate(
        [W_edges[:, :D_IN].T, W_edges[:, D_IN + 16:].T, W_nodes.T], axis=1)
    b_cat = jnp.concatenate(
        [b_edges, b_edges, b_nodes], axis=0).reshape(1, 3 * H * DO)
    w_ef = W_edges[:, D_IN:D_IN + 16].T
    b_ef = b_edges.reshape(1, H * DO)
    w_sum = jnp.sum(W_attn, axis=0)

    NB = 400
    psrc, pdst, nt = pl.pallas_call(
        _mm_cat_kernel,
        grid=(N // NB,),
        in_specs=[
            pl.BlockSpec((NB, D_IN), lambda i: (i, 0)),
            pl.BlockSpec((D_IN, 3 * H * DO), lambda i: (0, 0)),
            pl.BlockSpec((1, 3 * H * DO), lambda i: (0, 0)),
        ],
        out_specs=[
            pl.BlockSpec((NB, H * DO), lambda i: (i, 0)),
            pl.BlockSpec((NB, H * DO), lambda i: (i, 0)),
            pl.BlockSpec((NB, H * DO), lambda i: (i, 0)),
        ],
        out_shape=[
            jax.ShapeDtypeStruct((N, H * DO), jnp.float32),
            jax.ShapeDtypeStruct((N, H * DO), jnp.float32),
            jax.ShapeDtypeStruct((N, H * DO), jnp.float32),
        ],
    )(nfeats, w_cat, b_cat)

    EB = 2000
    eproj = pl.pallas_call(
        _mm_edge_kernel,
        grid=(E // EB,),
        in_specs=[
            pl.BlockSpec((EB, 16), lambda i: (i, 0)),
            pl.BlockSpec((16, H * DO), lambda i: (0, 0)),
            pl.BlockSpec((1, H * DO), lambda i: (0, 0)),
        ],
        out_specs=pl.BlockSpec((EB, H * DO), lambda i: (i, 0)),
        out_shape=jax.ShapeDtypeStruct((E, H * DO), jnp.float32),
    )(efeats, w_ef, b_ef)

    fout, arow = _edge_sc_kernel(E, N)(psrc, pdst, eproj, src, dst, w_sum)

    den0, den1 = _denom_sc_kernel(E, N)(arow, dst)

    ntg = nt.reshape(N, 4, 128).transpose(1, 0, 2).reshape(4 * N, 128)
    hnew = _agg_sc_kernel(E, N)(ntg, arow, src, dst, den0, den1)

    return (hnew.reshape(4, N, 2, DO).transpose(1, 0, 2, 3).reshape(N, H, DO),
            fout.reshape(E, H, DO))

# --- scband reference (transcript-rebuilt; emitter-appended) ---
"""Pipeline reference for scband-multi-head-egatlayer-88802743812451 (READ-ONLY COPY).

The authoritative reference and input builder live on the scoring server;
editing this copy changes nothing except your own understanding.
"""

import jax, jax.numpy as jnp
import numpy as np

N = 10000
E = 160000
D_IN = 256
D_EDGE = 16
H = 8
D_OUT_N = 64
D_OUT_E = 64


def _xavier_normal(key, shape, fan_in, fan_out, gain):
    std = gain * np.sqrt(2.0 / (fan_in + fan_out))
    return jax.random.normal(key, shape, dtype=jnp.float32) * std


def setup_inputs(seed: int = 0) -> dict:
    key = jax.random.key(seed)
    ks = jax.random.split(key, 8)
    gain = float(np.sqrt(2.0))  # calculate_gain('relu')
    nfeats = jax.random.normal(ks[0], (N, D_IN), dtype=jnp.float32)
    efeats = jax.random.normal(ks[1], (E, D_EDGE), dtype=jnp.float32)
    edge_index = jax.random.randint(ks[2], (2, E), 0, N, dtype=jnp.int32)
    W_nodes = _xavier_normal(ks[3], (H * D_OUT_N, D_IN), D_IN, H * D_OUT_N, gain)
    b_nodes = jnp.zeros((H * D_OUT_N,), dtype=jnp.float32)
    in_e = D_EDGE + 2 * D_IN
    W_edges = _xavier_normal(ks[4], (H * D_OUT_E, in_e), in_e, H * D_OUT_E, gain)
    b_edges = jnp.zeros((H * D_OUT_E,), dtype=jnp.float32)
    W_attn = _xavier_normal(ks[5], (H, D_OUT_E), D_OUT_E, H, gain)
    return {
        "nfeats": nfeats,
        "efeats": efeats,
        "edge_index": edge_index,
        "W_nodes": W_nodes,
        "b_nodes": b_nodes,
        "W_edges": W_edges,
        "b_edges": b_edges,
        "W_attn": W_attn,
    }


def reference(nfeats, efeats, edge_index, W_nodes, b_nodes, W_edges, b_edges, W_attn):
    src = edge_index[0]
    dst = edge_index[1]

    # apply_edges: edge_attention
    h_src = jnp.take(nfeats, src, axis=0)
    h_dst = jnp.take(nfeats, dst, axis=0)
    stack = jnp.concatenate([h_src, efeats, h_dst], axis=-1)
    f_out = stack @ W_edges.T + b_edges
    f_out = jax.nn.leaky_relu(f_out, negative_slope=0.01)
    f_out = f_out.reshape(E, H, D_OUT_E)
    # fc_attn(f_out): [E,H,D_OUT_E] @ [D_OUT_E,H] -> [E,H,H], then sum(-1)
    a = jnp.einsum('ehd,kd->ehk', f_out, W_attn).sum(-1)  # [E, H]

    # node transform
    nfeats_t = (nfeats @ W_nodes.T + b_nodes).reshape(N, H, D_OUT_N)

    # reduce: softmax over incoming edges per dst node (per head)
    a_max = jax.ops.segment_max(a, dst, num_segments=N)
    a_max = jnp.where(jnp.isfinite(a_max), a_max, 0.0)
    a_exp = jnp.exp(a - jnp.take(a_max, dst, axis=0))
    denom = jax.ops.segment_sum(a_exp, dst, num_segments=N)
    alpha = a_exp / jnp.take(denom, dst, axis=0)  # [E, H]

    msg = alpha[:, :, None] * jnp.take(nfeats_t, src, axis=0)
    h_agg = jax.ops.segment_sum(msg, dst, num_segments=N)

    # nodes with no incoming edges keep their (transformed) features, as in DGL update_all
    deg = jax.ops.segment_sum(jnp.ones((E,), dtype=jnp.float32), dst, num_segments=N)
    h_new = jnp.where(deg[:, None, None] > 0, h_agg, nfeats_t)
    return h_new, f_out

if __name__ == "__main__":
    import jax
    _d = setup_inputs()
    print(jax.jit(kernel)(*tuple(_d.values())))

</pallas_src>

<mosaic_0001>
#map = affine_map<(d0, d1) -> (0, 0)>
#map1 = affine_map<(d0, d1) -> (0)>
module attributes {stable_mosaic.version = 14 : i64} {
  func.func @k(%arg0: i32, %arg1: i32, %arg2: memref<10000x512xf32, #tpu.memory_space<hbm>>, %arg3: memref<10000x512xf32, #tpu.memory_space<hbm>>, %arg4: memref<160000x512xf32, #tpu.memory_space<hbm>>, %arg5: memref<160000xi32, #tpu.memory_space<hbm>>, %arg6: memref<160000xi32, #tpu.memory_space<hbm>>, %arg7: memref<64xf32, #tpu.memory_space<hbm>>, %arg8: memref<160000x512xf32, #tpu.memory_space<hbm>>, %arg9: memref<160000x16xf32, #tpu.memory_space<hbm>>, %arg10: memref<40xi32, #tpu.memory_space<vmem>>, %arg11: memref<40xi32, #tpu.memory_space<vmem>>, %arg12: memref<40x512xf32, #tpu.memory_space<vmem>>, %arg13: memref<40x512xf32, #tpu.memory_space<vmem>>, %arg14: memref<40x512xf32, #tpu.memory_space<vmem>>, %arg15: memref<40x16xf32, #tpu.memory_space<vmem>>, %arg16: memref<64xf32, #tpu.memory_space<vmem>>, %arg17: memref<!tpu.dma_semaphore, #tpu.memory_space<semaphore_mem>>, %arg18: memref<!tpu.dma_semaphore, #tpu.memory_space<semaphore_mem>>) attributes {dimension_semantics = [#tpu.dimension_semantics<core_parallel>, #tpu.dimension_semantics<subcore_parallel>], iteration_bounds = array<i64: 2, 16>, scalar_prefetch = 0 : i64, scratch_operands = 9 : i64, tpu.core_type = #tpu.core_type<sc_vector_subcore>, window_params = [{transform_indices = #map}, {transform_indices = #map}, {transform_indices = #map}, {transform_indices = #map1}, {transform_indices = #map1}, {transform_indices = #map1}, {transform_indices = #map}, {transform_indices = #map}]} {
    %mul3A = arith.constant 2 : i32
    %mul3A_0 = arith.muli %arg1, %mul3A : i32
    %add3A = arith.addi %mul3A_0, %arg0 : i32
    %mul3A_1 = arith.constant 5000 : i32
    %mul3A_2 = arith.muli %add3A, %mul3A_1 : i32
    "tpu.region"() ({
      %run_scoped3A = tpu.sem_alloc : memref<!tpu.dma_semaphore, #tpu.memory_space<semaphore_mem>>
      tpu.enqueue_dma source(%arg7 : memref<64xf32, #tpu.memory_space<hbm>>) target(%arg16 : memref<64xf32, #tpu.memory_space<vmem>>) target_semaphore(%run_scoped3A : memref<!tpu.dma_semaphore, #tpu.memory_space<semaphore_mem>>)
      tpu.wait_dma2 semaphore(%run_scoped3A : memref<!tpu.dma_semaphore, #tpu.memory_space<semaphore_mem>>) src(%arg7 : memref<64xf32, #tpu.memory_space<hbm>>) dst(%arg16 : memref<64xf32, #tpu.memory_space<vmem>>)
      tpu.yield
    }) : () -> ()
    %get3A = arith.constant 0 : index
    %get3A_3 = tpu.vector_load %arg16[%get3A] {strides = array<i32>} : memref<64xf32, #tpu.memory_space<vmem>>, vector<16xf32>,
    %get3A_4 = arith.constant 16 : index
    %get3A_5 = tpu.vector_load %arg16[%get3A_4] {strides = array<i32>} : memref<64xf32, #tpu.memory_space<vmem>>, vector<16xf32>,
    %get3A_6 = arith.constant 32 : index
    %get3A_7 = tpu.vector_load %arg16[%get3A_6] {strides = array<i32>} : memref<64xf32, #tpu.memory_space<vmem>>, vector<16xf32>,
    %get3A_8 = arith.constant 48 : index
    %get3A_9 = tpu.vector_load %arg16[%get3A_8] {strides = array<i32>} : memref<64xf32, #tpu.memory_space<vmem>>, vector<16xf32>,
    %scan3A = arith.constant 0 : i32
    %scan3A_10 = arith.constant 125 : i32
    %scan3A_11 = arith.addi %scan3A, %scan3A_10 : i32
    %scan3A_12 = arith.constant 1 : i32
    scf.for %scan3A_14 = %scan3A to %scan3A_11 step %scan3A_12  : i32 {
      %mul3A_15 = arith.constant 1 : i32
      %mul3A_16 = arith.muli %scan3A_14, %mul3A_15 : i32
      %add3A_17 = arith.constant 0 : i32
      %add3A_18 = arith.addi %add3A_17, %mul3A_16 : i32
      %mul3A_19 = arith.constant 40 : i32
      %mul3A_20 = arith.muli %add3A_18, %mul3A_19 : i32
      %add3A_21 = arith.addi %mul3A_2, %mul3A_20 : i32
      "tpu.region"() ({
        %run_scoped3A = tpu.sem_alloc : memref<!tpu.dma_semaphore, #tpu.memory_space<semaphore_mem>>
        %dma_start3A_37 = tpu.memref_slice %arg5[%add3A_21] : memref<160000xi32, #tpu.memory_space<hbm>> -> memref<40xi32, #tpu.memory_space<hbm>>
        %dma_start3A_38 = tpu.memref_slice %arg5[%add3A_21] : memref<160000xi32, #tpu.memory_space<hbm>> -> memref<40xi32, #tpu.memory_space<hbm>>
        tpu.enqueue_dma source(%dma_start3A_38 : memref<40xi32, #tpu.memory_space<hbm>>) target(%arg10 : memref<40xi32, #tpu.memory_space<vmem>>) target_semaphore(%run_scoped3A : memref<!tpu.dma_semaphore, #tpu.memory_space<semaphore_mem>>)
        %dma_wait3A_39 = tpu.memref_slice %arg5[%add3A_21] : memref<160000xi32, #tpu.memory_space<hbm>> -> memref<40xi32, #tpu.memory_space<hbm>>
        %dma_wait3A_40 = tpu.memref_slice %arg5[%add3A_21] : memref<160000xi32, #tpu.memory_space<hbm>> -> memref<40xi32, #tpu.memory_space<hbm>>
        tpu.wait_dma2 semaphore(%run_scoped3A : memref<!tpu.dma_semaphore, #tpu.memory_space<semaphore_mem>>) src(%dma_wait3A_40 : memref<40xi32, #tpu.memory_space<hbm>>) dst(%arg10 : memref<40xi32, #tpu.memory_space<vmem>>)
        tpu.yield
      }) : () -> ()
      "tpu.region"() ({
        %run_scoped3A = tpu.sem_alloc : memref<!tpu.dma_semaphore, #tpu.memory_space<semaphore_mem>>
        %dma_start3A_37 = tpu.memref_slice %arg6[%add3A_21] : memref<160000xi32, #tpu.memory_space<hbm>> -> memref<40xi32, #tpu.memory_space<hbm>>
        %dma_start3A_38 = tpu.memref_slice %arg6[%add3A_21] : memref<160000xi32, #tpu.memory_space<hbm>> -> memref<40xi32, #tpu.memory_space<hbm>>
        tpu.enqueue_dma source(%dma_start3A_38 : memref<40xi32, #tpu.memory_space<hbm>>) target(%arg11 : memref<40xi32, #tpu.memory_space<vmem>>) target_semaphore(%run_scoped3A : memref<!tpu.dma_semaphore, #tpu.memory_space<semaphore_mem>>)
        %dma_wait3A_39 = tpu.memref_slice %arg6[%add3A_21] : memref<160000xi32, #tpu.memory_space<hbm>> -> memref<40xi32, #tpu.memory_space<hbm>>
        %dma_wait3A_40 = tpu.memref_slice %arg6[%add3A_21] : memref<160000xi32, #tpu.memory_space<hbm>> -> memref<40xi32, #tpu.memory_space<hbm>>
        tpu.wait_dma2 semaphore(%run_scoped3A : memref<!tpu.dma_semaphore, #tpu.memory_space<semaphore_mem>>) src(%dma_wait3A_40 : memref<40xi32, #tpu.memory_space<hbm>>) dst(%arg11 : memref<40xi32, #tpu.memory_space<vmem>>)
        tpu.yield
      }) : () -> ()
      %dma_start3A = arith.constant 0 : i32
      %dma_start3A_22 = arith.constant 0 : i32
      %dma_start3A_23 = tpu.memref_slice %arg2[%dma_start3A, %dma_start3A_22] : memref<10000x512xf32, #tpu.memory_space<hbm>> -> memref<10000x512xf32, #tpu.memory_space<hbm>>
      tpu.enqueue_indirect_dma source(%dma_start3A_23 : memref<10000x512xf32, #tpu.memory_space<hbm>>) target(%arg12 : memref<40x512xf32, #tpu.memory_space<vmem>>) offsets(%arg10 : memref<40xi32, #tpu.memory_space<vmem>>) semaphore(%arg17 : memref<!tpu.dma_semaphore, #tpu.memory_space<semaphore_mem>>)
      %dma_start3A_24 = arith.constant 0 : i32
      %dma_start3A_25 = arith.constant 0 : i32
      %dma_start3A_26 = tpu.memref_slice %arg3[%dma_start3A_24, %dma_start3A_25] : memref<10000x512xf32, #tpu.memory_space<hbm>> -> memref<10000x512xf32, #tpu.memory_space<hbm>>
      tpu.enqueue_indirect_dma source(%dma_start3A_26 : memref<10000x512xf32, #tpu.memory_space<hbm>>) target(%arg13 : memref<40x512xf32, #tpu.memory_space<vmem>>) offsets(%arg11 : memref<40xi32, #tpu.memory_space<vmem>>) semaphore(%arg18 : memref<!tpu.dma_semaphore, #tpu.memory_space<semaphore_mem>>)
      "tpu.region"() ({
        %run_scoped3A = tpu.sem_alloc : memref<!tpu.dma_semaphore, #tpu.memory_space<semaphore_mem>>
        %dma_start3A_37 = arith.constant 0 : i32
        %dma_start3A_38 = tpu.memref_slice %arg4[%add3A_21, %dma_start3A_37] : memref<160000x512xf32, #tpu.memory_space<hbm>> -> memref<40x512xf32, #tpu.memory_space<hbm>>
        %dma_start3A_39 = arith.constant 0 : i32
        %dma_start3A_40 = tpu.memref_slice %arg4[%add3A_21, %dma_start3A_39] : memref<160000x512xf32, #tpu.memory_space<hbm>> -> memref<40x512xf32, #tpu.memory_space<hbm>>
        tpu.enqueue_dma source(%dma_start3A_40 : memref<40x512xf32, #tpu.memory_space<hbm>>) target(%arg14 : memref<40x512xf32, #tpu.memory_space<vmem>>) target_semaphore(%run_scoped3A : memref<!tpu.dma_semaphore, #tpu.memory_space<semaphore_mem>>)
        %dma_wait3A_41 = arith.constant 0 : i32
        %dma_wait3A_42 = tpu.memref_slice %arg4[%add3A_21, %dma_wait3A_41] : memref<160000x512xf32, #tpu.memory_space<hbm>> -> memref<40x512xf32, #tpu.memory_space<hbm>>
        %dma_wait3A_43 = arith.constant 0 : i32
        %dma_wait3A_44 = tpu.memref_slice %arg4[%add3A_21, %dma_wait3A_43] : memref<160000x512xf32, #tpu.memory_space<hbm>> -> memref<40x512xf32, #tpu.memory_space<hbm>>
        tpu.wait_dma2 semaphore(%run_scoped3A : memref<!tpu.dma_semaphore, #tpu.memory_space<semaphore_mem>>) src(%dma_wait3A_44 : memref<40x512xf32, #tpu.memory_space<hbm>>) dst(%arg14 : memref<40x512xf32, #tpu.memory_space<vmem>>)
        tpu.yield
      }) : () -> ()
      %dma_wait3A = arith.constant 0 : i32
      %dma_wait3A_27 = arith.constant 0 : i32
      %dma_wait3A_28 = tpu.memref_slice %arg2[%dma_wait3A, %dma_wait3A_27] : memref<10000x512xf32, #tpu.memory_space<hbm>> -> memref<10000x512xf32, #tpu.memory_space<hbm>>
      tpu.wait_indirect_dma semaphore(%arg17 : memref<!tpu.dma_semaphore, #tpu.memory_space<semaphore_mem>>) src(%dma_wait3A_28 : memref<10000x512xf32, #tpu.memory_space<hbm>>) dst(%arg12 : memref<40x512xf32, #tpu.memory_space<vmem>>)
      %dma_wait3A_29 = arith.constant 0 : i32
      %dma_wait3A_30 = arith.constant 0 : i32
      %dma_wait3A_31 = tpu.memref_slice %arg3[%dma_wait3A_29, %dma_wait3A_30] : memref<10000x512xf32, #tpu.memory_space<hbm>> -> memref<10000x512xf32, #tpu.memory_space<hbm>>
      tpu.wait_indirect_dma semaphore(%arg18 : memref<!tpu.dma_semaphore, #tpu.memory_space<semaphore_mem>>) src(%dma_wait3A_31 : memref<10000x512xf32, #tpu.memory_space<hbm>>) dst(%arg13 : memref<40x512xf32, #tpu.memory_space<vmem>>)
      %scan3A_32 = arith.constant 0 : i32
      %scan3A_33 = arith.constant 40 : i32
      %scan3A_34 = arith.addi %scan3A_32, %scan3A_33 : i32
      %scan3A_35 = arith.constant 1 : i32
      scf.for %scan3A_37 = %scan3A_32 to %scan3A_34 step %scan3A_35  : i32 {
        %mul3A_38 = arith.constant 1 : i32
        %mul3A_39 = arith.muli %scan3A_37, %mul3A_38 : i32
        %add3A_40 = arith.constant 0 : i32
        %add3A_41 = arith.addi %add3A_40, %mul3A_39 : i32
        %get3A_42 = arith.index_cast %add3A_41 : i32 to index
        %get3A_43 = arith.constant 0 : index
        %get3A_44 = tpu.vector_load %arg12[%get3A_42, %get3A_43] {strides = array<i32>} : memref<40x512xf32, #tpu.memory_space<vmem>>, vector<16xf32>,
        %get3A_45 = arith.index_cast %add3A_41 : i32 to index
        %get3A_46 = arith.constant 0 : index
        %get3A_47 = tpu.vector_load %arg13[%get3A_45, %get3A_46] {strides = array<i32>} : memref<40x512xf32, #tpu.memory_space<vmem>>, vector<16xf32>,
        %add3A_48 = arith.addf %get3A_44, %get3A_47 : vector<16xf32>
        %get3A_49 = arith.index_cast %add3A_41 : i32 to index
        %get3A_50 = arith.constant 0 : index
        %get3A_51 = tpu.vector_load %arg14[%get3A_49, %get3A_50] {strides = array<i32>} : memref<40x512xf32, #tpu.memory_space<vmem>>, vector<16xf32>,
        %add3A_52 = arith.addf %add3A_48, %get3A_51 : vector<16xf32>
        %mul3A_53 = arith.constant 0.00999999977 : f32
        %mul3A_54 = vector.broadcast %mul3A_53 : f32 to vector<16xf32>
        %mul3A_55 = arith.mulf %mul3A_54, %add3A_52 : vector<16xf32>
        %max3A = arith.maximumf %add3A_52, %mul3A_55 : vector<16xf32>
        %swap3A = arith.index_cast %add3A_41 : i32 to index
        %swap3A_56 = arith.constant 0 : index
        %swap3A_57 = tpu.vector_load %arg14[%swap3A, %swap3A_56] {strides = array<i32>} : memref<40x512xf32, #tpu.memory_space<vmem>>, vector<16xf32>,
        tpu.vector_store %arg14[%swap3A, %swap3A_56], %max3A {strides = array<i32>} : memref<40x512xf32, #tpu.memory_space<vmem>>, vector<16xf32>,
        %mul3A_58 = arith.mulf %max3A, %get3A_3 : vector<16xf32>
        %get3A_59 = arith.index_cast %add3A_41 : i32 to index
        %get3A_60 = arith.constant 16 : index
        %get3A_61 = tpu.vector_load %arg12[%get3A_59, %get3A_60] {strides = array<i32>} : memref<40x512xf32, #tpu.memory_space<vmem>>, vector<16xf32>,
        %get3A_62 = arith.index_cast %add3A_41 : i32 to index
        %get3A_63 = arith.constant 16 : index
        %get3A_64 = tpu.vector_load %arg13[%get3A_62, %get3A_63] {strides = array<i32>} : memref<40x512xf32, #tpu.memory_space<vmem>>, vector<16xf32>,
        %add3A_65 = arith.addf %get3A_61, %get3A_64 : vector<16xf32>
        %get3A_66 = arith.index_cast %add3A_41 : i32 to index
        %get3A_67 = arith.constant 16 : index
        %get3A_68 = tpu.vector_load %arg14[%get3A_66, %get3A_67] {strides = array<i32>} : memref<40x512xf32, #tpu.memory_space<vmem>>, vector<16xf32>,
        %add3A_69 = arith.addf %add3A_65, %get3A_68 : vector<16xf32>
        %mul3A_70 = arith.constant 0.00999999977 : f32
        %mul3A_71 = vector.broadcast %mul3A_70 : f32 to vector<16xf32>
        %mul3A_72 = arith.mulf %mul3A_71, %add3A_69 : vector<16xf32>
        %max3A_73 = arith.maximumf %add3A_69, %mul3A_72 : vector<16xf32>
        %swap3A_74 = arith.index_cast %add3A_41 : i32 to index
        %swap3A_75 = arith.constant 16 : index
        %swap3A_76 = tpu.vector_load %arg14[%swap3A_74, %swap3A_75] {strides = array<i32>} : memref<40x512xf32, #tpu.memory_space<vmem>>, vector<16xf32>,
        tpu.vector_store %arg14[%swap3A_74, %swap3A_75], %max3A_73 {strides = array<i32>} : memref<40x512xf32, #tpu.memory_space<vmem>>, vector<16xf32>,
        %mul3A_77 = arith.mulf %max3A_73, %get3A_5 : vector<16xf32>
        %add3A_78 = arith.addf %mul3A_58, %mul3A_77 : vector<16xf32>
        %get3A_79 = arith.index_cast %add3A_41 : i32 to index
        %get3A_80 = arith.constant 32 : index
        %get3A_81 = tpu.vector_load %arg12[%get3A_79, %get3A_80] {strides = array<i32>} : memref<40x512xf32, #tpu.memory_space<vmem>>, vector<16xf32>,
        %get3A_82 = arith.index_cast %add3A_41 : i32 to index
        %get3A_83 = arith.constant 32 : index
        %get3A_84 = tpu.vector_load %arg13[%get3A_82, %get3A_83] {strides = array<i32>} : memref<40x512xf32, #tpu.memory_space<vmem>>, vector<16xf32>,
        %add3A_85 = arith.addf %get3A_81, %get3A_84 : vector<16xf32>
        %get3A_86 = arith.index_cast %add3A_41 : i32 to index
        %get3A_87 = arith.constant 32 : index
        %get3A_88 = tpu.vector_load %arg14[%get3A_86, %get3A_87] {strides = array<i32>} : memref<40x512xf32, #tpu.memory_space<vmem>>, vector<16xf32>,
        %add3A_89 = arith.addf %add3A_85, %get3A_88 : vector<16xf32>
        %mul3A_90 = arith.constant 0.00999999977 : f32
        %mul3A_91 = vector.broadcast %mul3A_90 : f32 to vector<16xf32>
        %mul3A_92 = arith.mulf %mul3A_91, %add3A_89 : vector<16xf32>
        %max3A_93 = arith.maximumf %add3A_89, %mul3A_92 : vector<16xf32>
        %swap3A_94 = arith.index_cast %add3A_41 : i32 to index
        %swap3A_95 = arith.constant 32 : index
        %swap3A_96 = tpu.vector_load %arg14[%swap3A_94, %swap3A_95] {strides = array<i32>} : memref<40x512xf32, #tpu.memory_space<vmem>>, vector<16xf32>,
        tpu.vector_store %arg14[%swap3A_94, %swap3A_95], %max3A_93 {strides = array<i32>} : memref<40x512xf32, #tpu.memory_space<vmem>>, vector<16xf32>,
        %mul3A_97 = arith.mulf %max3A_93, %get3A_7 : vector<16xf32>
        %add3A_98 = arith.addf %add3A_78, %mul3A_97 : vector<16xf32>
        %get3A_99 = arith.index_cast %add3A_41 : i32 to index
        %get3A_100 = arith.constant 48 : index
        %get3A_101 = tpu.vector_load %arg12[%get3A_99, %get3A_100] {strides = array<i32>} : memref<40x512xf32, #tpu.memory_space<vmem>>, vector<16xf32>,
        %get3A_102 = arith.index_cast %add3A_41 : i32 to index
        %get3A_103 = arith.constant 48 : index
        %get3A_104 = tpu.vector_load %arg13[%get3A_102, %get3A_103] {strides = array<i32>} : memref<40x512xf32, #tpu.memory_space<vmem>>, vector<16xf32>,
        %add3A_105 = arith.addf %get3A_101, %get3A_104 : vector<16xf32>
        %get3A_106 = arith.index_cast %add3A_41 : i32 to index
        %get3A_107 = arith.constant 48 : index
        %get3A_108 = tpu.vector_load %arg14[%get3A_106, %get3A_107] {strides = array<i32>} : memref<40x512xf32, #tpu.memory_space<vmem>>, vector<16xf32>,
        %add3A_109 = arith.addf %add3A_105, %get3A_108 : vector<16xf32>
        %mul3A_110 = arith.constant 0.00999999977 : f32
        %mul3A_111 = vector.broadcast %mul3A_110 : f32 to vector<16xf32>
        %mul3A_112 = arith.mulf %mul3A_111, %add3A_109 : vector<16xf32>
        %max3A_113 = arith.maximumf %add3A_109, %mul3A_112 : vector<16xf32>
        %swap3A_114 = arith.index_cast %add3A_41 : i32 to index
        %swap3A_115 = arith.constant 48 : index
        %swap3A_116 = tpu.vector_load %arg14[%swap3A_114, %swap3A_115] {strides = array<i32>} : memref<40x512xf32, #tpu.memory_space<vmem>>, vector<16xf32>,
        tpu.vector_store %arg14[%swap3A_114, %swap3A_115], %max3A_113 {strides = array<i32>} : memref<40x512xf32, #tpu.memory_space<vmem>>, vector<16xf32>,
        %mul3A_117 = arith.mulf %max3A_113, %get3A_9 : vector<16xf32>
        %add3A_118 = arith.addf %add3A_98, %mul3A_117 : vector<16xf32>
        %get3A_119 = arith.index_cast %add3A_41 : i32 to index
        %get3A_120 = arith.constant 64 : index
        %get3A_121 = tpu.vector_load %arg12[%get3A_119, %get3A_120] {strides = array<i32>} : memref<40x512xf32, #tpu.memory_space<vmem>>, vector<16xf32>,
        %get3A_122 = arith.index_cast %add3A_41 : i32 to index
        %get3A_123 = arith.constant 64 : index
        %get3A_124 = tpu.vector_load %arg13[%get3A_122, %get3A_123] {strides = array<i32>} : memref<40x512xf32, #tpu.memory_space<vmem>>, vector<16xf32>,
        %add3A_125 = arith.addf %get3A_121, %get3A_124 : vector<16xf32>
        %get3A_126 = arith.index_cast %add3A_41 : i32 to index
        %get3A_127 = arith.constant 64 : index
        %get3A_128 = tpu.vector_load %arg14[%get3A_126, %get3A_127] {strides = array<i32>} : memref<40x512xf32, #tpu.memory_space<vmem>>, vector<16xf32>,
        %add3A_129 = arith.addf %add3A_125, %get3A_128 : vector<16xf32>
        %mul3A_130 = arith.constant 0.00999999977 : f32
        %mul3A_131 = vector.broadcast %mul3A_130 : f32 to vector<16xf32>
        %mul3A_132 = arith.mulf %mul3A_131, %add3A_129 : vector<16xf32>
        %max3A_133 = arith.maximumf %add3A_129, %mul3A_132 : vector<16xf32>
        %swap3A_134 = arith.index_cast %add3A_41 : i32 to index
        %swap3A_135 = arith.constant 64 : index
        %swap3A_136 = tpu.vector_load %arg14[%swap3A_134, %swap3A_135] {strides = array<i32>} : memref<40x512xf32, #tpu.memory_space<vmem>>, vector<16xf32>,
        tpu.vector_store %arg14[%swap3A_134, %swap3A_135], %max3A_133 {strides = array<i32>} : memref<40x512xf32, #tpu.memory_space<vmem>>, vector<16xf32>,
        %mul3A_137 = arith.mulf %max3A_133, %get3A_3 : vector<16xf32>
        %get3A_138 = arith.index_cast %add3A_41 : i32 to index
        %get3A_139 = arith.constant 80 : index
        %get3A_140 = tpu.vector_load %arg12[%get3A_138, %get3A_139] {strides = array<i32>} : memref<40x512xf32, #tpu.memory_space<vmem>>, vector<16xf32>,
        %get3A_141 = arith.index_cast %add3A_41 : i32 to index
        %get3A_142 = arith.constant 80 : index
        %get3A_143 = tpu.vector_load %arg13[%get3A_141, %get3A_142] {strides = array<i32>} : memref<40x512xf32, #tpu.memory_space<vmem>>, vector<16xf32>,
        %add3A_144 = arith.addf %get3A_140, %get3A_143 : vector<16xf32>
        %get3A_145 = arith.index_cast %add3A_41 : i32 to index
        %get3A_146 = arith.constant 80 : index
        %get3A_147 = tpu.vector_load %arg14[%get3A_145, %get3A_146] {strides = array<i32>} : memref<40x512xf32, #tpu.memory_space<vmem>>, vector<16xf32>,
        %add3A_148 = arith.addf %add3A_144, %get3A_147 : vector<16xf32>
        %mul3A_149 = arith.constant 0.00999999977 : f32
        %mul3A_150 = vector.broadcast %mul3A_149 : f32 to vector<16xf32>
        %mul3A_151 = arith.mulf %mul3A_150, %add3A_148 : vector<16xf32>
        %max3A_152 = arith.maximumf %add3A_148, %mul3A_151 : vector<16xf32>
        %swap3A_153 = arith.index_cast %add3A_41 : i32 to index
        %swap3A_154 = arith.constant 80 : index
        %swap3A_155 = tpu.vector_load %arg14[%swap3A_153, %swap3A_154] {strides = array<i32>} : memref<40x512xf32, #tpu.memory_space<vmem>>, vector<16xf32>,
        tpu.vector_store %arg14[%swap3A_153, %swap3A_154], %max3A_152 {strides = array<i32>} : memref<40x512xf32, #tpu.memory_space<vmem>>, vector<16xf32>,
        %mul3A_156 = arith.mulf %max3A_152, %get3A_5 : vector<16xf32>
        %add3A_157 = arith.addf %mul3A_137, %mul3A_156 : vector<16xf32>
        %get3A_158 = arith.index_cast %add3A_41 : i32 to index
        %get3A_159 = arith.constant 96 : index
        %get3A_160 = tpu.vector_load %arg12[%get3A_158, %get3A_159] {strides = array<i32>} : memref<40x512xf32, #tpu.memory_space<vmem>>, vector<16xf32>,
        %get3A_161 = arith.index_cast %add3A_41 : i32 to index
        %get3A_162 = arith.constant 96 : index
        %get3A_163 = tpu.vector_load %arg13[%get3A_161, %get3A_162] {strides = array<i32>} : memref<40x512xf32, #tpu.memory_space<vmem>>, vector<16xf32>,
        %add3A_164 = arith.addf %get3A_160, %get3A_163 : vector<16xf32>
        %get3A_165 = arith.index_cast %add3A_41 : i32 to index
        %get3A_166 = arith.constant 96 : index
        %get3A_167 = tpu.vector_load %arg14[%get3A_165, %get3A_166] {strides = array<i32>} : memref<40x512xf32, #tpu.memory_space<vmem>>, vector<16xf32>,
        %add3A_168 = arith.addf %add3A_164, %get3A_167 : vector<16xf32>
        %mul3A_169 = arith.constant 0.00999999977 : f32
        %mul3A_170 = vector.broadcast %mul3A_169 : f32 to vector<16xf32>
        %mul3A_171 = arith.mulf %mul3A_170, %add3A_168 : vector<16xf32>
        %max3A_172 = arith.maximumf %add3A_168, %mul3A_171 : vector<16xf32>
        %swap3A_173 = arith.index_cast %add3A_41 : i32 to index
        %swap3A_174 = arith.constant 96 : index
        %swap3A_175 = tpu.vector_load %arg14[%swap3A_173, %swap3A_174] {strides = array<i32>} : memref<40x512xf32, #tpu.memory_space<vmem>>, vector<16xf32>,
        tpu.vector_store %arg14[%swap3A_173, %swap3A_174], %max3A_172 {strides = array<i32>} : memref<40x512xf32, #tpu.memory_space<vmem>>, vector<16xf32>,
        %mul3A_176 = arith.mulf %max3A_172, %get3A_7 : vector<16xf32>
        %add3A_177 = arith.addf %add3A_157, %mul3A_176 : vector<16xf32>
        %get3A_178 = arith.index_cast %add3A_41 : i32 to index
        %get3A_179 = arith.constant 112 : index
        %get3A_180 = tpu.vector_load %arg12[%get3A_178, %get3A_179] {strides = array<i32>} : memref<40x512xf32, #tpu.memory_space<vmem>>, vector<16xf32>,
        %get3A_181 = arith.index_cast %add3A_41 : i32 to index
        %get3A_182 = arith.constant 112 : index
        %get3A_183 = tpu.vector_load %arg13[%get3A_181, %get3A_182] {strides = array<i32>} : memref<40x512xf32, #tpu.memory_space<vmem>>, vector<16xf32>,
        %add3A_184 = arith.addf %get3A_180, %get3A_183 : vector<16xf32>
        %get3A_185 = arith.index_cast %add3A_41 : i32 to index
        %get3A_186 = arith.constant 112 : index
        %get3A_187 = tpu.vector_load %arg14[%get3A_185, %get3A_186] {strides = array<i32>} : memref<40x512xf32, #tpu.memory_space<vmem>>, vector<16xf32>,
        %add3A_188 = arith.addf %add3A_184, %get3A_187 : vector<16xf32>
        %mul3A_189 = arith.constant 0.00999999977 : f32
        %mul3A_190 = vector.broadcast %mul3A_189 : f32 to vector<16xf32>
        %mul3A_191 = arith.mulf %mul3A_190, %add3A_188 : vector<16xf32>
        %max3A_192 = arith.maximumf %add3A_188, %mul3A_191 : vector<16xf32>
        %swap3A_193 = arith.index_cast %add3A_41 : i32 to index
        %swap3A_194 = arith.constant 112 : index
        %swap3A_195 = tpu.vector_load %arg14[%swap3A_193, %swap3A_194] {strides = array<i32>} : memref<40x512xf32, #tpu.memory_space<vmem>>, vector<16xf32>,
        tpu.vector_store %arg14[%swap3A_193, %swap3A_194], %max3A_192 {strides = array<i32>} : memref<40x512xf32, #tpu.memory_space<vmem>>, vector<16xf32>,
        %mul3A_196 = arith.mulf %max3A_192, %get3A_9 : vector<16xf32>
        %add3A_197 = arith.addf %add3A_177, %mul3A_196 : vector<16xf32>
        %get3A_198 = arith.index_cast %add3A_41 : i32 to index
        %get3A_199 = arith.constant 128 : index
        %get3A_200 = tpu.vector_load %arg12[%get3A_198, %get3A_199] {strides = array<i32>} : memref<40x512xf32, #tpu.memory_space<vmem>>, vector<16xf32>,
        %get3A_201 = arith.index_cast %add3A_41 : i32 to index
        %get3A_202 = arith.constant 128 : index
        %get3A_203 = tpu.vector_load %arg13[%get3A_201, %get3A_202] {strides = array<i32>} : memref<40x512xf32, #tpu.memory_space<vmem>>, vector<16xf32>,
        %add3A_204 = arith.addf %get3A_200, %get3A_203 : vector<16xf32>
        %get3A_205 = arith.index_cast %add3A_41 : i32 to index
        %get3A_206 = arith.constant 128 : index
        %get3A_207 = tpu.vector_load %arg14[%get3A_205, %get3A_206] {strides = array<i32>} : memref<40x512xf32, #tpu.memory_space<vmem>>, vector<16xf32>,
        %add3A_208 = arith.addf %add3A_204, %get3A_207 : vector<16xf32>
        %mul3A_209 = arith.constant 0.00999999977 : f32
        %mul3A_210 = vector.broadcast %mul3A_209 : f32 to vector<16xf32>
        %mul3A_211 = arith.mulf %mul3A_210, %add3A_208 : vector<16xf32>
        %max3A_212 = arith.maximumf %add3A_208, %mul3A_211 : vector<16xf32>
        %swap3A_213 = arith.index_cast %add3A_41 : i32 to index
        %swap3A_214 = arith.constant 128 : index
        %swap3A_215 = tpu.vector_load %arg14[%swap3A_213, %swap3A_214] {strides = array<i32>} : memref<40x512xf32, #tpu.memory_space<vmem>>, vector<16xf32>,
        tpu.vector_store %arg14[%swap3A_213, %swap3A_214], %max3A_212 {strides = array<i32>} : memref<40x512xf32, #tpu.memory_space<vmem>>, vector<16xf32>,
        %mul3A_216 = arith.mulf %max3A_212, %get3A_3 : vector<16xf32>
        %get3A_217 = arith.index_cast %add3A_41 : i32 to index
        %get3A_218 = arith.constant 144 : index
        %get3A_219 = tpu.vector_load %arg12[%get3A_217, %get3A_218] {strides = array<i32>} : memref<40x512xf32, #tpu.memory_space<vmem>>, vector<16xf32>,
        %get3A_220 = arith.index_cast %add3A_41 : i32 to index
        %get3A_221 = arith.constant 144 : index
        %get3A_222 = tpu.vector_load %arg13[%get3A_220, %get3A_221] {strides = array<i32>} : memref<40x512xf32, #tpu.memory_space<vmem>>, vector<16xf32>,
        %add3A_223 = arith.addf %get3A_219, %get3A_222 : vector<16xf32>
        %get3A_224 = arith.index_cast %add3A_41 : i32 to index
        %get3A_225 = arith.constant 144 : index
        %get3A_226 = tpu.vector_load %arg14[%get3A_224, %get3A_225] {strides = array<i32>} : memref<40x512xf32, #tpu.memory_space<vmem>>, vector<16xf32>,
        %add3A_227 = arith.addf %add3A_223, %get3A_226 : vector<16xf32>
        %mul3A_228 = arith.constant 0.00999999977 : f32
        %mul3A_229 = vector.broadcast %mul3A_228 : f32 to vector<16xf32>
        %mul3A_230 = arith.mulf %mul3A_229, %add3A_227 : vector<16xf32>
        %max3A_231 = arith.maximumf %add3A_227, %mul3A_230 : vector<16xf32>
        %swap3A_232 = arith.index_cast %add3A_41 : i32 to index
        %swap3A_233 = arith.constant 144 : index
        %swap3A_234 = tpu.vector_load %arg14[%swap3A_232, %swap3A_233] {strides = array<i32>} : memref<40x512xf32, #tpu.memory_space<vmem>>, vector<16xf32>,
        tpu.vector_store %arg14[%swap3A_232, %swap3A_233], %max3A_231 {strides = array<i32>} : memref<40x512xf32, #tpu.memory_space<vmem>>, vector<16xf32>,
        %mul3A_235 = arith.mulf %max3A_231, %get3A_5 : vector<16xf32>
        %add3A_236 = arith.addf %mul3A_216, %mul3A_235 : vector<16xf32>
        %get3A_237 = arith.index_cast %add3A_41 : i32 to index
        %get3A_238 = arith.constant 160 : index
        %get3A_239 = tpu.vector_load %arg12[%get3A_237, %get3A_238] {strides = array<i32>} : memref<40x512xf32, #tpu.memory_space<vmem>>, vector<16xf32>,
        %get3A_240 = arith.index_cast %add3A_41 : i32 to index
        %get3A_241 = arith.constant 160 : index
        %get3A_242 = tpu.vector_load %arg13[%get3A_240, %get3A_241] {strides = array<i32>} : memref<40x512xf32, #tpu.memory_space<vmem>>, vector<16xf32>,
        %add3A_243 = arith.addf %get3A_239, %get3A_242 : vector<16xf32>
        %get3A_244 = arith.index_cast %add3A_41 : i32 to index
        %get3A_245 = arith.constant 160 : index
        %get3A_246 = tpu.vector_load %arg14[%get3A_244, %get3A_245] {strides = array<i32>} : memref<40x512xf32, #tpu.memory_space<vmem>>, vector<16xf32>,
        %add3A_247 = arith.addf %add3A_243, %get3A_246 : vector<16xf32>
        %mul3A_248 = arith.constant 0.00999999977 : f32
        %mul3A_249 = vector.broadcast %mul3A_248 : f32 to vector<16xf32>
        %mul3A_250 = arith.mulf %mul3A_249, %add3A_247 : vector<16xf32>
        %max3A_251 = arith.maximumf %add3A_247, %mul3A_250 : vector<16xf32>
        %swap3A_252 = arith.index_cast %add3A_41 : i32 to index
        %swap3A_253 = arith.constant 160 : index
        %swap3A_254 = tpu.vector_load %arg14[%swap3A_252, %swap3A_253] {strides = array<i32>} : memref<40x512xf32, #tpu.memory_space<vmem>>, vector<16xf32>,
        tpu.vector_store %arg14[%swap3A_252, %swap3A_253], %max3A_251 {strides = array<i32>} : memref<40x512xf32, #tpu.memory_space<vmem>>, vector<16xf32>,
        %mul3A_255 = arith.mulf %max3A_251, %get3A_7 : vector<16xf32>
        %add3A_256 = arith.addf %add3A_236, %mul3A_255 : vector<16xf32>
        %get3A_257 = arith.index_cast %add3A_41 : i32 to index
        %get3A_258 = arith.constant 176 : index
        %get3A_259 = tpu.vector_load %arg12[%get3A_257, %get3A_258] {strides = array<i32>} : memref<40x512xf32, #tpu.memory_space<vmem>>, vector<16xf32>,
        %get3A_260 = arith.index_cast %add3A_41 : i32 to index
        %get3A_261 = arith.constant 176 : index
        %get3A_262 = tpu.vector_load %arg13[%get3A_260, %get3A_261] {strides = array<i32>} : memref<40x512xf32, #tpu.memory_space<vmem>>, vector<16xf32>,
        %add3A_263 = arith.addf %get3A_259, %get3A_262 : vector<16xf32>
        %get3A_264 = arith.index_cast %add3A_41 : i32 to index
        %get3A_265 = arith.constant 176 : index
        %get3A_266 = tpu.vector_load %arg14[%get3A_264, %get3A_265] {strides = array<i32>} : memref<40x512xf32, #tpu.memory_space<vmem>>, vector<16xf32>,
        %add3A_267 = arith.addf %add3A_263, %get3A_266 : vector<16xf32>
        %mul3A_268 = arith.constant 0.00999999977 : f32
        %mul3A_269 = vector.broadcast %mul3A_268 : f32 to vector<16xf32>
        %mul3A_270 = arith.mulf %mul3A_269, %add3A_267 : vector<16xf32>
        %max3A_271 = arith.maximumf %add3A_267, %mul3A_270 : vector<16xf32>
        %swap3A_272 = arith.index_cast %add3A_41 : i32 to index
        %swap3A_273 = arith.constant 176 : index
        %swap3A_274 = tpu.vector_load %arg14[%swap3A_272, %swap3A_273] {strides = array<i32>} : memref<40x512xf32, #tpu.memory_space<vmem>>, vector<16xf32>,
        tpu.vector_store %arg14[%swap3A_272, %swap3A_273], %max3A_271 {strides = array<i32>} : memref<40x512xf32, #tpu.memory_space<vmem>>, vector<16xf32>,
        %mul3A_275 = arith.mulf %max3A_271, %get3A_9 : vector<16xf32>
        %add3A_276 = arith.addf %add3A_256, %mul3A_275 : vector<16xf32>
        %get3A_277 = arith.index_cast %add3A_41 : i32 to index
        %get3A_278 = arith.constant 192 : index
        %get3A_279 = tpu.vector_load %arg12[%get3A_277, %get3A_278] {strides = array<i32>} : memref<40x512xf32, #tpu.memory_space<vmem>>, vector<16xf32>,
        %get3A_280 = arith.index_cast %add3A_41 : i32 to index
        %get3A_281 = arith.constant 192 : index
        %get3A_282 = tpu.vector_load %arg13[%get3A_280, %get3A_281] {strides = array<i32>} : memref<40x512xf32, #tpu.memory_space<vmem>>, vector<16xf32>,
        %add3A_283 = arith.addf %get3A_279, %get3A_282 : vector<16xf32>
        %get3A_284 = arith.index_cast %add3A_41 : i32 to index
        %get3A_285 = arith.constant 192 : index
        %get3A_286 = tpu.vector_load %arg14[%get3A_284, %get3A_285] {strides = array<i32>} : memref<40x512xf32, #tpu.memory_space<vmem>>, vector<16xf32>,
        %add3A_287 = arith.addf %add3A_283, %get3A_286 : vector<16xf32>
        %mul3A_288 = arith.constant 0.00999999977 : f32
        %mul3A_289 = vector.broadcast %mul3A_288 : f32 to vector<16xf32>
        %mul3A_290 = arith.mulf %mul3A_289, %add3A_287 : vector<16xf32>
        %max3A_291 = arith.maximumf %add3A_287, %mul3A_290 : vector<16xf32>
        %swap3A_292 = arith.index_cast %add3A_41 : i32 to index
        %swap3A_293 = arith.constant 192 : index
        %swap3A_294 = tpu.vector_load %arg14[%swap3A_292, %swap3A_293] {strides = array<i32>} : memref<40x512xf32, #tpu.memory_space<vmem>>, vector<16xf32>,
        tpu.vector_store %arg14[%swap3A_292, %swap3A_293], %max3A_291 {strides = array<i32>} : memref<40x512xf32, #tpu.memory_space<vmem>>, vector<16xf32>,
        %mul3A_295 = arith.mulf %max3A_291, %get3A_3 : vector<16xf32>
        %get3A_296 = arith.index_cast %add3A_41 : i32 to index
        %get3A_297 = arith.constant 208 : index
        %get3A_298 = tpu.vector_load %arg12[%get3A_296, %get3A_297] {strides = array<i32>} : memref<40x512xf32, #tpu.memory_space<vmem>>, vector<16xf32>,
        %get3A_299 = arith.index_cast %add3A_41 : i32 to index
        %get3A_300 = arith.constant 208 : index
        %get3A_301 = tpu.vector_load %arg13[%get3A_299, %get3A_300] {strides = array<i32>} : memref<40x512xf32, #tpu.memory_space<vmem>>, vector<16xf32>,
        %add3A_302 = arith.addf %get3A_298, %get3A_301 : vector<16xf32>
        %get3A_303 = arith.index_cast %add3A_41 : i32 to index
        %get3A_304 = arith.constant 208 : index
        %get3A_305 = tpu.vector_load %arg14[%get3A_303, %get3A_304] {strides = array<i32>} : memref<40x512xf32, #tpu.memory_space<vmem>>, vector<16xf32>,
        %add3A_306 = arith.addf %add3A_302, %get3A_305 : vector<16xf32>
        %mul3A_307 = arith.constant 0.00999999977 : f32
        %mul3A_308 = vector.broadcast %mul3A_307 : f32 to vector<16xf32>
        %mul3A_309 = arith.mulf %mul3A_308, %add3A_306 : vector<16xf32>
        %max3A_310 = arith.maximumf %add3A_306, %mul3A_309 : vector<16xf32>
        %swap3A_311 = arith.index_cast %add3A_41 : i32 to index
        %swap3A_312 = arith.constant 208 : index
        %swap3A_313 = tpu.vector_load %arg14[%swap3A_311, %swap3A_312] {strides = array<i32>} : memref<40x512xf32, #tpu.memory_space<vmem>>, vector<16xf32>,
        tpu.vector_store %arg14[%swap3A_311, %swap3A_312], %max3A_310 {strides = array<i32>} : memref<40x512xf32, #tpu.memory_space<vmem>>, vector<16xf32>,
        %mul3A_314 = arith.mulf %max3A_310, %get3A_5 : vector<16xf32>
        %add3A_315 = arith.addf %mul3A_295, %mul3A_314 : vector<16xf32>
        %get3A_316 = arith.index_cast %add3A_41 : i32 to index
        %get3A_317 = arith.constant 224 : index
        %get3A_318 = tpu.vector_load %arg12[%get3A_316, %get3A_317] {strides = array<i32>} : memref<40x512xf32, #tpu.memory_space<vmem>>, vector<16xf32>,
        %get3A_319 = arith.index_cast %add3A_41 : i32 to index
        %get3A_320 = arith.constant 224 : index
        %get3A_321 = tpu.vector_load %arg13[%get3A_319, %get3A_320] {strides = array<i32>} : memref<40x512xf32, #tpu.memory_space<vmem>>, vector<16xf32>,
        %add3A_322 = arith.addf %get3A_318, %get3A_321 : vector<16xf32>
        %get3A_323 = arith.index_cast %add3A_41 : i32 to index
        %get3A_324 = arith.constant 224 : index
        %get3A_325 = tpu.vector_load %arg14[%get3A_323, %get3A_324] {strides = array<i32>} : memref<40x512xf32, #tpu.memory_space<vmem>>, vector<16xf32>,
        %add3A_326 = arith.addf %add3A_322, %get3A_325 : vector<16xf32>
        %mul3A_327 = arith.constant 0.00999999977 : f32
        %mul3A_328 = vector.broadcast %mul3A_327 : f32 to vector<16xf32>
        %mul3A_329 = arith.mulf %mul3A_328, %add3A_326 : vector<16xf32>
        %max3A_330 = arith.maximumf %add3A_326, %mul3A_329 : vector<16xf32>
        %swap3A_331 = arith.index_cast %add3A_41 : i32 to index
        %swap3A_332 = arith.constant 224 : index
        %swap3A_333 = tpu.vector_load %arg14[%swap3A_331, %swap3A_332] {strides = array<i32>} : memref<40x512xf32, #tpu.memory_space<vmem>>, vector<16xf32>,
        tpu.vector_store %arg14[%swap3A_331, %swap3A_332], %max3A_330 {strides = array<i32>} : memref<40x512xf32, #tpu.memory_space<vmem>>, vector<16xf32>,
        %mul3A_334 = arith.mulf %max3A_330, %get3A_7 : vector<16xf32>
        %add3A_335 = arith.addf %add3A_315, %mul3A_334 : vector<16xf32>
        %get3A_336 = arith.index_cast %add3A_41 : i32 to index
        %get3A_337 = arith.constant 240 : index
        %get3A_338 = tpu.vector_load %arg12[%get3A_336, %get3A_337] {strides = array<i32>} : memref<40x512xf32, #tpu.memory_space<vmem>>, vector<16xf32>,
        %get3A_339 = arith.index_cast %add3A_41 : i32 to index
        %get3A_340 = arith.constant 240 : index
        %get3A_341 = tpu.vector_load %arg13[%get3A_339, %get3A_340] {strides = array<i32>} : memref<40x512xf32, #tpu.memory_space<vmem>>, vector<16xf32>,
        %add3A_342 = arith.addf %get3A_338, %get3A_341 : vector<16xf32>
        %get3A_343 = arith.index_cast %add3A_41 : i32 to index
        %get3A_344 = arith.constant 240 : index
        %get3A_345 = tpu.vector_load %arg14[%get3A_343, %get3A_344] {strides = array<i32>} : memref<40x512xf32, #tpu.memory_space<vmem>>, vector<16xf32>,
        %add3A_346 = arith.addf %add3A_342, %get3A_345 : vector<16xf32>
        %mul3A_347 = arith.constant 0.00999999977 : f32
        %mul3A_348 = vector.broadcast %mul3A_347 : f32 to vector<16xf32>
        %mul3A_349 = arith.mulf %mul3A_348, %add3A_346 : vector<16xf32>
        %max3A_350 = arith.maximumf %add3A_346, %mul3A_349 : vector<16xf32>
        %swap3A_351 = arith.index_cast %add3A_41 : i32 to index
        %swap3A_352 = arith.constant 240 : index
        %swap3A_353 = tpu.vector_load %arg14[%swap3A_351, %swap3A_352] {strides = array<i32>} : memref<40x512xf32, #tpu.memory_space<vmem>>, vector<16xf32>,
        tpu.vector_store %arg14[%swap3A_351, %swap3A_352], %max3A_350 {strides = array<i32>} : memref<40x512xf32, #tpu.memory_space<vmem>>, vector<16xf32>,
        %mul3A_354 = arith.mulf %max3A_350, %get3A_9 : vector<16xf32>
        %add3A_355 = arith.addf %add3A_335, %mul3A_354 : vector<16xf32>
        %get3A_356 = arith.index_cast %add3A_41 : i32 to index
        %get3A_357 = arith.constant 256 : index
        %get3A_358 = tpu.vector_load %arg12[%get3A_356, %get3A_357] {strides = array<i32>} : memref<40x512xf32, #tpu.memory_space<vmem>>, vector<16xf32>,
        %get3A_359 = arith.index_cast %add3A_41 : i32 to index
        %get3A_360 = arith.constant 256 : index
        %get3A_361 = tpu.vector_load %arg13[%get3A_359, %get3A_360] {strides = array<i32>} : memref<40x512xf32, #tpu.memory_space<vmem>>, vector<16xf32>,
        %add3A_362 = arith.addf %get3A_358, %get3A_361 : vector<16xf32>
        %get3A_363 = arith.index_cast %add3A_41 : i32 to index
        %get3A_364 = arith.constant 256 : index
        %get3A_365 = tpu.vector_load %arg14[%get3A_363, %get3A_364] {strides = array<i32>} : memref<40x512xf32, #tpu.memory_space<vmem>>, vector<16xf32>,
        %add3A_366 = arith.addf %add3A_362, %get3A_365 : vector<16xf32>
        %mul3A_367 = arith.constant 0.00999999977 : f32
        %mul3A_368 = vector.broadcast %mul3A_367 : f32 to vector<16xf32>
        %mul3A_369 = arith.mulf %mul3A_368, %add3A_366 : vector<16xf32>
        %max3A_370 = arith.maximumf %add3A_366, %mul3A_369 : vector<16xf32>
        %swap3A_371 = arith.index_cast %add3A_41 : i32 to index
        %swap3A_372 = arith.constant 256 : index
        %swap3A_373 = tpu.vector_load %arg14[%swap3A_371, %swap3A_372] {strides = array<i32>} : memref<40x512xf32, #tpu.memory_space<vmem>>, vector<16xf32>,
        tpu.vector_store %arg14[%swap3A_371, %swap3A_372], %max3A_370 {strides = array<i32>} : memref<40x512xf32, #tpu.memory_space<vmem>>, vector<16xf32>,
        %mul3A_374 = arith.mulf %max3A_370, %get3A_3 : vector<16xf32>
        %get3A_375 = arith.index_cast %add3A_41 : i32 to index
        %get3A_376 = arith.constant 272 : index
        %get3A_377 = tpu.vector_load %arg12[%get3A_375, %get3A_376] {strides = array<i32>} : memref<40x512xf32, #tpu.memory_space<vmem>>, vector<16xf32>,
        %get3A_378 = arith.index_cast %add3A_41 : i32 to index
        %get3A_379 = arith.constant 272 : index
        %get3A_380 = tpu.vector_load %arg13[%get3A_378, %get3A_379] {strides = array<i32>} : memref<40x512xf32, #tpu.memory_space<vmem>>, vector<16xf32>,
        %add3A_381 = arith.addf %get3A_377, %get3A_380 : vector<16xf32>
        %get3A_382 = arith.index_cast %add3A_41 : i32 to index
        %get3A_383 = arith.constant 272 : index
        %get3A_384 = tpu.vector_load %arg14[%get3A_382, %get3A_383] {strides = array<i32>} : memref<40x512xf32, #tpu.memory_space<vmem>>, vector<16xf32>,
        %add3A_385 = arith.addf %add3A_381, %get3A_384 : vector<16xf32>
        %mul3A_386 = arith.constant 0.00999999977 : f32
        %mul3A_387 = vector.broadcast %mul3A_386 : f32 to vector<16xf32>
        %mul3A_388 = arith.mulf %mul3A_387, %add3A_385 : vector<16xf32>
        %max3A_389 = arith.maximumf %add3A_385, %mul3A_388 : vector<16xf32>
        %swap3A_390 = arith.index_cast %add3A_41 : i32 to index
        %swap3A_391 = arith.constant 272 : index
        %swap3A_392 = tpu.vector_load %arg14[%swap3A_390, %swap3A_391] {strides = array<i32>} : memref<40x512xf32, #tpu.memory_space<vmem>>, vector<16xf32>,
        tpu.vector_store %arg14[%swap3A_390, %swap3A_391], %max3A_389 {strides = array<i32>} : memref<40x512xf32, #tpu.memory_space<vmem>>, vector<16xf32>,
        %mul3A_393 = arith.mulf %max3A_389, %get3A_5 : vector<16xf32>
        %add3A_394 = arith.addf %mul3A_374, %mul3A_393 : vector<16xf32>
        %get3A_395 = arith.index_cast %add3A_41 : i32 to index
        %get3A_396 = arith.constant 288 : index
        %get3A_397 = tpu.vector_load %arg12[%get3A_395, %get3A_396] {strides = array<i32>} : memref<40x512xf32, #tpu.memory_space<vmem>>, vector<16xf32>,
        %get3A_398 = arith.index_cast %add3A_41 : i32 to index
        %get3A_399 = arith.constant 288 : index
        %get3A_400 = tpu.vector_load %arg13[%get3A_398, %get3A_399] {strides = array<i32>} : memref<40x512xf32, #tpu.memory_space<vmem>>, vector<16xf32>,
        %add3A_401 = arith.addf %get3A_397, %get3A_400 : vector<16xf32>
        %get3A_402 = arith.index_cast %add3A_41 : i32 to index
        %get3A_403 = arith.constant 288 : index
        %get3A_404 = tpu.vector_load %arg14[%get3A_402, %get3A_403] {strides = array<i32>} : memref<40x512xf32, #tpu.memory_space<vmem>>, vector<16xf32>,
        %add3A_405 = arith.addf %add3A_401, %get3A_404 : vector<16xf32>
        %mul3A_406 = arith.constant 0.00999999977 : f32
        %mul3A_407 = vector.broadcast %mul3A_406 : f32 to vector<16xf32>
        %mul3A_408 = arith.mulf %mul3A_407, %add3A_405 : vector<16xf32>
        %max3A_409 = arith.maximumf %add3A_405, %mul3A_408 : vector<16xf32>
        %swap3A_410 = arith.index_cast %add3A_41 : i32 to index
        %swap3A_411 = arith.constant 288 : index
        %swap3A_412 = tpu.vector_load %arg14[%swap3A_410, %swap3A_411] {strides = array<i32>} : memref<40x512xf32, #tpu.memory_space<vmem>>, vector<16xf32>,
        tpu.vector_store %arg14[%swap3A_410, %swap3A_411], %max3A_409 {strides = array<i32>} : memref<40x512xf32, #tpu.memory_space<vmem>>, vector<16xf32>,
        %mul3A_413 = arith.mulf %max3A_409, %get3A_7 : vector<16xf32>
        %add3A_414 = arith.addf %add3A_394, %mul3A_413 : vector<16xf32>
        %get3A_415 = arith.index_cast %add3A_41 : i32 to index
        %get3A_416 = arith.constant 304 : index
        %get3A_417 = tpu.vector_load %arg12[%get3A_415, %get3A_416] {strides = array<i32>} : memref<40x512xf32, #tpu.memory_space<vmem>>, vector<16xf32>,
        %get3A_418 = arith.index_cast %add3A_41 : i32 to index
        %get3A_419 = arith.constant 304 : index
        %get3A_420 = tpu.vector_load %arg13[%get3A_418, %get3A_419] {strides = array<i32>} : memref<40x512xf32, #tpu.memory_space<vmem>>, vector<16xf32>,
        %add3A_421 = arith.addf %get3A_417, %get3A_420 : vector<16xf32>
        %get3A_422 = arith.index_cast %add3A_41 : i32 to index
        %get3A_423 = arith.constant 304 : index
        %get3A_424 = tpu.vector_load %arg14[%get3A_422, %get3A_423] {strides = array<i32>} : memref<40x512xf32, #tpu.memory_space<vmem>>, vector<16xf32>,
        %add3A_425 = arith.addf %add3A_421, %get3A_424 : vector<16xf32>
        %mul3A_426 = arith.constant 0.00999999977 : f32
        %mul3A_427 = vector.broadcast %mul3A_426 : f32 to vector<16xf32>
        %mul3A_428 = arith.mulf %mul3A_427, %add3A_425 : vector<16xf32>
        %max3A_429 = arith.maximumf %add3A_425, %mul3A_428 : vector<16xf32>
        %swap3A_430 = arith.index_cast %add3A_41 : i32 to index
        %swap3A_431 = arith.constant 304 : index
        %swap3A_432 = tpu.vector_load %arg14[%swap3A_430, %swap3A_431] {strides = array<i32>} : memref<40x512xf32, #tpu.memory_space<vmem>>, vector<16xf32>,
        tpu.vector_store %arg14[%swap3A_430, %swap3A_431], %max3A_429 {strides = array<i32>} : memref<40x512xf32, #tpu.memory_space<vmem>>, vector<16xf32>,
        %mul3A_433 = arith.mulf %max3A_429, %get3A_9 : vector<16xf32>
        %add3A_434 = arith.addf %add3A_414, %mul3A_433 : vector<16xf32>
        %get3A_435 = arith.index_cast %add3A_41 : i32 to index
        %get3A_436 = arith.constant 320 : index
        %get3A_437 = tpu.vector_load %arg12[%get3A_435, %get3A_436] {strides = array<i32>} : memref<40x512xf32, #tpu.memory_space<vmem>>, vector<16xf32>,
        %get3A_438 = arith.index_cast %add3A_41 : i32 to index
        %get3A_439 = arith.constant 320 : index
        %get3A_440 = tpu.vector_load %arg13[%get3A_438, %get3A_439] {strides = array<i32>} : memref<40x512xf32, #tpu.memory_space<vmem>>, vector<16xf32>,
        %add3A_441 = arith.addf %get3A_437, %get3A_440 : vector<16xf32>
        %get3A_442 = arith.index_cast %add3A_41 : i32 to index
        %get3A_443 = arith.constant 320 : index
        %get3A_444 = tpu.vector_load %arg14[%get3A_442, %get3A_443] {strides = array<i32>} : memref<40x512xf32, #tpu.memory_space<vmem>>, vector<16xf32>,
        %add3A_445 = arith.addf %add3A_441, %get3A_444 : vector<16xf32>
        %mul3A_446 = arith.constant 0.00999999977 : f32
        %mul3A_447 = vector.broadcast %mul3A_446 : f32 to vector<16xf32>
        %mul3A_448 = arith.mulf %mul3A_447, %add3A_445 : vector<16xf32>
        %max3A_449 = arith.maximumf %add3A_445, %mul3A_448 : vector<16xf32>
        %swap3A_450 = arith.index_cast %add3A_41 : i32 to index
        %swap3A_451 = arith.constant 320 : index
        %swap3A_452 = tpu.vector_load %arg14[%swap3A_450, %swap3A_451] {strides = array<i32>} : memref<40x512xf32, #tpu.memory_space<vmem>>, vector<16xf32>,
        tpu.vector_store %arg14[%swap3A_450, %swap3A_451], %max3A_449 {strides = array<i32>} : memref<40x512xf32, #tpu.memory_space<vmem>>, vector<16xf32>,
        %mul3A_453 = arith.mulf %max3A_449, %get3A_3 : vector<16xf32>
        %get3A_454 = arith.index_cast %add3A_41 : i32 to index
        %get3A_455 = arith.constant 336 : index
        %get3A_456 = tpu.vector_load %arg12[%get3A_454, %get3A_455] {strides = array<i32>} : memref<40x512xf32, #tpu.memory_space<vmem>>, vector<16xf32>,
        %get3A_457 = arith.index_cast %add3A_41 : i32 to index
        %get3A_458 = arith.constant 336 : index
        %get3A_459 = tpu.vector_load %arg13[%get3A_457, %get3A_458] {strides = array<i32>} : memref<40x512xf32, #tpu.memory_space<vmem>>, vector<16xf32>,
        %add3A_460 = arith.addf %get3A_456, %get3A_459 : vector<16xf32>
        %get3A_461 = arith.index_cast %add3A_41 : i32 to index
        %get3A_462 = arith.constant 336 : index
        %get3A_463 = tpu.vector_load %arg14[%get3A_461, %get3A_462] {strides = array<i32>} : memref<40x512xf32, #tpu.memory_space<vmem>>, vector<16xf32>,
        %add3A_464 = arith.addf %add3A_460, %get3A_463 : vector<16xf32>
        %mul3A_465 = arith.constant 0.00999999977 : f32
        %mul3A_466 = vector.broadcast %mul3A_465 : f32 to vector<16xf32>
        %mul3A_467 = arith.mulf %mul3A_466, %add3A_464 : vector<16xf32>
        %max3A_468 = arith.maximumf %add3A_464, %mul3A_467 : vector<16xf32>
        %swap3A_469 = arith.index_cast %add3A_41 : i32 to index
        %swap3A_470 = arith.constant 336 : index
        %swap3A_471 = tpu.vector_load %arg14[%swap3A_469, %swap3A_470] {strides = array<i32>} : memref<40x512xf32, #tpu.memory_space<vmem>>, vector<16xf32>,
        tpu.vector_store %arg14[%swap3A_469, %swap3A_470], %max3A_468 {strides = array<i32>} : memref<40x512xf32, #tpu.memory_space<vmem>>, vector<16xf32>,
        %mul3A_472 = arith.mulf %max3A_468, %get3A_5 : vector<16xf32>
        %add3A_473 = arith.addf %mul3A_453, %mul3A_472 : vector<16xf32>
        %get3A_474 = arith.index_cast %add3A_41 : i32 to index
        %get3A_475 = arith.constant 352 : index
        %get3A_476 = tpu.vector_load %arg12[%get3A_474, %get3A_475] {strides = array<i32>} : memref<40x512xf32, #tpu.memory_space<vmem>>, vector<16xf32>,
        %get3A_477 = arith.index_cast %add3A_41 : i32 to index
        %get3A_478 = arith.constant 352 : index
        %get3A_479 = tpu.vector_load %arg13[%get3A_477, %get3A_478] {strides = array<i32>} : memref<40x512xf32, #tpu.memory_space<vmem>>, vector<16xf32>,
        %add3A_480 = arith.addf %get3A_476, %get3A_479 : vector<16xf32>
        %get3A_481 = arith.index_cast %add3A_41 : i32 to index
        %get3A_482 = arith.constant 352 : index
        %get3A_483 = tpu.vector_load %arg14[%get3A_481, %get3A_482] {strides = array<i32>} : memref<40x512xf32, #tpu.memory_space<vmem>>, vector<16xf32>,
        %add3A_484 = arith.addf %add3A_480, %get3A_483 : vector<16xf32>
        %mul3A_485 = arith.constant 0.00999999977 : f32
        %mul3A_486 = vector.broadcast %mul3A_485 : f32 to vector<16xf32>
        %mul3A_487 = arith.mulf %mul3A_486, %add3A_484 : vector<16xf32>
        %max3A_488 = arith.maximumf %add3A_484, %mul3A_487 : vector<16xf32>
        %swap3A_489 = arith.index_cast %add3A_41 : i32 to index
        %swap3A_490 = arith.constant 352 : index
        %swap3A_491 = tpu.vector_load %arg14[%swap3A_489, %swap3A_490] {strides = array<i32>} : memref<40x512xf32, #tpu.memory_space<vmem>>, vector<16xf32>,
        tpu.vector_store %arg14[%swap3A_489, %swap3A_490], %max3A_488 {strides = array<i32>} : memref<40x512xf32, #tpu.memory_space<vmem>>, vector<16xf32>,
        %mul3A_492 = arith.mulf %max3A_488, %get3A_7 : vector<16xf32>
        %add3A_493 = arith.addf %add3A_473, %mul3A_492 : vector<16xf32>
        %get3A_494 = arith.index_cast %add3A_41 : i32 to index
        %get3A_495 = arith.constant 368 : index
        %get3A_496 = tpu.vector_load %arg12[%get3A_494, %get3A_495] {strides = array<i32>} : memref<40x512xf32, #tpu.memory_space<vmem>>, vector<16xf32>,
        %get3A_497 = arith.index_cast %add3A_41 : i32 to index
        %get3A_498 = arith.constant 368 : index
        %get3A_499 = tpu.vector_load %arg13[%get3A_497, %get3A_498] {strides = array<i32>} : memref<40x512xf32, #tpu.memory_space<vmem>>, vector<16xf32>,
        %add3A_500 = arith.addf %get3A_496, %get3A_499 : vector<16xf32>
        %get3A_501 = arith.index_cast %add3A_41 : i32 to index
        %get3A_502 = arith.constant 368 : index
        %get3A_503 = tpu.vector_load %arg14[%get3A_501, %get3A_502] {strides = array<i32>} : memref<40x512xf32, #tpu.memory_space<vmem>>, vector<16xf32>,
        %add3A_504 = arith.addf %add3A_500, %get3A_503 : vector<16xf32>
        %mul3A_505 = arith.constant 0.00999999977 : f32
        %mul3A_506 = vector.broadcast %mul3A_505 : f32 to vector<16xf32>
        %mul3A_507 = arith.mulf %mul3A_506, %add3A_504 : vector<16xf32>
        %max3A_508 = arith.maximumf %add3A_504, %mul3A_507 : vector<16xf32>
        %swap3A_509 = arith.index_cast %add3A_41 : i32 to index
        %swap3A_510 = arith.constant 368 : index
        %swap3A_511 = tpu.vector_load %arg14[%swap3A_509, %swap3A_510] {strides = array<i32>} : memref<40x512xf32, #tpu.memory_space<vmem>>, vector<16xf32>,
        tpu.vector_store %arg14[%swap3A_509, %swap3A_510], %max3A_508 {strides = array<i32>} : memref<40x512xf32, #tpu.memory_space<vmem>>, vector<16xf32>,
        %mul3A_512 = arith.mulf %max3A_508, %get3A_9 : vector<16xf32>
        %add3A_513 = arith.addf %add3A_493, %mul3A_512 : vector<16xf32>
        %get3A_514 = arith.index_cast %add3A_41 : i32 to index
        %get3A_515 = arith.constant 384 : index
        %get3A_516 = tpu.vector_load %arg12[%get3A_514, %get3A_515] {strides = array<i32>} : memref<40x512xf32, #tpu.memory_space<vmem>>, vector<16xf32>,
        %get3A_517 = arith.index_cast %add3A_41 : i32 to index
        %get3A_518 = arith.constant 384 : index
        %get3A_519 = tpu.vector_load %arg13[%get3A_517, %get3A_518] {strides = array<i32>} : memref<40x512xf32, #tpu.memory_space<vmem>>, vector<16xf32>,
        %add3A_520 = arith.addf %get3A_516, %get3A_519 : vector<16xf32>
        %get3A_521 = arith.index_cast %add3A_41 : i32 to index
        %get3A_522 = arith.constant 384 : index
        %get3A_523 = tpu.vector_load %arg14[%get3A_521, %get3A_522] {strides = array<i32>} : memref<40x512xf32, #tpu.memory_space<vmem>>, vector<16xf32>,
        %add3A_524 = arith.addf %add3A_520, %get3A_523 : vector<16xf32>
        %mul3A_525 = arith.constant 0.00999999977 : f32
        %mul3A_526 = vector.broadcast %mul3A_525 : f32 to vector<16xf32>
        %mul3A_527 = arith.mulf %mul3A_526, %add3A_524 : vector<16xf32>
        %max3A_528 = arith.maximumf %add3A_524, %mul3A_527 : vector<16xf32>
        %swap3A_529 = arith.index_cast %add3A_41 : i32 to index
        %swap3A_530 = arith.constant 384 : index
        %swap3A_531 = tpu.vector_load %arg14[%swap3A_529, %swap3A_530] {strides = array<i32>} : memref<40x512xf32, #tpu.memory_space<vmem>>, vector<16xf32>,
        tpu.vector_store %arg14[%swap3A_529, %swap3A_530], %max3A_528 {strides = array<i32>} : memref<40x512xf32, #tpu.memory_space<vmem>>, vector<16xf32>,
        %mul3A_532 = arith.mulf %max3A_528, %get3A_3 : vector<16xf32>
        %get3A_533 = arith.index_cast %add3A_41 : i32 to index
        %get3A_534 = arith.constant 400 : index
        %get3A_535 = tpu.vector_load %arg12[%get3A_533, %get3A_534] {strides = array<i32>} : memref<40x512xf32, #tpu.memory_space<vmem>>, vector<16xf32>,
        %get3A_536 = arith.index_cast %add3A_41 : i32 to index
        %get3A_537 = arith.constant 400 : index
        %get3A_538 = tpu.vector_load %arg13[%get3A_536, %get3A_537] {strides = array<i32>} : memref<40x512xf32, #tpu.memory_space<vmem>>, vector<16xf32>,
        %add3A_539 = arith.addf %get3A_535, %get3A_538 : vector<16xf32>
        %get3A_540 = arith.index_cast %add3A_41 : i32 to index
        %get3A_541 = arith.constant 400 : index
        %get3A_542 = tpu.vector_load %arg14[%get3A_540, %get3A_541] {strides = array<i32>} : memref<40x512xf32, #tpu.memory_space<vmem>>, vector<16xf32>,
        %add3A_543 = arith.addf %add3A_539, %get3A_542 : vector<16xf32>
        %mul3A_544 = arith.constant 0.00999999977 : f32
        %mul3A_545 = vector.broadcast %mul3A_544 : f32 to vector<16xf32>
        %mul3A_546 = arith.mulf %mul3A_545, %add3A_543 : vector<16xf32>
        %max3A_547 = arith.maximumf %add3A_543, %mul3A_546 : vector<16xf32>
        %swap3A_548 = arith.index_cast %add3A_41 : i32 to index
        %swap3A_549 = arith.constant 400 : index
        %swap3A_550 = tpu.vector_load %arg14[%swap3A_548, %swap3A_549] {strides = array<i32>} : memref<40x512xf32, #tpu.memory_space<vmem>>, vector<16xf32>,
        tpu.vector_store %arg14[%swap3A_548, %swap3A_549], %max3A_547 {strides = array<i32>} : memref<40x512xf32, #tpu.memory_space<vmem>>, vector<16xf32>,
        %mul3A_551 = arith.mulf %max3A_547, %get3A_5 : vector<16xf32>
        %add3A_552 = arith.addf %mul3A_532, %mul3A_551 : vector<16xf32>
        %get3A_553 = arith.index_cast %add3A_41 : i32 to index
        %get3A_554 = arith.constant 416 : index
        %get3A_555 = tpu.vector_load %arg12[%get3A_553, %get3A_554] {strides = array<i32>} : memref<40x512xf32, #tpu.memory_space<vmem>>, vector<16xf32>,
        %get3A_556 = arith.index_cast %add3A_41 : i32 to index
        %get3A_557 = arith.constant 416 : index
        %get3A_558 = tpu.vector_load %arg13[%get3A_556, %get3A_557] {strides = array<i32>} : memref<40x512xf32, #tpu.memory_space<vmem>>, vector<16xf32>,
        %add3A_559 = arith.addf %get3A_555, %get3A_558 : vector<16xf32>
        %get3A_560 = arith.index_cast %add3A_41 : i32 to index
        %get3A_561 = arith.constant 416 : index
        %get3A_562 = tpu.vector_load %arg14[%get3A_560, %get3A_561] {strides = array<i32>} : memref<40x512xf32, #tpu.memory_space<vmem>>, vector<16xf32>,
        %add3A_563 = arith.addf %add3A_559, %get3A_562 : vector<16xf32>
        %mul3A_564 = arith.constant 0.00999999977 : f32
        %mul3A_565 = vector.broadcast %mul3A_564 : f32 to vector<16xf32>
        %mul3A_566 = arith.mulf %mul3A_565, %add3A_563 : vector<16xf32>
        %max3A_567 = arith.maximumf %add3A_563, %mul3A_566 : vector<16xf32>
        %swap3A_568 = arith.index_cast %add3A_41 : i32 to index
        %swap3A_569 = arith.constant 416 : index
        %swap3A_570 = tpu.vector_load %arg14[%swap3A_568, %swap3A_569] {strides = array<i32>} : memref<40x512xf32, #tpu.memory_space<vmem>>, vector<16xf32>,
        tpu.vector_store %arg14[%swap3A_568, %swap3A_569], %max3A_567 {strides = array<i32>} : memref<40x512xf32, #tpu.memory_space<vmem>>, vector<16xf32>,
        %mul3A_571 = arith.mulf %max3A_567, %get3A_7 : vector<16xf32>
        %add3A_572 = arith.addf %add3A_552, %mul3A_571 : vector<16xf32>
        %get3A_573 = arith.index_cast %add3A_41 : i32 to index
        %get3A_574 = arith.constant 432 : index
        %get3A_575 = tpu.vector_load %arg12[%get3A_573, %get3A_574] {strides = array<i32>} : memref<40x512xf32, #tpu.memory_space<vmem>>, vector<16xf32>,
        %get3A_576 = arith.index_cast %add3A_41 : i32 to index
        %get3A_577 = arith.constant 432 : index
        %get3A_578 = tpu.vector_load %arg13[%get3A_576, %get3A_577] {strides = array<i32>} : memref<40x512xf32, #tpu.memory_space<vmem>>, vector<16xf32>,
        %add3A_579 = arith.addf %get3A_575, %get3A_578 : vector<16xf32>
        %get3A_580 = arith.index_cast %add3A_41 : i32 to index
        %get3A_581 = arith.constant 432 : index
        %get3A_582 = tpu.vector_load %arg14[%get3A_580, %get3A_581] {strides = array<i32>} : memref<40x512xf32, #tpu.memory_space<vmem>>, vector<16xf32>,
        %add3A_583 = arith.addf %add3A_579, %get3A_582 : vector<16xf32>
        %mul3A_584 = arith.constant 0.00999999977 : f32
        %mul3A_585 = vector.broadcast %mul3A_584 : f32 to vector<16xf32>
        %mul3A_586 = arith.mulf %mul3A_585, %add3A_583 : vector<16xf32>
        %max3A_587 = arith.maximumf %add3A_583, %mul3A_586 : vector<16xf32>
        %swap3A_588 = arith.index_cast %add3A_41 : i32 to index
        %swap3A_589 = arith.constant 432 : index
        %swap3A_590 = tpu.vector_load %arg14[%swap3A_588, %swap3A_589] {strides = array<i32>} : memref<40x512xf32, #tpu.memory_space<vmem>>, vector<16xf32>,
        tpu.vector_store %arg14[%swap3A_588, %swap3A_589], %max3A_587 {strides = array<i32>} : memref<40x512xf32, #tpu.memory_space<vmem>>, vector<16xf32>,
        %mul3A_591 = arith.mulf %max3A_587, %get3A_9 : vector<16xf32>
        %add3A_592 = arith.addf %add3A_572, %mul3A_591 : vector<16xf32>
        %get3A_593 = arith.index_cast %add3A_41 : i32 to index
        %get3A_594 = arith.constant 448 : index
        %get3A_595 = tpu.vector_load %arg12[%get3A_593, %get3A_594] {strides = array<i32>} : memref<40x512xf32, #tpu.memory_space<vmem>>, vector<16xf32>,
        %get3A_596 = arith.index_cast %add3A_41 : i32 to index
        %get3A_597 = arith.constant 448 : index
        %get3A_598 = tpu.vector_load %arg13[%get3A_596, %get3A_597] {strides = array<i32>} : memref<40x512xf32, #tpu.memory_space<vmem>>, vector<16xf32>,
        %add3A_599 = arith.addf %get3A_595, %get3A_598 : vector<16xf32>
        %get3A_600 = arith.index_cast %add3A_41 : i32 to index
        %get3A_601 = arith.constant 448 : index
        %get3A_602 = tpu.vector_load %arg14[%get3A_600, %get3A_601] {strides = array<i32>} : memref<40x512xf32, #tpu.memory_space<vmem>>, vector<16xf32>,
        %add3A_603 = arith.addf %add3A_599, %get3A_602 : vector<16xf32>
        %mul3A_604 = arith.constant 0.00999999977 : f32
        %mul3A_605 = vector.broadcast %mul3A_604 : f32 to vector<16xf32>
        %mul3A_606 = arith.mulf %mul3A_605, %add3A_603 : vector<16xf32>
        %max3A_607 = arith.maximumf %add3A_603, %mul3A_606 : vector<16xf32>
        %swap3A_608 = arith.index_cast %add3A_41 : i32 to index
        %swap3A_609 = arith.constant 448 : index
        %swap3A_610 = tpu.vector_load %arg14[%swap3A_608, %swap3A_609] {strides = array<i32>} : memref<40x512xf32, #tpu.memory_space<vmem>>, vector<16xf32>,
        tpu.vector_store %arg14[%swap3A_608, %swap3A_609], %max3A_607 {strides = array<i32>} : memref<40x512xf32, #tpu.memory_space<vmem>>, vector<16xf32>,
        %mul3A_611 = arith.mulf %max3A_607, %get3A_3 : vector<16xf32>
        %get3A_612 = arith.index_cast %add3A_41 : i32 to index
        %get3A_613 = arith.constant 464 : index
        %get3A_614 = tpu.vector_load %arg12[%get3A_612, %get3A_613] {strides = array<i32>} : memref<40x512xf32, #tpu.memory_space<vmem>>, vector<16xf32>,
        %get3A_615 = arith.index_cast %add3A_41 : i32 to index
        %get3A_616 = arith.constant 464 : index
        %get3A_617 = tpu.vector_load %arg13[%get3A_615, %get3A_616] {strides = array<i32>} : memref<40x512xf32, #tpu.memory_space<vmem>>, vector<16xf32>,
        %add3A_618 = arith.addf %get3A_614, %get3A_617 : vector<16xf32>
        %get3A_619 = arith.index_cast %add3A_41 : i32 to index
        %get3A_620 = arith.constant 464 : index
        %get3A_621 = tpu.vector_load %arg14[%get3A_619, %get3A_620] {strides = array<i32>} : memref<40x512xf32, #tpu.memory_space<vmem>>, vector<16xf32>,
        %add3A_622 = arith.addf %add3A_618, %get3A_621 : vector<16xf32>
        %mul3A_623 = arith.constant 0.00999999977 : f32
        %mul3A_624 = vector.broadcast %mul3A_623 : f32 to vector<16xf32>
        %mul3A_625 = arith.mulf %mul3A_624, %add3A_622 : vector<16xf32>
        %max3A_626 = arith.maximumf %add3A_622, %mul3A_625 : vector<16xf32>
        %swap3A_627 = arith.index_cast %add3A_41 : i32 to index
        %swap3A_628 = arith.constant 464 : index
        %swap3A_629 = tpu.vector_load %arg14[%swap3A_627, %swap3A_628] {strides = array<i32>} : memref<40x512xf32, #tpu.memory_space<vmem>>, vector<16xf32>,
        tpu.vector_store %arg14[%swap3A_627, %swap3A_628], %max3A_626 {strides = array<i32>} : memref<40x512xf32, #tpu.memory_space<vmem>>, vector<16xf32>,
        %mul3A_630 = arith.mulf %max3A_626, %get3A_5 : vector<16xf32>
        %add3A_631 = arith.addf %mul3A_611, %mul3A_630 : vector<16xf32>
        %get3A_632 = arith.index_cast %add3A_41 : i32 to index
        %get3A_633 = arith.constant 480 : index
        %get3A_634 = tpu.vector_load %arg12[%get3A_632, %get3A_633] {strides = array<i32>} : memref<40x512xf32, #tpu.memory_space<vmem>>, vector<16xf32>,
        %get3A_635 = arith.index_cast %add3A_41 : i32 to index
        %get3A_636 = arith.constant 480 : index
        %get3A_637 = tpu.vector_load %arg13[%get3A_635, %get3A_636] {strides = array<i32>} : memref<40x512xf32, #tpu.memory_space<vmem>>, vector<16xf32>,
        %add3A_638 = arith.addf %get3A_634, %get3A_637 : vector<16xf32>
        %get3A_639 = arith.index_cast %add3A_41 : i32 to index
        %get3A_640 = arith.constant 480 : index
        %get3A_641 = tpu.vector_load %arg14[%get3A_639, %get3A_640] {strides = array<i32>} : memref<40x512xf32, #tpu.memory_space<vmem>>, vector<16xf32>,
        %add3A_642 = arith.addf %add3A_638, %get3A_641 : vector<16xf32>
        %mul3A_643 = arith.constant 0.00999999977 : f32
        %mul3A_644 = vector.broadcast %mul3A_643 : f32 to vector<16xf32>
        %mul3A_645 = arith.mulf %mul3A_644, %add3A_642 : vector<16xf32>
        %max3A_646 = arith.maximumf %add3A_642, %mul3A_645 : vector<16xf32>
        %swap3A_647 = arith.index_cast %add3A_41 : i32 to index
        %swap3A_648 = arith.constant 480 : index
        %swap3A_649 = tpu.vector_load %arg14[%swap3A_647, %swap3A_648] {strides = array<i32>} : memref<40x512xf32, #tpu.memory_space<vmem>>, vector<16xf32>,
        tpu.vector_store %arg14[%swap3A_647, %swap3A_648], %max3A_646 {strides = array<i32>} : memref<40x512xf32, #tpu.memory_space<vmem>>, vector<16xf32>,
        %mul3A_650 = arith.mulf %max3A_646, %get3A_7 : vector<16xf32>
        %add3A_651 = arith.addf %add3A_631, %mul3A_650 : vector<16xf32>
        %get3A_652 = arith.index_cast %add3A_41 : i32 to index
        %get3A_653 = arith.constant 496 : index
        %get3A_654 = tpu.vector_load %arg12[%get3A_652, %get3A_653] {strides = array<i32>} : memref<40x512xf32, #tpu.memory_space<vmem>>, vector<16xf32>,
        %get3A_655 = arith.index_cast %add3A_41 : i32 to index
        %get3A_656 = arith.constant 496 : index
        %get3A_657 = tpu.vector_load %arg13[%get3A_655, %get3A_656] {strides = array<i32>} : memref<40x512xf32, #tpu.memory_space<vmem>>, vector<16xf32>,
        %add3A_658 = arith.addf %get3A_654, %get3A_657 : vector<16xf32>
        %get3A_659 = arith.index_cast %add3A_41 : i32 to index
        %get3A_660 = arith.constant 496 : index
        %get3A_661 = tpu.vector_load %arg14[%get3A_659, %get3A_660] {strides = array<i32>} : memref<40x512xf32, #tpu.memory_space<vmem>>, vector<16xf32>,
        %add3A_662 = arith.addf %add3A_658, %get3A_661 : vector<16xf32>
        %mul3A_663 = arith.constant 0.00999999977 : f32
        %mul3A_664 = vector.broadcast %mul3A_663 : f32 to vector<16xf32>
        %mul3A_665 = arith.mulf %mul3A_664, %add3A_662 : vector<16xf32>
        %max3A_666 = arith.maximumf %add3A_662, %mul3A_665 : vector<16xf32>
        %swap3A_667 = arith.index_cast %add3A_41 : i32 to index
        %swap3A_668 = arith.constant 496 : index
        %swap3A_669 = tpu.vector_load %arg14[%swap3A_667, %swap3A_668] {strides = array<i32>} : memref<40x512xf32, #tpu.memory_space<vmem>>, vector<16xf32>,
        tpu.vector_store %arg14[%swap3A_667, %swap3A_668], %max3A_666 {strides = array<i32>} : memref<40x512xf32, #tpu.memory_space<vmem>>, vector<16xf32>,
        %mul3A_670 = arith.mulf %max3A_666, %get3A_9 : vector<16xf32>
        %add3A_671 = arith.addf %add3A_651, %mul3A_670 : vector<16xf32>
        %iota3A = tpu.iota {dimensions = array<i32: 0>} : vector<16xi32>
        %broadcast_in_dim3A = arith.constant 0.000000e+00 : f32
        %broadcast_in_dim3A_672 = vector.broadcast %broadcast_in_dim3A : f32 to vector<16xf32>
        %eq3A = arith.constant 0 : i32
        %eq3A_673 = vector.broadcast %eq3A : i32 to vector<16xi32>
        %eq3A_674 = arith.cmpi eq, %iota3A, %eq3A_673 : vector<16xi32>
        %reduce_sum3A = arith.constant true
        %reduce_sum3A_675 = vector.broadcast %reduce_sum3A : i1 to vector<16xi1>
        %reduce_sum3A_676 = tpu.scan <sum>, %add3A_118 masked %reduce_sum3A_675 : vector<16xf32>, vector<16xi1> -> vector<16xf32>
        %reduce_sum3A_677 = vector.extract %reduce_sum3A_676[15] : f32 from vector<16xf32>
        %broadcast_in_dim3A_678 = vector.broadcast %reduce_sum3A_677 : f32 to vector<16xf32>
        %select_n3A = arith.select %eq3A_674, %broadcast_in_dim3A_678, %broadcast_in_dim3A_672 : vector<16xi1>, vector<16xf32>
        %eq3A_679 = arith.constant 1 : i32
        %eq3A_680 = vector.broadcast %eq3A_679 : i32 to vector<16xi32>
        %eq3A_681 = arith.cmpi eq, %iota3A, %eq3A_680 : vector<16xi32>
        %reduce_sum3A_682 = arith.constant true
        %reduce_sum3A_683 = vector.broadcast %reduce_sum3A_682 : i1 to vector<16xi1>
        %reduce_sum3A_684 = tpu.scan <sum>, %add3A_197 masked %reduce_sum3A_683 : vector<16xf32>, vector<16xi1> -> vector<16xf32>
        %reduce_sum3A_685 = vector.extract %reduce_sum3A_684[15] : f32 from vector<16xf32>
        %broadcast_in_dim3A_686 = vector.broadcast %reduce_sum3A_685 : f32 to vector<16xf32>
        %select_n3A_687 = arith.select %eq3A_681, %broadcast_in_dim3A_686, %select_n3A : vector<16xi1>, vector<16xf32>
        %eq3A_688 = arith.constant 2 : i32
        %eq3A_689 = vector.broadcast %eq3A_688 : i32 to vector<16xi32>
        %eq3A_690 = arith.cmpi eq, %iota3A, %eq3A_689 : vector<16xi32>
        %reduce_sum3A_691 = arith.constant true
        %reduce_sum3A_692 = vector.broadcast %reduce_sum3A_691 : i1 to vector<16xi1>
        %reduce_sum3A_693 = tpu.scan <sum>, %add3A_276 masked %reduce_sum3A_692 : vector<16xf32>, vector<16xi1> -> vector<16xf32>
        %reduce_sum3A_694 = vector.extract %reduce_sum3A_693[15] : f32 from vector<16xf32>
        %broadcast_in_dim3A_695 = vector.broadcast %reduce_sum3A_694 : f32 to vector<16xf32>
        %select_n3A_696 = arith.select %eq3A_690, %broadcast_in_dim3A_695, %select_n3A_687 : vector<16xi1>, vector<16xf32>
        %eq3A_697 = arith.constant 3 : i32
        %eq3A_698 = vector.broadcast %eq3A_697 : i32 to vector<16xi32>
        %eq3A_699 = arith.cmpi eq, %iota3A, %eq3A_698 : vector<16xi32>
        %reduce_sum3A_700 = arith.constant true
        %reduce_sum3A_701 = vector.broadcast %reduce_sum3A_700 : i1 to vector<16xi1>
        %reduce_sum3A_702 = tpu.scan <sum>, %add3A_355 masked %reduce_sum3A_701 : vector<16xf32>, vector<16xi1> -> vector<16xf32>
        %reduce_sum3A_703 = vector.extract %reduce_sum3A_702[15] : f32 from vector<16xf32>
        %broadcast_in_dim3A_704 = vector.broadcast %reduce_sum3A_703 : f32 to vector<16xf32>
        %select_n3A_705 = arith.select %eq3A_699, %broadcast_in_dim3A_704, %select_n3A_696 : vector<16xi1>, vector<16xf32>
        %eq3A_706 = arith.constant 4 : i32
        %eq3A_707 = vector.broadcast %eq3A_706 : i32 to vector<16xi32>
        %eq3A_708 = arith.cmpi eq, %iota3A, %eq3A_707 : vector<16xi32>
        %reduce_sum3A_709 = arith.constant true
        %reduce_sum3A_710 = vector.broadcast %reduce_sum3A_709 : i1 to vector<16xi1>
        %reduce_sum3A_711 = tpu.scan <sum>, %add3A_434 masked %reduce_sum3A_710 : vector<16xf32>, vector<16xi1> -> vector<16xf32>
        %reduce_sum3A_712 = vector.extract %reduce_sum3A_711[15] : f32 from vector<16xf32>
        %broadcast_in_dim3A_713 = vector.broadcast %reduce_sum3A_712 : f32 to vector<16xf32>
        %select_n3A_714 = arith.select %eq3A_708, %broadcast_in_dim3A_713, %select_n3A_705 : vector<16xi1>, vector<16xf32>
        %eq3A_715 = arith.constant 5 : i32
        %eq3A_716 = vector.broadcast %eq3A_715 : i32 to vector<16xi32>
        %eq3A_717 = arith.cmpi eq, %iota3A, %eq3A_716 : vector<16xi32>
        %reduce_sum3A_718 = arith.constant true
        %reduce_sum3A_719 = vector.broadcast %reduce_sum3A_718 : i1 to vector<16xi1>
        %reduce_sum3A_720 = tpu.scan <sum>, %add3A_513 masked %reduce_sum3A_719 : vector<16xf32>, vector<16xi1> -> vector<16xf32>
        %reduce_sum3A_721 = vector.extract %reduce_sum3A_720[15] : f32 from vector<16xf32>
        %broadcast_in_dim3A_722 = vector.broadcast %reduce_sum3A_721 : f32 to vector<16xf32>
        %select_n3A_723 = arith.select %eq3A_717, %broadcast_in_dim3A_722, %select_n3A_714 : vector<16xi1>, vector<16xf32>
        %eq3A_724 = arith.constant 6 : i32
        %eq3A_725 = vector.broadcast %eq3A_724 : i32 to vector<16xi32>
        %eq3A_726 = arith.cmpi eq, %iota3A, %eq3A_725 : vector<16xi32>
        %reduce_sum3A_727 = arith.constant true
        %reduce_sum3A_728 = vector.broadcast %reduce_sum3A_727 : i1 to vector<16xi1>
        %reduce_sum3A_729 = tpu.scan <sum>, %add3A_592 masked %reduce_sum3A_728 : vector<16xf32>, vector<16xi1> -> vector<16xf32>
        %reduce_sum3A_730 = vector.extract %reduce_sum3A_729[15] : f32 from vector<16xf32>
        %broadcast_in_dim3A_731 = vector.broadcast %reduce_sum3A_730 : f32 to vector<16xf32>
        %select_n3A_732 = arith.select %eq3A_726, %broadcast_in_dim3A_731, %select_n3A_723 : vector<16xi1>, vector<16xf32>
        %eq3A_733 = arith.constant 7 : i32
        %eq3A_734 = vector.broadcast %eq3A_733 : i32 to vector<16xi32>
        %eq3A_735 = arith.cmpi eq, %iota3A, %eq3A_734 : vector<16xi32>
        %reduce_sum3A_736 = arith.constant true
        %reduce_sum3A_737 = vector.broadcast %reduce_sum3A_736 : i1 to vector<16xi1>
        %reduce_sum3A_738 = tpu.scan <sum>, %add3A_671 masked %reduce_sum3A_737 : vector<16xf32>, vector<16xi1> -> vector<16xf32>
        %reduce_sum3A_739 = vector.extract %reduce_sum3A_738[15] : f32 from vector<16xf32>
        %broadcast_in_dim3A_740 = vector.broadcast %reduce_sum3A_739 : f32 to vector<16xf32>
        %select_n3A_741 = arith.select %eq3A_735, %broadcast_in_dim3A_740, %select_n3A_732 : vector<16xi1>, vector<16xf32>
        %exp3A = math.exp %select_n3A_741 : vector<16xf32>
        %lt3A = arith.constant 8 : i32
        %lt3A_742 = vector.broadcast %lt3A : i32 to vector<16xi32>
        %lt3A_743 = arith.cmpi slt, %iota3A, %lt3A_742 : vector<16xi32>
        %eq3A_744 = arith.constant 8 : i32
        %eq3A_745 = vector.broadcast %eq3A_744 : i32 to vector<16xi32>
        %eq3A_746 = arith.cmpi eq, %iota3A, %eq3A_745 : vector<16xi32>
        %jit3A = arith.constant 1.000000e+00 : f32
        %jit3A_747 = arith.constant 0.000000e+00 : f32
        %broadcast_in_dim3A_748 = vector.broadcast %jit3A : f32 to vector<16xf32>
        %broadcast_in_dim3A_749 = vector.broadcast %jit3A_747 : f32 to vector<16xf32>
        %select_n3A_750 = arith.select %eq3A_746, %broadcast_in_dim3A_748, %broadcast_in_dim3A_749 : vector<16xi1>, vector<16xf32>
        %select_n3A_751 = arith.select %lt3A_743, %exp3A, %select_n3A_750 : vector<16xi1>, vector<16xf32>
        %swap3A_752 = arith.index_cast %add3A_41 : i32 to index
        %swap3A_753 = arith.constant 0 : index
        %swap3A_754 = tpu.vector_load %arg15[%swap3A_752, %swap3A_753] {strides = array<i32>} : memref<40x16xf32, #tpu.memory_space<vmem>>, vector<16xf32>,
        tpu.vector_store %arg15[%swap3A_752, %swap3A_753], %select_n3A_751 {strides = array<i32>} : memref<40x16xf32, #tpu.memory_space<vmem>>, vector<16xf32>,
      }
      %scan3A_36 = arith.constant 40 : i32
      "tpu.region"() ({
        %run_scoped3A = tpu.sem_alloc : memref<!tpu.dma_semaphore, #tpu.memory_space<semaphore_mem>>
        %dma_start3A_37 = arith.constant 0 : i32
        %dma_start3A_38 = tpu.memref_slice %arg8[%add3A_21, %dma_start3A_37] : memref<160000x512xf32, #tpu.memory_space<hbm>> -> memref<40x512xf32, #tpu.memory_space<hbm>>
        %dma_start3A_39 = arith.constant 0 : i32
        %dma_start3A_40 = tpu.memref_slice %arg8[%add3A_21, %dma_start3A_39] : memref<160000x512xf32, #tpu.memory_space<hbm>> -> memref<40x512xf32, #tpu.memory_space<hbm>>
        tpu.enqueue_dma source(%arg14 : memref<40x512xf32, #tpu.memory_space<vmem>>) target(%dma_start3A_40 : memref<40x512xf32, #tpu.memory_space<hbm>>) target_semaphore(%run_scoped3A : memref<!tpu.dma_semaphore, #tpu.memory_space<semaphore_mem>>)
        %dma_wait3A_41 = arith.constant 0 : i32
        %dma_wait3A_42 = tpu.memref_slice %arg8[%add3A_21, %dma_wait3A_41] : memref<160000x512xf32, #tpu.memory_space<hbm>> -> memref<40x512xf32, #tpu.memory_space<hbm>>
        %dma_wait3A_43 = arith.constant 0 : i32
        %dma_wait3A_44 = tpu.memref_slice %arg8[%add3A_21, %dma_wait3A_43] : memref<160000x512xf32, #tpu.memory_space<hbm>> -> memref<40x512xf32, #tpu.memory_space<hbm>>
        tpu.wait_dma2 semaphore(%run_scoped3A : memref<!tpu.dma_semaphore, #tpu.memory_space<semaphore_mem>>) src(%arg14 : memref<40x512xf32, #tpu.memory_space<vmem>>) dst(%dma_wait3A_44 : memref<40x512xf32, #tpu.memory_space<hbm>>)
        tpu.yield
      }) : () -> ()
      "tpu.region"() ({
        %run_scoped3A = tpu.sem_alloc : memref<!tpu.dma_semaphore, #tpu.memory_space<semaphore_mem>>
        %dma_start3A_37 = arith.constant 0 : i32
        %dma_start3A_38 = tpu.memref_slice %arg9[%add3A_21, %dma_start3A_37] : memref<160000x16xf32, #tpu.memory_space<hbm>> -> memref<40x16xf32, #tpu.memory_space<hbm>>
        %dma_start3A_39 = arith.constant 0 : i32
        %dma_start3A_40 = tpu.memref_slice %arg9[%add3A_21, %dma_start3A_39] : memref<160000x16xf32, #tpu.memory_space<hbm>> -> memref<40x16xf32, #tpu.memory_space<hbm>>
        tpu.enqueue_dma source(%arg15 : memref<40x16xf32, #tpu.memory_space<vmem>>) target(%dma_start3A_40 : memref<40x16xf32, #tpu.memory_space<hbm>>) target_semaphore(%run_scoped3A : memref<!tpu.dma_semaphore, #tpu.memory_space<semaphore_mem>>)
        %dma_wait3A_41 = arith.constant 0 : i32
        %dma_wait3A_42 = tpu.memref_slice %arg9[%add3A_21, %dma_wait3A_41] : memref<160000x16xf32, #tpu.memory_space<hbm>> -> memref<40x16xf32, #tpu.memory_space<hbm>>
        %dma_wait3A_43 = arith.constant 0 : i32
        %dma_wait3A_44 = tpu.memref_slice %arg9[%add3A_21, %dma_wait3A_43] : memref<160000x16xf32, #tpu.memory_space<hbm>> -> memref<40x16xf32, #tpu.memory_space<hbm>>
        tpu.wait_dma2 semaphore(%run_scoped3A : memref<!tpu.dma_semaphore, #tpu.memory_space<semaphore_mem>>) src(%arg15 : memref<40x16xf32, #tpu.memory_space<vmem>>) dst(%dma_wait3A_44 : memref<40x16xf32, #tpu.memory_space<hbm>>)
        tpu.yield
      }) : () -> ()
    }
    %scan3A_13 = arith.constant 125 : i32
    return
  }
}

#map = affine_map<(d0, d1) -> (0, 0)>
#map1 = affine_map<(d0, d1) -> (0)>
#map2 = affine_map<(d0, d1) -> (0, 0, 0)>
module attributes {stable_mosaic.version = 14 : i64} {
  func.func @k(%arg0: i32, %arg1: i32, %arg2: memref<40000x128xf32, #tpu.memory_space<hbm>>, %arg3: memref<160000x16xf32, #tpu.memory_space<hbm>>, %arg4: memref<160000xi32, #tpu.memory_space<hbm>>, %arg5: memref<160000xi32, #tpu.memory_space<hbm>>, %arg6: memref<10000x128xf32, #tpu.memory_space<hbm>>, %arg7: memref<10000x128xf32, #tpu.memory_space<hbm>>, %arg8: memref<4x10000x128xf32, #tpu.memory_space<hbm>>, %arg9: memref<80xi32, #tpu.memory_space<vmem>>, %arg10: memref<80xi32, #tpu.memory_space<vmem>>, %arg11: memref<80xi32, #tpu.memory_space<vmem>>, %arg12: memref<80x128xf32, #tpu.memory_space<vmem>>, %arg13: memref<80x16xf32, #tpu.memory_space<vmem>>, %arg14: memref<16x128xf32, #tpu.memory_space<vmem>>, %arg15: memref<16x128xf32, #tpu.memory_space<vmem>>, %arg16: memref<16x128xf32, #tpu.memory_space<vmem>>, %arg17: memref<16x128xf32, #tpu.memory_space<vmem>>, %arg18: memref<10000x128xf32, #tpu.memory_space<vmem_shared>>, %arg19: memref<!tpu.dma_semaphore, #tpu.memory_space<semaphore_mem>>) attributes {dimension_semantics = [#tpu.dimension_semantics<core_parallel>, #tpu.dimension_semantics<subcore_parallel>], iteration_bounds = array<i64: 2, 16>, scalar_prefetch = 0 : i64, scratch_operands = 11 : i64, tpu.core_type = #tpu.core_type<sc_vector_subcore>, window_params = [{transform_indices = #map}, {transform_indices = #map}, {transform_indices = #map1}, {transform_indices = #map1}, {transform_indices = #map}, {transform_indices = #map}, {transform_indices = #map2}]} {
    %mul3A = arith.constant 2 : i32
    %mul3A_0 = arith.muli %arg0, %mul3A : i32
    %add3A = arith.constant 0 : i32
    %add3A_1 = arith.addi %mul3A_0, %add3A : i32
    %scan3A = arith.constant 0 : i32
    %scan3A_2 = arith.constant 16 : i32
    %scan3A_3 = arith.addi %scan3A, %scan3A_2 : i32
    %scan3A_4 = arith.constant 1 : i32
    scf.for %scan3A_50 = %scan3A to %scan3A_3 step %scan3A_4  : i32 {
      %mul3A_51 = arith.constant 1 : i32
      %mul3A_52 = arith.muli %scan3A_50, %mul3A_51 : i32
      %add3A_53 = arith.constant 0 : i32
      %add3A_54 = arith.addi %add3A_53, %mul3A_52 : i32
      %broadcast_in_dim3A = arith.constant 0.000000e+00 : f32
      %broadcast_in_dim3A_55 = vector.broadcast %broadcast_in_dim3A : f32 to vector<16xf32>
      %swap3A = arith.index_cast %add3A_54 : i32 to index
      %swap3A_56 = arith.constant 0 : index
      %swap3A_57 = tpu.vector_load %arg14[%swap3A, %swap3A_56] {strides = array<i32>} : memref<16x128xf32, #tpu.memory_space<vmem>>, vector<16xf32>,
      tpu.vector_store %arg14[%swap3A, %swap3A_56], %broadcast_in_dim3A_55 {strides = array<i32>} : memref<16x128xf32, #tpu.memory_space<vmem>>, vector<16xf32>,
      %broadcast_in_dim3A_58 = arith.constant 0.000000e+00 : f32
      %broadcast_in_dim3A_59 = vector.broadcast %broadcast_in_dim3A_58 : f32 to vector<16xf32>
      %swap3A_60 = arith.index_cast %add3A_54 : i32 to index
      %swap3A_61 = arith.constant 16 : index
      %swap3A_62 = tpu.vector_load %arg14[%swap3A_60, %swap3A_61] {strides = array<i32>} : memref<16x128xf32, #tpu.memory_space<vmem>>, vector<16xf32>,
      tpu.vector_store %arg14[%swap3A_60, %swap3A_61], %broadcast_in_dim3A_59 {strides = array<i32>} : memref<16x128xf32, #tpu.memory_space<vmem>>, vector<16xf32>,
      %broadcast_in_dim3A_63 = arith.constant 0.000000e+00 : f32
      %broadcast_in_dim3A_64 = vector.broadcast %broadcast_in_dim3A_63 : f32 to vector<16xf32>
      %swap3A_65 = arith.index_cast %add3A_54 : i32 to index
      %swap3A_66 = arith.constant 32 : index
      %swap3A_67 = tpu.vector_load %arg14[%swap3A_65, %swap3A_66] {strides = array<i32>} : memref<16x128xf32, #tpu.memory_space<vmem>>, vector<16xf32>,
      tpu.vector_store %arg14[%swap3A_65, %swap3A_66], %broadcast_in_dim3A_64 {strides = array<i32>} : memref<16x128xf32, #tpu.memory_space<vmem>>, vector<16xf32>,
      %broadcast_in_dim3A_68 = arith.constant 0.000000e+00 : f32
      %broadcast_in_dim3A_69 = vector.broadcast %broadcast_in_dim3A_68 : f32 to vector<16xf32>
      %swap3A_70 = arith.index_cast %add3A_54 : i32 to index
      %swap3A_71 = arith.constant 48 : index
      %swap3A_72 = tpu.vector_load %arg14[%swap3A_70, %swap3A_71] {strides = array<i32>} : memref<16x128xf32, #tpu.memory_space<vmem>>, vector<16xf32>,
      tpu.vector_store %arg14[%swap3A_70, %swap3A_71], %broadcast_in_dim3A_69 {strides = array<i32>} : memref<16x128xf32, #tpu.memory_space<vmem>>, vector<16xf32>,
      %broadcast_in_dim3A_73 = arith.constant 0.000000e+00 : f32
      %broadcast_in_dim3A_74 = vector.broadcast %broadcast_in_dim3A_73 : f32 to vector<16xf32>
      %swap3A_75 = arith.index_cast %add3A_54 : i32 to index
      %swap3A_76 = arith.constant 64 : index
      %swap3A_77 = tpu.vector_load %arg14[%swap3A_75, %swap3A_76] {strides = array<i32>} : memref<16x128xf32, #tpu.memory_space<vmem>>, vector<16xf32>,
      tpu.vector_store %arg14[%swap3A_75, %swap3A_76], %broadcast_in_dim3A_74 {strides = array<i32>} : memref<16x128xf32, #tpu.memory_space<vmem>>, vector<16xf32>,
      %broadcast_in_dim3A_78 = arith.constant 0.000000e+00 : f32
      %broadcast_in_dim3A_79 = vector.broadcast %broadcast_in_dim3A_78 : f32 to vector<16xf32>
      %swap3A_80 = arith.index_cast %add3A_54 : i32 to index
      %swap3A_81 = arith.constant 80 : index
      %swap3A_82 = tpu.vector_load %arg14[%swap3A_80, %swap3A_81] {strides = array<i32>} : memref<16x128xf32, #tpu.memory_space<vmem>>, vector<16xf32>,
      tpu.vector_store %arg14[%swap3A_80, %swap3A_81], %broadcast_in_dim3A_79 {strides = array<i32>} : memref<16x128xf32, #tpu.memory_space<vmem>>, vector<16xf32>,
      %broadcast_in_dim3A_83 = arith.constant 0.000000e+00 : f32
      %broadcast_in_dim3A_84 = vector.broadcast %broadcast_in_dim3A_83 : f32 to vector<16xf32>
      %swap3A_85 = arith.index_cast %add3A_54 : i32 to index
      %swap3A_86 = arith.constant 96 : index
      %swap3A_87 = tpu.vector_load %arg14[%swap3A_85, %swap3A_86] {strides = array<i32>} : memref<16x128xf32, #tpu.memory_space<vmem>>, vector<16xf32>,
      tpu.vector_store %arg14[%swap3A_85, %swap3A_86], %broadcast_in_dim3A_84 {strides = array<i32>} : memref<16x128xf32, #tpu.memory_space<vmem>>, vector<16xf32>,
      %broadcast_in_dim3A_88 = arith.constant 0.000000e+00 : f32
      %broadcast_in_dim3A_89 = vector.broadcast %broadcast_in_dim3A_88 : f32 to vector<16xf32>
      %swap3A_90 = arith.index_cast %add3A_54 : i32 to index
      %swap3A_91 = arith.constant 112 : index
      %swap3A_92 = tpu.vector_load %arg14[%swap3A_90, %swap3A_91] {strides = array<i32>} : memref<16x128xf32, #tpu.memory_space<vmem>>, vector<16xf32>,
      tpu.vector_store %arg14[%swap3A_90, %swap3A_91], %broadcast_in_dim3A_89 {strides = array<i32>} : memref<16x128xf32, #tpu.memory_space<vmem>>, vector<16xf32>,
    }
    %scan3A_5 = arith.constant 16 : i32
    %scan3A_6 = arith.constant 0 : i32
    %scan3A_7 = arith.constant 40 : i32
    %scan3A_8 = arith.addi %scan3A_6, %scan3A_7 : i32
    %scan3A_9 = arith.constant 1 : i32
    scf.for %scan3A_50 = %scan3A_6 to %scan3A_8 step %scan3A_9  : i32 {
      %mul3A_51 = arith.constant 1 : i32
      %mul3A_52 = arith.muli %scan3A_50, %mul3A_51 : i32
      %add3A_53 = arith.constant 0 : i32
      %add3A_54 = arith.addi %add3A_53, %mul3A_52 : i32
      %mul3A_55 = arith.constant 16 : i32
      %mul3A_56 = arith.muli %add3A_54, %mul3A_55 : i32
      %add3A_57 = arith.addi %arg1, %mul3A_56 : i32
      %lt3A = arith.constant 625 : i32
      %lt3A_58 = arith.cmpi slt, %add3A_57, %lt3A : i32
      %convert_element_type3A = arith.extui %lt3A_58 : i1 to i32
      %cond3A = arith.constant 0 : i32
      %cond3A_59 = arith.cmpi ne, %convert_element_type3A, %cond3A : i32
      scf.if %cond3A_59 {
        %mul3A_60 = arith.constant 16 : i32
        %mul3A_61 = arith.muli %add3A_57, %mul3A_60 : i32
        "tpu.region"() ({
          %run_scoped3A = tpu.sem_alloc : memref<!tpu.dma_semaphore, #tpu.memory_space<semaphore_mem>>
          %dma_start3A = arith.constant 0 : i32
          %dma_start3A_62 = tpu.memref_slice %arg18[%mul3A_61, %dma_start3A] : memref<10000x128xf32, #tpu.memory_space<vmem_shared>> -> memref<16x128xf32, #tpu.memory_space<vmem_shared>>
          %dma_start3A_63 = arith.constant 0 : i32
          %dma_start3A_64 = tpu.memref_slice %arg18[%mul3A_61, %dma_start3A_63] : memref<10000x128xf32, #tpu.memory_space<vmem_shared>> -> memref<16x128xf32, #tpu.memory_space<vmem_shared>>
          tpu.enqueue_dma source(%arg14 : memref<16x128xf32, #tpu.memory_space<vmem>>) target(%dma_start3A_64 : memref<16x128xf32, #tpu.memory_space<vmem_shared>>) target_semaphore(%run_scoped3A : memref<!tpu.dma_semaphore, #tpu.memory_space<semaphore_mem>>)
          %dma_wait3A = arith.constant 0 : i32
          %dma_wait3A_65 = tpu.memref_slice %arg18[%mul3A_61, %dma_wait3A] : memref<10000x128xf32, #tpu.memory_space<vmem_shared>> -> memref<16x128xf32, #tpu.memory_space<vmem_shared>>
          %dma_wait3A_66 = arith.constant 0 : i32
          %dma_wait3A_67 = tpu.memref_slice %arg18[%mul3A_61, %dma_wait3A_66] : memref<10000x128xf32, #tpu.memory_space<vmem_shared>> -> memref<16x128xf32, #tpu.memory_space<vmem_shared>>
          tpu.wait_dma2 semaphore(%run_scoped3A : memref<!tpu.dma_semaphore, #tpu.memory_space<semaphore_mem>>) src(%arg14 : memref<16x128xf32, #tpu.memory_space<vmem>>) dst(%dma_wait3A_67 : memref<16x128xf32, #tpu.memory_space<vmem_shared>>)
          tpu.yield
        }) : () -> ()
      } else {
      }
    }
    %scan3A_10 = arith.constant 40 : i32
    %barrier3A = arith.constant 0 : index
    tpu.barrier barrier_id(%barrier3A)
    %scan3A_11 = arith.constant 0 : i32
    %scan3A_12 = arith.constant 125 : i32
    %scan3A_13 = arith.addi %scan3A_11, %scan3A_12 : i32
    %scan3A_14 = arith.constant 1 : i32
    scf.for %scan3A_50 = %scan3A_11 to %scan3A_13 step %scan3A_14  : i32 {
      %mul3A_51 = arith.constant 1 : i32
      %mul3A_52 = arith.muli %scan3A_50, %mul3A_51 : i32
      %add3A_53 = arith.constant 0 : i32
      %add3A_54 = arith.addi %add3A_53, %mul3A_52 : i32
      %mul3A_55 = arith.constant 10000 : i32
      %mul3A_56 = arith.muli %arg1, %mul3A_55 : i32
      %mul3A_57 = arith.constant 80 : i32
      %mul3A_58 = arith.muli %add3A_54, %mul3A_57 : i32
      %add3A_59 = arith.addi %mul3A_56, %mul3A_58 : i32
      "tpu.region"() ({
        %run_scoped3A = tpu.sem_alloc : memref<!tpu.dma_semaphore, #tpu.memory_space<semaphore_mem>>
        %dma_start3A_74 = tpu.memref_slice %arg4[%add3A_59] : memref<160000xi32, #tpu.memory_space<hbm>> -> memref<80xi32, #tpu.memory_space<hbm>>
        %dma_start3A_75 = tpu.memref_slice %arg4[%add3A_59] : memref<160000xi32, #tpu.memory_space<hbm>> -> memref<80xi32, #tpu.memory_space<hbm>>
        tpu.enqueue_dma source(%dma_start3A_75 : memref<80xi32, #tpu.memory_space<hbm>>) target(%arg9 : memref<80xi32, #tpu.memory_space<vmem>>) target_semaphore(%run_scoped3A : memref<!tpu.dma_semaphore, #tpu.memory_space<semaphore_mem>>)
        %dma_wait3A_76 = tpu.memref_slice %arg4[%add3A_59] : memref<160000xi32, #tpu.memory_space<hbm>> -> memref<80xi32, #tpu.memory_space<hbm>>
        %dma_wait3A_77 = tpu.memref_slice %arg4[%add3A_59] : memref<160000xi32, #tpu.memory_space<hbm>> -> memref<80xi32, #tpu.memory_space<hbm>>
        tpu.wait_dma2 semaphore(%run_scoped3A : memref<!tpu.dma_semaphore, #tpu.memory_space<semaphore_mem>>) src(%dma_wait3A_77 : memref<80xi32, #tpu.memory_space<hbm>>) dst(%arg9 : memref<80xi32, #tpu.memory_space<vmem>>)
        tpu.yield
      }) : () -> ()
      "tpu.region"() ({
        %run_scoped3A = tpu.sem_alloc : memref<!tpu.dma_semaphore, #tpu.memory_space<semaphore_mem>>
        %dma_start3A_74 = tpu.memref_slice %arg5[%add3A_59] : memref<160000xi32, #tpu.memory_space<hbm>> -> memref<80xi32, #tpu.memory_space<hbm>>
        %dma_start3A_75 = tpu.memref_slice %arg5[%add3A_59] : memref<160000xi32, #tpu.memory_space<hbm>> -> memref<80xi32, #tpu.memory_space<hbm>>
        tpu.enqueue_dma source(%dma_start3A_75 : memref<80xi32, #tpu.memory_space<hbm>>) target(%arg10 : memref<80xi32, #tpu.memory_space<vmem>>) target_semaphore(%run_scoped3A : memref<!tpu.dma_semaphore, #tpu.memory_space<semaphore_mem>>)
        %dma_wait3A_76 = tpu.memref_slice %arg5[%add3A_59] : memref<160000xi32, #tpu.memory_space<hbm>> -> memref<80xi32, #tpu.memory_space<hbm>>
        %dma_wait3A_77 = tpu.memref_slice %arg5[%add3A_59] : memref<160000xi32, #tpu.memory_space<hbm>> -> memref<80xi32, #tpu.memory_space<hbm>>
        tpu.wait_dma2 semaphore(%run_scoped3A : memref<!tpu.dma_semaphore, #tpu.memory_space<semaphore_mem>>) src(%dma_wait3A_77 : memref<80xi32, #tpu.memory_space<hbm>>) dst(%arg10 : memref<80xi32, #tpu.memory_space<vmem>>)
        tpu.yield
      }) : () -> ()
      %scan3A_60 = arith.constant 0 : i32
      %scan3A_61 = arith.constant 5 : i32
      %scan3A_62 = arith.addi %scan3A_60, %scan3A_61 : i32
      %scan3A_63 = arith.constant 1 : i32
      scf.for %scan3A_74 = %scan3A_60 to %scan3A_62 step %scan3A_63  : i32 {
        %mul3A_75 = arith.constant 1 : i32
        %mul3A_76 = arith.muli %scan3A_74, %mul3A_75 : i32
        %add3A_77 = arith.constant 0 : i32
        %add3A_78 = arith.addi %add3A_77, %mul3A_76 : i32
        %mul3A_79 = arith.constant 16 : i32
        %mul3A_80 = arith.muli %add3A_78, %mul3A_79 : i32
        %get3A = arith.index_cast %mul3A_80 : i32 to index
        %get3A_81 = tpu.vector_load %arg9[%get3A] {strides = array<i32>} : memref<80xi32, #tpu.memory_space<vmem>>, vector<16xi32>,
        %mul3A_82 = arith.constant 10000 : i32
        %mul3A_83 = arith.muli %add3A_1, %mul3A_82 : i32
        %add3A_84 = vector.broadcast %mul3A_83 : i32 to vector<16xi32>
        %add3A_85 = arith.addi %get3A_81, %add3A_84 : vector<16xi32>
        %swap3A = arith.index_cast %mul3A_80 : i32 to index
        %swap3A_86 = tpu.vector_load %arg11[%swap3A] {strides = array<i32>} : memref<80xi32, #tpu.memory_space<vmem>>, vector<16xi32>,
        tpu.vector_store %arg11[%swap3A], %add3A_85 {strides = array<i32>} : memref<80xi32, #tpu.memory_space<vmem>>, vector<16xi32>,
      }
      %scan3A_64 = arith.constant 5 : i32
      %dma_start3A = arith.constant 0 : i32
      %dma_start3A_65 = arith.constant 0 : i32
      %dma_start3A_66 = tpu.memref_slice %arg2[%dma_start3A, %dma_start3A_65] : memref<40000x128xf32, #tpu.memory_space<hbm>> -> memref<40000x128xf32, #tpu.memory_space<hbm>>
      tpu.enqueue_indirect_dma source(%dma_start3A_66 : memref<40000x128xf32, #tpu.memory_space<hbm>>) target(%arg12 : memref<80x128xf32, #tpu.memory_space<vmem>>) offsets(%arg11 : memref<80xi32, #tpu.memory_space<vmem>>) semaphore(%arg19 : memref<!tpu.dma_semaphore, #tpu.memory_space<semaphore_mem>>)
      "tpu.region"() ({
        %run_scoped3A = tpu.sem_alloc : memref<!tpu.dma_semaphore, #tpu.memory_space<semaphore_mem>>
        %dma_start3A_74 = arith.constant 0 : i32
        %dma_start3A_75 = tpu.memref_slice %arg3[%add3A_59, %dma_start3A_74] : memref<160000x16xf32, #tpu.memory_space<hbm>> -> memref<80x16xf32, #tpu.memory_space<hbm>>
        %dma_start3A_76 = arith.constant 0 : i32
        %dma_start3A_77 = tpu.memref_slice %arg3[%add3A_59, %dma_start3A_76] : memref<160000x16xf32, #tpu.memory_space<hbm>> -> memref<80x16xf32, #tpu.memory_space<hbm>>
        tpu.enqueue_dma source(%dma_start3A_77 : memref<80x16xf32, #tpu.memory_space<hbm>>) target(%arg13 : memref<80x16xf32, #tpu.memory_space<vmem>>) target_semaphore(%run_scoped3A : memref<!tpu.dma_semaphore, #tpu.memory_space<semaphore_mem>>)
        %dma_wait3A_78 = arith.constant 0 : i32
        %dma_wait3A_79 = tpu.memref_slice %arg3[%add3A_59, %dma_wait3A_78] : memref<160000x16xf32, #tpu.memory_space<hbm>> -> memref<80x16xf32, #tpu.memory_space<hbm>>
        %dma_wait3A_80 = arith.constant 0 : i32
        %dma_wait3A_81 = tpu.memref_slice %arg3[%add3A_59, %dma_wait3A_80] : memref<160000x16xf32, #tpu.memory_space<hbm>> -> memref<80x16xf32, #tpu.memory_space<hbm>>
        tpu.wait_dma2 semaphore(%run_scoped3A : memref<!tpu.dma_semaphore, #tpu.memory_space<semaphore_mem>>) src(%dma_wait3A_81 : memref<80x16xf32, #tpu.memory_space<hbm>>) dst(%arg13 : memref<80x16xf32, #tpu.memory_space<vmem>>)
        tpu.yield
      }) : () -> ()
      %dma_wait3A = arith.constant 0 : i32
      %dma_wait3A_67 = arith.constant 0 : i32
      %dma_wait3A_68 = tpu.memref_slice %arg2[%dma_wait3A, %dma_wait3A_67] : memref<40000x128xf32, #tpu.memory_space<hbm>> -> memref<40000x128xf32, #tpu.memory_space<hbm>>
      tpu.wait_indirect_dma semaphore(%arg19 : memref<!tpu.dma_semaphore, #tpu.memory_space<semaphore_mem>>) src(%dma_wait3A_68 : memref<40000x128xf32, #tpu.memory_space<hbm>>) dst(%arg12 : memref<80x128xf32, #tpu.memory_space<vmem>>)
      %scan3A_69 = arith.constant 0 : i32
      %scan3A_70 = arith.constant 80 : i32
      %scan3A_71 = arith.addi %scan3A_69, %scan3A_70 : i32
      %scan3A_72 = arith.constant 1 : i32
      scf.for %scan3A_74 = %scan3A_69 to %scan3A_71 step %scan3A_72  : i32 {
        %mul3A_75 = arith.constant 1 : i32
        %mul3A_76 = arith.muli %scan3A_74, %mul3A_75 : i32
        %add3A_77 = arith.constant 0 : i32
        %add3A_78 = arith.addi %add3A_77, %mul3A_76 : i32
        %get3A = arith.index_cast %add3A_78 : i32 to index
        %get3A_79 = arith.constant 0 : index
        %get3A_80 = tpu.vector_load %arg13[%get3A, %get3A_79] {strides = array<i32>} : memref<80x16xf32, #tpu.memory_space<vmem>>, vector<16xf32>,
        %mul3A_81 = arith.constant 2 : i32
        %mul3A_82 = arith.muli %mul3A_81, %add3A_1 : i32
        %iota3A = tpu.iota {dimensions = array<i32: 0>} : vector<16xi32>
        %eq3A = vector.broadcast %mul3A_82 : i32 to vector<16xi32>
        %eq3A_83 = arith.cmpi eq, %iota3A, %eq3A : vector<16xi32>
        %jit3A = arith.constant 0.000000e+00 : f32
        %broadcast_in_dim3A = vector.broadcast %jit3A : f32 to vector<16xf32>
        %select_n3A = arith.select %eq3A_83, %get3A_80, %broadcast_in_dim3A : vector<16xi1>, vector<16xf32>
        %reduce_sum3A = arith.constant true
        %reduce_sum3A_84 = vector.broadcast %reduce_sum3A : i1 to vector<16xi1>
        %reduce_sum3A_85 = tpu.scan <sum>, %select_n3A masked %reduce_sum3A_84 : vector<16xf32>, vector<16xi1> -> vector<16xf32>
        %reduce_sum3A_86 = vector.extract %reduce_sum3A_85[15] : f32 from vector<16xf32>
        %broadcast_in_dim3A_87 = arith.constant 0.000000e+00 : f32
        %broadcast_in_dim3A_88 = vector.broadcast %broadcast_in_dim3A_87 : f32 to vector<16xf32>
        %add3A_89 = vector.broadcast %reduce_sum3A_86 : f32 to vector<16xf32>
        %add3A_90 = arith.addf %broadcast_in_dim3A_88, %add3A_89 : vector<16xf32>
        %mul3A_91 = arith.constant 2 : i32
        %mul3A_92 = arith.muli %mul3A_91, %add3A_1 : i32
        %add3A_93 = arith.constant 1 : i32
        %add3A_94 = arith.addi %mul3A_92, %add3A_93 : i32
        %iota3A_95 = tpu.iota {dimensions = array<i32: 0>} : vector<16xi32>
        %eq3A_96 = vector.broadcast %add3A_94 : i32 to vector<16xi32>
        %eq3A_97 = arith.cmpi eq, %iota3A_95, %eq3A_96 : vector<16xi32>
        %jit3A_98 = arith.constant 0.000000e+00 : f32
        %broadcast_in_dim3A_99 = vector.broadcast %jit3A_98 : f32 to vector<16xf32>
        %select_n3A_100 = arith.select %eq3A_97, %get3A_80, %broadcast_in_dim3A_99 : vector<16xi1>, vector<16xf32>
        %reduce_sum3A_101 = arith.constant true
        %reduce_sum3A_102 = vector.broadcast %reduce_sum3A_101 : i1 to vector<16xi1>
        %reduce_sum3A_103 = tpu.scan <sum>, %select_n3A_100 masked %reduce_sum3A_102 : vector<16xf32>, vector<16xi1> -> vector<16xf32>
        %reduce_sum3A_104 = vector.extract %reduce_sum3A_103[15] : f32 from vector<16xf32>
        %broadcast_in_dim3A_105 = arith.constant 0.000000e+00 : f32
        %broadcast_in_dim3A_106 = vector.broadcast %broadcast_in_dim3A_105 : f32 to vector<16xf32>
        %add3A_107 = vector.broadcast %reduce_sum3A_104 : f32 to vector<16xf32>
        %add3A_108 = arith.addf %broadcast_in_dim3A_106, %add3A_107 : vector<16xf32>
        %get3A_109 = arith.index_cast %add3A_78 : i32 to index
        %get3A_110 = arith.constant 0 : index
        %get3A_111 = tpu.vector_load %arg12[%get3A_109, %get3A_110] {strides = array<i32>} : memref<80x128xf32, #tpu.memory_space<vmem>>, vector<16xf32>,
        %mul3A_112 = arith.mulf %get3A_111, %add3A_90 : vector<16xf32>
        %swap3A = arith.index_cast %add3A_78 : i32 to index
        %swap3A_113 = arith.constant 0 : index
        %swap3A_114 = tpu.vector_load %arg12[%swap3A, %swap3A_113] {strides = array<i32>} : memref<80x128xf32, #tpu.memory_space<vmem>>, vector<16xf32>,
        tpu.vector_store %arg12[%swap3A, %swap3A_113], %mul3A_112 {strides = array<i32>} : memref<80x128xf32, #tpu.memory_space<vmem>>, vector<16xf32>,
        %get3A_115 = arith.index_cast %add3A_78 : i32 to index
        %get3A_116 = arith.constant 16 : index
        %get3A_117 = tpu.vector_load %arg12[%get3A_115, %get3A_116] {strides = array<i32>} : memref<80x128xf32, #tpu.memory_space<vmem>>, vector<16xf32>,
        %mul3A_118 = arith.mulf %get3A_117, %add3A_90 : vector<16xf32>
        %swap3A_119 = arith.index_cast %add3A_78 : i32 to index
        %swap3A_120 = arith.constant 16 : index
        %swap3A_121 = tpu.vector_load %arg12[%swap3A_119, %swap3A_120] {strides = array<i32>} : memref<80x128xf32, #tpu.memory_space<vmem>>, vector<16xf32>,
        tpu.vector_store %arg12[%swap3A_119, %swap3A_120], %mul3A_118 {strides = array<i32>} : memref<80x128xf32, #tpu.memory_space<vmem>>, vector<16xf32>,
        %get3A_122 = arith.index_cast %add3A_78 : i32 to index
        %get3A_123 = arith.constant 32 : index
        %get3A_124 = tpu.vector_load %arg12[%get3A_122, %get3A_123] {strides = array<i32>} : memref<80x128xf32, #tpu.memory_space<vmem>>, vector<16xf32>,
        %mul3A_125 = arith.mulf %get3A_124, %add3A_90 : vector<16xf32>
        %swap3A_126 = arith.index_cast %add3A_78 : i32 to index
        %swap3A_127 = arith.constant 32 : index
        %swap3A_128 = tpu.vector_load %arg12[%swap3A_126, %swap3A_127] {strides = array<i32>} : memref<80x128xf32, #tpu.memory_space<vmem>>, vector<16xf32>,
        tpu.vector_store %arg12[%swap3A_126, %swap3A_127], %mul3A_125 {strides = array<i32>} : memref<80x128xf32, #tpu.memory_space<vmem>>, vector<16xf32>,
        %get3A_129 = arith.index_cast %add3A_78 : i32 to index
        %get3A_130 = arith.constant 48 : index
        %get3A_131 = tpu.vector_load %arg12[%get3A_129, %get3A_130] {strides = array<i32>} : memref<80x128xf32, #tpu.memory_space<vmem>>, vector<16xf32>,
        %mul3A_132 = arith.mulf %get3A_131, %add3A_90 : vector<16xf32>
        %swap3A_133 = arith.index_cast %add3A_78 : i32 to index
        %swap3A_134 = arith.constant 48 : index
        %swap3A_135 = tpu.vector_load %arg12[%swap3A_133, %swap3A_134] {strides = array<i32>} : memref<80x128xf32, #tpu.memory_space<vmem>>, vector<16xf32>,
        tpu.vector_store %arg12[%swap3A_133, %swap3A_134], %mul3A_132 {strides = array<i32>} : memref<80x128xf32, #tpu.memory_space<vmem>>, vector<16xf32>,
        %get3A_136 = arith.index_cast %add3A_78 : i32 to index
        %get3A_137 = arith.constant 64 : index
        %get3A_138 = tpu.vector_load %arg12[%get3A_136, %get3A_137] {strides = array<i32>} : memref<80x128xf32, #tpu.memory_space<vmem>>, vector<16xf32>,
        %mul3A_139 = arith.mulf %get3A_138, %add3A_108 : vector<16xf32>
        %swap3A_140 = arith.index_cast %add3A_78 : i32 to index
        %swap3A_141 = arith.constant 64 : index
        %swap3A_142 = tpu.vector_load %arg12[%swap3A_140, %swap3A_141] {strides = array<i32>} : memref<80x128xf32, #tpu.memory_space<vmem>>, vector<16xf32>,
        tpu.vector_store %arg12[%swap3A_140, %swap3A_141], %mul3A_139 {strides = array<i32>} : memref<80x128xf32, #tpu.memory_space<vmem>>, vector<16xf32>,
        %get3A_143 = arith.index_cast %add3A_78 : i32 to index
        %get3A_144 = arith.constant 80 : index
        %get3A_145 = tpu.vector_load %arg12[%get3A_143, %get3A_144] {strides = array<i32>} : memref<80x128xf32, #tpu.memory_space<vmem>>, vector<16xf32>,
        %mul3A_146 = arith.mulf %get3A_145, %add3A_108 : vector<16xf32>
        %swap3A_147 = arith.index_cast %add3A_78 : i32 to index
        %swap3A_148 = arith.constant 80 : index
        %swap3A_149 = tpu.vector_load %arg12[%swap3A_147, %swap3A_148] {strides = array<i32>} : memref<80x128xf32, #tpu.memory_space<vmem>>, vector<16xf32>,
        tpu.vector_store %arg12[%swap3A_147, %swap3A_148], %mul3A_146 {strides = array<i32>} : memref<80x128xf32, #tpu.memory_space<vmem>>, vector<16xf32>,
        %get3A_150 = arith.index_cast %add3A_78 : i32 to index
        %get3A_151 = arith.constant 96 : index
        %get3A_152 = tpu.vector_load %arg12[%get3A_150, %get3A_151] {strides = array<i32>} : memref<80x128xf32, #tpu.memory_space<vmem>>, vector<16xf32>,
        %mul3A_153 = arith.mulf %get3A_152, %add3A_108 : vector<16xf32>
        %swap3A_154 = arith.index_cast %add3A_78 : i32 to index
        %swap3A_155 = arith.constant 96 : index
        %swap3A_156 = tpu.vector_load %arg12[%swap3A_154, %swap3A_155] {strides = array<i32>} : memref<80x128xf32, #tpu.memory_space<vmem>>, vector<16xf32>,
        tpu.vector_store %arg12[%swap3A_154, %swap3A_155], %mul3A_153 {strides = array<i32>} : memref<80x128xf32, #tpu.memory_space<vmem>>, vector<16xf32>,
        %get3A_157 = arith.index_cast %add3A_78 : i32 to index
        %get3A_158 = arith.constant 112 : index
        %get3A_159 = tpu.vector_load %arg12[%get3A_157, %get3A_158] {strides = array<i32>} : memref<80x128xf32, #tpu.memory_space<vmem>>, vector<16xf32>,
        %mul3A_160 = arith.mulf %get3A_159, %add3A_108 : vector<16xf32>
        %swap3A_161 = arith.index_cast %add3A_78 : i32 to index
        %swap3A_162 = arith.constant 112 : index
        %swap3A_163 = tpu.vector_load %arg12[%swap3A_161, %swap3A_162] {strides = array<i32>} : memref<80x128xf32, #tpu.memory_space<vmem>>, vector<16xf32>,
        tpu.vector_store %arg12[%swap3A_161, %swap3A_162], %mul3A_160 {strides = array<i32>} : memref<80x128xf32, #tpu.memory_space<vmem>>, vector<16xf32>,
      }
      %scan3A_73 = arith.constant 80 : i32
      "tpu.region"() ({
        %run_scoped3A = tpu.sem_alloc : memref<!tpu.dma_semaphore, #tpu.memory_space<semaphore_mem>>
        %dma_start3A_74 = arith.constant 0 : i32
        %dma_start3A_75 = arith.constant 0 : i32
        %dma_start3A_76 = tpu.memref_slice %arg18[%dma_start3A_74, %dma_start3A_75] : memref<10000x128xf32, #tpu.memory_space<vmem_shared>> -> memref<10000x128xf32, #tpu.memory_space<vmem_shared>>
        tpu.enqueue_indirect_dma source(%arg12 : memref<80x128xf32, #tpu.memory_space<vmem>>) target(%dma_start3A_76 : memref<10000x128xf32, #tpu.memory_space<vmem_shared>>) offsets(%arg10 : memref<80xi32, #tpu.memory_space<vmem>>) semaphore(%run_scoped3A : memref<!tpu.dma_semaphore, #tpu.memory_space<semaphore_mem>>) {add = true}
        %dma_wait3A_77 = arith.constant 0 : i32
        %dma_wait3A_78 = arith.constant 0 : i32
        %dma_wait3A_79 = tpu.memref_slice %arg18[%dma_wait3A_77, %dma_wait3A_78] : memref<10000x128xf32, #tpu.memory_space<vmem_shared>> -> memref<10000x128xf32, #tpu.memory_space<vmem_shared>>
        tpu.wait_indirect_dma semaphore(%run_scoped3A : memref<!tpu.dma_semaphore, #tpu.memory_space<semaphore_mem>>) src(%arg12 : memref<80x128xf32, #tpu.memory_space<vmem>>) dst(%dma_wait3A_79 : memref<10000x128xf32, #tpu.memory_space<vmem_shared>>)
        tpu.yield
      }) : () -> ()
    }
    %scan3A_15 = arith.constant 125 : i32
    %barrier3A_16 = arith.constant 0 : index
    tpu.barrier barrier_id(%barrier3A_16)
    %scan3A_17 = arith.constant 0 : i32
    %scan3A_18 = arith.constant 40 : i32
    %scan3A_19 = arith.addi %scan3A_17, %scan3A_18 : i32
    %scan3A_20 = arith.constant 1 : i32
    scf.for %scan3A_50 = %scan3A_17 to %scan3A_19 step %scan3A_20  : i32 {
      %mul3A_51 = arith.constant 1 : i32
      %mul3A_52 = arith.muli %scan3A_50, %mul3A_51 : i32
      %add3A_53 = arith.constant 0 : i32
      %add3A_54 = arith.addi %add3A_53, %mul3A_52 : i32
      %mul3A_55 = arith.constant 16 : i32
      %mul3A_56 = arith.muli %add3A_54, %mul3A_55 : i32
      %add3A_57 = arith.addi %arg1, %mul3A_56 : i32
      %lt3A = arith.constant 625 : i32
      %lt3A_58 = arith.cmpi slt, %add3A_57, %lt3A : i32
      %convert_element_type3A = arith.extui %lt3A_58 : i1 to i32
      %cond3A = arith.constant 0 : i32
      %cond3A_59 = arith.cmpi ne, %convert_element_type3A, %cond3A : i32
      scf.if %cond3A_59 {
        %mul3A_60 = arith.constant 16 : i32
        %mul3A_61 = arith.muli %add3A_57, %mul3A_60 : i32
        "tpu.region"() ({
          %run_scoped3A = tpu.sem_alloc : memref<!tpu.dma_semaphore, #tpu.memory_space<semaphore_mem>>
          %dma_start3A = arith.constant 0 : i32
          %dma_start3A_70 = tpu.memref_slice %arg18[%mul3A_61, %dma_start3A] : memref<10000x128xf32, #tpu.memory_space<vmem_shared>> -> memref<16x128xf32, #tpu.memory_space<vmem_shared>>
          %dma_start3A_71 = arith.constant 0 : i32
          %dma_start3A_72 = tpu.memref_slice %arg18[%mul3A_61, %dma_start3A_71] : memref<10000x128xf32, #tpu.memory_space<vmem_shared>> -> memref<16x128xf32, #tpu.memory_space<vmem_shared>>
          tpu.enqueue_dma source(%dma_start3A_72 : memref<16x128xf32, #tpu.memory_space<vmem_shared>>) target(%arg14 : memref<16x128xf32, #tpu.memory_space<vmem>>) target_semaphore(%run_scoped3A : memref<!tpu.dma_semaphore, #tpu.memory_space<semaphore_mem>>)
          %dma_wait3A = arith.constant 0 : i32
          %dma_wait3A_73 = tpu.memref_slice %arg18[%mul3A_61, %dma_wait3A] : memref<10000x128xf32, #tpu.memory_space<vmem_shared>> -> memref<16x128xf32, #tpu.memory_space<vmem_shared>>
          %dma_wait3A_74 = arith.constant 0 : i32
          %dma_wait3A_75 = tpu.memref_slice %arg18[%mul3A_61, %dma_wait3A_74] : memref<10000x128xf32, #tpu.memory_space<vmem_shared>> -> memref<16x128xf32, #tpu.memory_space<vmem_shared>>
          tpu.wait_dma2 semaphore(%run_scoped3A : memref<!tpu.dma_semaphore, #tpu.memory_space<semaphore_mem>>) src(%dma_wait3A_75 : memref<16x128xf32, #tpu.memory_space<vmem_shared>>) dst(%arg14 : memref<16x128xf32, #tpu.memory_space<vmem>>)
          tpu.yield
        }) : () -> ()
        %mul3A_62 = arith.constant 10000 : i32
        %mul3A_63 = arith.muli %add3A_1, %mul3A_62 : i32
        %add3A_64 = arith.addi %mul3A_63, %mul3A_61 : i32
        "tpu.region"() ({
          %run_scoped3A = tpu.sem_alloc : memref<!tpu.dma_semaphore, #tpu.memory_space<semaphore_mem>>
          %dma_start3A = arith.constant 0 : i32
          %dma_start3A_70 = tpu.memref_slice %arg2[%add3A_64, %dma_start3A] : memref<40000x128xf32, #tpu.memory_space<hbm>> -> memref<16x128xf32, #tpu.memory_space<hbm>>
          %dma_start3A_71 = arith.constant 0 : i32
          %dma_start3A_72 = tpu.memref_slice %arg2[%add3A_64, %dma_start3A_71] : memref<40000x128xf32, #tpu.memory_space<hbm>> -> memref<16x128xf32, #tpu.memory_space<hbm>>
          tpu.enqueue_dma source(%dma_start3A_72 : memref<16x128xf32, #tpu.memory_space<hbm>>) target(%arg15 : memref<16x128xf32, #tpu.memory_space<vmem>>) target_semaphore(%run_scoped3A : memref<!tpu.dma_semaphore, #tpu.memory_space<semaphore_mem>>)
          %dma_wait3A = arith.constant 0 : i32
          %dma_wait3A_73 = tpu.memref_slice %arg2[%add3A_64, %dma_wait3A] : memref<40000x128xf32, #tpu.memory_space<hbm>> -> memref<16x128xf32, #tpu.memory_space<hbm>>
          %dma_wait3A_74 = arith.constant 0 : i32
          %dma_wait3A_75 = tpu.memref_slice %arg2[%add3A_64, %dma_wait3A_74] : memref<40000x128xf32, #tpu.memory_space<hbm>> -> memref<16x128xf32, #tpu.memory_space<hbm>>
          tpu.wait_dma2 semaphore(%run_scoped3A : memref<!tpu.dma_semaphore, #tpu.memory_space<semaphore_mem>>) src(%dma_wait3A_75 : memref<16x128xf32, #tpu.memory_space<hbm>>) dst(%arg15 : memref<16x128xf32, #tpu.memory_space<vmem>>)
          tpu.yield
        }) : () -> ()
        "tpu.region"() ({
          %run_scoped3A = tpu.sem_alloc : memref<!tpu.dma_semaphore, #tpu.memory_space<semaphore_mem>>
          %dma_start3A = arith.constant 0 : i32
          %dma_start3A_70 = tpu.memref_slice %arg6[%mul3A_61, %dma_start3A] : memref<10000x128xf32, #tpu.memory_space<hbm>> -> memref<16x128xf32, #tpu.memory_space<hbm>>
          %dma_start3A_71 = arith.constant 0 : i32
          %dma_start3A_72 = tpu.memref_slice %arg6[%mul3A_61, %dma_start3A_71] : memref<10000x128xf32, #tpu.memory_space<hbm>> -> memref<16x128xf32, #tpu.memory_space<hbm>>
          tpu.enqueue_dma source(%dma_start3A_72 : memref<16x128xf32, #tpu.memory_space<hbm>>) target(%arg16 : memref<16x128xf32, #tpu.memory_space<vmem>>) target_semaphore(%run_scoped3A : memref<!tpu.dma_semaphore, #tpu.memory_space<semaphore_mem>>)
          %dma_wait3A = arith.constant 0 : i32
          %dma_wait3A_73 = tpu.memref_slice %arg6[%mul3A_61, %dma_wait3A] : memref<10000x128xf32, #tpu.memory_space<hbm>> -> memref<16x128xf32, #tpu.memory_space<hbm>>
          %dma_wait3A_74 = arith.constant 0 : i32
          %dma_wait3A_75 = tpu.memref_slice %arg6[%mul3A_61, %dma_wait3A_74] : memref<10000x128xf32, #tpu.memory_space<hbm>> -> memref<16x128xf32, #tpu.memory_space<hbm>>
          tpu.wait_dma2 semaphore(%run_scoped3A : memref<!tpu.dma_semaphore, #tpu.memory_space<semaphore_mem>>) src(%dma_wait3A_75 : memref<16x128xf32, #tpu.memory_space<hbm>>) dst(%arg16 : memref<16x128xf32, #tpu.memory_space<vmem>>)
          tpu.yield
        }) : () -> ()
        "tpu.region"() ({
          %run_scoped3A = tpu.sem_alloc : memref<!tpu.dma_semaphore, #tpu.memory_space<semaphore_mem>>
          %dma_start3A = arith.constant 0 : i32
          %dma_start3A_70 = tpu.memref_slice %arg7[%mul3A_61, %dma_start3A] : memref<10000x128xf32, #tpu.memory_space<hbm>> -> memref<16x128xf32, #tpu.memory_space<hbm>>
          %dma_start3A_71 = arith.constant 0 : i32
          %dma_start3A_72 = tpu.memref_slice %arg7[%mul3A_61, %dma_start3A_71] : memref<10000x128xf32, #tpu.memory_space<hbm>> -> memref<16x128xf32, #tpu.memory_space<hbm>>
          tpu.enqueue_dma source(%dma_start3A_72 : memref<16x128xf32, #tpu.memory_space<hbm>>) target(%arg17 : memref<16x128xf32, #tpu.memory_space<vmem>>) target_semaphore(%run_scoped3A : memref<!tpu.dma_semaphore, #tpu.memory_space<semaphore_mem>>)
          %dma_wait3A = arith.constant 0 : i32
          %dma_wait3A_73 = tpu.memref_slice %arg7[%mul3A_61, %dma_wait3A] : memref<10000x128xf32, #tpu.memory_space<hbm>> -> memref<16x128xf32, #tpu.memory_space<hbm>>
          %dma_wait3A_74 = arith.constant 0 : i32
          %dma_wait3A_75 = tpu.memref_slice %arg7[%mul3A_61, %dma_wait3A_74] : memref<10000x128xf32, #tpu.memory_space<hbm>> -> memref<16x128xf32, #tpu.memory_space<hbm>>
          tpu.wait_dma2 semaphore(%run_scoped3A : memref<!tpu.dma_semaphore, #tpu.memory_space<semaphore_mem>>) src(%dma_wait3A_75 : memref<16x128xf32, #tpu.memory_space<hbm>>) dst(%arg17 : memref<16x128xf32, #tpu.memory_space<vmem>>)
          tpu.yield
        }) : () -> ()
        %scan3A_65 = arith.constant 0 : i32
        %scan3A_66 = arith.constant 16 : i32
        %scan3A_67 = arith.addi %scan3A_65, %scan3A_66 : i32
        %scan3A_68 = arith.constant 1 : i32
        scf.for %scan3A_70 = %scan3A_65 to %scan3A_67 step %scan3A_68  : i32 {
          %mul3A_71 = arith.constant 1 : i32
          %mul3A_72 = arith.muli %scan3A_70, %mul3A_71 : i32
          %add3A_73 = arith.constant 0 : i32
          %add3A_74 = arith.addi %add3A_73, %mul3A_72 : i32
          %get3A = arith.index_cast %add3A_74 : i32 to index
          %get3A_75 = arith.constant 0 : index
          %get3A_76 = tpu.vector_load %arg16[%get3A, %get3A_75] {strides = array<i32>} : memref<16x128xf32, #tpu.memory_space<vmem>>, vector<16xf32>,
          %get3A_77 = arith.index_cast %add3A_74 : i32 to index
          %get3A_78 = arith.constant 0 : index
          %get3A_79 = tpu.vector_load %arg17[%get3A_77, %get3A_78] {strides = array<i32>} : memref<16x128xf32, #tpu.memory_space<vmem>>, vector<16xf32>,
          %add3A_80 = arith.addf %get3A_76, %get3A_79 : vector<16xf32>
          %iota3A = tpu.iota {dimensions = array<i32: 0>} : vector<16xi32>
          %eq3A = arith.constant 8 : i32
          %eq3A_81 = vector.broadcast %eq3A : i32 to vector<16xi32>
          %eq3A_82 = arith.cmpi eq, %iota3A, %eq3A_81 : vector<16xi32>
          %jit3A = arith.constant 0.000000e+00 : f32
          %broadcast_in_dim3A = vector.broadcast %jit3A : f32 to vector<16xf32>
          %select_n3A = arith.select %eq3A_82, %add3A_80, %broadcast_in_dim3A : vector<16xi1>, vector<16xf32>
          %reduce_sum3A = arith.constant true
          %reduce_sum3A_83 = vector.broadcast %reduce_sum3A : i1 to vector<16xi1>
          %reduce_sum3A_84 = tpu.scan <sum>, %select_n3A masked %reduce_sum3A_83 : vector<16xf32>, vector<16xi1> -> vector<16xf32>
          %reduce_sum3A_85 = vector.extract %reduce_sum3A_84[15] : f32 from vector<16xf32>
          %broadcast_in_dim3A_86 = arith.constant 0.000000e+00 : f32
          %broadcast_in_dim3A_87 = vector.broadcast %broadcast_in_dim3A_86 : f32 to vector<16xf32>
          %add3A_88 = vector.broadcast %reduce_sum3A_85 : f32 to vector<16xf32>
          %add3A_89 = arith.addf %broadcast_in_dim3A_87, %add3A_88 : vector<16xf32>
          %gt3A = arith.constant 0.000000e+00 : f32
          %gt3A_90 = vector.broadcast %gt3A : f32 to vector<16xf32>
          %gt3A_91 = arith.cmpf ogt, %add3A_89, %gt3A_90 : vector<16xf32>
          %mul3A_92 = arith.constant 2 : i32
          %mul3A_93 = arith.muli %mul3A_92, %add3A_1 : i32
          %iota3A_94 = tpu.iota {dimensions = array<i32: 0>} : vector<16xi32>
          %eq3A_95 = vector.broadcast %mul3A_93 : i32 to vector<16xi32>
          %eq3A_96 = arith.cmpi eq, %iota3A_94, %eq3A_95 : vector<16xi32>
          %jit3A_97 = arith.constant 0.000000e+00 : f32
          %broadcast_in_dim3A_98 = vector.broadcast %jit3A_97 : f32 to vector<16xf32>
          %select_n3A_99 = arith.select %eq3A_96, %add3A_80, %broadcast_in_dim3A_98 : vector<16xi1>, vector<16xf32>
          %reduce_sum3A_100 = arith.constant true
          %reduce_sum3A_101 = vector.broadcast %reduce_sum3A_100 : i1 to vector<16xi1>
          %reduce_sum3A_102 = tpu.scan <sum>, %select_n3A_99 masked %reduce_sum3A_101 : vector<16xf32>, vector<16xi1> -> vector<16xf32>
          %reduce_sum3A_103 = vector.extract %reduce_sum3A_102[15] : f32 from vector<16xf32>
          %broadcast_in_dim3A_104 = arith.constant 0.000000e+00 : f32
          %broadcast_in_dim3A_105 = vector.broadcast %broadcast_in_dim3A_104 : f32 to vector<16xf32>
          %add3A_106 = vector.broadcast %reduce_sum3A_103 : f32 to vector<16xf32>
          %add3A_107 = arith.addf %broadcast_in_dim3A_105, %add3A_106 : vector<16xf32>
          %mul3A_108 = arith.constant 2 : i32
          %mul3A_109 = arith.muli %mul3A_108, %add3A_1 : i32
          %add3A_110 = arith.constant 1 : i32
          %add3A_111 = arith.addi %mul3A_109, %add3A_110 : i32
          %iota3A_112 = tpu.iota {dimensions = array<i32: 0>} : vector<16xi32>
          %eq3A_113 = vector.broadcast %add3A_111 : i32 to vector<16xi32>
          %eq3A_114 = arith.cmpi eq, %iota3A_112, %eq3A_113 : vector<16xi32>
          %jit3A_115 = arith.constant 0.000000e+00 : f32
          %broadcast_in_dim3A_116 = vector.broadcast %jit3A_115 : f32 to vector<16xf32>
          %select_n3A_117 = arith.select %eq3A_114, %add3A_80, %broadcast_in_dim3A_116 : vector<16xi1>, vector<16xf32>
          %reduce_sum3A_118 = arith.constant true
          %reduce_sum3A_119 = vector.broadcast %reduce_sum3A_118 : i1 to vector<16xi1>
          %reduce_sum3A_120 = tpu.scan <sum>, %select_n3A_117 masked %reduce_sum3A_119 : vector<16xf32>, vector<16xi1> -> vector<16xf32>
          %reduce_sum3A_121 = vector.extract %reduce_sum3A_120[15] : f32 from vector<16xf32>
          %broadcast_in_dim3A_122 = arith.constant 0.000000e+00 : f32
          %broadcast_in_dim3A_123 = vector.broadcast %broadcast_in_dim3A_122 : f32 to vector<16xf32>
          %add3A_124 = vector.broadcast %reduce_sum3A_121 : f32 to vector<16xf32>
          %add3A_125 = arith.addf %broadcast_in_dim3A_123, %add3A_124 : vector<16xf32>
          %get3A_126 = arith.index_cast %add3A_74 : i32 to index
          %get3A_127 = arith.constant 0 : index
          %get3A_128 = tpu.vector_load %arg14[%get3A_126, %get3A_127] {strides = array<i32>} : memref<16x128xf32, #tpu.memory_space<vmem>>, vector<16xf32>,
          %div3A = arith.divf %get3A_128, %add3A_107 : vector<16xf32>
          %get3A_129 = arith.index_cast %add3A_74 : i32 to index
          %get3A_130 = arith.constant 0 : index
          %get3A_131 = tpu.vector_load %arg15[%get3A_129, %get3A_130] {strides = array<i32>} : memref<16x128xf32, #tpu.memory_space<vmem>>, vector<16xf32>,
          %select_n3A_132 = arith.select %gt3A_91, %div3A, %get3A_131 : vector<16xi1>, vector<16xf32>
          %swap3A = arith.index_cast %add3A_74 : i32 to index
          %swap3A_133 = arith.constant 0 : index
          %swap3A_134 = tpu.vector_load %arg14[%swap3A, %swap3A_133] {strides = array<i32>} : memref<16x128xf32, #tpu.memory_space<vmem>>, vector<16xf32>,
          tpu.vector_store %arg14[%swap3A, %swap3A_133], %select_n3A_132 {strides = array<i32>} : memref<16x128xf32, #tpu.memory_space<vmem>>, vector<16xf32>,
          %get3A_135 = arith.index_cast %add3A_74 : i32 to index
          %get3A_136 = arith.constant 16 : index
          %get3A_137 = tpu.vector_load %arg14[%get3A_135, %get3A_136] {strides = array<i32>} : memref<16x128xf32, #tpu.memory_space<vmem>>, vector<16xf32>,
          %div3A_138 = arith.divf %get3A_137, %add3A_107 : vector<16xf32>
          %get3A_139 = arith.index_cast %add3A_74 : i32 to index
          %get3A_140 = arith.constant 16 : index
          %get3A_141 = tpu.vector_load %arg15[%get3A_139, %get3A_140] {strides = array<i32>} : memref<16x128xf32, #tpu.memory_space<vmem>>, vector<16xf32>,
          %select_n3A_142 = arith.select %gt3A_91, %div3A_138, %get3A_141 : vector<16xi1>, vector<16xf32>
          %swap3A_143 = arith.index_cast %add3A_74 : i32 to index
          %swap3A_144 = arith.constant 16 : index
          %swap3A_145 = tpu.vector_load %arg14[%swap3A_143, %swap3A_144] {strides = array<i32>} : memref<16x128xf32, #tpu.memory_space<vmem>>, vector<16xf32>,
          tpu.vector_store %arg14[%swap3A_143, %swap3A_144], %select_n3A_142 {strides = array<i32>} : memref<16x128xf32, #tpu.memory_space<vmem>>, vector<16xf32>,
          %get3A_146 = arith.index_cast %add3A_74 : i32 to index
          %get3A_147 = arith.constant 32 : index
          %get3A_148 = tpu.vector_load %arg14[%get3A_146, %get3A_147] {strides = array<i32>} : memref<16x128xf32, #tpu.memory_space<vmem>>, vector<16xf32>,
          %div3A_149 = arith.divf %get3A_148, %add3A_107 : vector<16xf32>
          %get3A_150 = arith.index_cast %add3A_74 : i32 to index
          %get3A_151 = arith.constant 32 : index
          %get3A_152 = tpu.vector_load %arg15[%get3A_150, %get3A_151] {strides = array<i32>} : memref<16x128xf32, #tpu.memory_space<vmem>>, vector<16xf32>,
          %select_n3A_153 = arith.select %gt3A_91, %div3A_149, %get3A_152 : vector<16xi1>, vector<16xf32>
          %swap3A_154 = arith.index_cast %add3A_74 : i32 to index
          %swap3A_155 = arith.constant 32 : index
          %swap3A_156 = tpu.vector_load %arg14[%swap3A_154, %swap3A_155] {strides = array<i32>} : memref<16x128xf32, #tpu.memory_space<vmem>>, vector<16xf32>,
          tpu.vector_store %arg14[%swap3A_154, %swap3A_155], %select_n3A_153 {strides = array<i32>} : memref<16x128xf32, #tpu.memory_space<vmem>>, vector<16xf32>,
          %get3A_157 = arith.index_cast %add3A_74 : i32 to index
          %get3A_158 = arith.constant 48 : index
          %get3A_159 = tpu.vector_load %arg14[%get3A_157, %get3A_158] {strides = array<i32>} : memref<16x128xf32, #tpu.memory_space<vmem>>, vector<16xf32>,
          %div3A_160 = arith.divf %get3A_159, %add3A_107 : vector<16xf32>
          %get3A_161 = arith.index_cast %add3A_74 : i32 to index
          %get3A_162 = arith.constant 48 : index
          %get3A_163 = tpu.vector_load %arg15[%get3A_161, %get3A_162] {strides = array<i32>} : memref<16x128xf32, #tpu.memory_space<vmem>>, vector<16xf32>,
          %select_n3A_164 = arith.select %gt3A_91, %div3A_160, %get3A_163 : vector<16xi1>, vector<16xf32>
          %swap3A_165 = arith.index_cast %add3A_74 : i32 to index
          %swap3A_166 = arith.constant 48 : index
          %swap3A_167 = tpu.vector_load %arg14[%swap3A_165, %swap3A_166] {strides = array<i32>} : memref<16x128xf32, #tpu.memory_space<vmem>>, vector<16xf32>,
          tpu.vector_store %arg14[%swap3A_165, %swap3A_166], %select_n3A_164 {strides = array<i32>} : memref<16x128xf32, #tpu.memory_space<vmem>>, vector<16xf32>,
          %get3A_168 = arith.index_cast %add3A_74 : i32 to index
          %get3A_169 = arith.constant 64 : index
          %get3A_170 = tpu.vector_load %arg14[%get3A_168, %get3A_169] {strides = array<i32>} : memref<16x128xf32, #tpu.memory_space<vmem>>, vector<16xf32>,
          %div3A_171 = arith.divf %get3A_170, %add3A_125 : vector<16xf32>
          %get3A_172 = arith.index_cast %add3A_74 : i32 to index
          %get3A_173 = arith.constant 64 : index
          %get3A_174 = tpu.vector_load %arg15[%get3A_172, %get3A_173] {strides = array<i32>} : memref<16x128xf32, #tpu.memory_space<vmem>>, vector<16xf32>,
          %select_n3A_175 = arith.select %gt3A_91, %div3A_171, %get3A_174 : vector<16xi1>, vector<16xf32>
          %swap3A_176 = arith.index_cast %add3A_74 : i32 to index
          %swap3A_177 = arith.constant 64 : index
          %swap3A_178 = tpu.vector_load %arg14[%swap3A_176, %swap3A_177] {strides = array<i32>} : memref<16x128xf32, #tpu.memory_space<vmem>>, vector<16xf32>,
          tpu.vector_store %arg14[%swap3A_176, %swap3A_177], %select_n3A_175 {strides = array<i32>} : memref<16x128xf32, #tpu.memory_space<vmem>>, vector<16xf32>,
          %get3A_179 = arith.index_cast %add3A_74 : i32 to index
          %get3A_180 = arith.constant 80 : index
          %get3A_181 = tpu.vector_load %arg14[%get3A_179, %get3A_180] {strides = array<i32>} : memref<16x128xf32, #tpu.memory_space<vmem>>, vector<16xf32>,
          %div3A_182 = arith.divf %get3A_181, %add3A_125 : vector<16xf32>
          %get3A_183 = arith.index_cast %add3A_74 : i32 to index
          %get3A_184 = arith.constant 80 : index
          %get3A_185 = tpu.vector_load %arg15[%get3A_183, %get3A_184] {strides = array<i32>} : memref<16x128xf32, #tpu.memory_space<vmem>>, vector<16xf32>,
          %select_n3A_186 = arith.select %gt3A_91, %div3A_182, %get3A_185 : vector<16xi1>, vector<16xf32>
          %swap3A_187 = arith.index_cast %add3A_74 : i32 to index
          %swap3A_188 = arith.constant 80 : index
          %swap3A_189 = tpu.vector_load %arg14[%swap3A_187, %swap3A_188] {strides = array<i32>} : memref<16x128xf32, #tpu.memory_space<vmem>>, vector<16xf32>,
          tpu.vector_store %arg14[%swap3A_187, %swap3A_188], %select_n3A_186 {strides = array<i32>} : memref<16x128xf32, #tpu.memory_space<vmem>>, vector<16xf32>,
          %get3A_190 = arith.index_cast %add3A_74 : i32 to index
          %get3A_191 = arith.constant 96 : index
          %get3A_192 = tpu.vector_load %arg14[%get3A_190, %get3A_191] {strides = array<i32>} : memref<16x128xf32, #tpu.memory_space<vmem>>, vector<16xf32>,
          %div3A_193 = arith.divf %get3A_192, %add3A_125 : vector<16xf32>
          %get3A_194 = arith.index_cast %add3A_74 : i32 to index
          %get3A_195 = arith.constant 96 : index
          %get3A_196 = tpu.vector_load %arg15[%get3A_194, %get3A_195] {strides = array<i32>} : memref<16x128xf32, #tpu.memory_space<vmem>>, vector<16xf32>,
          %select_n3A_197 = arith.select %gt3A_91, %div3A_193, %get3A_196 : vector<16xi1>, vector<16xf32>
          %swap3A_198 = arith.index_cast %add3A_74 : i32 to index
          %swap3A_199 = arith.constant 96 : index
          %swap3A_200 = tpu.vector_load %arg14[%swap3A_198, %swap3A_199] {strides = array<i32>} : memref<16x128xf32, #tpu.memory_space<vmem>>, vector<16xf32>,
          tpu.vector_store %arg14[%swap3A_198, %swap3A_199], %select_n3A_197 {strides = array<i32>} : memref<16x128xf32, #tpu.memory_space<vmem>>, vector<16xf32>,
          %get3A_201 = arith.index_cast %add3A_74 : i32 to index
          %get3A_202 = arith.constant 112 : index
          %get3A_203 = tpu.vector_load %arg14[%get3A_201, %get3A_202] {strides = array<i32>} : memref<16x128xf32, #tpu.memory_space<vmem>>, vector<16xf32>,
          %div3A_204 = arith.divf %get3A_203, %add3A_125 : vector<16xf32>
          %get3A_205 = arith.index_cast %add3A_74 : i32 to index
          %get3A_206 = arith.constant 112 : index
          %get3A_207 = tpu.vector_load %arg15[%get3A_205, %get3A_206] {strides = array<i32>} : memref<16x128xf32, #tpu.memory_space<vmem>>, vector<16xf32>,
          %select_n3A_208 = arith.select %gt3A_91, %div3A_204, %get3A_207 : vector<16xi1>, vector<16xf32>
          %swap3A_209 = arith.index_cast %add3A_74 : i32 to index
          %swap3A_210 = arith.constant 112 : index
          %swap3A_211 = tpu.vector_load %arg14[%swap3A_209, %swap3A_210] {strides = array<i32>} : memref<16x128xf32, #tpu.memory_space<vmem>>, vector<16xf32>,
          tpu.vector_store %arg14[%swap3A_209, %swap3A_210], %select_n3A_208 {strides = array<i32>} : memref<16x128xf32, #tpu.memory_space<vmem>>, vector<16xf32>,
        }
        %scan3A_69 = arith.constant 16 : i32
        "tpu.region"() ({
          %run_scoped3A = tpu.sem_alloc : memref<!tpu.dma_semaphore, #tpu.memory_space<semaphore_mem>>
          %dma_start3A = arith.constant 0 : i32
          %dma_start3A_70 = tpu.memref_slice %arg8[%add3A_1, %mul3A_61, %dma_start3A] : memref<4x10000x128xf32, #tpu.memory_space<hbm>> -> memref<1x16x128xf32, #tpu.memory_space<hbm>>
          %dma_start3A_71 = tpu.memref_squeeze %dma_start3A_70 : memref<1x16x128xf32, #tpu.memory_space<hbm>> -> memref<16x128xf32, #tpu.memory_space<hbm>>
          %dma_start3A_72 = arith.constant 0 : i32
          %dma_start3A_73 = tpu.memref_slice %arg8[%add3A_1, %mul3A_61, %dma_start3A_72] : memref<4x10000x128xf32, #tpu.memory_space<hbm>> -> memref<1x16x128xf32, #tpu.memory_space<hbm>>
          %dma_start3A_74 = tpu.memref_squeeze %dma_start3A_73 : memref<1x16x128xf32, #tpu.memory_space<hbm>> -> memref<16x128xf32, #tpu.memory_space<hbm>>
          tpu.enqueue_dma source(%arg14 : memref<16x128xf32, #tpu.memory_space<vmem>>) target(%dma_start3A_74 : memref<16x128xf32, #tpu.memory_space<hbm>>) target_semaphore(%run_scoped3A : memref<!tpu.dma_semaphore, #tpu.memory_space<semaphore_mem>>)
          %dma_wait3A = arith.constant 0 : i32
          %dma_wait3A_75 = tpu.memref_slice %arg8[%add3A_1, %mul3A_61, %dma_wait3A] : memref<4x10000x128xf32, #tpu.memory_space<hbm>> -> memref<1x16x128xf32, #tpu.memory_space<hbm>>
          %dma_wait3A_76 = tpu.memref_squeeze %dma_wait3A_75 : memref<1x16x128xf32, #tpu.memory_space<hbm>> -> memref<16x128xf32, #tpu.memory_space<hbm>>
          %dma_wait3A_77 = arith.constant 0 : i32
          %dma_wait3A_78 = tpu.memref_slice %arg8[%add3A_1, %mul3A_61, %dma_wait3A_77] : memref<4x10000x128xf32, #tpu.memory_space<hbm>> -> memref<1x16x128xf32, #tpu.memory_space<hbm>>
          %dma_wait3A_79 = tpu.memref_squeeze %dma_wait3A_78 : memref<1x16x128xf32, #tpu.memory_space<hbm>> -> memref<16x128xf32, #tpu.memory_space<hbm>>
          tpu.wait_dma2 semaphore(%run_scoped3A : memref<!tpu.dma_semaphore, #tpu.memory_space<semaphore_mem>>) src(%arg14 : memref<16x128xf32, #tpu.memory_space<vmem>>) dst(%dma_wait3A_79 : memref<16x128xf32, #tpu.memory_space<hbm>>)
          tpu.yield
        }) : () -> ()
      } else {
      }
    }
    %scan3A_21 = arith.constant 40 : i32
    %barrier3A_22 = arith.constant 0 : index
    tpu.barrier barrier_id(%barrier3A_22)
    %mul3A_23 = arith.constant 2 : i32
    %mul3A_24 = arith.muli %arg0, %mul3A_23 : i32
    %add3A_25 = arith.constant 1 : i32
    %add3A_26 = arith.addi %mul3A_24, %add3A_25 : i32
    %scan3A_27 = arith.constant 0 : i32
    %scan3A_28 = arith.constant 16 : i32
    %scan3A_29 = arith.addi %scan3A_27, %scan3A_28 : i32
    %scan3A_30 = arith.constant 1 : i32
    scf.for %scan3A_50 = %scan3A_27 to %scan3A_29 step %scan3A_30  : i32 {
      %mul3A_51 = arith.constant 1 : i32
      %mul3A_52 = arith.muli %scan3A_50, %mul3A_51 : i32
      %add3A_53 = arith.constant 0 : i32
      %add3A_54 = arith.addi %add3A_53, %mul3A_52 : i32
      %broadcast_in_dim3A = arith.constant 0.000000e+00 : f32
      %broadcast_in_dim3A_55 = vector.broadcast %broadcast_in_dim3A : f32 to vector<16xf32>
      %swap3A = arith.index_cast %add3A_54 : i32 to index
      %swap3A_56 = arith.constant 0 : index
      %swap3A_57 = tpu.vector_load %arg14[%swap3A, %swap3A_56] {strides = array<i32>} : memref<16x128xf32, #tpu.memory_space<vmem>>, vector<16xf32>,
      tpu.vector_store %arg14[%swap3A, %swap3A_56], %broadcast_in_dim3A_55 {strides = array<i32>} : memref<16x128xf32, #tpu.memory_space<vmem>>, vector<16xf32>,
      %broadcast_in_dim3A_58 = arith.constant 0.000000e+00 : f32
      %broadcast_in_dim3A_59 = vector.broadcast %broadcast_in_dim3A_58 : f32 to vector<16xf32>
      %swap3A_60 = arith.index_cast %add3A_54 : i32 to index
      %swap3A_61 = arith.constant 16 : index
      %swap3A_62 = tpu.vector_load %arg14[%swap3A_60, %swap3A_61] {strides = array<i32>} : memref<16x128xf32, #tpu.memory_space<vmem>>, vector<16xf32>,
      tpu.vector_store %arg14[%swap3A_60, %swap3A_61], %broadcast_in_dim3A_59 {strides = array<i32>} : memref<16x128xf32, #tpu.memory_space<vmem>>, vector<16xf32>,
      %broadcast_in_dim3A_63 = arith.constant 0.000000e+00 : f32
      %broadcast_in_dim3A_64 = vector.broadcast %broadcast_in_dim3A_63 : f32 to vector<16xf32>
      %swap3A_65 = arith.index_cast %add3A_54 : i32 to index
      %swap3A_66 = arith.constant 32 : index
      %swap3A_67 = tpu.vector_load %arg14[%swap3A_65, %swap3A_66] {strides = array<i32>} : memref<16x128xf32, #tpu.memory_space<vmem>>, vector<16xf32>,
      tpu.vector_store %arg14[%swap3A_65, %swap3A_66], %broadcast_in_dim3A_64 {strides = array<i32>} : memref<16x128xf32, #tpu.memory_space<vmem>>, vector<16xf32>,
      %broadcast_in_dim3A_68 = arith.constant 0.000000e+00 : f32
      %broadcast_in_dim3A_69 = vector.broadcast %broadcast_in_dim3A_68 : f32 to vector<16xf32>
      %swap3A_70 = arith.index_cast %add3A_54 : i32 to index
      %swap3A_71 = arith.constant 48 : index
      %swap3A_72 = tpu.vector_load %arg14[%swap3A_70, %swap3A_71] {strides = array<i32>} : memref<16x128xf32, #tpu.memory_space<vmem>>, vector<16xf32>,
      tpu.vector_store %arg14[%swap3A_70, %swap3A_71], %broadcast_in_dim3A_69 {strides = array<i32>} : memref<16x128xf32, #tpu.memory_space<vmem>>, vector<16xf32>,
      %broadcast_in_dim3A_73 = arith.constant 0.000000e+00 : f32
      %broadcast_in_dim3A_74 = vector.broadcast %broadcast_in_dim3A_73 : f32 to vector<16xf32>
      %swap3A_75 = arith.index_cast %add3A_54 : i32 to index
      %swap3A_76 = arith.constant 64 : index
      %swap3A_77 = tpu.vector_load %arg14[%swap3A_75, %swap3A_76] {strides = array<i32>} : memref<16x128xf32, #tpu.memory_space<vmem>>, vector<16xf32>,
      tpu.vector_store %arg14[%swap3A_75, %swap3A_76], %broadcast_in_dim3A_74 {strides = array<i32>} : memref<16x128xf32, #tpu.memory_space<vmem>>, vector<16xf32>,
      %broadcast_in_dim3A_78 = arith.constant 0.000000e+00 : f32
      %broadcast_in_dim3A_79 = vector.broadcast %broadcast_in_dim3A_78 : f32 to vector<16xf32>
      %swap3A_80 = arith.index_cast %add3A_54 : i32 to index
      %swap3A_81 = arith.constant 80 : index
      %swap3A_82 = tpu.vector_load %arg14[%swap3A_80, %swap3A_81] {strides = array<i32>} : memref<16x128xf32, #tpu.memory_space<vmem>>, vector<16xf32>,
      tpu.vector_store %arg14[%swap3A_80, %swap3A_81], %broadcast_in_dim3A_79 {strides = array<i32>} : memref<16x128xf32, #tpu.memory_space<vmem>>, vector<16xf32>,
      %broadcast_in_dim3A_83 = arith.constant 0.000000e+00 : f32
      %broadcast_in_dim3A_84 = vector.broadcast %broadcast_in_dim3A_83 : f32 to vector<16xf32>
      %swap3A_85 = arith.index_cast %add3A_54 : i32 to index
      %swap3A_86 = arith.constant 96 : index
      %swap3A_87 = tpu.vector_load %arg14[%swap3A_85, %swap3A_86] {strides = array<i32>} : memref<16x128xf32, #tpu.memory_space<vmem>>, vector<16xf32>,
      tpu.vector_store %arg14[%swap3A_85, %swap3A_86], %broadcast_in_dim3A_84 {strides = array<i32>} : memref<16x128xf32, #tpu.memory_space<vmem>>, vector<16xf32>,
      %broadcast_in_dim3A_88 = arith.constant 0.000000e+00 : f32
      %broadcast_in_dim3A_89 = vector.broadcast %broadcast_in_dim3A_88 : f32 to vector<16xf32>
      %swap3A_90 = arith.index_cast %add3A_54 : i32 to index
      %swap3A_91 = arith.constant 112 : index
      %swap3A_92 = tpu.vector_load %arg14[%swap3A_90, %swap3A_91] {strides = array<i32>} : memref<16x128xf32, #tpu.memory_space<vmem>>, vector<16xf32>,
      tpu.vector_store %arg14[%swap3A_90, %swap3A_91], %broadcast_in_dim3A_89 {strides = array<i32>} : memref<16x128xf32, #tpu.memory_space<vmem>>, vector<16xf32>,
    }
    %scan3A_31 = arith.constant 16 : i32
    %scan3A_32 = arith.constant 0 : i32
    %scan3A_33 = arith.constant 40 : i32
    %scan3A_34 = arith.addi %scan3A_32, %scan3A_33 : i32
    %scan3A_35 = arith.constant 1 : i32
    scf.for %scan3A_50 = %scan3A_32 to %scan3A_34 step %scan3A_35  : i32 {
      %mul3A_51 = arith.constant 1 : i32
      %mul3A_52 = arith.muli %scan3A_50, %mul3A_51 : i32
      %add3A_53 = arith.constant 0 : i32
      %add3A_54 = arith.addi %add3A_53, %mul3A_52 : i32
      %mul3A_55 = arith.constant 16 : i32
      %mul3A_56 = arith.muli %add3A_54, %mul3A_55 : i32
      %add3A_57 = arith.addi %arg1, %mul3A_56 : i32
      %lt3A = arith.constant 625 : i32
      %lt3A_58 = arith.cmpi slt, %add3A_57, %lt3A : i32
      %convert_element_type3A = arith.extui %lt3A_58 : i1 to i32
      %cond3A = arith.constant 0 : i32
      %cond3A_59 = arith.cmpi ne, %convert_element_type3A, %cond3A : i32
      scf.if %cond3A_59 {
        %mul3A_60 = arith.constant 16 : i32
        %mul3A_61 = arith.muli %add3A_57, %mul3A_60 : i32
        "tpu.region"() ({
          %run_scoped3A = tpu.sem_alloc : memref<!tpu.dma_semaphore, #tpu.memory_space<semaphore_mem>>
          %dma_start3A = arith.constant 0 : i32
          %dma_start3A_62 = tpu.memref_slice %arg18[%mul3A_61, %dma_start3A] : memref<10000x128xf32, #tpu.memory_space<vmem_shared>> -> memref<16x128xf32, #tpu.memory_space<vmem_shared>>
          %dma_start3A_63 = arith.constant 0 : i32
          %dma_start3A_64 = tpu.memref_slice %arg18[%mul3A_61, %dma_start3A_63] : memref<10000x128xf32, #tpu.memory_space<vmem_shared>> -> memref<16x128xf32, #tpu.memory_space<vmem_shared>>
          tpu.enqueue_dma source(%arg14 : memref<16x128xf32, #tpu.memory_space<vmem>>) target(%dma_start3A_64 : memref<16x128xf32, #tpu.memory_space<vmem_shared>>) target_semaphore(%run_scoped3A : memref<!tpu.dma_semaphore, #tpu.memory_space<semaphore_mem>>)
          %dma_wait3A = arith.constant 0 : i32
          %dma_wait3A_65 = tpu.memref_slice %arg18[%mul3A_61, %dma_wait3A] : memref<10000x128xf32, #tpu.memory_space<vmem_shared>> -> memref<16x128xf32, #tpu.memory_space<vmem_shared>>
          %dma_wait3A_66 = arith.constant 0 : i32
          %dma_wait3A_67 = tpu.memref_slice %arg18[%mul3A_61, %dma_wait3A_66] : memref<10000x128xf32, #tpu.memory_space<vmem_shared>> -> memref<16x128xf32, #tpu.memory_space<vmem_shared>>
          tpu.wait_dma2 semaphore(%run_scoped3A : memref<!tpu.dma_semaphore, #tpu.memory_space<semaphore_mem>>) src(%arg14 : memref<16x128xf32, #tpu.memory_space<vmem>>) dst(%dma_wait3A_67 : memref<16x128xf32, #tpu.memory_space<vmem_shared>>)
          tpu.yield
        }) : () -> ()
      } else {
      }
    }
    %scan3A_36 = arith.constant 40 : i32
    %barrier3A_37 = arith.constant 0 : index
    tpu.barrier barrier_id(%barrier3A_37)
    %scan3A_38 = arith.constant 0 : i32
    %scan3A_39 = arith.constant 125 : i32
    %scan3A_40 = arith.addi %scan3A_38, %scan3A_39 : i32
    %scan3A_41 = arith.constant 1 : i32
    scf.for %scan3A_50 = %scan3A_38 to %scan3A_40 step %scan3A_41  : i32 {
      %mul3A_51 = arith.constant 1 : i32
      %mul3A_52 = arith.muli %scan3A_50, %mul3A_51 : i32
      %add3A_53 = arith.constant 0 : i32
      %add3A_54 = arith.addi %add3A_53, %mul3A_52 : i32
      %mul3A_55 = arith.constant 10000 : i32
      %mul3A_56 = arith.muli %arg1, %mul3A_55 : i32
      %mul3A_57 = arith.constant 80 : i32
      %mul3A_58 = arith.muli %add3A_54, %mul3A_57 : i32
      %add3A_59 = arith.addi %mul3A_56, %mul3A_58 : i32
      "tpu.region"() ({
        %run_scoped3A = tpu.sem_alloc : memref<!tpu.dma_semaphore, #tpu.memory_space<semaphore_mem>>
        %dma_start3A_74 = tpu.memref_slice %arg4[%add3A_59] : memref<160000xi32, #tpu.memory_space<hbm>> -> memref<80xi32, #tpu.memory_space<hbm>>
        %dma_start3A_75 = tpu.memref_slice %arg4[%add3A_59] : memref<160000xi32, #tpu.memory_space<hbm>> -> memref<80xi32, #tpu.memory_space<hbm>>
        tpu.enqueue_dma source(%dma_start3A_75 : memref<80xi32, #tpu.memory_space<hbm>>) target(%arg9 : memref<80xi32, #tpu.memory_space<vmem>>) target_semaphore(%run_scoped3A : memref<!tpu.dma_semaphore, #tpu.memory_space<semaphore_mem>>)
        %dma_wait3A_76 = tpu.memref_slice %arg4[%add3A_59] : memref<160000xi32, #tpu.memory_space<hbm>> -> memref<80xi32, #tpu.memory_space<hbm>>
        %dma_wait3A_77 = tpu.memref_slice %arg4[%add3A_59] : memref<160000xi32, #tpu.memory_space<hbm>> -> memref<80xi32, #tpu.memory_space<hbm>>
        tpu.wait_dma2 semaphore(%run_scoped3A : memref<!tpu.dma_semaphore, #tpu.memory_space<semaphore_mem>>) src(%dma_wait3A_77 : memref<80xi32, #tpu.memory_space<hbm>>) dst(%arg9 : memref<80xi32, #tpu.memory_space<vmem>>)
        tpu.yield
      }) : () -> ()
      "tpu.region"() ({
        %run_scoped3A = tpu.sem_alloc : memref<!tpu.dma_semaphore, #tpu.memory_space<semaphore_mem>>
        %dma_start3A_74 = tpu.memref_slice %arg5[%add3A_59] : memref<160000xi32, #tpu.memory_space<hbm>> -> memref<80xi32, #tpu.memory_space<hbm>>
        %dma_start3A_75 = tpu.memref_slice %arg5[%add3A_59] : memref<160000xi32, #tpu.memory_space<hbm>> -> memref<80xi32, #tpu.memory_space<hbm>>
        tpu.enqueue_dma source(%dma_start3A_75 : memref<80xi32, #tpu.memory_space<hbm>>) target(%arg10 : memref<80xi32, #tpu.memory_space<vmem>>) target_semaphore(%run_scoped3A : memref<!tpu.dma_semaphore, #tpu.memory_space<semaphore_mem>>)
        %dma_wait3A_76 = tpu.memref_slice %arg5[%add3A_59] : memref<160000xi32, #tpu.memory_space<hbm>> -> memref<80xi32, #tpu.memory_space<hbm>>
        %dma_wait3A_77 = tpu.memref_slice %arg5[%add3A_59] : memref<160000xi32, #tpu.memory_space<hbm>> -> memref<80xi32, #tpu.memory_space<hbm>>
        tpu.wait_dma2 semaphore(%run_scoped3A : memref<!tpu.dma_semaphore, #tpu.memory_space<semaphore_mem>>) src(%dma_wait3A_77 : memref<80xi32, #tpu.memory_space<hbm>>) dst(%arg10 : memref<80xi32, #tpu.memory_space<vmem>>)
        tpu.yield
      }) : () -> ()
      %scan3A_60 = arith.constant 0 : i32
      %scan3A_61 = arith.constant 5 : i32
      %scan3A_62 = arith.addi %scan3A_60, %scan3A_61 : i32
      %scan3A_63 = arith.constant 1 : i32
      scf.for %scan3A_74 = %scan3A_60 to %scan3A_62 step %scan3A_63  : i32 {
        %mul3A_75 = arith.constant 1 : i32
        %mul3A_76 = arith.muli %scan3A_74, %mul3A_75 : i32
        %add3A_77 = arith.constant 0 : i32
        %add3A_78 = arith.addi %add3A_77, %mul3A_76 : i32
        %mul3A_79 = arith.constant 16 : i32
        %mul3A_80 = arith.muli %add3A_78, %mul3A_79 : i32
        %get3A = arith.index_cast %mul3A_80 : i32 to index
        %get3A_81 = tpu.vector_load %arg9[%get3A] {strides = array<i32>} : memref<80xi32, #tpu.memory_space<vmem>>, vector<16xi32>,
        %mul3A_82 = arith.constant 10000 : i32
        %mul3A_83 = arith.muli %add3A_26, %mul3A_82 : i32
        %add3A_84 = vector.broadcast %mul3A_83 : i32 to vector<16xi32>
        %add3A_85 = arith.addi %get3A_81, %add3A_84 : vector<16xi32>
        %swap3A = arith.index_cast %mul3A_80 : i32 to index
        %swap3A_86 = tpu.vector_load %arg11[%swap3A] {strides = array<i32>} : memref<80xi32, #tpu.memory_space<vmem>>, vector<16xi32>,
        tpu.vector_store %arg11[%swap3A], %add3A_85 {strides = array<i32>} : memref<80xi32, #tpu.memory_space<vmem>>, vector<16xi32>,
      }
      %scan3A_64 = arith.constant 5 : i32
      %dma_start3A = arith.constant 0 : i32
      %dma_start3A_65 = arith.constant 0 : i32
      %dma_start3A_66 = tpu.memref_slice %arg2[%dma_start3A, %dma_start3A_65] : memref<40000x128xf32, #tpu.memory_space<hbm>> -> memref<40000x128xf32, #tpu.memory_space<hbm>>
      tpu.enqueue_indirect_dma source(%dma_start3A_66 : memref<40000x128xf32, #tpu.memory_space<hbm>>) target(%arg12 : memref<80x128xf32, #tpu.memory_space<vmem>>) offsets(%arg11 : memref<80xi32, #tpu.memory_space<vmem>>) semaphore(%arg19 : memref<!tpu.dma_semaphore, #tpu.memory_space<semaphore_mem>>)
      "tpu.region"() ({
        %run_scoped3A = tpu.sem_alloc : memref<!tpu.dma_semaphore, #tpu.memory_space<semaphore_mem>>
        %dma_start3A_74 = arith.constant 0 : i32
        %dma_start3A_75 = tpu.memref_slice %arg3[%add3A_59, %dma_start3A_74] : memref<160000x16xf32, #tpu.memory_space<hbm>> -> memref<80x16xf32, #tpu.memory_space<hbm>>
        %dma_start3A_76 = arith.constant 0 : i32
        %dma_start3A_77 = tpu.memref_slice %arg3[%add3A_59, %dma_start3A_76] : memref<160000x16xf32, #tpu.memory_space<hbm>> -> memref<80x16xf32, #tpu.memory_space<hbm>>
        tpu.enqueue_dma source(%dma_start3A_77 : memref<80x16xf32, #tpu.memory_space<hbm>>) target(%arg13 : memref<80x16xf32, #tpu.memory_space<vmem>>) target_semaphore(%run_scoped3A : memref<!tpu.dma_semaphore, #tpu.memory_space<semaphore_mem>>)
        %dma_wait3A_78 = arith.constant 0 : i32
        %dma_wait3A_79 = tpu.memref_slice %arg3[%add3A_59, %dma_wait3A_78] : memref<160000x16xf32, #tpu.memory_space<hbm>> -> memref<80x16xf32, #tpu.memory_space<hbm>>
        %dma_wait3A_80 = arith.constant 0 : i32
        %dma_wait3A_81 = tpu.memref_slice %arg3[%add3A_59, %dma_wait3A_80] : memref<160000x16xf32, #tpu.memory_space<hbm>> -> memref<80x16xf32, #tpu.memory_space<hbm>>
        tpu.wait_dma2 semaphore(%run_scoped3A : memref<!tpu.dma_semaphore, #tpu.memory_space<semaphore_mem>>) src(%dma_wait3A_81 : memref<80x16xf32, #tpu.memory_space<hbm>>) dst(%arg13 : memref<80x16xf32, #tpu.memory_space<vmem>>)
        tpu.yield
      }) : () -> ()
      %dma_wait3A = arith.constant 0 : i32
      %dma_wait3A_67 = arith.constant 0 : i32
      %dma_wait3A_68 = tpu.memref_slice %arg2[%dma_wait3A, %dma_wait3A_67] : memref<40000x128xf32, #tpu.memory_space<hbm>> -> memref<40000x128xf32, #tpu.memory_space<hbm>>
      tpu.wait_indirect_dma semaphore(%arg19 : memref<!tpu.dma_semaphore, #tpu.memory_space<semaphore_mem>>) src(%dma_wait3A_68 : memref<40000x128xf32, #tpu.memory_space<hbm>>) dst(%arg12 : memref<80x128xf32, #tpu.memory_space<vmem>>)
      %scan3A_69 = arith.constant 0 : i32
      %scan3A_70 = arith.constant 80 : i32
      %scan3A_71 = arith.addi %scan3A_69, %scan3A_70 : i32
      %scan3A_72 = arith.constant 1 : i32
      scf.for %scan3A_74 = %scan3A_69 to %scan3A_71 step %scan3A_72  : i32 {
        %mul3A_75 = arith.constant 1 : i32
        %mul3A_76 = arith.muli %scan3A_74, %mul3A_75 : i32
        %add3A_77 = arith.constant 0 : i32
        %add3A_78 = arith.addi %add3A_77, %mul3A_76 : i32
        %get3A = arith.index_cast %add3A_78 : i32 to index
        %get3A_79 = arith.constant 0 : index
        %get3A_80 = tpu.vector_load %arg13[%get3A, %get3A_79] {strides = array<i32>} : memref<80x16xf32, #tpu.memory_space<vmem>>, vector<16xf32>,
        %mul3A_81 = arith.constant 2 : i32
        %mul3A_82 = arith.muli %mul3A_81, %add3A_26 : i32
        %iota3A = tpu.iota {dimensions = array<i32: 0>} : vector<16xi32>
        %eq3A = vector.broadcast %mul3A_82 : i32 to vector<16xi32>
        %eq3A_83 = arith.cmpi eq, %iota3A, %eq3A : vector<16xi32>
        %jit3A = arith.constant 0.000000e+00 : f32
        %broadcast_in_dim3A = vector.broadcast %jit3A : f32 to vector<16xf32>
        %select_n3A = arith.select %eq3A_83, %get3A_80, %broadcast_in_dim3A : vector<16xi1>, vector<16xf32>
        %reduce_sum3A = arith.constant true
        %reduce_sum3A_84 = vector.broadcast %reduce_sum3A : i1 to vector<16xi1>
        %reduce_sum3A_85 = tpu.scan <sum>, %select_n3A masked %reduce_sum3A_84 : vector<16xf32>, vector<16xi1> -> vector<16xf32>
        %reduce_sum3A_86 = vector.extract %reduce_sum3A_85[15] : f32 from vector<16xf32>
        %broadcast_in_dim3A_87 = arith.constant 0.000000e+00 : f32
        %broadcast_in_dim3A_88 = vector.broadcast %broadcast_in_dim3A_87 : f32 to vector<16xf32>
        %add3A_89 = vector.broadcast %reduce_sum3A_86 : f32 to vector<16xf32>
        %add3A_90 = arith.addf %broadcast_in_dim3A_88, %add3A_89 : vector<16xf32>
        %mul3A_91 = arith.constant 2 : i32
        %mul3A_92 = arith.muli %mul3A_91, %add3A_26 : i32
        %add3A_93 = arith.constant 1 : i32
        %add3A_94 = arith.addi %mul3A_92, %add3A_93 : i32
        %iota3A_95 = tpu.iota {dimensions = array<i32: 0>} : vector<16xi32>
        %eq3A_96 = vector.broadcast %add3A_94 : i32 to vector<16xi32>
        %eq3A_97 = arith.cmpi eq, %iota3A_95, %eq3A_96 : vector<16xi32>
        %jit3A_98 = arith.constant 0.000000e+00 : f32
        %broadcast_in_dim3A_99 = vector.broadcast %jit3A_98 : f32 to vector<16xf32>
        %select_n3A_100 = arith.select %eq3A_97, %get3A_80, %broadcast_in_dim3A_99 : vector<16xi1>, vector<16xf32>
        %reduce_sum3A_101 = arith.constant true
        %reduce_sum3A_102 = vector.broadcast %reduce_sum3A_101 : i1 to vector<16xi1>
        %reduce_sum3A_103 = tpu.scan <sum>, %select_n3A_100 masked %reduce_sum3A_102 : vector<16xf32>, vector<16xi1> -> vector<16xf32>
        %reduce_sum3A_104 = vector.extract %reduce_sum3A_103[15] : f32 from vector<16xf32>
        %broadcast_in_dim3A_105 = arith.constant 0.000000e+00 : f32
        %broadcast_in_dim3A_106 = vector.broadcast %broadcast_in_dim3A_105 : f32 to vector<16xf32>
        %add3A_107 = vector.broadcast %reduce_sum3A_104 : f32 to vector<16xf32>
        %add3A_108 = arith.addf %broadcast_in_dim3A_106, %add3A_107 : vector<16xf32>
        %get3A_109 = arith.index_cast %add3A_78 : i32 to index
        %get3A_110 = arith.constant 0 : index
        %get3A_111 = tpu.vector_load %arg12[%get3A_109, %get3A_110] {strides = array<i32>} : memref<80x128xf32, #tpu.memory_space<vmem>>, vector<16xf32>,
        %mul3A_112 = arith.mulf %get3A_111, %add3A_90 : vector<16xf32>
        %swap3A = arith.index_cast %add3A_78 : i32 to index
        %swap3A_113 = arith.constant 0 : index
        %swap3A_114 = tpu.vector_load %arg12[%swap3A, %swap3A_113] {strides = array<i32>} : memref<80x128xf32, #tpu.memory_space<vmem>>, vector<16xf32>,
        tpu.vector_store %arg12[%swap3A, %swap3A_113], %mul3A_112 {strides = array<i32>} : memref<80x128xf32, #tpu.memory_space<vmem>>, vector<16xf32>,
        %get3A_115 = arith.index_cast %add3A_78 : i32 to index
        %get3A_116 = arith.constant 16 : index
        %get3A_117 = tpu.vector_load %arg12[%get3A_115, %get3A_116] {strides = array<i32>} : memref<80x128xf32, #tpu.memory_space<vmem>>, vector<16xf32>,
        %mul3A_118 = arith.mulf %get3A_117, %add3A_90 : vector<16xf32>
        %swap3A_119 = arith.index_cast %add3A_78 : i32 to index
        %swap3A_120 = arith.constant 16 : index
        %swap3A_121 = tpu.vector_load %arg12[%swap3A_119, %swap3A_120] {strides = array<i32>} : memref<80x128xf32, #tpu.memory_space<vmem>>, vector<16xf32>,
        tpu.vector_store %arg12[%swap3A_119, %swap3A_120], %mul3A_118 {strides = array<i32>} : memref<80x128xf32, #tpu.memory_space<vmem>>, vector<16xf32>,
        %get3A_122 = arith.index_cast %add3A_78 : i32 to index
        %get3A_123 = arith.constant 32 : index
        %get3A_124 = tpu.vector_load %arg12[%get3A_122, %get3A_123] {strides = array<i32>} : memref<80x128xf32, #tpu.memory_space<vmem>>, vector<16xf32>,
        %mul3A_125 = arith.mulf %get3A_124, %add3A_90 : vector<16xf32>
        %swap3A_126 = arith.index_cast %add3A_78 : i32 to index
        %swap3A_127 = arith.constant 32 : index
        %swap3A_128 = tpu.vector_load %arg12[%swap3A_126, %swap3A_127] {strides = array<i32>} : memref<80x128xf32, #tpu.memory_space<vmem>>, vector<16xf32>,
        tpu.vector_store %arg12[%swap3A_126, %swap3A_127], %mul3A_125 {strides = array<i32>} : memref<80x128xf32, #tpu.memory_space<vmem>>, vector<16xf32>,
        %get3A_129 = arith.index_cast %add3A_78 : i32 to index
        %get3A_130 = arith.constant 48 : index
        %get3A_131 = tpu.vector_load %arg12[%get3A_129, %get3A_130] {strides = array<i32>} : memref<80x128xf32, #tpu.memory_space<vmem>>, vector<16xf32>,
        %mul3A_132 = arith.mulf %get3A_131, %add3A_90 : vector<16xf32>
        %swap3A_133 = arith.index_cast %add3A_78 : i32 to index
        %swap3A_134 = arith.constant 48 : index
        %swap3A_135 = tpu.vector_load %arg12[%swap3A_133, %swap3A_134] {strides = array<i32>} : memref<80x128xf32, #tpu.memory_space<vmem>>, vector<16xf32>,
        tpu.vector_store %arg12[%swap3A_133, %swap3A_134], %mul3A_132 {strides = array<i32>} : memref<80x128xf32, #tpu.memory_space<vmem>>, vector<16xf32>,
        %get3A_136 = arith.index_cast %add3A_78 : i32 to index
        %get3A_137 = arith.constant 64 : index
        %get3A_138 = tpu.vector_load %arg12[%get3A_136, %get3A_137] {strides = array<i32>} : memref<80x128xf32, #tpu.memory_space<vmem>>, vector<16xf32>,
        %mul3A_139 = arith.mulf %get3A_138, %add3A_108 : vector<16xf32>
        %swap3A_140 = arith.index_cast %add3A_78 : i32 to index
        %swap3A_141 = arith.constant 64 : index
        %swap3A_142 = tpu.vector_load %arg12[%swap3A_140, %swap3A_141] {strides = array<i32>} : memref<80x128xf32, #tpu.memory_space<vmem>>, vector<16xf32>,
        tpu.vector_store %arg12[%swap3A_140, %swap3A_141], %mul3A_139 {strides = array<i32>} : memref<80x128xf32, #tpu.memory_space<vmem>>, vector<16xf32>,
        %get3A_143 = arith.index_cast %add3A_78 : i32 to index
        %get3A_144 = arith.constant 80 : index
        %get3A_145 = tpu.vector_load %arg12[%get3A_143, %get3A_144] {strides = array<i32>} : memref<80x128xf32, #tpu.memory_space<vmem>>, vector<16xf32>,
        %mul3A_146 = arith.mulf %get3A_145, %add3A_108 : vector<16xf32>
        %swap3A_147 = arith.index_cast %add3A_78 : i32 to index
        %swap3A_148 = arith.constant 80 : index
        %swap3A_149 = tpu.vector_load %arg12[%swap3A_147, %swap3A_148] {strides = array<i32>} : memref<80x128xf32, #tpu.memory_space<vmem>>, vector<16xf32>,
        tpu.vector_store %arg12[%swap3A_147, %swap3A_148], %mul3A_146 {strides = array<i32>} : memref<80x128xf32, #tpu.memory_space<vmem>>, vector<16xf32>,
        %get3A_150 = arith.index_cast %add3A_78 : i32 to index
        %get3A_151 = arith.constant 96 : index
        %get3A_152 = tpu.vector_load %arg12[%get3A_150, %get3A_151] {strides = array<i32>} : memref<80x128xf32, #tpu.memory_space<vmem>>, vector<16xf32>,
        %mul3A_153 = arith.mulf %get3A_152, %add3A_108 : vector<16xf32>
        %swap3A_154 = arith.index_cast %add3A_78 : i32 to index
        %swap3A_155 = arith.constant 96 : index
        %swap3A_156 = tpu.vector_load %arg12[%swap3A_154, %swap3A_155] {strides = array<i32>} : memref<80x128xf32, #tpu.memory_space<vmem>>, vector<16xf32>,
        tpu.vector_store %arg12[%swap3A_154, %swap3A_155], %mul3A_153 {strides = array<i32>} : memref<80x128xf32, #tpu.memory_space<vmem>>, vector<16xf32>,
        %get3A_157 = arith.index_cast %add3A_78 : i32 to index
        %get3A_158 = arith.constant 112 : index
        %get3A_159 = tpu.vector_load %arg12[%get3A_157, %get3A_158] {strides = array<i32>} : memref<80x128xf32, #tpu.memory_space<vmem>>, vector<16xf32>,
        %mul3A_160 = arith.mulf %get3A_159, %add3A_108 : vector<16xf32>
        %swap3A_161 = arith.index_cast %add3A_78 : i32 to index
        %swap3A_162 = arith.constant 112 : index
        %swap3A_163 = tpu.vector_load %arg12[%swap3A_161, %swap3A_162] {strides = array<i32>} : memref<80x128xf32, #tpu.memory_space<vmem>>, vector<16xf32>,
        tpu.vector_store %arg12[%swap3A_161, %swap3A_162], %mul3A_160 {strides = array<i32>} : memref<80x128xf32, #tpu.memory_space<vmem>>, vector<16xf32>,
      }
      %scan3A_73 = arith.constant 80 : i32
      "tpu.region"() ({
        %run_scoped3A = tpu.sem_alloc : memref<!tpu.dma_semaphore, #tpu.memory_space<semaphore_mem>>
        %dma_start3A_74 = arith.constant 0 : i32
        %dma_start3A_75 = arith.constant 0 : i32
        %dma_start3A_76 = tpu.memref_slice %arg18[%dma_start3A_74, %dma_start3A_75] : memref<10000x128xf32, #tpu.memory_space<vmem_shared>> -> memref<10000x128xf32, #tpu.memory_space<vmem_shared>>
        tpu.enqueue_indirect_dma source(%arg12 : memref<80x128xf32, #tpu.memory_space<vmem>>) target(%dma_start3A_76 : memref<10000x128xf32, #tpu.memory_space<vmem_shared>>) offsets(%arg10 : memref<80xi32, #tpu.memory_space<vmem>>) semaphore(%run_scoped3A : memref<!tpu.dma_semaphore, #tpu.memory_space<semaphore_mem>>) {add = true}
        %dma_wait3A_77 = arith.constant 0 : i32
        %dma_wait3A_78 = arith.constant 0 : i32
        %dma_wait3A_79 = tpu.memref_slice %arg18[%dma_wait3A_77, %dma_wait3A_78] : memref<10000x128xf32, #tpu.memory_space<vmem_shared>> -> memref<10000x128xf32, #tpu.memory_space<vmem_shared>>
        tpu.wait_indirect_dma semaphore(%run_scoped3A : memref<!tpu.dma_semaphore, #tpu.memory_space<semaphore_mem>>) src(%arg12 : memref<80x128xf32, #tpu.memory_space<vmem>>) dst(%dma_wait3A_79 : memref<10000x128xf32, #tpu.memory_space<vmem_shared>>)
        tpu.yield
      }) : () -> ()
    }
    %scan3A_42 = arith.constant 125 : i32
    %barrier3A_43 = arith.constant 0 : index
    tpu.barrier barrier_id(%barrier3A_43)
    %scan3A_44 = arith.constant 0 : i32
    %scan3A_45 = arith.constant 40 : i32
    %scan3A_46 = arith.addi %scan3A_44, %scan3A_45 : i32
    %scan3A_47 = arith.constant 1 : i32
    scf.for %scan3A_50 = %scan3A_44 to %scan3A_46 step %scan3A_47  : i32 {
      %mul3A_51 = arith.constant 1 : i32
      %mul3A_52 = arith.muli %scan3A_50, %mul3A_51 : i32
      %add3A_53 = arith.constant 0 : i32
      %add3A_54 = arith.addi %add3A_53, %mul3A_52 : i32
      %mul3A_55 = arith.constant 16 : i32
      %mul3A_56 = arith.muli %add3A_54, %mul3A_55 : i32
      %add3A_57 = arith.addi %arg1, %mul3A_56 : i32
      %lt3A = arith.constant 625 : i32
      %lt3A_58 = arith.cmpi slt, %add3A_57, %lt3A : i32
      %convert_element_type3A = arith.extui %lt3A_58 : i1 to i32
      %cond3A = arith.constant 0 : i32
      %cond3A_59 = arith.cmpi ne, %convert_element_type3A, %cond3A : i32
      scf.if %cond3A_59 {
        %mul3A_60 = arith.constant 16 : i32
        %mul3A_61 = arith.muli %add3A_57, %mul3A_60 : i32
        "tpu.region"() ({
          %run_scoped3A = tpu.sem_alloc : memref<!tpu.dma_semaphore, #tpu.memory_space<semaphore_mem>>
          %dma_start3A = arith.constant 0 : i32
          %dma_start3A_70 = tpu.memref_slice %arg18[%mul3A_61, %dma_start3A] : memref<10000x128xf32, #tpu.memory_space<vmem_shared>> -> memref<16x128xf32, #tpu.memory_space<vmem_shared>>
          %dma_start3A_71 = arith.constant 0 : i32
          %dma_start3A_72 = tpu.memref_slice %arg18[%mul3A_61, %dma_start3A_71] : memref<10000x128xf32, #tpu.memory_space<vmem_shared>> -> memref<16x128xf32, #tpu.memory_space<vmem_shared>>
          tpu.enqueue_dma source(%dma_start3A_72 : memref<16x128xf32, #tpu.memory_space<vmem_shared>>) target(%arg14 : memref<16x128xf32, #tpu.memory_space<vmem>>) target_semaphore(%run_scoped3A : memref<!tpu.dma_semaphore, #tpu.memory_space<semaphore_mem>>)
          %dma_wait3A = arith.constant 0 : i32
          %dma_wait3A_73 = tpu.memref_slice %arg18[%mul3A_61, %dma_wait3A] : memref<10000x128xf32, #tpu.memory_space<vmem_shared>> -> memref<16x128xf32, #tpu.memory_space<vmem_shared>>
          %dma_wait3A_74 = arith.constant 0 : i32
          %dma_wait3A_75 = tpu.memref_slice %arg18[%mul3A_61, %dma_wait3A_74] : memref<10000x128xf32, #tpu.memory_space<vmem_shared>> -> memref<16x128xf32, #tpu.memory_space<vmem_shared>>
          tpu.wait_dma2 semaphore(%run_scoped3A : memref<!tpu.dma_semaphore, #tpu.memory_space<semaphore_mem>>) src(%dma_wait3A_75 : memref<16x128xf32, #tpu.memory_space<vmem_shared>>) dst(%arg14 : memref<16x128xf32, #tpu.memory_space<vmem>>)
          tpu.yield
        }) : () -> ()
        %mul3A_62 = arith.constant 10000 : i32
        %mul3A_63 = arith.muli %add3A_26, %mul3A_62 : i32
        %add3A_64 = arith.addi %mul3A_63, %mul3A_61 : i32
        "tpu.region"() ({
          %run_scoped3A = tpu.sem_alloc : memref<!tpu.dma_semaphore, #tpu.memory_space<semaphore_mem>>
          %dma_start3A = arith.constant 0 : i32
          %dma_start3A_70 = tpu.memref_slice %arg2[%add3A_64, %dma_start3A] : memref<40000x128xf32, #tpu.memory_space<hbm>> -> memref<16x128xf32, #tpu.memory_space<hbm>>
          %dma_start3A_71 = arith.constant 0 : i32
          %dma_start3A_72 = tpu.memref_slice %arg2[%add3A_64, %dma_start3A_71] : memref<40000x128xf32, #tpu.memory_space<hbm>> -> memref<16x128xf32, #tpu.memory_space<hbm>>
          tpu.enqueue_dma source(%dma_start3A_72 : memref<16x128xf32, #tpu.memory_space<hbm>>) target(%arg15 : memref<16x128xf32, #tpu.memory_space<vmem>>) target_semaphore(%run_scoped3A : memref<!tpu.dma_semaphore, #tpu.memory_space<semaphore_mem>>)
          %dma_wait3A = arith.constant 0 : i32
          %dma_wait3A_73 = tpu.memref_slice %arg2[%add3A_64, %dma_wait3A] : memref<40000x128xf32, #tpu.memory_space<hbm>> -> memref<16x128xf32, #tpu.memory_space<hbm>>
          %dma_wait3A_74 = arith.constant 0 : i32
          %dma_wait3A_75 = tpu.memref_slice %arg2[%add3A_64, %dma_wait3A_74] : memref<40000x128xf32, #tpu.memory_space<hbm>> -> memref<16x128xf32, #tpu.memory_space<hbm>>
          tpu.wait_dma2 semaphore(%run_scoped3A : memref<!tpu.dma_semaphore, #tpu.memory_space<semaphore_mem>>) src(%dma_wait3A_75 : memref<16x128xf32, #tpu.memory_space<hbm>>) dst(%arg15 : memref<16x128xf32, #tpu.memory_space<vmem>>)
          tpu.yield
        }) : () -> ()
        "tpu.region"() ({
          %run_scoped3A = tpu.sem_alloc : memref<!tpu.dma_semaphore, #tpu.memory_space<semaphore_mem>>
          %dma_start3A = arith.constant 0 : i32
          %dma_start3A_70 = tpu.memref_slice %arg6[%mul3A_61, %dma_start3A] : memref<10000x128xf32, #tpu.memory_space<hbm>> -> memref<16x128xf32, #tpu.memory_space<hbm>>
          %dma_start3A_71 = arith.constant 0 : i32
          %dma_start3A_72 = tpu.memref_slice %arg6[%mul3A_61, %dma_start3A_71] : memref<10000x128xf32, #tpu.memory_space<hbm>> -> memref<16x128xf32, #tpu.memory_space<hbm>>
          tpu.enqueue_dma source(%dma_start3A_72 : memref<16x128xf32, #tpu.memory_space<hbm>>) target(%arg16 : memref<16x128xf32, #tpu.memory_space<vmem>>) target_semaphore(%run_scoped3A : memref<!tpu.dma_semaphore, #tpu.memory_space<semaphore_mem>>)
          %dma_wait3A = arith.constant 0 : i32
          %dma_wait3A_73 = tpu.memref_slice %arg6[%mul3A_61, %dma_wait3A] : memref<10000x128xf32, #tpu.memory_space<hbm>> -> memref<16x128xf32, #tpu.memory_space<hbm>>
          %dma_wait3A_74 = arith.constant 0 : i32
          %dma_wait3A_75 = tpu.memref_slice %arg6[%mul3A_61, %dma_wait3A_74] : memref<10000x128xf32, #tpu.memory_space<hbm>> -> memref<16x128xf32, #tpu.memory_space<hbm>>
          tpu.wait_dma2 semaphore(%run_scoped3A : memref<!tpu.dma_semaphore, #tpu.memory_space<semaphore_mem>>) src(%dma_wait3A_75 : memref<16x128xf32, #tpu.memory_space<hbm>>) dst(%arg16 : memref<16x128xf32, #tpu.memory_space<vmem>>)
          tpu.yield
        }) : () -> ()
        "tpu.region"() ({
          %run_scoped3A = tpu.sem_alloc : memref<!tpu.dma_semaphore, #tpu.memory_space<semaphore_mem>>
          %dma_start3A = arith.constant 0 : i32
          %dma_start3A_70 = tpu.memref_slice %arg7[%mul3A_61, %dma_start3A] : memref<10000x128xf32, #tpu.memory_space<hbm>> -> memref<16x128xf32, #tpu.memory_space<hbm>>
          %dma_start3A_71 = arith.constant 0 : i32
          %dma_start3A_72 = tpu.memref_slice %arg7[%mul3A_61, %dma_start3A_71] : memref<10000x128xf32, #tpu.memory_space<hbm>> -> memref<16x128xf32, #tpu.memory_space<hbm>>
          tpu.enqueue_dma source(%dma_start3A_72 : memref<16x128xf32, #tpu.memory_space<hbm>>) target(%arg17 : memref<16x128xf32, #tpu.memory_space<vmem>>) target_semaphore(%run_scoped3A : memref<!tpu.dma_semaphore, #tpu.memory_space<semaphore_mem>>)
          %dma_wait3A = arith.constant 0 : i32
          %dma_wait3A_73 = tpu.memref_slice %arg7[%mul3A_61, %dma_wait3A] : memref<10000x128xf32, #tpu.memory_space<hbm>> -> memref<16x128xf32, #tpu.memory_space<hbm>>
          %dma_wait3A_74 = arith.constant 0 : i32
          %dma_wait3A_75 = tpu.memref_slice %arg7[%mul3A_61, %dma_wait3A_74] : memref<10000x128xf32, #tpu.memory_space<hbm>> -> memref<16x128xf32, #tpu.memory_space<hbm>>
          tpu.wait_dma2 semaphore(%run_scoped3A : memref<!tpu.dma_semaphore, #tpu.memory_space<semaphore_mem>>) src(%dma_wait3A_75 : memref<16x128xf32, #tpu.memory_space<hbm>>) dst(%arg17 : memref<16x128xf32, #tpu.memory_space<vmem>>)
          tpu.yield
        }) : () -> ()
        %scan3A_65 = arith.constant 0 : i32
        %scan3A_66 = arith.constant 16 : i32
        %scan3A_67 = arith.addi %scan3A_65, %scan3A_66 : i32
        %scan3A_68 = arith.constant 1 : i32
        scf.for %scan3A_70 = %scan3A_65 to %scan3A_67 step %scan3A_68  : i32 {
          %mul3A_71 = arith.constant 1 : i32
          %mul3A_72 = arith.muli %scan3A_70, %mul3A_71 : i32
          %add3A_73 = arith.constant 0 : i32
          %add3A_74 = arith.addi %add3A_73, %mul3A_72 : i32
          %get3A = arith.index_cast %add3A_74 : i32 to index
          %get3A_75 = arith.constant 0 : index
          %get3A_76 = tpu.vector_load %arg16[%get3A, %get3A_75] {strides = array<i32>} : memref<16x128xf32, #tpu.memory_space<vmem>>, vector<16xf32>,
          %get3A_77 = arith.index_cast %add3A_74 : i32 to index
          %get3A_78 = arith.constant 0 : index
          %get3A_79 = tpu.vector_load %arg17[%get3A_77, %get3A_78] {strides = array<i32>} : memref<16x128xf32, #tpu.memory_space<vmem>>, vector<16xf32>,
          %add3A_80 = arith.addf %get3A_76, %get3A_79 : vector<16xf32>
          %iota3A = tpu.iota {dimensions = array<i32: 0>} : vector<16xi32>
          %eq3A = arith.constant 8 : i32
          %eq3A_81 = vector.broadcast %eq3A : i32 to vector<16xi32>
          %eq3A_82 = arith.cmpi eq, %iota3A, %eq3A_81 : vector<16xi32>
          %jit3A = arith.constant 0.000000e+00 : f32
          %broadcast_in_dim3A = vector.broadcast %jit3A : f32 to vector<16xf32>
          %select_n3A = arith.select %eq3A_82, %add3A_80, %broadcast_in_dim3A : vector<16xi1>, vector<16xf32>
          %reduce_sum3A = arith.constant true
          %reduce_sum3A_83 = vector.broadcast %reduce_sum3A : i1 to vector<16xi1>
          %reduce_sum3A_84 = tpu.scan <sum>, %select_n3A masked %reduce_sum3A_83 : vector<16xf32>, vector<16xi1> -> vector<16xf32>
          %reduce_sum3A_85 = vector.extract %reduce_sum3A_84[15] : f32 from vector<16xf32>
          %broadcast_in_dim3A_86 = arith.constant 0.000000e+00 : f32
          %broadcast_in_dim3A_87 = vector.broadcast %broadcast_in_dim3A_86 : f32 to vector<16xf32>
          %add3A_88 = vector.broadcast %reduce_sum3A_85 : f32 to vector<16xf32>
          %add3A_89 = arith.addf %broadcast_in_dim3A_87, %add3A_88 : vector<16xf32>
          %gt3A = arith.constant 0.000000e+00 : f32
          %gt3A_90 = vector.broadcast %gt3A : f32 to vector<16xf32>
          %gt3A_91 = arith.cmpf ogt, %add3A_89, %gt3A_90 : vector<16xf32>
          %mul3A_92 = arith.constant 2 : i32
          %mul3A_93 = arith.muli %mul3A_92, %add3A_26 : i32
          %iota3A_94 = tpu.iota {dimensions = array<i32: 0>} : vector<16xi32>
          %eq3A_95 = vector.broadcast %mul3A_93 : i32 to vector<16xi32>
          %eq3A_96 = arith.cmpi eq, %iota3A_94, %eq3A_95 : vector<16xi32>
          %jit3A_97 = arith.constant 0.000000e+00 : f32
          %broadcast_in_dim3A_98 = vector.broadcast %jit3A_97 : f32 to vector<16xf32>
          %select_n3A_99 = arith.select %eq3A_96, %add3A_80, %broadcast_in_dim3A_98 : vector<16xi1>, vector<16xf32>
          %reduce_sum3A_100 = arith.constant true
          %reduce_sum3A_101 = vector.broadcast %reduce_sum3A_100 : i1 to vector<16xi1>
          %reduce_sum3A_102 = tpu.scan <sum>, %select_n3A_99 masked %reduce_sum3A_101 : vector<16xf32>, vector<16xi1> -> vector<16xf32>
          %reduce_sum3A_103 = vector.extract %reduce_sum3A_102[15] : f32 from vector<16xf32>
          %broadcast_in_dim3A_104 = arith.constant 0.000000e+00 : f32
          %broadcast_in_dim3A_105 = vector.broadcast %broadcast_in_dim3A_104 : f32 to vector<16xf32>
          %add3A_106 = vector.broadcast %reduce_sum3A_103 : f32 to vector<16xf32>
          %add3A_107 = arith.addf %broadcast_in_dim3A_105, %add3A_106 : vector<16xf32>
          %mul3A_108 = arith.constant 2 : i32
          %mul3A_109 = arith.muli %mul3A_108, %add3A_26 : i32
          %add3A_110 = arith.constant 1 : i32
          %add3A_111 = arith.addi %mul3A_109, %add3A_110 : i32
          %iota3A_112 = tpu.iota {dimensions = array<i32: 0>} : vector<16xi32>
          %eq3A_113 = vector.broadcast %add3A_111 : i32 to vector<16xi32>
          %eq3A_114 = arith.cmpi eq, %iota3A_112, %eq3A_113 : vector<16xi32>
          %jit3A_115 = arith.constant 0.000000e+00 : f32
          %broadcast_in_dim3A_116 = vector.broadcast %jit3A_115 : f32 to vector<16xf32>
          %select_n3A_117 = arith.select %eq3A_114, %add3A_80, %broadcast_in_dim3A_116 : vector<16xi1>, vector<16xf32>
          %reduce_sum3A_118 = arith.constant true
          %reduce_sum3A_119 = vector.broadcast %reduce_sum3A_118 : i1 to vector<16xi1>
          %reduce_sum3A_120 = tpu.scan <sum>, %select_n3A_117 masked %reduce_sum3A_119 : vector<16xf32>, vector<16xi1> -> vector<16xf32>
          %reduce_sum3A_121 = vector.extract %reduce_sum3A_120[15] : f32 from vector<16xf32>
          %broadcast_in_dim3A_122 = arith.constant 0.000000e+00 : f32
          %broadcast_in_dim3A_123 = vector.broadcast %broadcast_in_dim3A_122 : f32 to vector<16xf32>
          %add3A_124 = vector.broadcast %reduce_sum3A_121 : f32 to vector<16xf32>
          %add3A_125 = arith.addf %broadcast_in_dim3A_123, %add3A_124 : vector<16xf32>
          %get3A_126 = arith.index_cast %add3A_74 : i32 to index
          %get3A_127 = arith.constant 0 : index
          %get3A_128 = tpu.vector_load %arg14[%get3A_126, %get3A_127] {strides = array<i32>} : memref<16x128xf32, #tpu.memory_space<vmem>>, vector<16xf32>,
          %div3A = arith.divf %get3A_128, %add3A_107 : vector<16xf32>
          %get3A_129 = arith.index_cast %add3A_74 : i32 to index
          %get3A_130 = arith.constant 0 : index
          %get3A_131 = tpu.vector_load %arg15[%get3A_129, %get3A_130] {strides = array<i32>} : memref<16x128xf32, #tpu.memory_space<vmem>>, vector<16xf32>,
          %select_n3A_132 = arith.select %gt3A_91, %div3A, %get3A_131 : vector<16xi1>, vector<16xf32>
          %swap3A = arith.index_cast %add3A_74 : i32 to index
          %swap3A_133 = arith.constant 0 : index
          %swap3A_134 = tpu.vector_load %arg14[%swap3A, %swap3A_133] {strides = array<i32>} : memref<16x128xf32, #tpu.memory_space<vmem>>, vector<16xf32>,
          tpu.vector_store %arg14[%swap3A, %swap3A_133], %select_n3A_132 {strides = array<i32>} : memref<16x128xf32, #tpu.memory_space<vmem>>, vector<16xf32>,
          %get3A_135 = arith.index_cast %add3A_74 : i32 to index
          %get3A_136 = arith.constant 16 : index
          %get3A_137 = tpu.vector_load %arg14[%get3A_135, %get3A_136] {strides = array<i32>} : memref<16x128xf32, #tpu.memory_space<vmem>>, vector<16xf32>,
          %div3A_138 = arith.divf %get3A_137, %add3A_107 : vector<16xf32>
          %get3A_139 = arith.index_cast %add3A_74 : i32 to index
          %get3A_140 = arith.constant 16 : index
          %get3A_141 = tpu.vector_load %arg15[%get3A_139, %get3A_140] {strides = array<i32>} : memref<16x128xf32, #tpu.memory_space<vmem>>, vector<16xf32>,
          %select_n3A_142 = arith.select %gt3A_91, %div3A_138, %get3A_141 : vector<16xi1>, vector<16xf32>
          %swap3A_143 = arith.index_cast %add3A_74 : i32 to index
          %swap3A_144 = arith.constant 16 : index
          %swap3A_145 = tpu.vector_load %arg14[%swap3A_143, %swap3A_144] {strides = array<i32>} : memref<16x128xf32, #tpu.memory_space<vmem>>, vector<16xf32>,
          tpu.vector_store %arg14[%swap3A_143, %swap3A_144], %select_n3A_142 {strides = array<i32>} : memref<16x128xf32, #tpu.memory_space<vmem>>, vector<16xf32>,
          %get3A_146 = arith.index_cast %add3A_74 : i32 to index
          %get3A_147 = arith.constant 32 : index
          %get3A_148 = tpu.vector_load %arg14[%get3A_146, %get3A_147] {strides = array<i32>} : memref<16x128xf32, #tpu.memory_space<vmem>>, vector<16xf32>,
          %div3A_149 = arith.divf %get3A_148, %add3A_107 : vector<16xf32>
          %get3A_150 = arith.index_cast %add3A_74 : i32 to index
          %get3A_151 = arith.constant 32 : index
          %get3A_152 = tpu.vector_load %arg15[%get3A_150, %get3A_151] {strides = array<i32>} : memref<16x128xf32, #tpu.memory_space<vmem>>, vector<16xf32>,
          %select_n3A_153 = arith.select %gt3A_91, %div3A_149, %get3A_152 : vector<16xi1>, vector<16xf32>
          %swap3A_154 = arith.index_cast %add3A_74 : i32 to index
          %swap3A_155 = arith.constant 32 : index
          %swap3A_156 = tpu.vector_load %arg14[%swap3A_154, %swap3A_155] {strides = array<i32>} : memref<16x128xf32, #tpu.memory_space<vmem>>, vector<16xf32>,
          tpu.vector_store %arg14[%swap3A_154, %swap3A_155], %select_n3A_153 {strides = array<i32>} : memref<16x128xf32, #tpu.memory_space<vmem>>, vector<16xf32>,
          %get3A_157 = arith.index_cast %add3A_74 : i32 to index
          %get3A_158 = arith.constant 48 : index
          %get3A_159 = tpu.vector_load %arg14[%get3A_157, %get3A_158] {strides = array<i32>} : memref<16x128xf32, #tpu.memory_space<vmem>>, vector<16xf32>,
          %div3A_160 = arith.divf %get3A_159, %add3A_107 : vector<16xf32>
          %get3A_161 = arith.index_cast %add3A_74 : i32 to index
          %get3A_162 = arith.constant 48 : index
          %get3A_163 = tpu.vector_load %arg15[%get3A_161, %get3A_162] {strides = array<i32>} : memref<16x128xf32, #tpu.memory_space<vmem>>, vector<16xf32>,
          %select_n3A_164 = arith.select %gt3A_91, %div3A_160, %get3A_163 : vector<16xi1>, vector<16xf32>
          %swap3A_165 = arith.index_cast %add3A_74 : i32 to index
          %swap3A_166 = arith.constant 48 : index
          %swap3A_167 = tpu.vector_load %arg14[%swap3A_165, %swap3A_166] {strides = array<i32>} : memref<16x128xf32, #tpu.memory_space<vmem>>, vector<16xf32>,
          tpu.vector_store %arg14[%swap3A_165, %swap3A_166], %select_n3A_164 {strides = array<i32>} : memref<16x128xf32, #tpu.memory_space<vmem>>, vector<16xf32>,
          %get3A_168 = arith.index_cast %add3A_74 : i32 to index
          %get3A_169 = arith.constant 64 : index
          %get3A_170 = tpu.vector_load %arg14[%get3A_168, %get3A_169] {strides = array<i32>} : memref<16x128xf32, #tpu.memory_space<vmem>>, vector<16xf32>,
          %div3A_171 = arith.divf %get3A_170, %add3A_125 : vector<16xf32>
          %get3A_172 = arith.index_cast %add3A_74 : i32 to index
          %get3A_173 = arith.constant 64 : index
          %get3A_174 = tpu.vector_load %arg15[%get3A_172, %get3A_173] {strides = array<i32>} : memref<16x128xf32, #tpu.memory_space<vmem>>, vector<16xf32>,
          %select_n3A_175 = arith.select %gt3A_91, %div3A_171, %get3A_174 : vector<16xi1>, vector<16xf32>
          %swap3A_176 = arith.index_cast %add3A_74 : i32 to index
          %swap3A_177 = arith.constant 64 : index
          %swap3A_178 = tpu.vector_load %arg14[%swap3A_176, %swap3A_177] {strides = array<i32>} : memref<16x128xf32, #tpu.memory_space<vmem>>, vector<16xf32>,
          tpu.vector_store %arg14[%swap3A_176, %swap3A_177], %select_n3A_175 {strides = array<i32>} : memref<16x128xf32, #tpu.memory_space<vmem>>, vector<16xf32>,
          %get3A_179 = arith.index_cast %add3A_74 : i32 to index
          %get3A_180 = arith.constant 80 : index
          %get3A_181 = tpu.vector_load %arg14[%get3A_179, %get3A_180] {strides = array<i32>} : memref<16x128xf32, #tpu.memory_space<vmem>>, vector<16xf32>,
          %div3A_182 = arith.divf %get3A_181, %add3A_125 : vector<16xf32>
          %get3A_183 = arith.index_cast %add3A_74 : i32 to index
          %get3A_184 = arith.constant 80 : index
          %get3A_185 = tpu.vector_load %arg15[%get3A_183, %get3A_184] {strides = array<i32>} : memref<16x128xf32, #tpu.memory_space<vmem>>, vector<16xf32>,
          %select_n3A_186 = arith.select %gt3A_91, %div3A_182, %get3A_185 : vector<16xi1>, vector<16xf32>
          %swap3A_187 = arith.index_cast %add3A_74 : i32 to index
          %swap3A_188 = arith.constant 80 : index
          %swap3A_189 = tpu.vector_load %arg14[%swap3A_187, %swap3A_188] {strides = array<i32>} : memref<16x128xf32, #tpu.memory_space<vmem>>, vector<16xf32>,
          tpu.vector_store %arg14[%swap3A_187, %swap3A_188], %select_n3A_186 {strides = array<i32>} : memref<16x128xf32, #tpu.memory_space<vmem>>, vector<16xf32>,
          %get3A_190 = arith.index_cast %add3A_74 : i32 to index
          %get3A_191 = arith.constant 96 : index
          %get3A_192 = tpu.vector_load %arg14[%get3A_190, %get3A_191] {strides = array<i32>} : memref<16x128xf32, #tpu.memory_space<vmem>>, vector<16xf32>,
          %div3A_193 = arith.divf %get3A_192, %add3A_125 : vector<16xf32>
          %get3A_194 = arith.index_cast %add3A_74 : i32 to index
          %get3A_195 = arith.constant 96 : index
          %get3A_196 = tpu.vector_load %arg15[%get3A_194, %get3A_195] {strides = array<i32>} : memref<16x128xf32, #tpu.memory_space<vmem>>, vector<16xf32>,
          %select_n3A_197 = arith.select %gt3A_91, %div3A_193, %get3A_196 : vector<16xi1>, vector<16xf32>
          %swap3A_198 = arith.index_cast %add3A_74 : i32 to index
          %swap3A_199 = arith.constant 96 : index
          %swap3A_200 = tpu.vector_load %arg14[%swap3A_198, %swap3A_199] {strides = array<i32>} : memref<16x128xf32, #tpu.memory_space<vmem>>, vector<16xf32>,
          tpu.vector_store %arg14[%swap3A_198, %swap3A_199], %select_n3A_197 {strides = array<i32>} : memref<16x128xf32, #tpu.memory_space<vmem>>, vector<16xf32>,
          %get3A_201 = arith.index_cast %add3A_74 : i32 to index
          %get3A_202 = arith.constant 112 : index
          %get3A_203 = tpu.vector_load %arg14[%get3A_201, %get3A_202] {strides = array<i32>} : memref<16x128xf32, #tpu.memory_space<vmem>>, vector<16xf32>,
          %div3A_204 = arith.divf %get3A_203, %add3A_125 : vector<16xf32>
          %get3A_205 = arith.index_cast %add3A_74 : i32 to index
          %get3A_206 = arith.constant 112 : index
          %get3A_207 = tpu.vector_load %arg15[%get3A_205, %get3A_206] {strides = array<i32>} : memref<16x128xf32, #tpu.memory_space<vmem>>, vector<16xf32>,
          %select_n3A_208 = arith.select %gt3A_91, %div3A_204, %get3A_207 : vector<16xi1>, vector<16xf32>
          %swap3A_209 = arith.index_cast %add3A_74 : i32 to index
          %swap3A_210 = arith.constant 112 : index
          %swap3A_211 = tpu.vector_load %arg14[%swap3A_209, %swap3A_210] {strides = array<i32>} : memref<16x128xf32, #tpu.memory_space<vmem>>, vector<16xf32>,
          tpu.vector_store %arg14[%swap3A_209, %swap3A_210], %select_n3A_208 {strides = array<i32>} : memref<16x128xf32, #tpu.memory_space<vmem>>, vector<16xf32>,
        }
        %scan3A_69 = arith.constant 16 : i32
        "tpu.region"() ({
          %run_scoped3A = tpu.sem_alloc : memref<!tpu.dma_semaphore, #tpu.memory_space<semaphore_mem>>
          %dma_start3A = arith.constant 0 : i32
          %dma_start3A_70 = tpu.memref_slice %arg8[%add3A_26, %mul3A_61, %dma_start3A] : memref<4x10000x128xf32, #tpu.memory_space<hbm>> -> memref<1x16x128xf32, #tpu.memory_space<hbm>>
          %dma_start3A_71 = tpu.memref_squeeze %dma_start3A_70 : memref<1x16x128xf32, #tpu.memory_space<hbm>> -> memref<16x128xf32, #tpu.memory_space<hbm>>
          %dma_start3A_72 = arith.constant 0 : i32
          %dma_start3A_73 = tpu.memref_slice %arg8[%add3A_26, %mul3A_61, %dma_start3A_72] : memref<4x10000x128xf32, #tpu.memory_space<hbm>> -> memref<1x16x128xf32, #tpu.memory_space<hbm>>
          %dma_start3A_74 = tpu.memref_squeeze %dma_start3A_73 : memref<1x16x128xf32, #tpu.memory_space<hbm>> -> memref<16x128xf32, #tpu.memory_space<hbm>>
          tpu.enqueue_dma source(%arg14 : memref<16x128xf32, #tpu.memory_space<vmem>>) target(%dma_start3A_74 : memref<16x128xf32, #tpu.memory_space<hbm>>) target_semaphore(%run_scoped3A : memref<!tpu.dma_semaphore, #tpu.memory_space<semaphore_mem>>)
          %dma_wait3A = arith.constant 0 : i32
          %dma_wait3A_75 = tpu.memref_slice %arg8[%add3A_26, %mul3A_61, %dma_wait3A] : memref<4x10000x128xf32, #tpu.memory_space<hbm>> -> memref<1x16x128xf32, #tpu.memory_space<hbm>>
          %dma_wait3A_76 = tpu.memref_squeeze %dma_wait3A_75 : memref<1x16x128xf32, #tpu.memory_space<hbm>> -> memref<16x128xf32, #tpu.memory_space<hbm>>
          %dma_wait3A_77 = arith.constant 0 : i32
          %dma_wait3A_78 = tpu.memref_slice %arg8[%add3A_26, %mul3A_61, %dma_wait3A_77] : memref<4x10000x128xf32, #tpu.memory_space<hbm>> -> memref<1x16x128xf32, #tpu.memory_space<hbm>>
          %dma_wait3A_79 = tpu.memref_squeeze %dma_wait3A_78 : memref<1x16x128xf32, #tpu.memory_space<hbm>> -> memref<16x128xf32, #tpu.memory_space<hbm>>
          tpu.wait_dma2 semaphore(%run_scoped3A : memref<!tpu.dma_semaphore, #tpu.memory_space<semaphore_mem>>) src(%arg14 : memref<16x128xf32, #tpu.memory_space<vmem>>) dst(%dma_wait3A_79 : memref<16x128xf32, #tpu.memory_space<hbm>>)
          tpu.yield
        }) : () -> ()
      } else {
      }
    }
    %scan3A_48 = arith.constant 40 : i32
    %barrier3A_49 = arith.constant 0 : index
    tpu.barrier barrier_id(%barrier3A_49)
    return
  }
}

#map = affine_map<(d0, d1) -> (0, 0)>
#map1 = affine_map<(d0, d1) -> (0)>
module attributes {stable_mosaic.version = 14 : i64} {
  func.func @k(%arg0: i32, %arg1: i32, %arg2: memref<160000x16xf32, #tpu.memory_space<hbm>>, %arg3: memref<160000xi32, #tpu.memory_space<hbm>>, %arg4: memref<10000x128xf32, #tpu.memory_space<hbm>>, %arg5: memref<10000x128xf32, #tpu.memory_space<hbm>>, %arg6: memref<40xi32, #tpu.memory_space<vmem>>, %arg7: memref<40x16xf32, #tpu.memory_space<vmem>>, %arg8: memref<40x128xf32, #tpu.memory_space<vmem>>, %arg9: memref<16x128xf32, #tpu.memory_space<vmem>>, %arg10: memref<10000x128xf32, #tpu.memory_space<vmem_shared>>) attributes {dimension_semantics = [#tpu.dimension_semantics<core_parallel>, #tpu.dimension_semantics<subcore_parallel>], iteration_bounds = array<i64: 2, 16>, scalar_prefetch = 0 : i64, scratch_operands = 5 : i64, tpu.core_type = #tpu.core_type<sc_vector_subcore>, window_params = [{transform_indices = #map}, {transform_indices = #map1}, {transform_indices = #map}, {transform_indices = #map}]} {
    %mul3A = arith.constant 2 : i32
    %mul3A_0 = arith.muli %arg1, %mul3A : i32
    %add3A = arith.addi %mul3A_0, %arg0 : i32
    %mul3A_1 = arith.constant 5000 : i32
    %mul3A_2 = arith.muli %add3A, %mul3A_1 : i32
    %scan3A = arith.constant 0 : i32
    %scan3A_3 = arith.constant 16 : i32
    %scan3A_4 = arith.addi %scan3A, %scan3A_3 : i32
    %scan3A_5 = arith.constant 1 : i32
    scf.for %scan3A_28 = %scan3A to %scan3A_4 step %scan3A_5  : i32 {
      %mul3A_29 = arith.constant 1 : i32
      %mul3A_30 = arith.muli %scan3A_28, %mul3A_29 : i32
      %add3A_31 = arith.constant 0 : i32
      %add3A_32 = arith.addi %add3A_31, %mul3A_30 : i32
      %broadcast_in_dim3A = arith.constant 0.000000e+00 : f32
      %broadcast_in_dim3A_33 = vector.broadcast %broadcast_in_dim3A : f32 to vector<16xf32>
      %swap3A = arith.index_cast %add3A_32 : i32 to index
      %swap3A_34 = arith.constant 0 : index
      %swap3A_35 = tpu.vector_load %arg9[%swap3A, %swap3A_34] {strides = array<i32>} : memref<16x128xf32, #tpu.memory_space<vmem>>, vector<16xf32>,
      tpu.vector_store %arg9[%swap3A, %swap3A_34], %broadcast_in_dim3A_33 {strides = array<i32>} : memref<16x128xf32, #tpu.memory_space<vmem>>, vector<16xf32>,
      %broadcast_in_dim3A_36 = arith.constant 0.000000e+00 : f32
      %broadcast_in_dim3A_37 = vector.broadcast %broadcast_in_dim3A_36 : f32 to vector<16xf32>
      %swap3A_38 = arith.index_cast %add3A_32 : i32 to index
      %swap3A_39 = arith.constant 16 : index
      %swap3A_40 = tpu.vector_load %arg9[%swap3A_38, %swap3A_39] {strides = array<i32>} : memref<16x128xf32, #tpu.memory_space<vmem>>, vector<16xf32>,
      tpu.vector_store %arg9[%swap3A_38, %swap3A_39], %broadcast_in_dim3A_37 {strides = array<i32>} : memref<16x128xf32, #tpu.memory_space<vmem>>, vector<16xf32>,
      %broadcast_in_dim3A_41 = arith.constant 0.000000e+00 : f32
      %broadcast_in_dim3A_42 = vector.broadcast %broadcast_in_dim3A_41 : f32 to vector<16xf32>
      %swap3A_43 = arith.index_cast %add3A_32 : i32 to index
      %swap3A_44 = arith.constant 32 : index
      %swap3A_45 = tpu.vector_load %arg9[%swap3A_43, %swap3A_44] {strides = array<i32>} : memref<16x128xf32, #tpu.memory_space<vmem>>, vector<16xf32>,
      tpu.vector_store %arg9[%swap3A_43, %swap3A_44], %broadcast_in_dim3A_42 {strides = array<i32>} : memref<16x128xf32, #tpu.memory_space<vmem>>, vector<16xf32>,
      %broadcast_in_dim3A_46 = arith.constant 0.000000e+00 : f32
      %broadcast_in_dim3A_47 = vector.broadcast %broadcast_in_dim3A_46 : f32 to vector<16xf32>
      %swap3A_48 = arith.index_cast %add3A_32 : i32 to index
      %swap3A_49 = arith.constant 48 : index
      %swap3A_50 = tpu.vector_load %arg9[%swap3A_48, %swap3A_49] {strides = array<i32>} : memref<16x128xf32, #tpu.memory_space<vmem>>, vector<16xf32>,
      tpu.vector_store %arg9[%swap3A_48, %swap3A_49], %broadcast_in_dim3A_47 {strides = array<i32>} : memref<16x128xf32, #tpu.memory_space<vmem>>, vector<16xf32>,
      %broadcast_in_dim3A_51 = arith.constant 0.000000e+00 : f32
      %broadcast_in_dim3A_52 = vector.broadcast %broadcast_in_dim3A_51 : f32 to vector<16xf32>
      %swap3A_53 = arith.index_cast %add3A_32 : i32 to index
      %swap3A_54 = arith.constant 64 : index
      %swap3A_55 = tpu.vector_load %arg9[%swap3A_53, %swap3A_54] {strides = array<i32>} : memref<16x128xf32, #tpu.memory_space<vmem>>, vector<16xf32>,
      tpu.vector_store %arg9[%swap3A_53, %swap3A_54], %broadcast_in_dim3A_52 {strides = array<i32>} : memref<16x128xf32, #tpu.memory_space<vmem>>, vector<16xf32>,
      %broadcast_in_dim3A_56 = arith.constant 0.000000e+00 : f32
      %broadcast_in_dim3A_57 = vector.broadcast %broadcast_in_dim3A_56 : f32 to vector<16xf32>
      %swap3A_58 = arith.index_cast %add3A_32 : i32 to index
      %swap3A_59 = arith.constant 80 : index
      %swap3A_60 = tpu.vector_load %arg9[%swap3A_58, %swap3A_59] {strides = array<i32>} : memref<16x128xf32, #tpu.memory_space<vmem>>, vector<16xf32>,
      tpu.vector_store %arg9[%swap3A_58, %swap3A_59], %broadcast_in_dim3A_57 {strides = array<i32>} : memref<16x128xf32, #tpu.memory_space<vmem>>, vector<16xf32>,
      %broadcast_in_dim3A_61 = arith.constant 0.000000e+00 : f32
      %broadcast_in_dim3A_62 = vector.broadcast %broadcast_in_dim3A_61 : f32 to vector<16xf32>
      %swap3A_63 = arith.index_cast %add3A_32 : i32 to index
      %swap3A_64 = arith.constant 96 : index
      %swap3A_65 = tpu.vector_load %arg9[%swap3A_63, %swap3A_64] {strides = array<i32>} : memref<16x128xf32, #tpu.memory_space<vmem>>, vector<16xf32>,
      tpu.vector_store %arg9[%swap3A_63, %swap3A_64], %broadcast_in_dim3A_62 {strides = array<i32>} : memref<16x128xf32, #tpu.memory_space<vmem>>, vector<16xf32>,
      %broadcast_in_dim3A_66 = arith.constant 0.000000e+00 : f32
      %broadcast_in_dim3A_67 = vector.broadcast %broadcast_in_dim3A_66 : f32 to vector<16xf32>
      %swap3A_68 = arith.index_cast %add3A_32 : i32 to index
      %swap3A_69 = arith.constant 112 : index
      %swap3A_70 = tpu.vector_load %arg9[%swap3A_68, %swap3A_69] {strides = array<i32>} : memref<16x128xf32, #tpu.memory_space<vmem>>, vector<16xf32>,
      tpu.vector_store %arg9[%swap3A_68, %swap3A_69], %broadcast_in_dim3A_67 {strides = array<i32>} : memref<16x128xf32, #tpu.memory_space<vmem>>, vector<16xf32>,
    }
    %scan3A_6 = arith.constant 16 : i32
    %scan3A_7 = arith.constant 0 : i32
    %scan3A_8 = arith.constant 40 : i32
    %scan3A_9 = arith.addi %scan3A_7, %scan3A_8 : i32
    %scan3A_10 = arith.constant 1 : i32
    scf.for %scan3A_28 = %scan3A_7 to %scan3A_9 step %scan3A_10  : i32 {
      %mul3A_29 = arith.constant 1 : i32
      %mul3A_30 = arith.muli %scan3A_28, %mul3A_29 : i32
      %add3A_31 = arith.constant 0 : i32
      %add3A_32 = arith.addi %add3A_31, %mul3A_30 : i32
      %broadcast_in_dim3A = arith.constant 0.000000e+00 : f32
      %broadcast_in_dim3A_33 = vector.broadcast %broadcast_in_dim3A : f32 to vector<16xf32>
      %swap3A = arith.index_cast %add3A_32 : i32 to index
      %swap3A_34 = arith.constant 0 : index
      %swap3A_35 = tpu.vector_load %arg8[%swap3A, %swap3A_34] {strides = array<i32>} : memref<40x128xf32, #tpu.memory_space<vmem>>, vector<16xf32>,
      tpu.vector_store %arg8[%swap3A, %swap3A_34], %broadcast_in_dim3A_33 {strides = array<i32>} : memref<40x128xf32, #tpu.memory_space<vmem>>, vector<16xf32>,
      %broadcast_in_dim3A_36 = arith.constant 0.000000e+00 : f32
      %broadcast_in_dim3A_37 = vector.broadcast %broadcast_in_dim3A_36 : f32 to vector<16xf32>
      %swap3A_38 = arith.index_cast %add3A_32 : i32 to index
      %swap3A_39 = arith.constant 16 : index
      %swap3A_40 = tpu.vector_load %arg8[%swap3A_38, %swap3A_39] {strides = array<i32>} : memref<40x128xf32, #tpu.memory_space<vmem>>, vector<16xf32>,
      tpu.vector_store %arg8[%swap3A_38, %swap3A_39], %broadcast_in_dim3A_37 {strides = array<i32>} : memref<40x128xf32, #tpu.memory_space<vmem>>, vector<16xf32>,
      %broadcast_in_dim3A_41 = arith.constant 0.000000e+00 : f32
      %broadcast_in_dim3A_42 = vector.broadcast %broadcast_in_dim3A_41 : f32 to vector<16xf32>
      %swap3A_43 = arith.index_cast %add3A_32 : i32 to index
      %swap3A_44 = arith.constant 32 : index
      %swap3A_45 = tpu.vector_load %arg8[%swap3A_43, %swap3A_44] {strides = array<i32>} : memref<40x128xf32, #tpu.memory_space<vmem>>, vector<16xf32>,
      tpu.vector_store %arg8[%swap3A_43, %swap3A_44], %broadcast_in_dim3A_42 {strides = array<i32>} : memref<40x128xf32, #tpu.memory_space<vmem>>, vector<16xf32>,
      %broadcast_in_dim3A_46 = arith.constant 0.000000e+00 : f32
      %broadcast_in_dim3A_47 = vector.broadcast %broadcast_in_dim3A_46 : f32 to vector<16xf32>
      %swap3A_48 = arith.index_cast %add3A_32 : i32 to index
      %swap3A_49 = arith.constant 48 : index
      %swap3A_50 = tpu.vector_load %arg8[%swap3A_48, %swap3A_49] {strides = array<i32>} : memref<40x128xf32, #tpu.memory_space<vmem>>, vector<16xf32>,
      tpu.vector_store %arg8[%swap3A_48, %swap3A_49], %broadcast_in_dim3A_47 {strides = array<i32>} : memref<40x128xf32, #tpu.memory_space<vmem>>, vector<16xf32>,
      %broadcast_in_dim3A_51 = arith.constant 0.000000e+00 : f32
      %broadcast_in_dim3A_52 = vector.broadcast %broadcast_in_dim3A_51 : f32 to vector<16xf32>
      %swap3A_53 = arith.index_cast %add3A_32 : i32 to index
      %swap3A_54 = arith.constant 64 : index
      %swap3A_55 = tpu.vector_load %arg8[%swap3A_53, %swap3A_54] {strides = array<i32>} : memref<40x128xf32, #tpu.memory_space<vmem>>, vector<16xf32>,
      tpu.vector_store %arg8[%swap3A_53, %swap3A_54], %broadcast_in_dim3A_52 {strides = array<i32>} : memref<40x128xf32, #tpu.memory_space<vmem>>, vector<16xf32>,
      %broadcast_in_dim3A_56 = arith.constant 0.000000e+00 : f32
      %broadcast_in_dim3A_57 = vector.broadcast %broadcast_in_dim3A_56 : f32 to vector<16xf32>
      %swap3A_58 = arith.index_cast %add3A_32 : i32 to index
      %swap3A_59 = arith.constant 80 : index
      %swap3A_60 = tpu.vector_load %arg8[%swap3A_58, %swap3A_59] {strides = array<i32>} : memref<40x128xf32, #tpu.memory_space<vmem>>, vector<16xf32>,
      tpu.vector_store %arg8[%swap3A_58, %swap3A_59], %broadcast_in_dim3A_57 {strides = array<i32>} : memref<40x128xf32, #tpu.memory_space<vmem>>, vector<16xf32>,
      %broadcast_in_dim3A_61 = arith.constant 0.000000e+00 : f32
      %broadcast_in_dim3A_62 = vector.broadcast %broadcast_in_dim3A_61 : f32 to vector<16xf32>
      %swap3A_63 = arith.index_cast %add3A_32 : i32 to index
      %swap3A_64 = arith.constant 96 : index
      %swap3A_65 = tpu.vector_load %arg8[%swap3A_63, %swap3A_64] {strides = array<i32>} : memref<40x128xf32, #tpu.memory_space<vmem>>, vector<16xf32>,
      tpu.vector_store %arg8[%swap3A_63, %swap3A_64], %broadcast_in_dim3A_62 {strides = array<i32>} : memref<40x128xf32, #tpu.memory_space<vmem>>, vector<16xf32>,
      %broadcast_in_dim3A_66 = arith.constant 0.000000e+00 : f32
      %broadcast_in_dim3A_67 = vector.broadcast %broadcast_in_dim3A_66 : f32 to vector<16xf32>
      %swap3A_68 = arith.index_cast %add3A_32 : i32 to index
      %swap3A_69 = arith.constant 112 : index
      %swap3A_70 = tpu.vector_load %arg8[%swap3A_68, %swap3A_69] {strides = array<i32>} : memref<40x128xf32, #tpu.memory_space<vmem>>, vector<16xf32>,
      tpu.vector_store %arg8[%swap3A_68, %swap3A_69], %broadcast_in_dim3A_67 {strides = array<i32>} : memref<40x128xf32, #tpu.memory_space<vmem>>, vector<16xf32>,
    }
    %scan3A_11 = arith.constant 40 : i32
    %scan3A_12 = arith.constant 0 : i32
    %scan3A_13 = arith.constant 40 : i32
    %scan3A_14 = arith.addi %scan3A_12, %scan3A_13 : i32
    %scan3A_15 = arith.constant 1 : i32
    scf.for %scan3A_28 = %scan3A_12 to %scan3A_14 step %scan3A_15  : i32 {
      %mul3A_29 = arith.constant 1 : i32
      %mul3A_30 = arith.muli %scan3A_28, %mul3A_29 : i32
      %add3A_31 = arith.constant 0 : i32
      %add3A_32 = arith.addi %add3A_31, %mul3A_30 : i32
      %mul3A_33 = arith.constant 16 : i32
      %mul3A_34 = arith.muli %add3A_32, %mul3A_33 : i32
      %add3A_35 = arith.addi %arg1, %mul3A_34 : i32
      %lt3A = arith.constant 625 : i32
      %lt3A_36 = arith.cmpi slt, %add3A_35, %lt3A : i32
      %convert_element_type3A = arith.extui %lt3A_36 : i1 to i32
      %cond3A = arith.constant 0 : i32
      %cond3A_37 = arith.cmpi ne, %convert_element_type3A, %cond3A : i32
      scf.if %cond3A_37 {
        %mul3A_38 = arith.constant 16 : i32
        %mul3A_39 = arith.muli %add3A_35, %mul3A_38 : i32
        "tpu.region"() ({
          %run_scoped3A = tpu.sem_alloc : memref<!tpu.dma_semaphore, #tpu.memory_space<semaphore_mem>>
          %dma_start3A = arith.constant 0 : i32
          %dma_start3A_40 = tpu.memref_slice %arg10[%mul3A_39, %dma_start3A] : memref<10000x128xf32, #tpu.memory_space<vmem_shared>> -> memref<16x128xf32, #tpu.memory_space<vmem_shared>>
          %dma_start3A_41 = arith.constant 0 : i32
          %dma_start3A_42 = tpu.memref_slice %arg10[%mul3A_39, %dma_start3A_41] : memref<10000x128xf32, #tpu.memory_space<vmem_shared>> -> memref<16x128xf32, #tpu.memory_space<vmem_shared>>
          tpu.enqueue_dma source(%arg9 : memref<16x128xf32, #tpu.memory_space<vmem>>) target(%dma_start3A_42 : memref<16x128xf32, #tpu.memory_space<vmem_shared>>) target_semaphore(%run_scoped3A : memref<!tpu.dma_semaphore, #tpu.memory_space<semaphore_mem>>)
          %dma_wait3A = arith.constant 0 : i32
          %dma_wait3A_43 = tpu.memref_slice %arg10[%mul3A_39, %dma_wait3A] : memref<10000x128xf32, #tpu.memory_space<vmem_shared>> -> memref<16x128xf32, #tpu.memory_space<vmem_shared>>
          %dma_wait3A_44 = arith.constant 0 : i32
          %dma_wait3A_45 = tpu.memref_slice %arg10[%mul3A_39, %dma_wait3A_44] : memref<10000x128xf32, #tpu.memory_space<vmem_shared>> -> memref<16x128xf32, #tpu.memory_space<vmem_shared>>
          tpu.wait_dma2 semaphore(%run_scoped3A : memref<!tpu.dma_semaphore, #tpu.memory_space<semaphore_mem>>) src(%arg9 : memref<16x128xf32, #tpu.memory_space<vmem>>) dst(%dma_wait3A_45 : memref<16x128xf32, #tpu.memory_space<vmem_shared>>)
          tpu.yield
        }) : () -> ()
      } else {
      }
    }
    %scan3A_16 = arith.constant 40 : i32
    %barrier3A = arith.constant 0 : index
    tpu.barrier barrier_id(%barrier3A)
    %scan3A_17 = arith.constant 0 : i32
    %scan3A_18 = arith.constant 125 : i32
    %scan3A_19 = arith.addi %scan3A_17, %scan3A_18 : i32
    %scan3A_20 = arith.constant 1 : i32
    scf.for %scan3A_28 = %scan3A_17 to %scan3A_19 step %scan3A_20  : i32 {
      %mul3A_29 = arith.constant 1 : i32
      %mul3A_30 = arith.muli %scan3A_28, %mul3A_29 : i32
      %add3A_31 = arith.constant 0 : i32
      %add3A_32 = arith.addi %add3A_31, %mul3A_30 : i32
      %mul3A_33 = arith.constant 40 : i32
      %mul3A_34 = arith.muli %add3A_32, %mul3A_33 : i32
      %add3A_35 = arith.addi %mul3A_2, %mul3A_34 : i32
      "tpu.region"() ({
        %run_scoped3A = tpu.sem_alloc : memref<!tpu.dma_semaphore, #tpu.memory_space<semaphore_mem>>
        %dma_start3A = tpu.memref_slice %arg3[%add3A_35] : memref<160000xi32, #tpu.memory_space<hbm>> -> memref<40xi32, #tpu.memory_space<hbm>>
        %dma_start3A_41 = tpu.memref_slice %arg3[%add3A_35] : memref<160000xi32, #tpu.memory_space<hbm>> -> memref<40xi32, #tpu.memory_space<hbm>>
        tpu.enqueue_dma source(%dma_start3A_41 : memref<40xi32, #tpu.memory_space<hbm>>) target(%arg6 : memref<40xi32, #tpu.memory_space<vmem>>) target_semaphore(%run_scoped3A : memref<!tpu.dma_semaphore, #tpu.memory_space<semaphore_mem>>)
        %dma_wait3A = tpu.memref_slice %arg3[%add3A_35] : memref<160000xi32, #tpu.memory_space<hbm>> -> memref<40xi32, #tpu.memory_space<hbm>>
        %dma_wait3A_42 = tpu.memref_slice %arg3[%add3A_35] : memref<160000xi32, #tpu.memory_space<hbm>> -> memref<40xi32, #tpu.memory_space<hbm>>
        tpu.wait_dma2 semaphore(%run_scoped3A : memref<!tpu.dma_semaphore, #tpu.memory_space<semaphore_mem>>) src(%dma_wait3A_42 : memref<40xi32, #tpu.memory_space<hbm>>) dst(%arg6 : memref<40xi32, #tpu.memory_space<vmem>>)
        tpu.yield
      }) : () -> ()
      "tpu.region"() ({
        %run_scoped3A = tpu.sem_alloc : memref<!tpu.dma_semaphore, #tpu.memory_space<semaphore_mem>>
        %dma_start3A = arith.constant 0 : i32
        %dma_start3A_41 = tpu.memref_slice %arg2[%add3A_35, %dma_start3A] : memref<160000x16xf32, #tpu.memory_space<hbm>> -> memref<40x16xf32, #tpu.memory_space<hbm>>
        %dma_start3A_42 = arith.constant 0 : i32
        %dma_start3A_43 = tpu.memref_slice %arg2[%add3A_35, %dma_start3A_42] : memref<160000x16xf32, #tpu.memory_space<hbm>> -> memref<40x16xf32, #tpu.memory_space<hbm>>
        tpu.enqueue_dma source(%dma_start3A_43 : memref<40x16xf32, #tpu.memory_space<hbm>>) target(%arg7 : memref<40x16xf32, #tpu.memory_space<vmem>>) target_semaphore(%run_scoped3A : memref<!tpu.dma_semaphore, #tpu.memory_space<semaphore_mem>>)
        %dma_wait3A = arith.constant 0 : i32
        %dma_wait3A_44 = tpu.memref_slice %arg2[%add3A_35, %dma_wait3A] : memref<160000x16xf32, #tpu.memory_space<hbm>> -> memref<40x16xf32, #tpu.memory_space<hbm>>
        %dma_wait3A_45 = arith.constant 0 : i32
        %dma_wait3A_46 = tpu.memref_slice %arg2[%add3A_35, %dma_wait3A_45] : memref<160000x16xf32, #tpu.memory_space<hbm>> -> memref<40x16xf32, #tpu.memory_space<hbm>>
        tpu.wait_dma2 semaphore(%run_scoped3A : memref<!tpu.dma_semaphore, #tpu.memory_space<semaphore_mem>>) src(%dma_wait3A_46 : memref<40x16xf32, #tpu.memory_space<hbm>>) dst(%arg7 : memref<40x16xf32, #tpu.memory_space<vmem>>)
        tpu.yield
      }) : () -> ()
      %scan3A_36 = arith.constant 0 : i32
      %scan3A_37 = arith.constant 40 : i32
      %scan3A_38 = arith.addi %scan3A_36, %scan3A_37 : i32
      %scan3A_39 = arith.constant 1 : i32
      scf.for %scan3A_41 = %scan3A_36 to %scan3A_38 step %scan3A_39  : i32 {
        %mul3A_42 = arith.constant 1 : i32
        %mul3A_43 = arith.muli %scan3A_41, %mul3A_42 : i32
        %add3A_44 = arith.constant 0 : i32
        %add3A_45 = arith.addi %add3A_44, %mul3A_43 : i32
        %get3A = arith.index_cast %add3A_45 : i32 to index
        %get3A_46 = arith.constant 0 : index
        %get3A_47 = tpu.vector_load %arg7[%get3A, %get3A_46] {strides = array<i32>} : memref<40x16xf32, #tpu.memory_space<vmem>>, vector<16xf32>,
        %swap3A = arith.index_cast %add3A_45 : i32 to index
        %swap3A_48 = arith.constant 0 : index
        %swap3A_49 = tpu.vector_load %arg8[%swap3A, %swap3A_48] {strides = array<i32>} : memref<40x128xf32, #tpu.memory_space<vmem>>, vector<16xf32>,
        tpu.vector_store %arg8[%swap3A, %swap3A_48], %get3A_47 {strides = array<i32>} : memref<40x128xf32, #tpu.memory_space<vmem>>, vector<16xf32>,
      }
      %scan3A_40 = arith.constant 40 : i32
      "tpu.region"() ({
        %run_scoped3A = tpu.sem_alloc : memref<!tpu.dma_semaphore, #tpu.memory_space<semaphore_mem>>
        %dma_start3A = arith.constant 0 : i32
        %dma_start3A_41 = arith.constant 0 : i32
        %dma_start3A_42 = tpu.memref_slice %arg10[%dma_start3A, %dma_start3A_41] : memref<10000x128xf32, #tpu.memory_space<vmem_shared>> -> memref<10000x128xf32, #tpu.memory_space<vmem_shared>>
        tpu.enqueue_indirect_dma source(%arg8 : memref<40x128xf32, #tpu.memory_space<vmem>>) target(%dma_start3A_42 : memref<10000x128xf32, #tpu.memory_space<vmem_shared>>) offsets(%arg6 : memref<40xi32, #tpu.memory_space<vmem>>) semaphore(%run_scoped3A : memref<!tpu.dma_semaphore, #tpu.memory_space<semaphore_mem>>) {add = true}
        %dma_wait3A = arith.constant 0 : i32
        %dma_wait3A_43 = arith.constant 0 : i32
        %dma_wait3A_44 = tpu.memref_slice %arg10[%dma_wait3A, %dma_wait3A_43] : memref<10000x128xf32, #tpu.memory_space<vmem_shared>> -> memref<10000x128xf32, #tpu.memory_space<vmem_shared>>
        tpu.wait_indirect_dma semaphore(%run_scoped3A : memref<!tpu.dma_semaphore, #tpu.memory_space<semaphore_mem>>) src(%arg8 : memref<40x128xf32, #tpu.memory_space<vmem>>) dst(%dma_wait3A_44 : memref<10000x128xf32, #tpu.memory_space<vmem_shared>>)
        tpu.yield
      }) : () -> ()
    }
    %scan3A_21 = arith.constant 125 : i32
    %barrier3A_22 = arith.constant 0 : index
    tpu.barrier barrier_id(%barrier3A_22)
    %scan3A_23 = arith.constant 0 : i32
    %scan3A_24 = arith.constant 40 : i32
    %scan3A_25 = arith.addi %scan3A_23, %scan3A_24 : i32
    %scan3A_26 = arith.constant 1 : i32
    scf.for %scan3A_28 = %scan3A_23 to %scan3A_25 step %scan3A_26  : i32 {
      %mul3A_29 = arith.constant 1 : i32
      %mul3A_30 = arith.muli %scan3A_28, %mul3A_29 : i32
      %add3A_31 = arith.constant 0 : i32
      %add3A_32 = arith.addi %add3A_31, %mul3A_30 : i32
      %mul3A_33 = arith.constant 16 : i32
      %mul3A_34 = arith.muli %add3A_32, %mul3A_33 : i32
      %add3A_35 = arith.addi %arg1, %mul3A_34 : i32
      %lt3A = arith.constant 625 : i32
      %lt3A_36 = arith.cmpi slt, %add3A_35, %lt3A : i32
      %eq3A = arith.constant 0 : i32
      %eq3A_37 = arith.cmpi eq, %arg0, %eq3A : i32
      %and3A = arith.andi %lt3A_36, %eq3A_37 : i1
      %convert_element_type3A = arith.extui %and3A : i1 to i32
      %cond3A = arith.constant 0 : i32
      %cond3A_38 = arith.cmpi ne, %convert_element_type3A, %cond3A : i32
      scf.if %cond3A_38 {
        %mul3A_47 = arith.constant 16 : i32
        %mul3A_48 = arith.muli %add3A_35, %mul3A_47 : i32
        "tpu.region"() ({
          %run_scoped3A = tpu.sem_alloc : memref<!tpu.dma_semaphore, #tpu.memory_space<semaphore_mem>>
          %dma_start3A = arith.constant 0 : i32
          %dma_start3A_49 = tpu.memref_slice %arg4[%mul3A_48, %dma_start3A] : memref<10000x128xf32, #tpu.memory_space<hbm>> -> memref<16x128xf32, #tpu.memory_space<hbm>>
          %dma_start3A_50 = arith.constant 0 : i32
          %dma_start3A_51 = tpu.memref_slice %arg10[%mul3A_48, %dma_start3A_50] : memref<10000x128xf32, #tpu.memory_space<vmem_shared>> -> memref<16x128xf32, #tpu.memory_space<vmem_shared>>
          tpu.enqueue_dma source(%dma_start3A_51 : memref<16x128xf32, #tpu.memory_space<vmem_shared>>) target(%dma_start3A_49 : memref<16x128xf32, #tpu.memory_space<hbm>>) target_semaphore(%run_scoped3A : memref<!tpu.dma_semaphore, #tpu.memory_space<semaphore_mem>>)
          %dma_wait3A = arith.constant 0 : i32
          %dma_wait3A_52 = tpu.memref_slice %arg4[%mul3A_48, %dma_wait3A] : memref<10000x128xf32, #tpu.memory_space<hbm>> -> memref<16x128xf32, #tpu.memory_space<hbm>>
          %dma_wait3A_53 = arith.constant 0 : i32
          %dma_wait3A_54 = tpu.memref_slice %arg10[%mul3A_48, %dma_wait3A_53] : memref<10000x128xf32, #tpu.memory_space<vmem_shared>> -> memref<16x128xf32, #tpu.memory_space<vmem_shared>>
          tpu.wait_dma2 semaphore(%run_scoped3A : memref<!tpu.dma_semaphore, #tpu.memory_space<semaphore_mem>>) src(%dma_wait3A_54 : memref<16x128xf32, #tpu.memory_space<vmem_shared>>) dst(%dma_wait3A_52 : memref<16x128xf32, #tpu.memory_space<hbm>>)
          tpu.yield
        }) : () -> ()
      } else {
      }
      %lt3A_39 = arith.constant 625 : i32
      %lt3A_40 = arith.cmpi slt, %add3A_35, %lt3A_39 : i32
      %eq3A_41 = arith.constant 1 : i32
      %eq3A_42 = arith.cmpi eq, %arg0, %eq3A_41 : i32
      %and3A_43 = arith.andi %lt3A_40, %eq3A_42 : i1
      %convert_element_type3A_44 = arith.extui %and3A_43 : i1 to i32
      %cond3A_45 = arith.constant 0 : i32
      %cond3A_46 = arith.cmpi ne, %convert_element_type3A_44, %cond3A_45 : i32
      scf.if %cond3A_46 {
        %mul3A_47 = arith.constant 16 : i32
        %mul3A_48 = arith.muli %add3A_35, %mul3A_47 : i32
        "tpu.region"() ({
          %run_scoped3A = tpu.sem_alloc : memref<!tpu.dma_semaphore, #tpu.memory_space<semaphore_mem>>
          %dma_start3A = arith.constant 0 : i32
          %dma_start3A_49 = tpu.memref_slice %arg5[%mul3A_48, %dma_start3A] : memref<10000x128xf32, #tpu.memory_space<hbm>> -> memref<16x128xf32, #tpu.memory_space<hbm>>
          %dma_start3A_50 = arith.constant 0 : i32
          %dma_start3A_51 = tpu.memref_slice %arg10[%mul3A_48, %dma_start3A_50] : memref<10000x128xf32, #tpu.memory_space<vmem_shared>> -> memref<16x128xf32, #tpu.memory_space<vmem_shared>>
          tpu.enqueue_dma source(%dma_start3A_51 : memref<16x128xf32, #tpu.memory_space<vmem_shared>>) target(%dma_start3A_49 : memref<16x128xf32, #tpu.memory_space<hbm>>) target_semaphore(%run_scoped3A : memref<!tpu.dma_semaphore, #tpu.memory_space<semaphore_mem>>)
          %dma_wait3A = arith.constant 0 : i32
          %dma_wait3A_52 = tpu.memref_slice %arg5[%mul3A_48, %dma_wait3A] : memref<10000x128xf32, #tpu.memory_space<hbm>> -> memref<16x128xf32, #tpu.memory_space<hbm>>
          %dma_wait3A_53 = arith.constant 0 : i32
          %dma_wait3A_54 = tpu.memref_slice %arg10[%mul3A_48, %dma_wait3A_53] : memref<10000x128xf32, #tpu.memory_space<vmem_shared>> -> memref<16x128xf32, #tpu.memory_space<vmem_shared>>
          tpu.wait_dma2 semaphore(%run_scoped3A : memref<!tpu.dma_semaphore, #tpu.memory_space<semaphore_mem>>) src(%dma_wait3A_54 : memref<16x128xf32, #tpu.memory_space<vmem_shared>>) dst(%dma_wait3A_52 : memref<16x128xf32, #tpu.memory_space<hbm>>)
          tpu.yield
        }) : () -> ()
      } else {
      }
    }
    %scan3A_27 = arith.constant 40 : i32
    return
  }
}

module attributes {stable_mosaic.version = 14 : i64} {
  func.func @_mm_cat_kernel(%arg0: i32, %arg1: memref<400x256xf32, #tpu.memory_space<vmem>>, %arg2: memref<256x1536xf32, #tpu.memory_space<vmem>>, %arg3: memref<1x1536xf32, #tpu.memory_space<vmem>>, %arg4: memref<400x512xf32, #tpu.memory_space<vmem>>, %arg5: memref<400x512xf32, #tpu.memory_space<vmem>>, %arg6: memref<400x512xf32, #tpu.memory_space<vmem>>) attributes {dimension_semantics = [#tpu.dimension_semantics<arbitrary>], iteration_bounds = array<i64: 25>, scalar_prefetch = 0 : i64, scratch_operands = 0 : i64, tpu.core_type = #tpu.core_type<tc>, window_params = [{transform_indices = @transform_0, window_bounds = array<i64: 400, 256>}, {pipeline_mode = #tpu.pipeline_mode<synchronous>, transform_indices = @transform_1, window_bounds = array<i64: 256, 1536>}, {pipeline_mode = #tpu.pipeline_mode<synchronous>, transform_indices = @transform_2, window_bounds = array<i64: 1, 1536>}, {transform_indices = @transform_3, window_bounds = array<i64: 400, 512>}, {transform_indices = @transform_4, window_bounds = array<i64: 400, 512>}, {transform_indices = @transform_5, window_bounds = array<i64: 400, 512>}]} {
    %get3A = arith.constant 0 : index
    %get3A_0 = arith.constant 0 : index
    %get3A_1 = vector.load %arg1[%get3A, %get3A_0] : memref<400x256xf32, #tpu.memory_space<vmem>>, vector<400x256xf32>
    %get3A_2 = arith.constant 0 : index
    %get3A_3 = arith.constant 0 : index
    %get3A_4 = vector.load %arg2[%get3A_2, %get3A_3] : memref<256x1536xf32, #tpu.memory_space<vmem>>, vector<256x1536xf32>
    %dot_general3A = arith.constant dense<0.000000e+00> : vector<400x1536xf32>
    %dot_general3A_5 = tpu.matmul %get3A_1, %get3A_4, %dot_general3A {dimension_numbers = #tpu.dot_dimension_numbers<[1], [0], [0], [1], [0, 0, 1, 1], [], []>, precision = #tpu.contract_precision<fp32>, transpose_lhs_hint = false} : vector<400x256xf32>, vector<256x1536xf32>, vector<400x1536xf32> -> vector<400x1536xf32>
    %get3A_6 = arith.constant 0 : index
    %get3A_7 = arith.constant 0 : index
    %get3A_8 = vector.load %arg3[%get3A_6, %get3A_7] : memref<1x1536xf32, #tpu.memory_space<vmem>>, vector<1x1536xf32>
    %add3A = vector.broadcast %get3A_8 : vector<1x1536xf32> to vector<400x1536xf32>
    %add3A_9 = arith.addf %dot_general3A_5, %add3A : vector<400x1536xf32>
    %slice3A = vector.extract_strided_slice %add3A_9 {offsets = [0, 0], sizes = [400, 512], strides = [1, 1]} : vector<400x1536xf32> to vector<400x512xf32>
    %swap3A = arith.constant 0 : index
    %swap3A_10 = arith.constant 0 : index
    %swap3A_11 = vector.load %arg4[%swap3A, %swap3A_10] : memref<400x512xf32, #tpu.memory_space<vmem>>, vector<400x512xf32>
    tpu.vector_store %arg4[%swap3A, %swap3A_10], %slice3A {strides = array<i32>} : memref<400x512xf32, #tpu.memory_space<vmem>>, vector<400x512xf32>,
    %slice3A_12 = vector.extract_strided_slice %add3A_9 {offsets = [0, 512], sizes = [400, 512], strides = [1, 1]} : vector<400x1536xf32> to vector<400x512xf32>
    %swap3A_13 = arith.constant 0 : index
    %swap3A_14 = arith.constant 0 : index
    %swap3A_15 = vector.load %arg5[%swap3A_13, %swap3A_14] : memref<400x512xf32, #tpu.memory_space<vmem>>, vector<400x512xf32>
    tpu.vector_store %arg5[%swap3A_13, %swap3A_14], %slice3A_12 {strides = array<i32>} : memref<400x512xf32, #tpu.memory_space<vmem>>, vector<400x512xf32>,
    %slice3A_16 = vector.extract_strided_slice %add3A_9 {offsets = [0, 1024], sizes = [400, 512], strides = [1, 1]} : vector<400x1536xf32> to vector<400x512xf32>
    %swap3A_17 = arith.constant 0 : index
    %swap3A_18 = arith.constant 0 : index
    %swap3A_19 = vector.load %arg6[%swap3A_17, %swap3A_18] : memref<400x512xf32, #tpu.memory_space<vmem>>, vector<400x512xf32>
    tpu.vector_store %arg6[%swap3A_17, %swap3A_18], %slice3A_16 {strides = array<i32>} : memref<400x512xf32, #tpu.memory_space<vmem>>, vector<400x512xf32>,
    return
  }
  func.func @transform_0(%arg0: i32) -> (i32, i32) {
    %c0_i32 = arith.constant 0 : i32
    %c0_i32_0 = arith.constant 0 : i32
    return %arg0, %c0_i32 : i32, i32
  }
  func.func @transform_1(%arg0: i32) -> (i32, i32) {
    %c0_i32 = arith.constant 0 : i32
    %c0_i32_0 = arith.constant 0 : i32
    %c0_i32_1 = arith.constant 0 : i32
    return %c0_i32, %c0_i32_0 : i32, i32
  }
  func.func @transform_2(%arg0: i32) -> (i32, i32) {
    %c0_i32 = arith.constant 0 : i32
    %c0_i32_0 = arith.constant 0 : i32
    %c0_i32_1 = arith.constant 0 : i32
    return %c0_i32, %c0_i32_0 : i32, i32
  }
  func.func @transform_3(%arg0: i32) -> (i32, i32) {
    %c0_i32 = arith.constant 0 : i32
    %c0_i32_0 = arith.constant 0 : i32
    return %arg0, %c0_i32 : i32, i32
  }
  func.func @transform_4(%arg0: i32) -> (i32, i32) {
    %c0_i32 = arith.constant 0 : i32
    %c0_i32_0 = arith.constant 0 : i32
    return %arg0, %c0_i32 : i32, i32
  }
  func.func @transform_5(%arg0: i32) -> (i32, i32) {
    %c0_i32 = arith.constant 0 : i32
    %c0_i32_0 = arith.constant 0 : i32
    return %arg0, %c0_i32 : i32, i32
  }
}

module attributes {stable_mosaic.version = 14 : i64} {
  func.func @_mm_edge_kernel(%arg0: i32, %arg1: memref<2000x16xf32, #tpu.memory_space<vmem>>, %arg2: memref<16x512xf32, #tpu.memory_space<vmem>>, %arg3: memref<1x512xf32, #tpu.memory_space<vmem>>, %arg4: memref<2000x512xf32, #tpu.memory_space<vmem>>) attributes {dimension_semantics = [#tpu.dimension_semantics<arbitrary>], iteration_bounds = array<i64: 80>, scalar_prefetch = 0 : i64, scratch_operands = 0 : i64, tpu.core_type = #tpu.core_type<tc>, window_params = [{transform_indices = @transform_0, window_bounds = array<i64: 2000, 16>}, {pipeline_mode = #tpu.pipeline_mode<synchronous>, transform_indices = @transform_1, window_bounds = array<i64: 16, 512>}, {pipeline_mode = #tpu.pipeline_mode<synchronous>, transform_indices = @transform_2, window_bounds = array<i64: 1, 512>}, {transform_indices = @transform_3, window_bounds = array<i64: 2000, 512>}]} {
    %get3A = arith.constant 0 : index
    %get3A_0 = arith.constant 0 : index
    %get3A_1 = vector.load %arg1[%get3A, %get3A_0] : memref<2000x16xf32, #tpu.memory_space<vmem>>, vector<2000x16xf32>
    %get3A_2 = arith.constant 0 : index
    %get3A_3 = arith.constant 0 : index
    %get3A_4 = vector.load %arg2[%get3A_2, %get3A_3] : memref<16x512xf32, #tpu.memory_space<vmem>>, vector<16x512xf32>
    %dot_general3A = arith.constant dense<0.000000e+00> : vector<2000x512xf32>
    %dot_general3A_5 = tpu.matmul %get3A_1, %get3A_4, %dot_general3A {dimension_numbers = #tpu.dot_dimension_numbers<[1], [0], [0], [1], [0, 0, 1, 1], [], []>, precision = #tpu.contract_precision<fp32>, transpose_lhs_hint = false} : vector<2000x16xf32>, vector<16x512xf32>, vector<2000x512xf32> -> vector<2000x512xf32>
    %get3A_6 = arith.constant 0 : index
    %get3A_7 = arith.constant 0 : index
    %get3A_8 = vector.load %arg3[%get3A_6, %get3A_7] : memref<1x512xf32, #tpu.memory_space<vmem>>, vector<1x512xf32>
    %add3A = vector.broadcast %get3A_8 : vector<1x512xf32> to vector<2000x512xf32>
    %add3A_9 = arith.addf %dot_general3A_5, %add3A : vector<2000x512xf32>
    %swap3A = arith.constant 0 : index
    %swap3A_10 = arith.constant 0 : index
    %swap3A_11 = vector.load %arg4[%swap3A, %swap3A_10] : memref<2000x512xf32, #tpu.memory_space<vmem>>, vector<2000x512xf32>
    tpu.vector_store %arg4[%swap3A, %swap3A_10], %add3A_9 {strides = array<i32>} : memref<2000x512xf32, #tpu.memory_space<vmem>>, vector<2000x512xf32>,
    return
  }
  func.func @transform_0(%arg0: i32) -> (i32, i32) {
    %c0_i32 = arith.constant 0 : i32
    %c0_i32_0 = arith.constant 0 : i32
    return %arg0, %c0_i32 : i32, i32
  }
  func.func @transform_1(%arg0: i32) -> (i32, i32) {
    %c0_i32 = arith.constant 0 : i32
    %c0_i32_0 = arith.constant 0 : i32
    %c0_i32_1 = arith.constant 0 : i32
    return %c0_i32, %c0_i32_0 : i32, i32
  }
  func.func @transform_2(%arg0: i32) -> (i32, i32) {
    %c0_i32 = arith.constant 0 : i32
    %c0_i32_0 = arith.constant 0 : i32
    %c0_i32_1 = arith.constant 0 : i32
    return %c0_i32, %c0_i32_0 : i32, i32
  }
  func.func @transform_3(%arg0: i32) -> (i32, i32) {
    %c0_i32 = arith.constant 0 : i32
    %c0_i32_0 = arith.constant 0 : i32
    return %arg0, %c0_i32 : i32, i32
  }
}

</mosaic_0001>

<sc_bundles>
// kernel: kernel.10.cloned.1.call-start
scs
__scs_entry_jumppad:
0x0: {  	(pc) =	sbr.rel $0x88, $3  }
0x1: {  	(tag) =	ssettag $0x0;
	lr =	simm.s32 $0x1  }
0x2: {  	[smem:$0x3F99] =	sst lr;
	_ =	strace $0xD0000000  }
0x3: {  	_ = 	snop  }
0x4: {  	_ = 	snop  }
0x5: {  	_ = 	snop  }
0x6: {  	_ = 	snop  }
0x7: {  	_ = 	snop  }
__scs_overlays_trampoline_lowered:
0x8: {  	[smem:$0x3FA8] =	sst s0  }
0x9: {  	[smem:$0x3FA9] =	sst s1  }
0xa: {  	[smem:$0x3FAA] =	sst s2  }
0xb: {  	[smem:$0x3FAB] =	sst s3  }
0xc: {  	[smem:$0x3FAC] =	sst s4  }
0xd: {  	[smem:$0x3FAD] =	sst s5  }
0xe: {  	[smem:$0x3FAE] =	sst s6  }
0xf: {  	[smem:$0x3FAF] =	sst s7  }
0x10: {  	[smem:$0x3FB0] =	sst s8  }
0x11: {  	[smem:$0x3FB1] =	sst s9;
	s0 =	simm.s32 @!p0 $0x0  }
0x12: {  	s1 =	sld [smem:$0x3F97];
	s0 =	simm.s32 @p0 $0x1  }
0x13: {  	[smem:$0x3FB2] =	sst s0;
	s0 =	simm.s32 @!p1 $0x0  }
0x14: {  	s2 =	sld [smem:$0x3F96];
	s0 =	simm.s32 @p1 $0x1  }
0x15: {  	[smem:$0x3FB3] =	sst s0;
	s0 =	simm.s32 @!p2 $0x0  }
0x16: {  	s3 =	sld [smem:$0x3FDB];
	s0 =	simm.s32 @p2 $0x1  }
0x17: {  	s4 =	simm.s32 $0x1BF5;
	[smem:$0x3FB5] =	sst s0  }
0x18: {  	s0 =	sld [smem:$0x3F98];
	_ =	swait.ge [sflag:s4], $0x0  }
0x19: {  	s7 =	sld [smem:$0x3F99]  }
0x1a: {  	s8 =	sadd.s32 $0xFFFFE003, lr  }
0x1b: {  	s9 =	sadd.s32 $0xFFFFFEF7, lr;
	s5 =	simm.s32 $0xFFFFFFFF;
	p2 =	slt.u32 s8, $0xFFFFF086  }
0x1c: {  	p1 =	slt.u32 s9, $0xF7A;
	s5 =	simm.s32 @!p2 $0x0  }
0x1d: {  	s5 =	simm.s32 @p1 $0x1;
	p0 =	seq.s32 s7, s2  }
0x1e: {  	s7 =	smul.u32 @!p0 $0xF7A, s2;
	p2 =	seq.s32 @!p0 s5, $0x0  }
0x1f: {  	s9 =	smul.u32 $0xF7A, s1;
	s8 =	simm.s32 @!p0 $0x1BF5;
	p2 =	por !p2, p0  }
0x20: {  	[sflag:s8] =	ssyncset.s32 @!p0 $0xFFFFF086;
	s6 =	sadd.s32 @!p0 s3, s7;
	s7 =	simm.s32 @!p0 $0x108  }
0x21: {  	s3 =	sadd.s32 s3, s9;
	s6 =	sadd.s32 @!p0 $0x88, s6;
	s7 =	simm.s32 @p2 $0x1082  }
0x22: {  	[simem:s7], [sflag:s8] =	dma.local @!p0 [hbm:s6], $0xF7A  }
0x23: {  	s9 =	sor.u32 $0xD0000000, s2;
	s6 =	simm.s32 $0x108;
	_ =	swait.ge @!p0 [sflag:s8], $0x0  }
0x24: {  	s3 =	sadd.s32 $0x88, s3;
	s6 =	simm.s32 @!p1 $0x1082;
	[sflag:s4] =	ssyncset.s32 $0xFFFFF086  }
0x25: {  	[simem:s6], [sflag:s4] =	dma.local [hbm:s3], $0xF7A  }
0x26: {  	[smem:$0x3F99] =	sst s1;
	(tag) =	ssettag s2;
	_ =	strace s9  }
0x27: {  	s1 =	sld [smem:$0x3FA9]  }
0x28: {  	s2 =	sld [smem:$0x3FAA]  }
0x29: {  	s4 =	sld [smem:$0x3FAC]  }
0x2a: {  	p0 =	seq.s32 s5, $0x0;
	s5 =	sld [smem:$0x3FAD]  }
0x2b: {  	s6 =	sld [smem:$0x3FAE]  }
0x2c: {  	s7 =	sld [smem:$0x3FAF]  }
0x2d: {  	s3 =	simm.s32 $0x108;
	s8 =	sld [smem:$0x3FB0]  }
0x2e: {  	s3 =	simm.s32 @!p0 $0x1082;
	s9 =	sld [smem:$0x3FB1]  }
0x2f: {  	lr =	sadd.s32 s0, s3;
	s0 =	sld [smem:$0x3FA8]  }
0x30: {  	s3 =	sld [smem:$0x3FAB]  }
0x31: {  	[smem:$0x3FB4] =	sst s10  }
0x32: {  	s10 =	sld [smem:$0x3FB2];
	_ =	sdelay $0x3  }
0x33: {  	p0 =	seq.s32 s10, $0x1;
	s10 =	sld [smem:$0x3FB4];
	_ =	sdelay $0x3  }
0x34: {  	[smem:$0x3FB4] =	sst s10  }
0x35: {  	s10 =	sld [smem:$0x3FB3];
	_ =	sdelay $0x3  }
0x36: {  	p1 =	seq.s32 s10, $0x1;
	s10 =	sld [smem:$0x3FB4];
	_ =	sdelay $0x3  }
0x37: {  	[smem:$0x3FB4] =	sst s10  }
0x38: {  	s10 =	sld [smem:$0x3FB5]  }
0x39: {  	_ = 	snop;
	(pc) =	sbr.ind lr, $3  }
0x3a: {  	_ = 	snop  }
0x3b: {  	_ = 	snop  }
0x3c: {  	p2 =	seq.s32 s10, $0x1;
	s10 =	sld [smem:$0x3FB4]  }
0x3d: {  	_ =	shalt  }
0x3e: {  	_ =	shalt  }
0x3f: {  	_ =	shalt  }
0x40: {  	_ =	shalt  }
0x41: {  	_ =	shalt  }
0x42: {  	_ =	shalt  }
0x43: {  	_ =	shalt  }
0x44: {  	_ =	shalt  }
0x45: {  	_ =	shalt  }
0x46: {  	_ =	shalt  }
0x47: {  	_ =	shalt  }
0x48: {  	_ =	shalt  }
0x49: {  	_ =	shalt  }
0x4a: {  	_ =	shalt  }
0x4b: {  	_ =	shalt  }
0x4c: {  	_ =	shalt  }
0x4d: {  	_ =	shalt  }
0x4e: {  	_ =	shalt  }
0x4f: {  	_ =	shalt  }
0x50: {  	_ =	shalt  }
0x51: {  	_ =	shalt  }
0x52: {  	_ =	shalt  }
0x53: {  	_ =	shalt  }
0x54: {  	_ =	shalt  }
0x55: {  	_ =	shalt  }
0x56: {  	_ =	shalt  }
0x57: {  	_ =	shalt  }
0x58: {  	_ =	shalt  }
0x59: {  	_ =	shalt  }
0x5a: {  	_ =	shalt  }
0x5b: {  	_ =	shalt  }
0x5c: {  	_ =	shalt  }
0x5d: {  	_ =	shalt  }
0x5e: {  	_ =	shalt  }
0x5f: {  	_ =	shalt  }
0x60: {  	_ =	shalt  }
0x61: {  	_ =	shalt  }
0x62: {  	_ =	shalt  }
0x63: {  	_ =	shalt  }
0x64: {  	_ =	shalt  }
0x65: {  	_ =	shalt  }
0x66: {  	_ =	shalt  }
0x67: {  	_ =	shalt  }
0x68: {  	_ =	shalt  }
0x69: {  	_ =	shalt  }
0x6a: {  	_ =	shalt  }
0x6b: {  	_ =	shalt  }
0x6c: {  	_ =	shalt  }
0x6d: {  	_ =	shalt  }
0x6e: {  	_ =	shalt  }
0x6f: {  	_ =	shalt  }
0x70: {  	_ =	shalt  }
0x71: {  	_ =	shalt  }
0x72: {  	_ =	shalt  }
0x73: {  	_ =	shalt  }
0x74: {  	_ =	shalt  }
0x75: {  	_ =	shalt  }
0x76: {  	_ =	shalt  }
0x77: {  	_ =	shalt  }
0x78: {  	_ =	shalt  }
0x79: {  	_ =	shalt  }
0x7a: {  	_ =	shalt  }
0x7b: {  	_ =	shalt  }
0x7c: {  	_ =	shalt  }
0x7d: {  	_ =	shalt  }
0x7e: {  	_ =	shalt  }
0x7f: {  	_ =	shalt  }
0x80: {  	_ =	shalt  }
0x81: {  	_ =	shalt  }
0x82: {  	_ =	shalt  }
0x83: {  	_ =	shalt  }
0x84: {  	_ =	shalt  }
0x85: {  	_ =	shalt  }
0x86: {  	_ =	shalt  }
0x87: {  	_ =	shalt  }
.Lfunc_end0:
.L_simem_size_0:
called_computation.1_lowered:
.L_overlay_start_0:
0x88: {  	s2 =	sld [smem:$0x3FD9]  }
0x89: {  	s3 =	sld [smem:$0x3FFE];
	_ =	sdelay $0x1  }
0x8a: {  	s1 =	srdreg.scid  }
0x8b: {  	s0 =	sand.u32 $0x1, s1  }
0x8c: {  	s16 =	sshll.u32 s0, $0xA;
	s2 =	sadd.s32 s3, s2  }
0x8d: {  	s2 =	sadd.s32 s2, s16  }
0x8e: {  	[smem:$0x3FC0] =	sst s2  }
0x8f: {  	_ = 	snop  }
0x90: {  	(tm) =	ssettm $0x1  }
0x91: {  	s17 =	sld [smem:$0x3FFB];
	_ =	sdelay $0x3  }
0x92: {  	_ =	strace s17  }
0x93: {  	s2 =	sld [smem:$0x3FFC];
	_ =	sdelay $0x3  }
0x94: {  	_ =	strace s2  }
0x95: {  	s2 =	sld [smem:$0x3FFD];
	_ =	sdelay $0x3  }
0x96: {  	_ =	strace s2  }
0x97: {  	_ =	strace $0x8FFFFFFF  }
0x98: {  	s18 =	sld [smem:$0x3FDB];
	_ =	sdelay $0x1  }
0x99: {  	s19 =	simm.s32 $_scs_section_size  }
0x9a: {  	s4 =	simm.s32 $_size__tile_overlayer_lowered;
	s5 =	simm.s32 $_tile_overlayer_lowered  }
0x9b: {  	s22 =	simm.s32 $0x1BFF;
	s21 =	sshll.u32 s5, $0x1;
	s2 =	sadd.s32 s19, s18  }
0x9c: {  	s6 =	simm.s32 $0x0;
	s20 =	sshll.u32 s4, $0x1;
	s4 =	sadd.s32 s21, s2  }
0x9d: {  	[timem:s6], [sflag:s22] =	dma.local [hbm:s4], s20  }
0x9e: {  	_ =	swait.ge [sflag:s22], s20  }
0x9f: {  	s3 =	ssub.s32 $0x0, s20;
	[sflag:s22] =	ssyncset.done $0x0  }
0xa0: {  	[sflag:s22] =	ssyncadd.s32 s3;
	_ =	sdelay $0x1  }
0xa1: {  	s23 =	simm.s32 $0x1B8B  }
0xa2: {  	_ =	swait.ge [sflag:s23], $0x1  }
0xa3: {  	[sflag:s23] =	ssyncset.done $0x0  }
0xa4: {  	s25 =	simm.s32 $0x1B8E;
	s24 =	sld [smem:$0x3FFE];
	[sflag:s23] =	ssyncadd.s32 $0xFFFFFFFF  }
0xa5: {  	s26 =	simm.s32 $execute0_lowered;
	[smem:$0x3FD2] =	sst s25  }
0xa6: {  	s4 =	sshll.u32 s26, $0x1;
	_ =	strace $0x80000049;
	[dreg:$0x1] =	wrdreg $0xFFFFFFFF  }
0xa7: {  	s28 =	simm.s32 $_size_execute0_lowered;
	s2 =	sadd.s32 s2, s4;
	[dreg:$0x0] =	wrdreg $0x0  }
0xa8: {  	s4 =	sshll.u32 s28, $0x1;
	[dreg:$0x2] =	wrdreg s2  }
0xa9: {  	[dreg:$0x3] =	wrdreg s4  }
0xaa: {  	[dreg:$0x4] =	wrdreg $0xC0  }
0xab: {  	_ =	task [dreg:s6], $0x5FFFF  }
0xac: {  	[dreg:$0x1] =	wrdreg $0xFFFFFFFF  }
0xad: {  	[dreg:$0x0] =	wrdreg $0x60  }
0xae: {  	[dreg:$0x2] =	wrdreg s24  }
0xaf: {  	[dreg:$0x3] =	wrdreg $0x30800  }
0xb0: {  	[dreg:$0x4] =	wrdreg $0x9  }
0xb1: {  	_ =	task.clear_ibuf [dreg:s6], $0x5FFFF;
	_ =	strace $0x90000049  }
0xb2: {  	s29 =	simm.s32 $0x9;
	_ =	strace $0x8000004B  }
0xb3: {  	_ =	swait.ge [sflag:s29], $0x1  }
0xb4: {  	[sflag:s29] =	ssyncadd.s32 $0xFFFFFFFF  }
0xb5: {  	_ =	strace $0x9000004B  }
0xb6: {  	_ =	sfence  }
0xb7: {  	s30 =	sld [smem:$0x0];
	_ =	sdelay $0x2  }
0xb8: {  	s31 =	sshll.u32 s1, $0xD;
	s1 =	sshrl.u32 s1, $0x2  }
0xb9: {  	s3 =	sand.u32 $0x4000, s31;
	s1 =	sadd.s32 s1, s30  }
0xba: {  	s0 =	sor.u32 s3, s0;
	s1 =	sshll.u32 s1, $0x11  }
0xbb: {  	s0 =	sor.u32 s1, s0  }
0xbc: {  	s0 =	sadd.s32 $0x8F2B, s0  }
0xbd: {  	[sflag:s0] =	ssyncadd.remote.s32 $0x1  }
0xbe: {  	_ =	sfence.sel $0xFFFF  }
0xbf: {  	[dreg:$0x0] =	wrdreg $0xFFFFFFFF;
	(pc) =	sbr.abs _section_cstart, $3  }
0xc0: {  	[dreg:$0x1] =	wrdreg $0xFFFFFFFF  }
0xc1: {  	_ =	task.clear_ibuf [dreg:s6], $0x2FFFF;
	_ =	strace $0x9FFFFFFF  }
0xc2: {  	(tm) =	ssettm $0x7FFFFFFF  }
0xc3: {  	_ =	shalt  }
tec
execute0_lowered:
.L_overlay_start_1:
0x0: {  	(tag) =	ssettag $0x1  }
0x1: {  	s6 =	rddreg [dreg:$0x0]  }
0x2: {  	s1 =	rddreg [dreg:$0x1]  }
0x3: {  	s0 =	rddreg [dreg:$0x2];
	s2 =	simm.s32 $0x0;
	s7 =	srdreg.scid  }
0x4: {  	s3 =	stileid.u32;
	s11 =	simm.s32 $0x1;
	s12 =	simm.s32 $0x80  }
0x5: {  	s13 =	simm.s32 $0x28;
	s14 =	simm.s32 $0x1480;
	[smem:$0x7FF] =	sst s2  }
0x6: {  	s4 =	sadd.s32 $0xBC00, s6;
	s5 =	sadd.s32 $0x1C00, s6;
	s15 =	sand.u32 $0x1, s7  }
0x7: {  	s28 =	sshll.u32 s3, $0x8;
	s9 =	sshll.u32 s3, $0x1;
	s31 =	sshll.u32 s3, $0xB  }
0x8: {  	_ =	strace $0x8000004A;
	s8 =	ssub.s32 $0x2, s15;
	s10 =	sadd.s32 s28, s6  }
0x9: {  	s30 =	sor.u32 s15, s9;
	p1 =	seq.s32 s15, $0x1;
	p0 =	sne.s32 s15, $0x0  }
0xa: {  	s15 =	simm.s32 $0x0;
	s29 =	sshrl.u32 s8, $0x1;
	s6 =	smul.u32 $0x1388, s30  }
0xb: {  	s9 =	sadd.s32 $0x2A3E00, s10;
	s10 =	sadd.s32 $0x27CC00, s10;
	s8 =	ssub.s32 s8, s29  }
0xc: {  	v0 =	vimm.f32 $0.0e+00;
	p1 =	por !p1, !p1;
	s7 =	smax.u32 s8, $0x1;
	s8 =	sadd.s32 s31, s1  }
.LBB2_1:
0xd: {  	s16 =	simm.s32 $0x0;
	s17 =	simm.s32 $0x200  }
.LBB2_2:
0xe: {  	p2 =	sne.s32 s17, $0x1E00;
	[tilespmem:s16+$0x28F0] =	vst v0  }
0xf: {  	[tilespmem:s16+$0x2880] =	vst v0  }
0x10: {  	[tilespmem:s16+$0x2890] =	vst v0  }
.Ltmp0:
0x11: {  	[tilespmem:s16+$0x28A0] =	vst v0;
	(pc) =	sbr.rel @p2 .LBB2_2-.Ltmp0, $4  }
0x12: {  	[tilespmem:s16+$0x28B0] =	vst v0  }
0x13: {  	[tilespmem:s16+$0x28C0] =	vst v0  }
0x14: {  	[tilespmem:s16+$0x28D0] =	vst v0  }
0x15: {  	[tilespmem:s16+$0x28E0] =	vst v0;
	s16 =	sshra.s32 s17, $0x2;
	s17 =	sadd.s32 $0x200, s17  }
0x16: {  	[tilespmem:s16+$0x28F0] =	vst v0  }
0x17: {  	[tilespmem:s16+$0x2880] =	vst v0  }
0x18: {  	[tilespmem:s16+$0x2890] =	vst v0  }
0x19: {  	[tilespmem:s16+$0x28A0] =	vst v0  }
0x1a: {  	[tilespmem:s16+$0x28B0] =	vst v0  }
0x1b: {  	[tilespmem:s16+$0x28C0] =	vst v0  }
0x1c: {  	[tilespmem:s16+$0x28D0] =	vst v0  }
0x1d: {  	[tilespmem:s16+$0x28E0] =	vst v0;
	s16 =	simm.s32 $0x0;
	s17 =	simm.s32 $0x200  }
.LBB2_4:
0x1e: {  	p2 =	sne.s32 s17, $0x4E00;
	[tilespmem:s16+$0x14F0] =	vst v0  }
0x1f: {  	[tilespmem:s16+$0x1480] =	vst v0  }
0x20: {  	[tilespmem:s16+$0x1490] =	vst v0  }
.Ltmp1:
0x21: {  	[tilespmem:s16+$0x14A0] =	vst v0;
	(pc) =	sbr.rel @p2 .LBB2_4-.Ltmp1, $4  }
0x22: {  	[tilespmem:s16+$0x14B0] =	vst v0  }
0x23: {  	[tilespmem:s16+$0x14C0] =	vst v0  }
0x24: {  	[tilespmem:s16+$0x14D0] =	vst v0  }
0x25: {  	[tilespmem:s16+$0x14E0] =	vst v0;
	s16 =	sshra.s32 s17, $0x2;
	s17 =	sadd.s32 $0x200, s17  }
0x26: {  	[tilespmem:s16+$0x14F0] =	vst v0  }
0x27: {  	[tilespmem:s16+$0x1480] =	vst v0  }
0x28: {  	[tilespmem:s16+$0x1490] =	vst v0  }
0x29: {  	[tilespmem:s16+$0x14A0] =	vst v0  }
0x2a: {  	[tilespmem:s16+$0x14B0] =	vst v0  }
0x2b: {  	[tilespmem:s16+$0x14C0] =	vst v0;
	s17 =	sadd.s32 $0x0, s3  }
0x2c: {  	[tilespmem:s16+$0x14D0] =	vst v0;
	p2 =	sgt.u32 s17, $0x270  }
0x2d: {  	[tilespmem:s16+$0x14E0] =	vst v0;
	s16 =	simm.s32 @!p2 $0x2880;
	s19 =	simm.s32 @!p2 $0x1  }
0x2e: {  	[spmem:s8] =	stream.linear.scatter @!p2 [tilespmem:s16], [sflag:$0x1], $0x800, $0x38;
	[tilespmem:$0x16900] =	vst v63  }
0x2f: {  	s18 =	simm.s32 $0x20;
	_ =	swait.ge @!p2 [sflag:s19], $0x800  }
0x30: {  	s17 =	simm.s32 $0x10;
	s16 =	sadd.s32 $0x8000, s8;
	[sflag:s19] =	ssyncset.done @!p2 $0x0  }
.LBB2_6:
0x31: {  	s20 =	sadd.s32 s17, s3;
	s17 =	smov.u32 s18;
	s18 =	sadd.s32 $0x10, s18  }
0x32: {  	[sflag:s19] =	ssyncadd.s32 @!p2 $0xFFFFF800;
	p3 =	sne.s32 s18, $0x280  }
.Ltmp2:
0x33: {  	p2 =	sgt.u32 s20, $0x270;
	(pc) =	sbr.rel @p3 .LBB2_6-.Ltmp2, $4  }
0x34: {  	s20 =	simm.s32 @!p2 $0x2880;
	s19 =	simm.s32 @!p2 $0x1  }
0x35: {  	[spmem:s16] =	stream.linear.scatter @!p2 [tilespmem:s20], [sflag:$0x1], $0x800, $0x38;
	[tilespmem:$0x16900] =	vst v63  }
0x36: {  	_ =	swait.ge @!p2 [sflag:s19], $0x800  }
0x37: {  	s16 =	sadd.s32 $0x8000, s16;
	[sflag:s19] =	ssyncset.done @!p2 $0x0  }
0x38: {  	s17 =	sadd.s32 s17, s3  }
0x39: {  	p3 =	sgt.u32 s17, $0x270  }
0x3a: {  	[sflag:s19] =	ssyncadd.s32 @!p2 $0xFFFFF800;
	s17 =	simm.s32 @!p3 $0x2880;
	s18 =	simm.s32 @!p3 $0x1  }
0x3b: {  	[spmem:s16] =	stream.linear.scatter @!p3 [tilespmem:s17], [sflag:$0x1], $0x800, $0x38;
	[tilespmem:$0x16900] =	vst v63  }
0x3c: {  	_ =	swait.ge @!p3 [sflag:s18], $0x800  }
0x3d: {  	[sflag:s18] =	ssyncset.done @!p3 $0x0  }
0x3e: {  	[sflag:s18] =	ssyncadd.s32 @!p3 $0xFFFFF800  }
0x3f: {  	s16 =	simm.s32 $0x0;
	s17 =	simm.s32 $0x0;
	[bflag:$0x0] =	sbarrier.arrive $0xFFFF  }
.LBB2_8:
0x40: {  	s18 =	smul.u32 $0x28, s17;
	_ =	sdelay $0x1  }
0x41: {  	s18 =	sadd.s32 s6, s18  }
0x42: {  	s19 =	sshrl.u32 s18, $0x3  }
0x43: {  	s19 =	sadd.s32 s5, s19  }
0x44: {  	[tilespmem:s16], [sflag:$0x1] =	stream.linear.gather [hbm4b:s19+s16], $0x28, $0x38;
	[tilespmem:$0x16900] =	vst v63  }
0x45: {  	_ =	swait.ge [sflag:s11], $0x28  }
0x46: {  	s18 =	sshll.u32 s18, $0x4;
	[sflag:s11] =	ssyncset.done $0x0  }
0x47: {  	s18 =	sadd.s32 s4, s18;
	[sflag:s11] =	ssyncadd.s32 $0xFFFFFFD8  }
0x48: {  	[tilespmem:s12], [sflag:$0x1] =	stream.linear.gather [hbm4b:s18+s16], $0x1400, $0x38;
	[tilespmem:$0x16900] =	vst v63  }
0x49: {  	_ =	swait.ge [sflag:s11], $0x1400  }
0x4a: {  	[sflag:s11] =	ssyncset.done $0x0  }
0x4b: {  	s18 =	simm.s32 $0x0;
	[sflag:s11] =	ssyncadd.s32 $0xFFFFEC00  }
0x4c: {  	s19 =	simm.s32 $0x200;
	v1 =	vld [tilespmem:s18+$0x80]  }
.LBB2_9:
0x4d: {  	p2 =	sne.s32 s19, $0x4E00  }
.Ltmp3:
0x4e: {  	_ = 	snop;
	(pc) =	sbr.rel @p2 .LBB2_9-.Ltmp3, $3  }
0x4f: {  	_ =	sdelay $0x1  }
0x50: {  	[tilespmem:s18+$0x1480] =	vst v1;
	s18 =	sshra.s32 s19, $0x2;
	s19 =	sadd.s32 $0x200, s19  }
0x51: {  	v1 =	vld [tilespmem:s18+$0x80]  }
0x52: {  	_ =	sdelay $0x1  }
0x53: {  	s17 =	sadd.s32 $0x1, s17  }
0x54: {  	p2 =	sne.s32 s17, $0x7D  }
.Ltmp4:
0x55: {  	[tilespmem:s18+$0x1480] =	vst v1;
	(pc) =	sbr.rel @p2 .LBB2_8-.Ltmp4, $4  }
0x56: {  	[spmem:s1] =	stream.indirect.scatter.add.f32 [tilespmem:s14], [sflag:$0x1], $0x80, s2, s13, $0xb8;
	[tilespmem:$0x16900] =	vst v63  }
0x57: {  	_ =	swait.ge [sflag:s11], $0x1400  }
0x58: {  	[sflag:s11] =	ssyncset.done $0x0  }
0x59: {  	[sflag:s11] =	ssyncadd.s32 $0xFFFFEC00  }
0x5a: {  	p2 =	sgt.u32 @!p0 s3, $0x270  }
0x5b: {  	[bflag:$0x0] =	sbarrier.arrive $0xFFFF;
	p3 =	por p2, p0  }
0x5c: {  	p6 =	sgt.u32 s3, $0x270;
	s16 =	sshll.u32 @!p3 s3, $0x6;
	s17 =	simm.s32 @!p3 $0x2  }
0x5d: {  	s18 =	sadd.s32 @!p3 $0x0, s10;
	s19 =	sshrl.u32 @!p3 s8, $0x3;
	s16 =	sor.u32 @!p3 $0x1C02, s16  }
0x5e: {  	[hbm:s18], [sflag:s16] =	dma.local @!p3 [spmem:s19], $0x100  }
0x5f: {  	p2 =	por p6, p1;
	_ =	swait.ge @!p3 [sflag:s17], $0x100  }
0x60: {  	s16 =	sadd.s32 @!p2 $0x0, s9;
	s18 =	sshll.u32 @!p2 s3, $0x6;
	[sflag:s17] =	ssyncset.done @!p3 $0x0  }
0x61: {  	[sflag:s17] =	ssyncadd.s32 @!p3 $0xFFFFFF00;
	s17 =	sor.u32 @!p2 $0x1C01, s18;
	s18 =	sshrl.u32 @!p2 s8, $0x3  }
0x62: {  	[hbm:s16], [sflag:s17] =	dma.local @!p2 [spmem:s18], $0x100  }
0x63: {  	s19 =	simm.s32 @!p2 $0x1;
	s16 =	simm.s32 $0x1000  }
0x64: {  	s17 =	sadd.s32 $0x10, s3;
	s18 =	smov.u32 s8;
	_ =	swait.ge @!p2 [sflag:s19], $0x100  }
.LBB2_12:
0x65: {  	[sflag:s19] =	ssyncset.done @!p2 $0x0  }
0x66: {  	s18 =	sadd.s32 $0x8000, s18;
	s20 =	smov.u32 s16;
	s16 =	sadd.s32 $0x1000, s16  }
0x67: {  	p4 =	sgt.u32 @!p0 s17, $0x270;
	p3 =	sne.s32 s16, $0x28000;
	[sflag:s19] =	ssyncadd.s32 @!p2 $0xFFFFFF00  }
0x68: {  	p4 =	por p4, p0;
	p2 =	sgt.u32 s17, $0x270  }
0x69: {  	s19 =	sshll.u32 @!p4 s3, $0x6;
	s21 =	simm.s32 @!p4 $0x2;
	s22 =	sadd.s32 @!p4 s20, s10  }
0x6a: {  	s23 =	sshrl.u32 @!p4 s18, $0x3;
	p2 =	por p2, p1;
	s19 =	sor.u32 @!p4 $0x1C02, s19  }
0x6b: {  	[hbm:s22], [sflag:s19] =	dma.local @!p4 [spmem:s23], $0x100  }
0x6c: {  	s19 =	sadd.s32 @!p2 s20, s9;
	_ =	swait.ge @!p4 [sflag:s21], $0x100  }
.Ltmp5:
0x6d: {  	s20 =	sshll.u32 @!p2 s3, $0x6;
	[sflag:s21] =	ssyncset.done @!p4 $0x0;
	(pc) =	sbr.rel @p3 .LBB2_12-.Ltmp5, $4  }
0x6e: {  	s20 =	sor.u32 @!p2 $0x1C01, s20;
	[sflag:s21] =	ssyncadd.s32 @!p4 $0xFFFFFF00;
	s21 =	sshrl.u32 @!p2 s18, $0x3  }
0x6f: {  	[hbm:s19], [sflag:s20] =	dma.local @!p2 [spmem:s21], $0x100  }
0x70: {  	s19 =	simm.s32 @!p2 $0x1  }
0x71: {  	s17 =	sadd.s32 $0x10, s17;
	_ =	swait.ge @!p2 [sflag:s19], $0x100  }
0x72: {  	s15 =	sadd.s32 $0x1, s15  }
0x73: {  	p3 =	sne.s32 s15, s7  }
.Ltmp6:
0x74: {  	_ = 	snop;
	(pc) =	sbr.rel @p3 .LBB2_1-.Ltmp6, $3  }
0x75: {  	_ =	sdelay $0x1  }
0x76: {  	[sflag:s19] =	ssyncset.done @!p2 $0x0  }
0x77: {  	[sflag:s19] =	ssyncadd.s32 @!p2 $0xFFFFFF00  }
0x78: {  	_ =	sfence.sel $0x180000  }
0x79: {  	[bflag:$0x0] =	sbarrier.arrive $0xFFFF  }
0x7a: {  	p0 =	sne.s32 s3, $0x0;
	_ =	strace $0x9000004A  }
0x7b: {  	s0 =	sadd.s32 @!p0 $0x100000, s0;
	[bflag:$0x2] =	sbarrier.arrive $0xFFFF  }
0x7c: {  	[sflag:s0] =	ssyncadd.tile.s32 @!p0 $0x1;
	_ =	shalt  }
.Lfunc_end2:
_tile_overlayer_lowered:
.L_overlay_start_2:
0x7d: {  	(tag) =	ssettag $0x2  }
0x7e: {  	s0 =	rddreg [dreg:$0x0];
	s2 =	stileid.u32  }
0x7f: {  	s1 =	rddreg [dreg:$0x1];
	p0 =	sne.s32 s2, $0x0  }
0x80: {  	s3 =	rddreg [dreg:$0x2];
	[bflag:$0x3] =	sbarrier.arrive $0xFFFF;
	s2 =	simm.s32 @!p0 $0x1C01  }
0x81: {  	[timem:s3], [sflag:s2] =	dma.local @!p0 [hbm:s0], s1  }
0x82: {  	s0 =	simm.s32 @!p0 $0x1  }
0x83: {  	_ =	swait.ge @!p0 [sflag:s0], s1  }
0x84: {  	s1 =	ssub.s32 @!p0 $0x0, s1;
	[sflag:s0] =	ssyncset.done @!p0 $0x0  }
0x85: {  	[sflag:s0] =	ssyncadd.s32 @!p0 s1  }
0x86: {  	[bflag:$0x3] =	sbarrier.arrive $0xFFFF  }
0x87: {  	_ =	shalt  }

// kernel: kernel.13.cloned.1.call-start
scs
__scs_entry_jumppad:
0x0: {  	(pc) =	sbr.rel $0x88, $3  }
0x1: {  	(tag) =	ssettag $0x0;
	lr =	simm.s32 $0x1  }
0x2: {  	[smem:$0x3F99] =	sst lr;
	_ =	strace $0xD0000000  }
0x3: {  	_ = 	snop  }
0x4: {  	_ = 	snop  }
0x5: {  	_ = 	snop  }
0x6: {  	_ = 	snop  }
0x7: {  	_ = 	snop  }
__scs_overlays_trampoline_lowered:
0x8: {  	[smem:$0x3FA8] =	sst s0  }
0x9: {  	[smem:$0x3FA9] =	sst s1  }
0xa: {  	[smem:$0x3FAA] =	sst s2  }
0xb: {  	[smem:$0x3FAB] =	sst s3  }
0xc: {  	[smem:$0x3FAC] =	sst s4  }
0xd: {  	[smem:$0x3FAD] =	sst s5  }
0xe: {  	[smem:$0x3FAE] =	sst s6  }
0xf: {  	[smem:$0x3FAF] =	sst s7  }
0x10: {  	[smem:$0x3FB0] =	sst s8  }
0x11: {  	[smem:$0x3FB1] =	sst s9;
	s0 =	simm.s32 @!p0 $0x0  }
0x12: {  	s1 =	sld [smem:$0x3F97];
	s0 =	simm.s32 @p0 $0x1  }
0x13: {  	[smem:$0x3FB2] =	sst s0;
	s0 =	simm.s32 @!p1 $0x0  }
0x14: {  	s2 =	sld [smem:$0x3F96];
	s0 =	simm.s32 @p1 $0x1  }
0x15: {  	[smem:$0x3FB3] =	sst s0;
	s0 =	simm.s32 @!p2 $0x0  }
0x16: {  	s3 =	sld [smem:$0x3FDB];
	s0 =	simm.s32 @p2 $0x1  }
0x17: {  	s4 =	simm.s32 $0x1BF5;
	[smem:$0x3FB5] =	sst s0  }
0x18: {  	s0 =	sld [smem:$0x3F98];
	_ =	swait.ge [sflag:s4], $0x0  }
0x19: {  	s7 =	sld [smem:$0x3F99]  }
0x1a: {  	s8 =	sadd.s32 $0xFFFFE003, lr  }
0x1b: {  	s9 =	sadd.s32 $0xFFFFFEF7, lr;
	s5 =	simm.s32 $0xFFFFFFFF;
	p2 =	slt.u32 s8, $0xFFFFF086  }
0x1c: {  	p1 =	slt.u32 s9, $0xF7A;
	s5 =	simm.s32 @!p2 $0x0  }
0x1d: {  	s5 =	simm.s32 @p1 $0x1;
	p0 =	seq.s32 s7, s2  }
0x1e: {  	s7 =	smul.u32 @!p0 $0xF7A, s2;
	p2 =	seq.s32 @!p0 s5, $0x0  }
0x1f: {  	s9 =	smul.u32 $0xF7A, s1;
	s8 =	simm.s32 @!p0 $0x1BF5;
	p2 =	por !p2, p0  }
0x20: {  	[sflag:s8] =	ssyncset.s32 @!p0 $0xFFFFF086;
	s6 =	sadd.s32 @!p0 s3, s7;
	s7 =	simm.s32 @!p0 $0x108  }
0x21: {  	s3 =	sadd.s32 s3, s9;
	s6 =	sadd.s32 @!p0 $0x88, s6;
	s7 =	simm.s32 @p2 $0x1082  }
0x22: {  	[simem:s7], [sflag:s8] =	dma.local @!p0 [hbm:s6], $0xF7A  }
0x23: {  	s9 =	sor.u32 $0xD0000000, s2;
	s6 =	simm.s32 $0x108;
	_ =	swait.ge @!p0 [sflag:s8], $0x0  }
0x24: {  	s3 =	sadd.s32 $0x88, s3;
	s6 =	simm.s32 @!p1 $0x1082;
	[sflag:s4] =	ssyncset.s32 $0xFFFFF086  }
0x25: {  	[simem:s6], [sflag:s4] =	dma.local [hbm:s3], $0xF7A  }
0x26: {  	[smem:$0x3F99] =	sst s1;
	(tag) =	ssettag s2;
	_ =	strace s9  }
0x27: {  	s1 =	sld [smem:$0x3FA9]  }
0x28: {  	s2 =	sld [smem:$0x3FAA]  }
0x29: {  	s4 =	sld [smem:$0x3FAC]  }
0x2a: {  	p0 =	seq.s32 s5, $0x0;
	s5 =	sld [smem:$0x3FAD]  }
0x2b: {  	s6 =	sld [smem:$0x3FAE]  }
0x2c: {  	s7 =	sld [smem:$0x3FAF]  }
0x2d: {  	s3 =	simm.s32 $0x108;
	s8 =	sld [smem:$0x3FB0]  }
0x2e: {  	s3 =	simm.s32 @!p0 $0x1082;
	s9 =	sld [smem:$0x3FB1]  }
0x2f: {  	lr =	sadd.s32 s0, s3;
	s0 =	sld [smem:$0x3FA8]  }
0x30: {  	s3 =	sld [smem:$0x3FAB]  }
0x31: {  	[smem:$0x3FB4] =	sst s10  }
0x32: {  	s10 =	sld [smem:$0x3FB2];
	_ =	sdelay $0x3  }
0x33: {  	p0 =	seq.s32 s10, $0x1;
	s10 =	sld [smem:$0x3FB4];
	_ =	sdelay $0x3  }
0x34: {  	[smem:$0x3FB4] =	sst s10  }
0x35: {  	s10 =	sld [smem:$0x3FB3];
	_ =	sdelay $0x3  }
0x36: {  	p1 =	seq.s32 s10, $0x1;
	s10 =	sld [smem:$0x3FB4];
	_ =	sdelay $0x3  }
0x37: {  	[smem:$0x3FB4] =	sst s10  }
0x38: {  	s10 =	sld [smem:$0x3FB5]  }
0x39: {  	_ = 	snop;
	(pc) =	sbr.ind lr, $3  }
0x3a: {  	_ = 	snop  }
0x3b: {  	_ = 	snop  }
0x3c: {  	p2 =	seq.s32 s10, $0x1;
	s10 =	sld [smem:$0x3FB4]  }
0x3d: {  	_ =	shalt  }
0x3e: {  	_ =	shalt  }
0x3f: {  	_ =	shalt  }
0x40: {  	_ =	shalt  }
0x41: {  	_ =	shalt  }
0x42: {  	_ =	shalt  }
0x43: {  	_ =	shalt  }
0x44: {  	_ =	shalt  }
0x45: {  	_ =	shalt  }
0x46: {  	_ =	shalt  }
0x47: {  	_ =	shalt  }
0x48: {  	_ =	shalt  }
0x49: {  	_ =	shalt  }
0x4a: {  	_ =	shalt  }
0x4b: {  	_ =	shalt  }
0x4c: {  	_ =	shalt  }
0x4d: {  	_ =	shalt  }
0x4e: {  	_ =	shalt  }
0x4f: {  	_ =	shalt  }
0x50: {  	_ =	shalt  }
0x51: {  	_ =	shalt  }
0x52: {  	_ =	shalt  }
0x53: {  	_ =	shalt  }
0x54: {  	_ =	shalt  }
0x55: {  	_ =	shalt  }
0x56: {  	_ =	shalt  }
0x57: {  	_ =	shalt  }
0x58: {  	_ =	shalt  }
0x59: {  	_ =	shalt  }
0x5a: {  	_ =	shalt  }
0x5b: {  	_ =	shalt  }
0x5c: {  	_ =	shalt  }
0x5d: {  	_ =	shalt  }
0x5e: {  	_ =	shalt  }
0x5f: {  	_ =	shalt  }
0x60: {  	_ =	shalt  }
0x61: {  	_ =	shalt  }
0x62: {  	_ =	shalt  }
0x63: {  	_ =	shalt  }
0x64: {  	_ =	shalt  }
0x65: {  	_ =	shalt  }
0x66: {  	_ =	shalt  }
0x67: {  	_ =	shalt  }
0x68: {  	_ =	shalt  }
0x69: {  	_ =	shalt  }
0x6a: {  	_ =	shalt  }
0x6b: {  	_ =	shalt  }
0x6c: {  	_ =	shalt  }
0x6d: {  	_ =	shalt  }
0x6e: {  	_ =	shalt  }
0x6f: {  	_ =	shalt  }
0x70: {  	_ =	shalt  }
0x71: {  	_ =	shalt  }
0x72: {  	_ =	shalt  }
0x73: {  	_ =	shalt  }
0x74: {  	_ =	shalt  }
0x75: {  	_ =	shalt  }
0x76: {  	_ =	shalt  }
0x77: {  	_ =	shalt  }
0x78: {  	_ =	shalt  }
0x79: {  	_ =	shalt  }
0x7a: {  	_ =	shalt  }
0x7b: {  	_ =	shalt  }
0x7c: {  	_ =	shalt  }
0x7d: {  	_ =	shalt  }
0x7e: {  	_ =	shalt  }
0x7f: {  	_ =	shalt  }
0x80: {  	_ =	shalt  }
0x81: {  	_ =	shalt  }
0x82: {  	_ =	shalt  }
0x83: {  	_ =	shalt  }
0x84: {  	_ =	shalt  }
0x85: {  	_ =	shalt  }
0x86: {  	_ =	shalt  }
0x87: {  	_ =	shalt  }
.Lfunc_end0:
.L_simem_size_0:
called_computation.2_lowered:
.L_overlay_start_0:
0x88: {  	s2 =	sld [smem:$0x3FD9]  }
0x89: {  	s3 =	sld [smem:$0x3FFE];
	_ =	sdelay $0x1  }
0x8a: {  	s1 =	srdreg.scid  }
0x8b: {  	s0 =	sand.u32 $0x1, s1  }
0x8c: {  	s14 =	sshll.u32 s0, $0xA;
	s2 =	sadd.s32 s3, s2  }
0x8d: {  	s2 =	sadd.s32 s2, s14  }
0x8e: {  	[smem:$0x3FC0] =	sst s2  }
0x8f: {  	_ = 	snop  }
0x90: {  	s2 =	sld [smem:$0x3FD0];
	_ =	sdelay $0x2  }
0x91: {  	s15 =	simm.s32 $0xA;
	s4 =	simm.s32 $0x10  }
0x92: {  	[smem:s4], [sflag:s15] =	dma.local [hbm:s2], $0x1  }
0x93: {  	_ =	swait.eq [sflag:s15], $0x1  }
0x94: {  	[sflag:s15] =	ssyncset.done $0x0  }
0x95: {  	[sflag:s15] =	ssyncadd.s32 $0xFFFFFFFF  }
0x96: {  	s16 =	sld [smem:$0x10];
	(tm) =	ssettm $0x1  }
0x97: {  	s17 =	sld [smem:$0x3FFB];
	_ =	sdelay $0x3  }
0x98: {  	_ =	strace s17  }
0x99: {  	s3 =	sld [smem:$0x3FFC];
	_ =	sdelay $0x3  }
0x9a: {  	_ =	strace s3  }
0x9b: {  	s3 =	sld [smem:$0x3FFD];
	_ =	sdelay $0x3  }
0x9c: {  	_ =	strace s3  }
0x9d: {  	_ =	strace $0x8FFFFFFF  }
0x9e: {  	s18 =	sld [smem:$0x3FDB];
	_ =	sdelay $0x1  }
0x9f: {  	s19 =	simm.s32 $_scs_section_size  }
0xa0: {  	s5 =	simm.s32 $_size__tile_overlayer_lowered;
	s6 =	simm.s32 $_tile_overlayer_lowered  }
0xa1: {  	s22 =	simm.s32 $0x1BFF;
	s21 =	sshll.u32 s6, $0x1;
	s3 =	sadd.s32 s19, s18  }
0xa2: {  	s7 =	simm.s32 $0x0;
	s20 =	sshll.u32 s5, $0x1;
	s5 =	sadd.s32 s21, s3  }
0xa3: {  	[timem:s7], [sflag:s22] =	dma.local [hbm:s5], s20  }
0xa4: {  	_ =	swait.ge [sflag:s22], s20  }
0xa5: {  	s4 =	ssub.s32 $0x0, s20;
	[sflag:s22] =	ssyncset.done $0x0  }
0xa6: {  	[sflag:s22] =	ssyncadd.s32 s4;
	_ =	sdelay $0x1  }
0xa7: {  	s23 =	simm.s32 $0x1B8B  }
0xa8: {  	_ =	swait.ge [sflag:s23], $0x1  }
0xa9: {  	[sflag:s23] =	ssyncset.done $0x0  }
0xaa: {  	s25 =	simm.s32 $0x1B8E;
	s24 =	sld [smem:$0x3FFE];
	[sflag:s23] =	ssyncadd.s32 $0xFFFFFFFF  }
0xab: {  	s26 =	simm.s32 $execute0_lowered;
	[smem:$0x3FD2] =	sst s25  }
0xac: {  	s5 =	sshll.u32 s26, $0x1;
	_ =	strace $0x8000004C;
	[dreg:$0x1] =	wrdreg $0xFFFFFFFF  }
0xad: {  	s28 =	simm.s32 $_size_execute0_lowered;
	s3 =	sadd.s32 s3, s5;
	[dreg:$0x0] =	wrdreg $0x0  }
0xae: {  	s5 =	sshll.u32 s28, $0x1;
	[dreg:$0x2] =	wrdreg s3  }
0xaf: {  	[dreg:$0x3] =	wrdreg s5  }
0xb0: {  	[dreg:$0x4] =	wrdreg $0xC0  }
0xb1: {  	_ =	task [dreg:s7], $0x5FFFF  }
0xb2: {  	[dreg:$0x1] =	wrdreg $0xFFFFFFFF  }
0xb3: {  	[dreg:$0x0] =	wrdreg $0x60  }
0xb4: {  	[dreg:$0x2] =	wrdreg s16  }
0xb5: {  	[dreg:$0x3] =	wrdreg s24  }
0xb6: {  	[dreg:$0x4] =	wrdreg $0x71800  }
0xb7: {  	[dreg:$0x5] =	wrdreg $0x9  }
0xb8: {  	_ =	task.clear_ibuf [dreg:s7], $0x6FFFF;
	_ =	strace $0x9000004C  }
0xb9: {  	s29 =	simm.s32 $0x9;
	_ =	strace $0x8000004E  }
0xba: {  	_ =	swait.ge [sflag:s29], $0x1  }
0xbb: {  	[sflag:s29] =	ssyncadd.s32 $0xFFFFFFFF  }
0xbc: {  	_ =	strace $0x9000004E  }
0xbd: {  	_ =	sfence  }
0xbe: {  	s30 =	sld [smem:$0x0];
	_ =	sdelay $0x2  }
0xbf: {  	s31 =	sshll.u32 s1, $0xD;
	s1 =	sshrl.u32 s1, $0x2  }
0xc0: {  	s3 =	sand.u32 $0x4000, s31;
	s1 =	sadd.s32 s1, s30  }
0xc1: {  	s0 =	sor.u32 s3, s0;
	s1 =	sshll.u32 s1, $0x11  }
0xc2: {  	s0 =	sor.u32 s1, s0  }
0xc3: {  	s0 =	sadd.s32 $0x8F2B, s0  }
0xc4: {  	[sflag:s0] =	ssyncadd.remote.s32 $0x1  }
0xc5: {  	_ =	sfence.sel $0xFFFF  }
0xc6: {  	[dreg:$0x0] =	wrdreg $0xFFFFFFFF;
	(pc) =	sbr.abs _section_cstart, $3  }
0xc7: {  	[dreg:$0x1] =	wrdreg $0xFFFFFFFF  }
0xc8: {  	_ =	task.clear_ibuf [dreg:s7], $0x2FFFF;
	_ =	strace $0x9FFFFFFF  }
0xc9: {  	(tm) =	ssettm $0x7FFFFFFF  }
tec
execute0_lowered:
.L_overlay_start_1:
0x0: {  	(tag) =	ssettag $0x1  }
0x1: {  	s1 =	rddreg [dreg:$0x0]  }
0x2: {  	s0 =	rddreg [dreg:$0x1]  }
0x3: {  	s2 =	rddreg [dreg:$0x2]  }
0x4: {  	s3 =	simm.s32 $0x0;
	s20 =	srdreg.scid;
	s4 =	stileid.u32  }
0x5: {  	s18 =	simm.s32 $0x2;
	s28 =	simm.s32 $0x5980;
	s29 =	simm.s32 $0x6180  }
0x6: {  	s30 =	simm.s32 $0x6980;
	[smem:$0x7FF] =	sst s3;
	s5 =	sadd.s32 $0xBC00, s0  }
0x7: {  	s6 =	sadd.s32 $0x6C00, s0;
	s7 =	sadd.s32 $0x1C00, s0;
	s8 =	sadd.s32 $0x27CC00, s0  }
0x8: {  	s3 =	sand.u32 $0x1, s20;
	s9 =	smul.u32 $0x2710, s4;
	s10 =	sadd.s32 $0x2A3E00, s0  }
0x9: {  	s11 =	sadd.s32 $0x2CB000, s0;
	s26 =	sshll.u32 s4, $0xB;
	s16 =	smul.u32 $0x4E20, s3  }
0xa: {  	_ =	strace $0x8000004D;
	s12 =	ssub.s32 $0x2, s3;
	s23 =	smul.u32 $0x4E200, s3  }
0xb: {  	s24 =	sshll.u32 s3, $0x2;
	s14 =	smul.u32 $0x271000, s3;
	s3 =	sshllo.u32 s3, $0x1  }
0xc: {  	s31 =	sadd.s32 s26, s2;
	s26 =	simm.s32 $0x3;
	s25 =	smul.u32 $0x27100, s3  }
0xd: {  	s13 =	sshrl.u32 s12, $0x1;
	s17 =	sor.u32 $0x1, s24;
	s19 =	smul.u32 $0x2710, s3  }
0xe: {  	s20 =	sshll.u32 s3, $0x1;
	s22 =	sshllo.u32 s3, $0x1;
	s15 =	smul.u32 $0x138800, s3  }
0xf: {  	v3 =	vmov s24;
	[dreg:$0x8] =	wrdreg s31;
	s24 =	simm.s32 $0x1;
	s3 =	simm.s32 $0x0  }
.Ltmp0:
0x10: {  	v2 =	vimm.f32 $0.0e+00;
	s21 =	ssub.s32 s12, s13;
	[dreg:$0x4] =	wrdreg s14;
	(pc) =	sbr.rel .LBB2_1-.Ltmp0, $4  }
0x11: {  	v7 =	vlaneseq.u32;
	s12 =	sadd.s32 s1, s23;
	v5 =	vmov s20;
	s20 =	simm.s32 $0x50;
	v6 =	vmov s22;
	s22 =	simm.s32 $0x180  }
0x12: {  	vm2 =	vcmask $0x1F24;
	v0 =	vmov s16;
	v4 =	vmov s17;
	s23 =	simm.s32 $0x2980;
	[dreg:$0x5] =	wrdreg s12;
	s12 =	sadd.s32 s1, s25  }
0x13: {  	vm1 =	veq.s32 v3, v7;
	v3 =	vimm.s32 $0x0;
	s0 =	smax.u32 s21, $0x1;
	v1 =	vmov s19;
	s19 =	simm.s32 $0x80;
	[dreg:$0x6] =	wrdreg s12  }
0x14: {  	s21 =	simm.s32 $0x100;
	vm0 =	veq.s32 v4, v7;
	s25 =	simm.s32 $0x5180;
	vm3 =	veq.s32 v6, v7;
	vm4 =	veq.s32 v5, v7;
	[dreg:$0x7] =	wrdreg s0  }
.LBB2_29:
0x15: {  	s3 =	rddreg [dreg:$0x9]  }
0x16: {  	s0 =	rddreg [dreg:$0x7];
	s3 =	sadd.s32 $0x1, s3  }
0x17: {  	p0 =	sne.s32 s3, s0  }
.Ltmp1:
0x18: {  	_ = 	snop;
	(pc) =	sbr.rel @!p0 .LBB2_30-.Ltmp1, $2  }
0x19: {  	_ =	sdelay $0x1  }
0x1a: {  	[bflag:$0x0] =	sbarrier.arrive $0xFFFF;
	_ =	sdelay $0x1  }
.LBB2_1:
0x1b: {  	[dreg:$0x9] =	wrdreg s3;
	s0 =	simm.s32 $0x0;
	s3 =	simm.s32 $0x200  }
.LBB2_2:
0x1c: {  	p0 =	sne.s32 s3, $0x1E00;
	[tilespmem:s0+$0x51F0] =	vst v2  }
0x1d: {  	[tilespmem:s0+$0x5180] =	vst v2  }
0x1e: {  	[tilespmem:s0+$0x5190] =	vst v2  }
.Ltmp2:
0x1f: {  	[tilespmem:s0+$0x51A0] =	vst v2;
	(pc) =	sbr.rel @p0 .LBB2_2-.Ltmp2, $4  }
0x20: {  	[tilespmem:s0+$0x51B0] =	vst v2  }
0x21: {  	[tilespmem:s0+$0x51C0] =	vst v2  }
0x22: {  	[tilespmem:s0+$0x51D0] =	vst v2  }
0x23: {  	[tilespmem:s0+$0x51E0] =	vst v2;
	s0 =	sshra.s32 s3, $0x2;
	s3 =	sadd.s32 $0x200, s3  }
0x24: {  	[tilespmem:s0+$0x51F0] =	vst v2  }
0x25: {  	[tilespmem:s0+$0x5180] =	vst v2  }
0x26: {  	[tilespmem:s0+$0x5190] =	vst v2  }
0x27: {  	[tilespmem:s0+$0x51A0] =	vst v2  }
0x28: {  	[tilespmem:s0+$0x51B0] =	vst v2  }
0x29: {  	[tilespmem:s0+$0x51C0] =	vst v2;
	s3 =	sadd.s32 $0x0, s4  }
0x2a: {  	[tilespmem:s0+$0x51D0] =	vst v2;
	p0 =	sgt.u32 s3, $0x270  }
0x2b: {  	[tilespmem:s0+$0x51E0] =	vst v2;
	s14 =	rddreg [dreg:$0x8];
	s0 =	simm.s32 @!p0 $0x5180;
	s13 =	simm.s32 @!p0 $0x2  }
0x2c: {  	[spmem:s14] =	stream.linear.scatter @!p0 [tilespmem:s0], [sflag:$0x2], $0x800, $0x38;
	[tilespmem:$0x1AA00] =	vst v63  }
0x2d: {  	s12 =	simm.s32 $0x20;
	_ =	swait.ge @!p0 [sflag:s13], $0x800  }
0x2e: {  	s3 =	simm.s32 $0x10;
	s0 =	sadd.s32 $0x8000, s14;
	[sflag:s13] =	ssyncset.done @!p0 $0x0  }
.LBB2_4:
0x2f: {  	s16 =	sadd.s32 s3, s4;
	s3 =	smov.u32 s12;
	s12 =	sadd.s32 $0x10, s12  }
0x30: {  	[sflag:s13] =	ssyncadd.s32 @!p0 $0xFFFFF800;
	p1 =	sne.s32 s12, $0x280  }
.Ltmp3:
0x31: {  	p0 =	sgt.u32 s16, $0x270;
	(pc) =	sbr.rel @p1 .LBB2_4-.Ltmp3, $4  }
0x32: {  	s16 =	simm.s32 @!p0 $0x5180;
	s13 =	simm.s32 @!p0 $0x2  }
0x33: {  	[spmem:s0] =	stream.linear.scatter @!p0 [tilespmem:s16], [sflag:$0x2], $0x800, $0x38;
	[tilespmem:$0x1AA00] =	vst v63  }
0x34: {  	_ =	swait.ge @!p0 [sflag:s13], $0x800  }
0x35: {  	s0 =	sadd.s32 $0x8000, s0;
	[sflag:s13] =	ssyncset.done @!p0 $0x0  }
0x36: {  	s3 =	sadd.s32 s3, s4  }
0x37: {  	p1 =	sgt.u32 s3, $0x270  }
0x38: {  	[sflag:s13] =	ssyncadd.s32 @!p0 $0xFFFFF800;
	s3 =	simm.s32 @!p1 $0x5180;
	s12 =	simm.s32 @!p1 $0x2  }
0x39: {  	[spmem:s0] =	stream.linear.scatter @!p1 [tilespmem:s3], [sflag:$0x2], $0x800, $0x38;
	[tilespmem:$0x1AA00] =	vst v63  }
0x3a: {  	_ =	swait.ge @!p1 [sflag:s12], $0x800  }
0x3b: {  	[sflag:s12] =	ssyncset.done @!p1 $0x0  }
0x3c: {  	[sflag:s12] =	ssyncadd.s32 @!p1 $0xFFFFF800  }
0x3d: {  	s16 =	simm.s32 $0x0;
	s0 =	simm.s32 $0x0;
	[bflag:$0x0] =	sbarrier.arrive $0xFFFF  }
.LBB2_6:
0x3e: {  	s3 =	smul.u32 $0x50, s16;
	_ =	sdelay $0x1  }
0x3f: {  	s3 =	sadd.s32 s9, s3  }
0x40: {  	s12 =	sshrl.u32 s3, $0x3  }
0x41: {  	s13 =	sadd.s32 s6, s12  }
0x42: {  	[tilespmem:s0], [sflag:$0x2] =	stream.linear.gather [hbm4b:s13+s0], $0x50, $0x38;
	[tilespmem:$0x1AA00] =	vst v63  }
0x43: {  	_ =	swait.ge [sflag:s18], $0x50  }
0x44: {  	[sflag:s18] =	ssyncset.done $0x0  }
0x45: {  	s12 =	sadd.s32 s7, s12;
	[sflag:s18] =	ssyncadd.s32 $0xFFFFFFB0  }
0x46: {  	[tilespmem:s19], [sflag:$0x2] =	stream.linear.gather [hbm4b:s12+s0], $0x50, $0x38;
	[tilespmem:$0x1AA00] =	vst v63  }
0x47: {  	_ =	swait.ge [sflag:s18], $0x50  }
0x48: {  	[sflag:s18] =	ssyncset.done $0x0  }
0x49: {  	[sflag:s18] =	ssyncadd.s32 $0xFFFFFFB0  }
0x4a: {  	v4 =	vld [tilespmem:$0x0]  }
0x4b: {  	v5 =	vld [tilespmem:$0x10]  }
0x4c: {  	v6 =	vld [tilespmem:$0x20]  }
0x4d: {  	v7 =	vld [tilespmem:$0x30]  }
0x4e: {  	v8 =	vld [tilespmem:$0x40]  }
0x4f: {  	v4 =	vadd.s32 v0, v4  }
0x50: {  	[tilespmem:$0x100] =	vst v4;
	v4 =	vadd.s32 v0, v5  }
0x51: {  	[tilespmem:$0x110] =	vst v4;
	v4 =	vadd.s32 v0, v6  }
0x52: {  	[tilespmem:$0x120] =	vst v4;
	v4 =	vadd.s32 v0, v7  }
0x53: {  	[tilespmem:$0x130] =	vst v4;
	v4 =	vadd.s32 v0, v8  }
0x54: {  	s3 =	sshll.u32 s3, $0x4;
	[tilespmem:$0x140] =	vst v4  }
0x55: {  	[tilespmem:s22], [sflag:$0x1] =	stream.indirect.gather [hbm4b:s1+s20], $0x80, s21, s20, $0xb8;
	[tilespmem:$0x1AA00] =	vst v63  }
0x56: {  	s3 =	sadd.s32 s5, s3  }
0x57: {  	[tilespmem:s23], [sflag:$0x2] =	stream.linear.gather [hbm4b:s3+s0], $0x2800, $0x38;
	[tilespmem:$0x1AA00] =	vst v63  }
0x58: {  	_ =	swait.ge [sflag:s18], $0x2800  }
0x59: {  	[sflag:s18] =	ssyncset.done $0x0  }
0x5a: {  	[sflag:s18] =	ssyncadd.s32 $0xFFFFD800  }
0x5b: {  	_ =	swait.ge [sflag:s24], $0x2800  }
0x5c: {  	[sflag:s24] =	ssyncset.done $0x0  }
0x5d: {  	s12 =	simm.s32 $0x0;
	[sflag:s24] =	ssyncadd.s32 $0xFFFFD800  }
0x5e: {  	v4 =	vld [tilespmem:s12+$0x2980];
	_ =	sdelay $0x4  }
0x5f: {  	v5 =	vnsel vm1, $0x0, v4  }
0x60: {  	(xrf2) =	vadd.scan.msk.f32 $0xffff, v5;
	_ =	sdelay $0x3  }
0x61: {  	v4 =	vnsel vm0, $0x0, v4  }
0x62: {  	(xrf2) =	vadd.scan.msk.f32 $0xffff, v4;
	_ =	sdelay $0x3  }
0x63: {  	s31 =	simm.s32 $0x80  }
0x64: {  	v5 =	vld [tilespmem:s31+$0x2980];
	v7, _, _ =	vpop (xrf2)  }
0x65: {  	v7 =	vadd.f32 $0.0e+00, v7;
	_ =	sdelay $0x1  }
0x66: {  	v4 =	vld [tilespmem:s12+$0x190]  }
0x67: {  	v6 =	vld [tilespmem:s12+$0x1A0]  }
0x68: {  	s3 =	simm.s32 $0x100;
	v8 =	vld [tilespmem:s12+$0x1C0];
	v9 =	vnsel vm1, $0x0, v5;
	v13 =	vbroadcast v7, $0xF;
	v7, _, _ =	vpop (xrf2)  }
0x69: {  	v10 =	vld [tilespmem:s3+$0x2980];
	(xrf2) =	vadd.scan.msk.f32 $0xffff, v9;
	v7 =	vadd.f32 $0.0e+00, v7  }
0x6a: {  	v12 =	vld [tilespmem:s12+$0x1E0];
	v5 =	vnsel vm0, $0x0, v5  }
0x6b: {  	v11 =	vld [tilespmem:s12+$0x1D0];
	v16 =	vmul.f32 v13, v4;
	(xrf2) =	vadd.scan.msk.f32 $0xffff, v5;
	v18 =	vbroadcast v7, $0xF  }
0x6c: {  	s17 =	simm.s32 $0x180;
	v14 =	vld [tilespmem:s12+$0x1B0];
	v6 =	vmul.f32 v13, v6  }
0x6d: {  	v4 =	vld [tilespmem:s17+$0x2980];
	[tilespmem:s12+$0x190] =	vst v16;
	v5 =	vmul.f32 v8, v18  }
0x6e: {  	v9 =	vld [tilespmem:s31+$0x190];
	[tilespmem:s12+$0x1A0] =	vst v6  }
0x6f: {  	v7 =	vld [tilespmem:s31+$0x1A0];
	[tilespmem:s12+$0x1C0] =	vst v5;
	v5 =	vmul.f32 v12, v18  }
0x70: {  	v15 =	vld [tilespmem:s12+$0x1F0];
	v8 =	vmul.f32 v11, v18;
	v11 =	vnsel vm1, $0x0, v10  }
0x71: {  	v17 =	vld [tilespmem:s12+$0x180];
	(xrf2) =	vadd.scan.msk.f32 $0xffff, v11  }
0x72: {  	v6 =	vld [tilespmem:s31+$0x1C0];
	[tilespmem:s12+$0x1D0] =	vst v8  }
0x73: {  	v10 =	vnsel vm0, $0x0, v10;
	v8 =	vld [tilespmem:s31+$0x1D0];
	[tilespmem:s12+$0x1E0] =	vst v5;
	v5, _, _ =	vpop (xrf2)  }
0x74: {  	v12 =	vmul.f32 v14, v13;
	(xrf2) =	vadd.scan.msk.f32 $0xffff, v10;
	v5 =	vadd.f32 $0.0e+00, v5  }
0x75: {  	v14 =	vmul.f32 v15, v18;
	v15, _, _ =	vpop (xrf2)  }
0x76: {  	v11 =	vld [tilespmem:s31+$0x1E0];
	[tilespmem:s12+$0x1B0] =	vst v12;
	v12 =	vmul.f32 v13, v17;
	v13 =	vadd.f32 $0.0e+00, v15;
	v5 =	vbroadcast v5, $0xF  }
0x77: {  	s13 =	simm.s32 $0x800;
	v10 =	vld [tilespmem:s31+$0x1B0];
	[tilespmem:s12+$0x1F0] =	vst v14  }
.LBB2_7:
0x78: {  	s14 =	sshra.s32 s13, $0x2;
	p0 =	sne.s32 s13, $0x9E00;
	s13 =	sadd.s32 $0x200, s13;
	v14 =	vnsel vm1, $0x0, v4;
	v13 =	vbroadcast v13, $0xF;
	v9 =	vmul.f32 v5, v9;
	v15 =	vld [tilespmem:s31+$0x1F0];
	[tilespmem:s12+$0x180] =	vst v12  }
0x79: {  	v12 =	vnsel vm0, $0x0, v4;
	v7 =	vmul.f32 v5, v7;
	s12 =	smov.u32 s31;
	v16 =	vld [tilespmem:s31+$0x180];
	s31 =	smov.u32 s3;
	s3 =	smov.u32 s17  }
0x7a: {  	s17 =	smov.u32 s14;
	v4 =	vld [tilespmem:s14+$0x2980];
	(xrf2) =	vadd.scan.msk.f32 $0xffff, v14;
	[tilespmem:s12+$0x190] =	vst v9;
	v6 =	vmul.f32 v6, v13;
	v8 =	vmul.f32 v8, v13  }
0x7b: {  	v9 =	vld [tilespmem:s31+$0x190];
	v14, _, _ =	vpop (xrf2);
	[tilespmem:s12+$0x1A0] =	vst v7;
	v11 =	vmul.f32 v11, v13  }
.Ltmp4:
0x7c: {  	v7 =	vld [tilespmem:s31+$0x1A0];
	[tilespmem:s12+$0x1C0] =	vst v6;
	(pc) =	sbr.rel @p0 .LBB2_7-.Ltmp4, $4  }
0x7d: {  	v14 =	vadd.f32 $0.0e+00, v14;
	v10 =	vmul.f32 v10, v5;
	(xrf2) =	vadd.scan.msk.f32 $0xffff, v12;
	v6 =	vld [tilespmem:s31+$0x1C0];
	[tilespmem:s12+$0x1D0] =	vst v8  }
0x7e: {  	v15 =	vmul.f32 v15, v13;
	v8 =	vld [tilespmem:s31+$0x1D0];
	v17, _, _ =	vpop (xrf2);
	v12 =	vmul.f32 v5, v16;
	[tilespmem:s12+$0x1E0] =	vst v11  }
0x7f: {  	v5 =	vbroadcast v14, $0xF;
	v13 =	vadd.f32 $0.0e+00, v17;
	v11 =	vld [tilespmem:s31+$0x1E0];
	[tilespmem:s12+$0x1B0] =	vst v10  }
0x80: {  	v10 =	vld [tilespmem:s31+$0x1B0];
	[tilespmem:s12+$0x1F0] =	vst v15  }
0x81: {  	v9 =	vmul.f32 v5, v9;
	v13 =	vbroadcast v13, $0xF  }
0x82: {  	v14 =	vld [tilespmem:s31+$0x1F0];
	[tilespmem:s12+$0x180] =	vst v12;
	v7 =	vmul.f32 v5, v7  }
0x83: {  	v12 =	vld [tilespmem:s31+$0x180];
	[tilespmem:s31+$0x190] =	vst v9;
	v6 =	vmul.f32 v6, v13  }
0x84: {  	v54 =	vnsel vm1, $0x0, v4;
	v8 =	vmul.f32 v8, v13;
	v9 =	vld [tilespmem:s3+$0x190];
	[tilespmem:s31+$0x1A0] =	vst v7  }
0x85: {  	v11 =	vmul.f32 v11, v13;
	v52, _, _ =	vpop (xrf2);
	(xrf2) =	vadd.scan.msk.f32 $0xffff, v54;
	v7 =	vld [tilespmem:s3+$0x1A0];
	[tilespmem:s31+$0x1C0] =	vst v6  }
0x86: {  	v4 =	vnsel vm0, $0x0, v4;
	v6 =	vld [tilespmem:s3+$0x1C0];
	[tilespmem:s31+$0x1D0] =	vst v8  }
0x87: {  	v8 =	vld [tilespmem:s3+$0x1D0];
	[tilespmem:s31+$0x1E0] =	vst v11;
	v11 =	vadd.f32 $0.0e+00, v52;
	v53, _, _ =	vpop (xrf2);
	(xrf2) =	vadd.scan.msk.f32 $0xffff, v4  }
0x88: {  	v10 =	vmul.f32 v10, v5;
	v13 =	vmul.f32 v14, v13  }
0x89: {  	v5 =	vmul.f32 v5, v12;
	v12 =	vadd.f32 $0.0e+00, v53;
	v11 =	vbroadcast v11, $0xF  }
0x8a: {  	v15 =	vld [tilespmem:s3+$0x1E0];
	[tilespmem:s31+$0x1B0] =	vst v10  }
0x8b: {  	v10 =	vld [tilespmem:s3+$0x1B0];
	[tilespmem:s31+$0x1F0] =	vst v13;
	v12 =	vbroadcast v12, $0xF;
	v9 =	vmul.f32 v11, v9  }
0x8c: {  	v13 =	vld [tilespmem:s3+$0x1F0];
	[tilespmem:s31+$0x180] =	vst v5;
	v7 =	vmul.f32 v11, v7  }
0x8d: {  	v5 =	vld [tilespmem:s3+$0x180];
	v6 =	vmul.f32 v6, v12;
	[tilespmem:s3+$0x190] =	vst v9  }
0x8e: {  	v8 =	vmul.f32 v8, v12;
	v4 =	vld [tilespmem:s17+$0x190];
	[tilespmem:s3+$0x1A0] =	vst v7  }
0x8f: {  	v55 =	vmul.f32 v15, v12;
	v56, _, _ =	vpop (xrf2);
	v7 =	vld [tilespmem:s17+$0x1A0];
	[tilespmem:s3+$0x1C0] =	vst v6  }
0x90: {  	v10 =	vmul.f32 v10, v11;
	v9 =	vadd.f32 $0.0e+00, v56;
	v6 =	vld [tilespmem:s17+$0x1C0];
	[tilespmem:s3+$0x1D0] =	vst v8  }
0x91: {  	v8 =	vld [tilespmem:s17+$0x1D0];
	[tilespmem:s3+$0x1E0] =	vst v55;
	v58, _, _ =	vpop (xrf2)  }
0x92: {  	v12 =	vmul.f32 v13, v12;
	v9 =	vbroadcast v9, $0xF;
	v57 =	vld [tilespmem:s17+$0x1E0];
	[tilespmem:s3+$0x1B0] =	vst v10;
	v10 =	vadd.f32 $0.0e+00, v58  }
0x93: {  	v5 =	vmul.f32 v11, v5  }
0x94: {  	v59 =	vld [tilespmem:s17+$0x1B0];
	[tilespmem:s3+$0x1F0] =	vst v12;
	v4 =	vmul.f32 v9, v4;
	v10 =	vbroadcast v10, $0xF  }
0x95: {  	v60 =	vld [tilespmem:s17+$0x1F0];
	[tilespmem:s3+$0x180] =	vst v5;
	v7 =	vmul.f32 v9, v7  }
0x96: {  	v5 =	vld [tilespmem:s17+$0x180];
	[tilespmem:s17+$0x190] =	vst v4;
	v4 =	vmul.f32 v6, v10  }
0x97: {  	v61 =	vmul.f32 v8, v10;
	[tilespmem:s17+$0x1A0] =	vst v7  }
0x98: {  	v62 =	vmul.f32 v57, v10;
	[tilespmem:s17+$0x1C0] =	vst v4  }
0x99: {  	v4 =	vmul.f32 v59, v9;
	[tilespmem:s17+$0x1D0] =	vst v61  }
0x9a: {  	[tilespmem:s17+$0x1E0] =	vst v62;
	v63 =	vmul.f32 v60, v10  }
0x9b: {  	s16 =	sadd.s32 $0x1, s16;
	v5 =	vmul.f32 v9, v5;
	[tilespmem:s17+$0x1B0] =	vst v4  }
0x9c: {  	p0 =	sne.s32 s16, $0x7D;
	[tilespmem:s17+$0x1F0] =	vst v63  }
.Ltmp5:
0x9d: {  	[tilespmem:s17+$0x180] =	vst v5;
	(pc) =	sbr.rel @p0 .LBB2_6-.Ltmp5, $4  }
0x9e: {  	[spmem:s2] =	stream.indirect.scatter.add.f32 [tilespmem:s22], [sflag:$0x2], $0x80, s19, s20, $0xb8;
	[tilespmem:$0x1AA00] =	vst v63  }
0x9f: {  	_ =	swait.ge [sflag:s18], $0x2800  }
0xa0: {  	[sflag:s18] =	ssyncset.done $0x0  }
0xa1: {  	[sflag:s18] =	ssyncadd.s32 $0xFFFFD800  }
.Ltmp6:
0xa2: {  	(pc) =	sbr.rel .LBB2_10-.Ltmp6, $3  }
0xa3: {  	_ =	sdelay $0x1  }
0xa4: {  	[bflag:$0x0] =	sbarrier.arrive $0xFFFF  }
0xa5: {  	s0 =	simm.s32 $0x0;
	s14 =	simm.s32 $0x0  }
.LBB2_14:
0xa6: {  	s0 =	sadd.s32 $0x1, s0  }
0xa7: {  	p0 =	sne.s32 s0, $0x28  }
.Ltmp7:
0xa8: {  	_ = 	snop;
	(pc) =	sbr.rel @!p0 .LBB2_15-.Ltmp7, $1  }
0xa9: {  	_ =	sdelay $0x3  }
.LBB2_10:
0xaa: {  	s3 =	sshll.u32 s0, $0x4  }
0xab: {  	s3 =	sor.u32 s4, s3  }
0xac: {  	p0 =	sgt.u32 s3, $0x270  }
.Ltmp8:
0xad: {  	_ = 	snop;
	(pc) =	sbr.rel @p0 .LBB2_14-.Ltmp8, $1  }
0xae: {  	_ =	sdelay $0x3  }
0xaf: {  	s16 =	sshll.u32 s3, $0xB  }
0xb0: {  	s12 =	sand.u32 $0x3FFFF800, s16  }
0xb1: {  	s12 =	sadd.s32 s12, s2  }
0xb2: {  	[tilespmem:s25], [sflag:$0x3] =	stream.linear.gather [spmem:s12], $0x800, $0x38;
	[tilespmem:$0x1AA00] =	vst v63  }
0xb3: {  	_ =	swait.ge [sflag:s26], $0x800  }
0xb4: {  	s3 =	sshll.u32 s3, $0x8;
	[sflag:s26] =	ssyncset.done $0x0;
	s13 =	rddreg [dreg:$0x5]  }
0xb5: {  	[sflag:s26] =	ssyncadd.s32 $0xFFFFF800;
	s12 =	sadd.s32 s3, s13;
	s13 =	simm.s32 $0x0  }
0xb6: {  	[tilespmem:s28], [sflag:$0x3] =	stream.linear.gather [hbm4b:s12+s13], $0x800, $0x38;
	[tilespmem:$0x1AA00] =	vst v63  }
0xb7: {  	_ =	swait.ge [sflag:s26], $0x800  }
0xb8: {  	[sflag:s26] =	ssyncset.done $0x0  }
0xb9: {  	s17 =	sadd.s32 s8, s3;
	[sflag:s26] =	ssyncadd.s32 $0xFFFFF800  }
0xba: {  	[tilespmem:s29], [sflag:$0x3] =	stream.linear.gather [hbm4b:s17+s13], $0x800, $0x38;
	[tilespmem:$0x1AA00] =	vst v63  }
0xbb: {  	_ =	swait.ge [sflag:s26], $0x800  }
0xbc: {  	[sflag:s26] =	ssyncset.done $0x0  }
0xbd: {  	s3 =	sadd.s32 s10, s3;
	[sflag:s26] =	ssyncadd.s32 $0xFFFFF800  }
0xbe: {  	[tilespmem:s30], [sflag:$0x3] =	stream.linear.gather [hbm4b:s3+s13], $0x800, $0x38;
	[tilespmem:$0x1AA00] =	vst v63  }
0xbf: {  	_ =	swait.ge [sflag:s26], $0x800  }
0xc0: {  	[sflag:s26] =	ssyncset.done $0x0  }
0xc1: {  	s3 =	simm.s32 $0x0;
	[sflag:s26] =	ssyncadd.s32 $0xFFFFF800  }
0xc2: {  	v4 =	vld [tilespmem:s3+$0x6180]  }
0xc3: {  	v5 =	vld [tilespmem:s3+$0x6980];
	_ =	sdelay $0x4  }
0xc4: {  	v4 =	vadd.f32 v5, v4;
	_ =	sdelay $0x1  }
0xc5: {  	v5 =	vnsel vm1, $0x0, v4  }
0xc6: {  	(xrf2) =	vadd.scan.msk.f32 $0xffff, v5;
	_ =	sdelay $0x5  }
0xc7: {  	v5 =	vnsel vm0, $0x0, v4  }
0xc8: {  	(xrf2) =	vadd.scan.msk.f32 $0xffff, v5;
	_ =	sdelay $0x2  }
0xc9: {  	v6, _, _ =	vpop (xrf2)  }
0xca: {  	v4 =	vsel vm2, $0x0, v4;
	v6 =	vadd.f32 $0.0e+00, v6  }
0xcb: {  	(xrf2) =	vadd.scan.msk.f32 $0xffff, v4  }
0xcc: {  	v6 =	vbroadcast v6, $0xF  }
0xcd: {  	s31 =	simm.s32 $0x80  }
0xce: {  	v5 =	vld [tilespmem:s31+$0x6180]  }
0xcf: {  	v4 =	vld [tilespmem:s31+$0x6980]  }
0xd0: {  	(erf) = vrcp.f32 v6;
	v6, _, _ =	vpop (xrf2)  }
0xd1: {  	v6 =	vadd.f32 $0.0e+00, v6  }
0xd2: {  	v7 =	vld [tilespmem:s3+$0x5980]  }
0xd3: {  	v8 =	vld [tilespmem:s3+$0x5990];
	v6 =	vbroadcast v6, $0xF  }
0xd4: {  	v9 =	vld [tilespmem:s3+$0x59A0];
	v4 =	vadd.f32 v4, v5  }
0xd5: {  	v15 =	vld [tilespmem:s3+$0x5180];
	v16, _, _ =	vpop (xrf2);
	(erf) = vrcp.f32 v6  }
0xd6: {  	v10 =	vld [tilespmem:s3+$0x59B0];
	v20 =	vnsel vm1, $0x0, v4;
	vm5 =	vgt.f32 v16, $0.0e+00  }
0xd7: {  	v55 =	vld [tilespmem:s3+$0x5190];
	(xrf2) =	vadd.scan.msk.f32 $0xffff, v20;
	v17 =	vsel vm5, $0x1, v3  }
0xd8: {  	v18 =	vld [tilespmem:s3+$0x51A0];
	v5 =	vbroadcast v17, $0xF  }
0xd9: {  	v56 =	vld [tilespmem:s3+$0x51B0];
	v6 =	vpop (erf)  }
0xda: {  	v19 =	vld [tilespmem:s3+$0x51C0];
	v5 =	vand.u32 $0x1, v5;
	v15 =	vmul.f32 v6, v15  }
0xdb: {  	s17 =	simm.s32 $0x100;
	v11 =	vld [tilespmem:s3+$0x59C0];
	v58 =	vnsel vm0, $0x0, v4;
	vm5 =	veq.s32 v5, $0x1  }
0xdc: {  	v13 =	vld [tilespmem:s17+$0x6180];
	(xrf2) =	vadd.scan.msk.f32 $0xffff, v58;
	v5 =	vmul.f32 v6, v55;
	v7 =	vsel vm5, v15, v7  }
0xdd: {  	v14 =	vld [tilespmem:s17+$0x6980];
	[tilespmem:s3+$0x5180] =	vst v7;
	v7 =	vmul.f32 v6, v18  }
0xde: {  	v12 =	vld [tilespmem:s3+$0x59D0];
	v5 =	vsel vm5, v5, v8;
	v60 =	vpop (erf)  }
0xdf: {  	v21 =	vld [tilespmem:s3+$0x51D0];
	[tilespmem:s3+$0x5190] =	vst v5;
	v5 =	vmul.f32 v56, v6;
	v7 =	vsel vm5, v7, v9;
	v9 =	vmul.f32 v19, v60  }
0xe0: {  	v57 =	vld [tilespmem:s3+$0x51E0]  }
0xe1: {  	v15 =	vld [tilespmem:s3+$0x51F0];
	v5 =	vsel vm5, v5, v10;
	v10, _, _ =	vpop (xrf2);
	v9 =	vsel vm5, v9, v11;
	v11 =	vsel vm2, $0x0, v4  }
0xe2: {  	v8 =	vld [tilespmem:s3+$0x59E0];
	v10 =	vadd.f32 $0.0e+00, v10;
	(xrf2) =	vadd.scan.msk.f32 $0xffff, v11  }
0xe3: {  	v59 =	vld [tilespmem:s3+$0x59F0]  }
0xe4: {  	v6 =	vld [tilespmem:s31+$0x5980];
	[tilespmem:s3+$0x51A0] =	vst v7;
	v61 =	vmul.f32 v21, v60  }
0xe5: {  	v7 =	vld [tilespmem:s31+$0x5990];
	[tilespmem:s3+$0x51B0] =	vst v5;
	v62 =	vmul.f32 v57, v60;
	v63 =	vbroadcast v10, $0xF  }
0xe6: {  	v5 =	vld [tilespmem:s31+$0x59A0];
	v12 =	vsel vm5, v61, v12;
	[tilespmem:s3+$0x51C0] =	vst v9;
	v9 =	vadd.f32 v14, v13;
	v13 =	vmul.f32 v15, v60;
	v10, _, _ =	vpop (xrf2)  }
0xe7: {  	v4 =	vld [tilespmem:s31+$0x59B0];
	[tilespmem:s3+$0x51D0] =	vst v12;
	v12 =	vsel vm5, v62, v8;
	(erf) = vrcp.f32 v63;
	v10 =	vadd.f32 $0.0e+00, v10  }
0xe8: {  	s12 =	simm.s32 $0x600;
	v8 =	vld [tilespmem:s31+$0x59C0];
	v11 =	vnsel vm1, $0x0, v9;
	[tilespmem:s3+$0x51E0] =	vst v12;
	v12 =	vsel vm5, v13, v59  }
.LBB2_12:
0xe9: {  	s13 =	sshra.s32 s12, $0x2;
	p0 =	sne.s32 s12, $0x1E00;
	(xrf2) =	vadd.scan.msk.f32 $0xffff, v11;
	v10 =	vbroadcast v10, $0xF;
	v11 =	vld [tilespmem:s31+$0x59D0];
	[tilespmem:s3+$0x51F0] =	vst v12;
	s3 =	smov.u32 s31  }
0xea: {  	s31 =	smov.u32 s17;
	v12 =	vld [tilespmem:s13+$0x6180];
	s17 =	smov.u32 s13  }
0xeb: {  	v13 =	vld [tilespmem:s17+$0x6980];
	(erf) = vrcp.f32 v10  }
0xec: {  	v10 =	vld [tilespmem:s3+$0x5180];
	v14, _, _ =	vpop (xrf2)  }
0xed: {  	v15 =	vnsel vm0, $0x0, v9;
	vm5 =	vgt.f32 v14, $0.0e+00;
	v14 =	vld [tilespmem:s3+$0x5190]  }
0xee: {  	(xrf2) =	vadd.scan.msk.f32 $0xffff, v15;
	v15 =	vsel vm5, $0x1, v3;
	v16 =	vld [tilespmem:s3+$0x51A0]  }
0xef: {  	v15 =	vbroadcast v15, $0xF;
	v17 =	vld [tilespmem:s3+$0x51B0]  }
0xf0: {  	v18 =	vld [tilespmem:s3+$0x51C0];
	v19 =	vpop (erf)  }
0xf1: {  	v15 =	vand.u32 $0x1, v15;
	v10 =	vmul.f32 v19, v10;
	v20 =	vld [tilespmem:s3+$0x51D0]  }
0xf2: {  	vm5 =	veq.s32 v15, $0x1;
	v14 =	vmul.f32 v19, v14;
	v15 =	vld [tilespmem:s3+$0x51E0]  }
0xf3: {  	v9 =	vsel vm2, $0x0, v9;
	v21, _, _ =	vpop (xrf2);
	v6 =	vsel vm5, v10, v6;
	v10 =	vmul.f32 v19, v16;
	v16 =	vld [tilespmem:s3+$0x51F0]  }
0xf4: {  	(xrf2) =	vadd.scan.msk.f32 $0xffff, v9;
	[tilespmem:s3+$0x5180] =	vst v6;
	v6 =	vsel vm5, v14, v7;
	v7 =	vmul.f32 v17, v19;
	v14 =	vld [tilespmem:s3+$0x59E0];
	v17 =	vpop (erf)  }
0xf5: {  	v9 =	vadd.f32 $0.0e+00, v21;
	[tilespmem:s3+$0x5190] =	vst v6;
	v5 =	vsel vm5, v10, v5;
	v21 =	vmul.f32 v18, v17;
	v18 =	vld [tilespmem:s3+$0x59F0]  }
.Ltmp9:
0xf6: {  	v6 =	vld [tilespmem:s31+$0x5980];
	[tilespmem:s3+$0x51A0] =	vst v5;
	v4 =	vsel vm5, v7, v4;
	v19 =	vmul.f32 v20, v17;
	(pc) =	sbr.rel @p0 .LBB2_12-.Ltmp9, $4  }
0xf7: {  	v20 =	vbroadcast v9, $0xF;
	v7 =	vld [tilespmem:s31+$0x5990];
	[tilespmem:s3+$0x51B0] =	vst v4;
	v4 =	vsel vm5, v21, v8;
	v8 =	vmul.f32 v15, v17  }
0xf8: {  	v9 =	vadd.f32 v13, v12;
	v5 =	vld [tilespmem:s31+$0x59A0];
	v10, _, _ =	vpop (xrf2);
	[tilespmem:s3+$0x51C0] =	vst v4;
	v11 =	vsel vm5, v19, v11;
	v12 =	vmul.f32 v16, v17  }
0xf9: {  	v10 =	vadd.f32 $0.0e+00, v10;
	v4 =	vld [tilespmem:s31+$0x59B0];
	(erf) = vrcp.f32 v20;
	[tilespmem:s3+$0x51D0] =	vst v11;
	v13 =	vsel vm5, v8, v14  }
0xfa: {  	s12 =	sadd.s32 $0x200, s12;
	v11 =	vnsel vm1, $0x0, v9;
	v8 =	vld [tilespmem:s31+$0x59C0];
	[tilespmem:s3+$0x51E0] =	vst v13;
	v12 =	vsel vm5, v12, v18  }
0xfb: {  	_ = 	snop  }
0xfc: {  	v13 =	vld [tilespmem:s31+$0x59D0];
	[tilespmem:s3+$0x51F0] =	vst v12  }
0xfd: {  	v10 =	vbroadcast v10, $0xF;
	v12 =	vld [tilespmem:s31+$0x5180]  }
0xfe: {  	v32 =	vld [tilespmem:s31+$0x5190];
	v14, _, _ =	vpop (xrf2)  }
0xff: {  	v16 =	vld [tilespmem:s31+$0x51A0];
	(erf) = vrcp.f32 v10;
	(xrf2) =	vadd.scan.msk.f32 $0xffff, v11;
	vm5 =	vgt.f32 v14, $0.0e+00  }
0x100: {  	v15 =	vsel vm5, $0x1, v3  }
0x101: {  	v17 =	vld [tilespmem:s31+$0x51B0];
	v15 =	vbroadcast v15, $0xF  }
0x102: {  	v34 =	vpop (erf)  }
0x103: {  	v37 =	vnsel vm0, $0x0, v9;
	v15 =	vand.u32 $0x1, v15;
	v12 =	vmul.f32 v34, v12  }
0x104: {  	v18 =	vld [tilespmem:s31+$0x51D0];
	(xrf2) =	vadd.scan.msk.f32 $0xffff, v37;
	v14 =	vmul.f32 v34, v32;
	v39 =	vmul.f32 v34, v16;
	vm5 =	veq.s32 v15, $0x1  }
0x105: {  	v33 =	vld [tilespmem:s31+$0x51C0];
	v6 =	vsel vm5, v12, v6  }
0x106: {  	v11 =	vmul.f32 v17, v34;
	v7 =	vsel vm5, v14, v7;
	v5 =	vsel vm5, v39, v5;
	[tilespmem:s31+$0x5180] =	vst v6  }
0x107: {  	v35 =	vld [tilespmem:s31+$0x51E0];
	[tilespmem:s31+$0x5190] =	vst v7  }
0x108: {  	v42 =	vsel vm2, $0x0, v9;
	v4 =	vsel vm5, v11, v4;
	v43 =	vpop (erf);
	v41 =	vld [tilespmem:s17+$0x5980];
	[tilespmem:s31+$0x51A0] =	vst v5  }
0x109: {  	v5, _, _ =	vpop (xrf2);
	(xrf2) =	vadd.scan.msk.f32 $0xffff, v42;
	v45 =	vld [tilespmem:s17+$0x5990];
	[tilespmem:s31+$0x51B0] =	vst v4;
	v4 =	vmul.f32 v18, v43  }
0x10a: {  	v36 =	vld [tilespmem:s31+$0x51F0];
	v44 =	vmul.f32 v33, v43;
	v5 =	vadd.f32 $0.0e+00, v5  }
0x10b: {  	v38 =	vld [tilespmem:s31+$0x59E0];
	v4 =	vsel vm5, v4, v13  }
0x10c: {  	v40 =	vld [tilespmem:s31+$0x59F0];
	v8 =	vsel vm5, v44, v8;
	v5 =	vbroadcast v5, $0xF  }
0x10d: {  	v46 =	vld [tilespmem:s17+$0x59A0];
	[tilespmem:s31+$0x51C0] =	vst v8  }
0x10e: {  	v47 =	vmul.f32 v35, v43;
	v48 =	vld [tilespmem:s17+$0x59B0];
	[tilespmem:s31+$0x51D0] =	vst v4;
	(erf) = vrcp.f32 v5;
	v4, _, _ =	vpop (xrf2)  }
0x10f: {  	v5 =	vmul.f32 v36, v43;
	v4 =	vadd.f32 $0.0e+00, v4  }
0x110: {  	v8 =	vsel vm5, v47, v38  }
0x111: {  	v49 =	vld [tilespmem:s17+$0x59C0];
	[tilespmem:s31+$0x51E0] =	vst v8;
	v5 =	vsel vm5, v5, v40;
	v4 =	vbroadcast v4, $0xF  }
0x112: {  	v50 =	vld [tilespmem:s17+$0x59D0];
	[tilespmem:s31+$0x51F0] =	vst v5  }
0x113: {  	v5 =	vld [tilespmem:s17+$0x5180];
	v51, _, _ =	vpop (xrf2);
	(erf) = vrcp.f32 v4  }
0x114: {  	vm5 =	vgt.f32 v51, $0.0e+00  }
0x115: {  	v4 =	vld [tilespmem:s17+$0x5190];
	v8 =	vsel vm5, $0x1, v3  }
0x116: {  	v52 =	vld [tilespmem:s17+$0x51A0];
	v8 =	vbroadcast v8, $0xF  }
0x117: {  	v53 =	vld [tilespmem:s17+$0x51B0];
	v55 =	vpop (erf)  }
0x118: {  	v54 =	vld [tilespmem:s17+$0x51C0];
	v8 =	vand.u32 $0x1, v8;
	v5 =	vmul.f32 v55, v5  }
0x119: {  	v56 =	vld [tilespmem:s17+$0x51D0];
	vm5 =	veq.s32 v8, $0x1  }
0x11a: {  	v57 =	vld [tilespmem:s17+$0x51E0];
	v4 =	vmul.f32 v55, v4;
	v5 =	vsel vm5, v5, v41  }
0x11b: {  	v58 =	vld [tilespmem:s17+$0x51F0];
	[tilespmem:s17+$0x5180] =	vst v5;
	v5 =	vmul.f32 v55, v52  }
0x11c: {  	v59 =	vld [tilespmem:s17+$0x59E0];
	v60 =	vmul.f32 v53, v55;
	v4 =	vsel vm5, v4, v45;
	v61 =	vpop (erf)  }
0x11d: {  	v62 =	vld [tilespmem:s17+$0x59F0];
	[tilespmem:s17+$0x5190] =	vst v4;
	v4 =	vsel vm5, v5, v46;
	v5 =	vmul.f32 v54, v61  }
0x11e: {  	v63 =	vmul.f32 v56, v61;
	[tilespmem:s17+$0x51A0] =	vst v4;
	v4 =	vsel vm5, v60, v48  }
0x11f: {  	[tilespmem:s17+$0x51B0] =	vst v4;
	v4 =	vsel vm5, v5, v49;
	v5 =	vmul.f32 v57, v61  }
0x120: {  	s31 =	rddreg [dreg:$0x4];
	v6 =	vmul.f32 v58, v61;
	[tilespmem:s17+$0x51C0] =	vst v4;
	v4 =	vsel vm5, v63, v50  }
0x121: {  	s3 =	sadd.s32 s31, s16;
	[tilespmem:s17+$0x51D0] =	vst v4;
	v4 =	vsel vm5, v5, v59  }
0x122: {  	s3 =	sshrl.u32 s3, $0x3;
	[tilespmem:s17+$0x51E0] =	vst v4;
	v4 =	vsel vm5, v6, v62  }
.Ltmp10:
0x123: {  	s3 =	sadd.s32 s11, s3;
	[tilespmem:s17+$0x51F0] =	vst v4;
	(pc) =	sbr.rel .LBB2_14-.Ltmp10, $4  }
0x124: {  	[hbm4b:s3+s14] =	stream.linear.scatter [tilespmem:s25], [sflag:$0x2], $0x800, $0x38;
	[tilespmem:$0x1AA00] =	vst v63  }
0x125: {  	_ =	swait.ge [sflag:s18], $0x800  }
0x126: {  	[sflag:s18] =	ssyncset.done $0x0  }
0x127: {  	[sflag:s18] =	ssyncadd.s32 $0xFFFFF800  }
.LBB2_15:
0x128: {  	[bflag:$0x0] =	sbarrier.arrive $0xFFFF;
	s0 =	simm.s32 $0x0;
	s3 =	simm.s32 $0x200  }
.LBB2_16:
0x129: {  	p0 =	sne.s32 s3, $0x1E00;
	[tilespmem:s0+$0x51F0] =	vst v2  }
0x12a: {  	[tilespmem:s0+$0x5180] =	vst v2  }
0x12b: {  	[tilespmem:s0+$0x5190] =	vst v2  }
.Ltmp11:
0x12c: {  	[tilespmem:s0+$0x51A0] =	vst v2;
	(pc) =	sbr.rel @p0 .LBB2_16-.Ltmp11, $4  }
0x12d: {  	[tilespmem:s0+$0x51B0] =	vst v2  }
0x12e: {  	[tilespmem:s0+$0x51C0] =	vst v2  }
0x12f: {  	[tilespmem:s0+$0x51D0] =	vst v2  }
0x130: {  	[tilespmem:s0+$0x51E0] =	vst v2;
	s0 =	sshra.s32 s3, $0x2;
	s3 =	sadd.s32 $0x200, s3  }
0x131: {  	[tilespmem:s0+$0x51F0] =	vst v2  }
0x132: {  	[tilespmem:s0+$0x5180] =	vst v2  }
0x133: {  	[tilespmem:s0+$0x5190] =	vst v2  }
0x134: {  	[tilespmem:s0+$0x51A0] =	vst v2  }
0x135: {  	[tilespmem:s0+$0x51B0] =	vst v2  }
0x136: {  	[tilespmem:s0+$0x51C0] =	vst v2;
	s3 =	sadd.s32 $0x0, s4  }
0x137: {  	[tilespmem:s0+$0x51D0] =	vst v2;
	p0 =	sgt.u32 s3, $0x270  }
0x138: {  	[tilespmem:s0+$0x51E0] =	vst v2;
	s14 =	rddreg [dreg:$0x8];
	s0 =	simm.s32 @!p0 $0x5180;
	s13 =	simm.s32 @!p0 $0x2  }
0x139: {  	[spmem:s14] =	stream.linear.scatter @!p0 [tilespmem:s0], [sflag:$0x2], $0x800, $0x38;
	[tilespmem:$0x1AA00] =	vst v63  }
0x13a: {  	s12 =	simm.s32 $0x20;
	_ =	swait.ge @!p0 [sflag:s13], $0x800  }
0x13b: {  	s3 =	simm.s32 $0x10;
	s0 =	sadd.s32 $0x8000, s14;
	[sflag:s13] =	ssyncset.done @!p0 $0x0  }
.LBB2_18:
0x13c: {  	s14 =	sadd.s32 s3, s4;
	s3 =	smov.u32 s12;
	s12 =	sadd.s32 $0x10, s12  }
0x13d: {  	[sflag:s13] =	ssyncadd.s32 @!p0 $0xFFFFF800;
	p1 =	sne.s32 s12, $0x280  }
.Ltmp12:
0x13e: {  	p0 =	sgt.u32 s14, $0x270;
	(pc) =	sbr.rel @p1 .LBB2_18-.Ltmp12, $4  }
0x13f: {  	s14 =	simm.s32 @!p0 $0x5180;
	s13 =	simm.s32 @!p0 $0x2  }
0x140: {  	[spmem:s0] =	stream.linear.scatter @!p0 [tilespmem:s14], [sflag:$0x2], $0x800, $0x38;
	[tilespmem:$0x1AA00] =	vst v63  }
0x141: {  	_ =	swait.ge @!p0 [sflag:s13], $0x800  }
0x142: {  	s0 =	sadd.s32 $0x8000, s0;
	[sflag:s13] =	ssyncset.done @!p0 $0x0  }
0x143: {  	s3 =	sadd.s32 s3, s4  }
0x144: {  	p1 =	sgt.u32 s3, $0x270  }
0x145: {  	[sflag:s13] =	ssyncadd.s32 @!p0 $0xFFFFF800;
	s3 =	simm.s32 @!p1 $0x5180;
	s12 =	simm.s32 @!p1 $0x2  }
0x146: {  	[spmem:s0] =	stream.linear.scatter @!p1 [tilespmem:s3], [sflag:$0x2], $0x800, $0x38;
	[tilespmem:$0x1AA00] =	vst v63  }
0x147: {  	_ =	swait.ge @!p1 [sflag:s12], $0x800  }
0x148: {  	[sflag:s12] =	ssyncset.done @!p1 $0x0  }
0x149: {  	[sflag:s12] =	ssyncadd.s32 @!p1 $0xFFFFF800  }
0x14a: {  	s16 =	simm.s32 $0x0;
	s0 =	simm.s32 $0x0;
	[bflag:$0x0] =	sbarrier.arrive $0xFFFF  }
.LBB2_20:
0x14b: {  	s3 =	smul.u32 $0x50, s16;
	_ =	sdelay $0x1  }
0x14c: {  	s3 =	sadd.s32 s9, s3  }
0x14d: {  	s12 =	sshrl.u32 s3, $0x3  }
0x14e: {  	s13 =	sadd.s32 s6, s12  }
0x14f: {  	[tilespmem:s0], [sflag:$0x2] =	stream.linear.gather [hbm4b:s13+s0], $0x50, $0x38;
	[tilespmem:$0x1AA00] =	vst v63  }
0x150: {  	_ =	swait.ge [sflag:s18], $0x50  }
0x151: {  	[sflag:s18] =	ssyncset.done $0x0  }
0x152: {  	s12 =	sadd.s32 s7, s12;
	[sflag:s18] =	ssyncadd.s32 $0xFFFFFFB0  }
0x153: {  	[tilespmem:s19], [sflag:$0x2] =	stream.linear.gather [hbm4b:s12+s0], $0x50, $0x38;
	[tilespmem:$0x1AA00] =	vst v63  }
0x154: {  	_ =	swait.ge [sflag:s18], $0x50  }
0x155: {  	[sflag:s18] =	ssyncset.done $0x0  }
0x156: {  	[sflag:s18] =	ssyncadd.s32 $0xFFFFFFB0  }
0x157: {  	v4 =	vld [tilespmem:$0x0]  }
0x158: {  	v5 =	vld [tilespmem:$0x10]  }
0x159: {  	v6 =	vld [tilespmem:$0x20]  }
0x15a: {  	v7 =	vld [tilespmem:$0x30]  }
0x15b: {  	v8 =	vld [tilespmem:$0x40]  }
0x15c: {  	v4 =	vadd.s32 v1, v4  }
0x15d: {  	[tilespmem:$0x100] =	vst v4;
	v4 =	vadd.s32 v1, v5  }
0x15e: {  	[tilespmem:$0x110] =	vst v4;
	v4 =	vadd.s32 v1, v6  }
0x15f: {  	[tilespmem:$0x120] =	vst v4;
	v4 =	vadd.s32 v1, v7  }
0x160: {  	[tilespmem:$0x130] =	vst v4;
	v4 =	vadd.s32 v1, v8  }
0x161: {  	s3 =	sshll.u32 s3, $0x4;
	[tilespmem:$0x140] =	vst v4  }
0x162: {  	[tilespmem:s22], [sflag:$0x1] =	stream.indirect.gather [hbm4b:s1+s20], $0x80, s21, s20, $0xb8;
	[tilespmem:$0x1AA00] =	vst v63  }
0x163: {  	s3 =	sadd.s32 s5, s3  }
0x164: {  	[tilespmem:s23], [sflag:$0x2] =	stream.linear.gather [hbm4b:s3+s0], $0x2800, $0x38;
	[tilespmem:$0x1AA00] =	vst v63  }
0x165: {  	_ =	swait.ge [sflag:s18], $0x2800  }
0x166: {  	[sflag:s18] =	ssyncset.done $0x0  }
0x167: {  	[sflag:s18] =	ssyncadd.s32 $0xFFFFD800  }
0x168: {  	_ =	swait.ge [sflag:s24], $0x2800  }
0x169: {  	[sflag:s24] =	ssyncset.done $0x0  }
0x16a: {  	s12 =	simm.s32 $0x0;
	[sflag:s24] =	ssyncadd.s32 $0xFFFFD800  }
0x16b: {  	v4 =	vld [tilespmem:s12+$0x2980];
	_ =	sdelay $0x4  }
0x16c: {  	v5 =	vnsel vm4, $0x0, v4  }
0x16d: {  	(xrf2) =	vadd.scan.msk.f32 $0xffff, v5;
	_ =	sdelay $0x3  }
0x16e: {  	v4 =	vnsel vm3, $0x0, v4  }
0x16f: {  	(xrf2) =	vadd.scan.msk.f32 $0xffff, v4;
	_ =	sdelay $0x3  }
0x170: {  	s31 =	simm.s32 $0x80  }
0x171: {  	v5 =	vld [tilespmem:s31+$0x2980];
	v7, _, _ =	vpop (xrf2)  }
0x172: {  	v7 =	vadd.f32 $0.0e+00, v7;
	_ =	sdelay $0x1  }
0x173: {  	v4 =	vld [tilespmem:s12+$0x190]  }
0x174: {  	v6 =	vld [tilespmem:s12+$0x1A0]  }
0x175: {  	s3 =	simm.s32 $0x100;
	v8 =	vld [tilespmem:s12+$0x1C0];
	v9 =	vnsel vm4, $0x0, v5;
	v13 =	vbroadcast v7, $0xF;
	v7, _, _ =	vpop (xrf2)  }
0x176: {  	v10 =	vld [tilespmem:s3+$0x2980];
	(xrf2) =	vadd.scan.msk.f32 $0xffff, v9;
	v7 =	vadd.f32 $0.0e+00, v7  }
0x177: {  	v12 =	vld [tilespmem:s12+$0x1E0];
	v5 =	vnsel vm3, $0x0, v5  }
0x178: {  	v11 =	vld [tilespmem:s12+$0x1D0];
	v16 =	vmul.f32 v13, v4;
	(xrf2) =	vadd.scan.msk.f32 $0xffff, v5;
	v18 =	vbroadcast v7, $0xF  }
0x179: {  	s17 =	simm.s32 $0x180;
	v14 =	vld [tilespmem:s12+$0x1B0];
	v6 =	vmul.f32 v13, v6  }
0x17a: {  	v4 =	vld [tilespmem:s17+$0x2980];
	[tilespmem:s12+$0x190] =	vst v16;
	v5 =	vmul.f32 v8, v18  }
0x17b: {  	v9 =	vld [tilespmem:s31+$0x190];
	[tilespmem:s12+$0x1A0] =	vst v6  }
0x17c: {  	v7 =	vld [tilespmem:s31+$0x1A0];
	[tilespmem:s12+$0x1C0] =	vst v5;
	v5 =	vmul.f32 v12, v18  }
0x17d: {  	v15 =	vld [tilespmem:s12+$0x1F0];
	v8 =	vmul.f32 v11, v18;
	v11 =	vnsel vm4, $0x0, v10  }
0x17e: {  	v17 =	vld [tilespmem:s12+$0x180];
	(xrf2) =	vadd.scan.msk.f32 $0xffff, v11  }
0x17f: {  	v6 =	vld [tilespmem:s31+$0x1C0];
	[tilespmem:s12+$0x1D0] =	vst v8  }
0x180: {  	v10 =	vnsel vm3, $0x0, v10;
	v8 =	vld [tilespmem:s31+$0x1D0];
	[tilespmem:s12+$0x1E0] =	vst v5;
	v5, _, _ =	vpop (xrf2)  }
0x181: {  	v12 =	vmul.f32 v14, v13;
	(xrf2) =	vadd.scan.msk.f32 $0xffff, v10;
	v5 =	vadd.f32 $0.0e+00, v5  }
0x182: {  	v14 =	vmul.f32 v15, v18;
	v15, _, _ =	vpop (xrf2)  }
0x183: {  	v11 =	vld [tilespmem:s31+$0x1E0];
	[tilespmem:s12+$0x1B0] =	vst v12;
	v12 =	vmul.f32 v13, v17;
	v13 =	vadd.f32 $0.0e+00, v15;
	v5 =	vbroadcast v5, $0xF  }
0x184: {  	s13 =	simm.s32 $0x800;
	v10 =	vld [tilespmem:s31+$0x1B0];
	[tilespmem:s12+$0x1F0] =	vst v14  }
.LBB2_21:
0x185: {  	s14 =	sshra.s32 s13, $0x2;
	p0 =	sne.s32 s13, $0x9E00;
	s13 =	sadd.s32 $0x200, s13;
	v14 =	vnsel vm4, $0x0, v4;
	v13 =	vbroadcast v13, $0xF;
	v9 =	vmul.f32 v5, v9;
	v15 =	vld [tilespmem:s31+$0x1F0];
	[tilespmem:s12+$0x180] =	vst v12  }
0x186: {  	v12 =	vnsel vm3, $0x0, v4;
	v7 =	vmul.f32 v5, v7;
	s12 =	smov.u32 s31;
	v16 =	vld [tilespmem:s31+$0x180];
	s31 =	smov.u32 s3;
	s3 =	smov.u32 s17  }
0x187: {  	s17 =	smov.u32 s14;
	v4 =	vld [tilespmem:s14+$0x2980];
	(xrf2) =	vadd.scan.msk.f32 $0xffff, v14;
	[tilespmem:s12+$0x190] =	vst v9;
	v6 =	vmul.f32 v6, v13;
	v8 =	vmul.f32 v8, v13  }
0x188: {  	v9 =	vld [tilespmem:s31+$0x190];
	v14, _, _ =	vpop (xrf2);
	[tilespmem:s12+$0x1A0] =	vst v7;
	v11 =	vmul.f32 v11, v13  }
.Ltmp13:
0x189: {  	v7 =	vld [tilespmem:s31+$0x1A0];
	[tilespmem:s12+$0x1C0] =	vst v6;
	(pc) =	sbr.rel @p0 .LBB2_21-.Ltmp13, $4  }
0x18a: {  	v14 =	vadd.f32 $0.0e+00, v14;
	v10 =	vmul.f32 v10, v5;
	(xrf2) =	vadd.scan.msk.f32 $0xffff, v12;
	v6 =	vld [tilespmem:s31+$0x1C0];
	[tilespmem:s12+$0x1D0] =	vst v8  }
0x18b: {  	v15 =	vmul.f32 v15, v13;
	v8 =	vld [tilespmem:s31+$0x1D0];
	v17, _, _ =	vpop (xrf2);
	v12 =	vmul.f32 v5, v16;
	[tilespmem:s12+$0x1E0] =	vst v11  }
0x18c: {  	v5 =	vbroadcast v14, $0xF;
	v13 =	vadd.f32 $0.0e+00, v17;
	v11 =	vld [tilespmem:s31+$0x1E0];
	[tilespmem:s12+$0x1B0] =	vst v10  }
0x18d: {  	v10 =	vld [tilespmem:s31+$0x1B0];
	[tilespmem:s12+$0x1F0] =	vst v15  }
0x18e: {  	v9 =	vmul.f32 v5, v9;
	v13 =	vbroadcast v13, $0xF  }
0x18f: {  	v14 =	vld [tilespmem:s31+$0x1F0];
	[tilespmem:s12+$0x180] =	vst v12;
	v7 =	vmul.f32 v5, v7  }
0x190: {  	v12 =	vld [tilespmem:s31+$0x180];
	[tilespmem:s31+$0x190] =	vst v9;
	v6 =	vmul.f32 v6, v13  }
0x191: {  	v54 =	vnsel vm4, $0x0, v4;
	v8 =	vmul.f32 v8, v13;
	v9 =	vld [tilespmem:s3+$0x190];
	[tilespmem:s31+$0x1A0] =	vst v7  }
0x192: {  	v11 =	vmul.f32 v11, v13;
	v52, _, _ =	vpop (xrf2);
	(xrf2) =	vadd.scan.msk.f32 $0xffff, v54;
	v7 =	vld [tilespmem:s3+$0x1A0];
	[tilespmem:s31+$0x1C0] =	vst v6  }
0x193: {  	v4 =	vnsel vm3, $0x0, v4;
	v6 =	vld [tilespmem:s3+$0x1C0];
	[tilespmem:s31+$0x1D0] =	vst v8  }
0x194: {  	v8 =	vld [tilespmem:s3+$0x1D0];
	[tilespmem:s31+$0x1E0] =	vst v11;
	v11 =	vadd.f32 $0.0e+00, v52;
	v53, _, _ =	vpop (xrf2);
	(xrf2) =	vadd.scan.msk.f32 $0xffff, v4  }
0x195: {  	v10 =	vmul.f32 v10, v5;
	v13 =	vmul.f32 v14, v13  }
0x196: {  	v5 =	vmul.f32 v5, v12;
	v12 =	vadd.f32 $0.0e+00, v53;
	v11 =	vbroadcast v11, $0xF  }
0x197: {  	v15 =	vld [tilespmem:s3+$0x1E0];
	[tilespmem:s31+$0x1B0] =	vst v10  }
0x198: {  	v10 =	vld [tilespmem:s3+$0x1B0];
	[tilespmem:s31+$0x1F0] =	vst v13;
	v12 =	vbroadcast v12, $0xF;
	v9 =	vmul.f32 v11, v9  }
0x199: {  	v13 =	vld [tilespmem:s3+$0x1F0];
	[tilespmem:s31+$0x180] =	vst v5;
	v7 =	vmul.f32 v11, v7  }
0x19a: {  	v5 =	vld [tilespmem:s3+$0x180];
	v6 =	vmul.f32 v6, v12;
	[tilespmem:s3+$0x190] =	vst v9  }
0x19b: {  	v8 =	vmul.f32 v8, v12;
	v4 =	vld [tilespmem:s17+$0x190];
	[tilespmem:s3+$0x1A0] =	vst v7  }
0x19c: {  	v55 =	vmul.f32 v15, v12;
	v56, _, _ =	vpop (xrf2);
	v7 =	vld [tilespmem:s17+$0x1A0];
	[tilespmem:s3+$0x1C0] =	vst v6  }
0x19d: {  	v10 =	vmul.f32 v10, v11;
	v9 =	vadd.f32 $0.0e+00, v56;
	v6 =	vld [tilespmem:s17+$0x1C0];
	[tilespmem:s3+$0x1D0] =	vst v8  }
0x19e: {  	v8 =	vld [tilespmem:s17+$0x1D0];
	[tilespmem:s3+$0x1E0] =	vst v55;
	v58, _, _ =	vpop (xrf2)  }
0x19f: {  	v12 =	vmul.f32 v13, v12;
	v9 =	vbroadcast v9, $0xF;
	v57 =	vld [tilespmem:s17+$0x1E0];
	[tilespmem:s3+$0x1B0] =	vst v10;
	v10 =	vadd.f32 $0.0e+00, v58  }
0x1a0: {  	v5 =	vmul.f32 v11, v5  }
0x1a1: {  	v59 =	vld [tilespmem:s17+$0x1B0];
	[tilespmem:s3+$0x1F0] =	vst v12;
	v4 =	vmul.f32 v9, v4;
	v10 =	vbroadcast v10, $0xF  }
0x1a2: {  	v60 =	vld [tilespmem:s17+$0x1F0];
	[tilespmem:s3+$0x180] =	vst v5;
	v7 =	vmul.f32 v9, v7  }
0x1a3: {  	v5 =	vld [tilespmem:s17+$0x180];
	[tilespmem:s17+$0x190] =	vst v4;
	v4 =	vmul.f32 v6, v10  }
0x1a4: {  	v61 =	vmul.f32 v8, v10;
	[tilespmem:s17+$0x1A0] =	vst v7  }
0x1a5: {  	v62 =	vmul.f32 v57, v10;
	[tilespmem:s17+$0x1C0] =	vst v4  }
0x1a6: {  	v4 =	vmul.f32 v59, v9;
	[tilespmem:s17+$0x1D0] =	vst v61  }
0x1a7: {  	[tilespmem:s17+$0x1E0] =	vst v62;
	v63 =	vmul.f32 v60, v10  }
0x1a8: {  	s16 =	sadd.s32 $0x1, s16;
	v5 =	vmul.f32 v9, v5;
	[tilespmem:s17+$0x1B0] =	vst v4  }
0x1a9: {  	p0 =	sne.s32 s16, $0x7D;
	[tilespmem:s17+$0x1F0] =	vst v63  }
.Ltmp14:
0x1aa: {  	[tilespmem:s17+$0x180] =	vst v5;
	(pc) =	sbr.rel @p0 .LBB2_20-.Ltmp14, $4  }
0x1ab: {  	[spmem:s2] =	stream.indirect.scatter.add.f32 [tilespmem:s22], [sflag:$0x2], $0x80, s19, s20, $0xb8;
	[tilespmem:$0x1AA00] =	vst v63  }
0x1ac: {  	_ =	swait.ge [sflag:s18], $0x2800  }
0x1ad: {  	[sflag:s18] =	ssyncset.done $0x0  }
0x1ae: {  	[sflag:s18] =	ssyncadd.s32 $0xFFFFD800  }
.Ltmp15:
0x1af: {  	(pc) =	sbr.rel .LBB2_24-.Ltmp15, $3  }
0x1b0: {  	_ =	sdelay $0x1  }
0x1b1: {  	[bflag:$0x0] =	sbarrier.arrive $0xFFFF  }
0x1b2: {  	s0 =	simm.s32 $0x0;
	s14 =	simm.s32 $0x0  }
.LBB2_28:
0x1b3: {  	s0 =	sadd.s32 $0x1, s0  }
0x1b4: {  	p0 =	sne.s32 s0, $0x28  }
.Ltmp16:
0x1b5: {  	_ = 	snop;
	(pc) =	sbr.rel @!p0 .LBB2_29-.Ltmp16, $1  }
0x1b6: {  	_ =	sdelay $0x3  }
.LBB2_24:
0x1b7: {  	s3 =	sshll.u32 s0, $0x4  }
0x1b8: {  	s3 =	sor.u32 s4, s3  }
0x1b9: {  	p0 =	sgt.u32 s3, $0x270  }
.Ltmp17:
0x1ba: {  	_ = 	snop;
	(pc) =	sbr.rel @p0 .LBB2_28-.Ltmp17, $1  }
0x1bb: {  	_ =	sdelay $0x3  }
0x1bc: {  	s16 =	sshll.u32 s3, $0xB  }
0x1bd: {  	s12 =	sand.u32 $0x3FFFF800, s16  }
0x1be: {  	s12 =	sadd.s32 s12, s2  }
0x1bf: {  	[tilespmem:s25], [sflag:$0x3] =	stream.linear.gather [spmem:s12], $0x800, $0x38;
	[tilespmem:$0x1AA00] =	vst v63  }
0x1c0: {  	_ =	swait.ge [sflag:s26], $0x800  }
0x1c1: {  	s3 =	sshll.u32 s3, $0x8;
	[sflag:s26] =	ssyncset.done $0x0;
	s13 =	rddreg [dreg:$0x6]  }
0x1c2: {  	[sflag:s26] =	ssyncadd.s32 $0xFFFFF800;
	s12 =	sadd.s32 s3, s13;
	s13 =	simm.s32 $0x0  }
0x1c3: {  	[tilespmem:s28], [sflag:$0x3] =	stream.linear.gather [hbm4b:s12+s13], $0x800, $0x38;
	[tilespmem:$0x1AA00] =	vst v63  }
0x1c4: {  	_ =	swait.ge [sflag:s26], $0x800  }
0x1c5: {  	[sflag:s26] =	ssyncset.done $0x0  }
0x1c6: {  	s17 =	sadd.s32 s8, s3;
	[sflag:s26] =	ssyncadd.s32 $0xFFFFF800  }
0x1c7: {  	[tilespmem:s29], [sflag:$0x3] =	stream.linear.gather [hbm4b:s17+s13], $0x800, $0x38;
	[tilespmem:$0x1AA00] =	vst v63  }
0x1c8: {  	_ =	swait.ge [sflag:s26], $0x800  }
0x1c9: {  	[sflag:s26] =	ssyncset.done $0x0  }
0x1ca: {  	s3 =	sadd.s32 s10, s3;
	[sflag:s26] =	ssyncadd.s32 $0xFFFFF800  }
0x1cb: {  	[tilespmem:s30], [sflag:$0x3] =	stream.linear.gather [hbm4b:s3+s13], $0x800, $0x38;
	[tilespmem:$0x1AA00] =	vst v63  }
0x1cc: {  	_ =	swait.ge [sflag:s26], $0x800  }
0x1cd: {  	[sflag:s26] =	ssyncset.done $0x0  }
0x1ce: {  	s3 =	simm.s32 $0x0;
	[sflag:s26] =	ssyncadd.s32 $0xFFFFF800  }
0x1cf: {  	v4 =	vld [tilespmem:s3+$0x6180]  }
0x1d0: {  	v5 =	vld [tilespmem:s3+$0x6980];
	_ =	sdelay $0x4  }
0x1d1: {  	v4 =	vadd.f32 v5, v4;
	_ =	sdelay $0x1  }
0x1d2: {  	v5 =	vnsel vm4, $0x0, v4  }
0x1d3: {  	(xrf2) =	vadd.scan.msk.f32 $0xffff, v5;
	_ =	sdelay $0x5  }
0x1d4: {  	v5 =	vnsel vm3, $0x0, v4  }
0x1d5: {  	(xrf2) =	vadd.scan.msk.f32 $0xffff, v5;
	_ =	sdelay $0x2  }
0x1d6: {  	v6, _, _ =	vpop (xrf2)  }
0x1d7: {  	v4 =	vsel vm2, $0x0, v4;
	v6 =	vadd.f32 $0.0e+00, v6  }
0x1d8: {  	(xrf2) =	vadd.scan.msk.f32 $0xffff, v4  }
0x1d9: {  	v6 =	vbroadcast v6, $0xF  }
0x1da: {  	s31 =	simm.s32 $0x80  }
0x1db: {  	v5 =	vld [tilespmem:s31+$0x6180]  }
0x1dc: {  	v4 =	vld [tilespmem:s31+$0x6980]  }
0x1dd: {  	(erf) = vrcp.f32 v6;
	v6, _, _ =	vpop (xrf2)  }
0x1de: {  	v6 =	vadd.f32 $0.0e+00, v6  }
0x1df: {  	v7 =	vld [tilespmem:s3+$0x5980]  }
0x1e0: {  	v8 =	vld [tilespmem:s3+$0x5990];
	v6 =	vbroadcast v6, $0xF  }
0x1e1: {  	v9 =	vld [tilespmem:s3+$0x59A0];
	v4 =	vadd.f32 v4, v5  }
0x1e2: {  	v15 =	vld [tilespmem:s3+$0x5180];
	v16, _, _ =	vpop (xrf2);
	(erf) = vrcp.f32 v6  }
0x1e3: {  	v10 =	vld [tilespmem:s3+$0x59B0];
	v20 =	vnsel vm4, $0x0, v4;
	vm5 =	vgt.f32 v16, $0.0e+00  }
0x1e4: {  	v55 =	vld [tilespmem:s3+$0x5190];
	(xrf2) =	vadd.scan.msk.f32 $0xffff, v20;
	v17 =	vsel vm5, $0x1, v3  }
0x1e5: {  	v18 =	vld [tilespmem:s3+$0x51A0];
	v5 =	vbroadcast v17, $0xF  }
0x1e6: {  	v56 =	vld [tilespmem:s3+$0x51B0];
	v6 =	vpop (erf)  }
0x1e7: {  	v19 =	vld [tilespmem:s3+$0x51C0];
	v5 =	vand.u32 $0x1, v5;
	v15 =	vmul.f32 v6, v15  }
0x1e8: {  	s17 =	simm.s32 $0x100;
	v11 =	vld [tilespmem:s3+$0x59C0];
	v58 =	vnsel vm3, $0x0, v4;
	vm5 =	veq.s32 v5, $0x1  }
0x1e9: {  	v13 =	vld [tilespmem:s17+$0x6180];
	(xrf2) =	vadd.scan.msk.f32 $0xffff, v58;
	v5 =	vmul.f32 v6, v55;
	v7 =	vsel vm5, v15, v7  }
0x1ea: {  	v14 =	vld [tilespmem:s17+$0x6980];
	[tilespmem:s3+$0x5180] =	vst v7;
	v7 =	vmul.f32 v6, v18  }
0x1eb: {  	v12 =	vld [tilespmem:s3+$0x59D0];
	v5 =	vsel vm5, v5, v8;
	v60 =	vpop (erf)  }
0x1ec: {  	v21 =	vld [tilespmem:s3+$0x51D0];
	[tilespmem:s3+$0x5190] =	vst v5;
	v5 =	vmul.f32 v56, v6;
	v7 =	vsel vm5, v7, v9;
	v9 =	vmul.f32 v19, v60  }
0x1ed: {  	v57 =	vld [tilespmem:s3+$0x51E0]  }
0x1ee: {  	v15 =	vld [tilespmem:s3+$0x51F0];
	v5 =	vsel vm5, v5, v10;
	v10, _, _ =	vpop (xrf2);
	v9 =	vsel vm5, v9, v11;
	v11 =	vsel vm2, $0x0, v4  }
0x1ef: {  	v8 =	vld [tilespmem:s3+$0x59E0];
	v10 =	vadd.f32 $0.0e+00, v10;
	(xrf2) =	vadd.scan.msk.f32 $0xffff, v11  }
0x1f0: {  	v59 =	vld [tilespmem:s3+$0x59F0]  }
0x1f1: {  	v6 =	vld [tilespmem:s31+$0x5980];
	[tilespmem:s3+$0x51A0] =	vst v7;
	v61 =	vmul.f32 v21, v60  }
0x1f2: {  	v7 =	vld [tilespmem:s31+$0x5990];
	[tilespmem:s3+$0x51B0] =	vst v5;
	v62 =	vmul.f32 v57, v60;
	v63 =	vbroadcast v10, $0xF  }
0x1f3: {  	v5 =	vld [tilespmem:s31+$0x59A0];
	v12 =	vsel vm5, v61, v12;
	[tilespmem:s3+$0x51C0] =	vst v9;
	v9 =	vadd.f32 v14, v13;
	v13 =	vmul.f32 v15, v60;
	v10, _, _ =	vpop (xrf2)  }
0x1f4: {  	v4 =	vld [tilespmem:s31+$0x59B0];
	[tilespmem:s3+$0x51D0] =	vst v12;
	v12 =	vsel vm5, v62, v8;
	(erf) = vrcp.f32 v63;
	v10 =	vadd.f32 $0.0e+00, v10  }
0x1f5: {  	s12 =	simm.s32 $0x600;
	v8 =	vld [tilespmem:s31+$0x59C0];
	v11 =	vnsel vm4, $0x0, v9;
	[tilespmem:s3+$0x51E0] =	vst v12;
	v12 =	vsel vm5, v13, v59  }
.LBB2_26:
0x1f6: {  	s13 =	sshra.s32 s12, $0x2;
	p0 =	sne.s32 s12, $0x1E00;
	(xrf2) =	vadd.scan.msk.f32 $0xffff, v11;
	v10 =	vbroadcast v10, $0xF;
	v11 =	vld [tilespmem:s31+$0x59D0];
	[tilespmem:s3+$0x51F0] =	vst v12;
	s3 =	smov.u32 s31  }
0x1f7: {  	s31 =	smov.u32 s17;
	v12 =	vld [tilespmem:s13+$0x6180];
	s17 =	smov.u32 s13  }
0x1f8: {  	v13 =	vld [tilespmem:s17+$0x6980];
	(erf) = vrcp.f32 v10  }
0x1f9: {  	v10 =	vld [tilespmem:s3+$0x5180];
	v14, _, _ =	vpop (xrf2)  }
0x1fa: {  	v15 =	vnsel vm3, $0x0, v9;
	vm5 =	vgt.f32 v14, $0.0e+00;
	v14 =	vld [tilespmem:s3+$0x5190]  }
0x1fb: {  	(xrf2) =	vadd.scan.msk.f32 $0xffff, v15;
	v15 =	vsel vm5, $0x1, v3;
	v16 =	vld [tilespmem:s3+$0x51A0]  }
0x1fc: {  	v15 =	vbroadcast v15, $0xF;
	v17 =	vld [tilespmem:s3+$0x51B0]  }
0x1fd: {  	v18 =	vld [tilespmem:s3+$0x51C0];
	v19 =	vpop (erf)  }
0x1fe: {  	v15 =	vand.u32 $0x1, v15;
	v10 =	vmul.f32 v19, v10;
	v20 =	vld [tilespmem:s3+$0x51D0]  }
0x1ff: {  	vm5 =	veq.s32 v15, $0x1;
	v14 =	vmul.f32 v19, v14;
	v15 =	vld [tilespmem:s3+$0x51E0]  }
0x200: {  	v9 =	vsel vm2, $0x0, v9;
	v21, _, _ =	vpop (xrf2);
	v6 =	vsel vm5, v10, v6;
	v10 =	vmul.f32 v19, v16;
	v16 =	vld [tilespmem:s3+$0x51F0]  }
0x201: {  	(xrf2) =	vadd.scan.msk.f32 $0xffff, v9;
	[tilespmem:s3+$0x5180] =	vst v6;
	v6 =	vsel vm5, v14, v7;
	v7 =	vmul.f32 v17, v19;
	v14 =	vld [tilespmem:s3+$0x59E0];
	v17 =	vpop (erf)  }
0x202: {  	v9 =	vadd.f32 $0.0e+00, v21;
	[tilespmem:s3+$0x5190] =	vst v6;
	v5 =	vsel vm5, v10, v5;
	v21 =	vmul.f32 v18, v17;
	v18 =	vld [tilespmem:s3+$0x59F0]  }
.Ltmp18:
0x203: {  	v6 =	vld [tilespmem:s31+$0x5980];
	[tilespmem:s3+$0x51A0] =	vst v5;
	v4 =	vsel vm5, v7, v4;
	v19 =	vmul.f32 v20, v17;
	(pc) =	sbr.rel @p0 .LBB2_26-.Ltmp18, $4  }
0x204: {  	v20 =	vbroadcast v9, $0xF;
	v7 =	vld [tilespmem:s31+$0x5990];
	[tilespmem:s3+$0x51B0] =	vst v4;
	v4 =	vsel vm5, v21, v8;
	v8 =	vmul.f32 v15, v17  }
0x205: {  	v9 =	vadd.f32 v13, v12;
	v5 =	vld [tilespmem:s31+$0x59A0];
	v10, _, _ =	vpop (xrf2);
	[tilespmem:s3+$0x51C0] =	vst v4;
	v11 =	vsel vm5, v19, v11;
	v12 =	vmul.f32 v16, v17  }
0x206: {  	v10 =	vadd.f32 $0.0e+00, v10;
	v4 =	vld [tilespmem:s31+$0x59B0];
	(erf) = vrcp.f32 v20;
	[tilespmem:s3+$0x51D0] =	vst v11;
	v13 =	vsel vm5, v8, v14  }
0x207: {  	s12 =	sadd.s32 $0x200, s12;
	v11 =	vnsel vm4, $0x0, v9;
	v8 =	vld [tilespmem:s31+$0x59C0];
	[tilespmem:s3+$0x51E0] =	vst v13;
	v12 =	vsel vm5, v12, v18  }
0x208: {  	_ = 	snop  }
0x209: {  	v13 =	vld [tilespmem:s31+$0x59D0];
	[tilespmem:s3+$0x51F0] =	vst v12  }
0x20a: {  	v10 =	vbroadcast v10, $0xF;
	v12 =	vld [tilespmem:s31+$0x5180]  }
0x20b: {  	v32 =	vld [tilespmem:s31+$0x5190];
	v14, _, _ =	vpop (xrf2)  }
0x20c: {  	v16 =	vld [tilespmem:s31+$0x51A0];
	(erf) = vrcp.f32 v10;
	(xrf2) =	vadd.scan.msk.f32 $0xffff, v11;
	vm5 =	vgt.f32 v14, $0.0e+00  }
0x20d: {  	v15 =	vsel vm5, $0x1, v3  }
0x20e: {  	v17 =	vld [tilespmem:s31+$0x51B0];
	v15 =	vbroadcast v15, $0xF  }
0x20f: {  	v34 =	vpop (erf)  }
0x210: {  	v37 =	vnsel vm3, $0x0, v9;
	v15 =	vand.u32 $0x1, v15;
	v12 =	vmul.f32 v34, v12  }
0x211: {  	v18 =	vld [tilespmem:s31+$0x51D0];
	(xrf2) =	vadd.scan.msk.f32 $0xffff, v37;
	v14 =	vmul.f32 v34, v32;
	v39 =	vmul.f32 v34, v16;
	vm5 =	veq.s32 v15, $0x1  }
0x212: {  	v33 =	vld [tilespmem:s31+$0x51C0];
	v6 =	vsel vm5, v12, v6  }
0x213: {  	v11 =	vmul.f32 v17, v34;
	v7 =	vsel vm5, v14, v7;
	v5 =	vsel vm5, v39, v5;
	[tilespmem:s31+$0x5180] =	vst v6  }
0x214: {  	v35 =	vld [tilespmem:s31+$0x51E0];
	[tilespmem:s31+$0x5190] =	vst v7  }
0x215: {  	v42 =	vsel vm2, $0x0, v9;
	v4 =	vsel vm5, v11, v4;
	v43 =	vpop (erf);
	v41 =	vld [tilespmem:s17+$0x5980];
	[tilespmem:s31+$0x51A0] =	vst v5  }
0x216: {  	v5, _, _ =	vpop (xrf2);
	(xrf2) =	vadd.scan.msk.f32 $0xffff, v42;
	v45 =	vld [tilespmem:s17+$0x5990];
	[tilespmem:s31+$0x51B0] =	vst v4;
	v4 =	vmul.f32 v18, v43  }
0x217: {  	v36 =	vld [tilespmem:s31+$0x51F0];
	v44 =	vmul.f32 v33, v43;
	v5 =	vadd.f32 $0.0e+00, v5  }
0x218: {  	v38 =	vld [tilespmem:s31+$0x59E0];
	v4 =	vsel vm5, v4, v13  }
0x219: {  	v40 =	vld [tilespmem:s31+$0x59F0];
	v8 =	vsel vm5, v44, v8;
	v5 =	vbroadcast v5, $0xF  }
0x21a: {  	v46 =	vld [tilespmem:s17+$0x59A0];
	[tilespmem:s31+$0x51C0] =	vst v8  }
0x21b: {  	v47 =	vmul.f32 v35, v43;
	v48 =	vld [tilespmem:s17+$0x59B0];
	[tilespmem:s31+$0x51D0] =	vst v4;
	(erf) = vrcp.f32 v5;
	v4, _, _ =	vpop (xrf2)  }
0x21c: {  	v5 =	vmul.f32 v36, v43;
	v4 =	vadd.f32 $0.0e+00, v4  }
0x21d: {  	v8 =	vsel vm5, v47, v38  }
0x21e: {  	v49 =	vld [tilespmem:s17+$0x59C0];
	[tilespmem:s31+$0x51E0] =	vst v8;
	v5 =	vsel vm5, v5, v40;
	v4 =	vbroadcast v4, $0xF  }
0x21f: {  	v50 =	vld [tilespmem:s17+$0x59D0];
	[tilespmem:s31+$0x51F0] =	vst v5  }
0x220: {  	v5 =	vld [tilespmem:s17+$0x5180];
	v51, _, _ =	vpop (xrf2);
	(erf) = vrcp.f32 v4  }
0x221: {  	vm5 =	vgt.f32 v51, $0.0e+00  }
0x222: {  	v4 =	vld [tilespmem:s17+$0x5190];
	v8 =	vsel vm5, $0x1, v3  }
0x223: {  	v52 =	vld [tilespmem:s17+$0x51A0];
	v8 =	vbroadcast v8, $0xF  }
0x224: {  	v53 =	vld [tilespmem:s17+$0x51B0];
	v55 =	vpop (erf)  }
0x225: {  	v54 =	vld [tilespmem:s17+$0x51C0];
	v8 =	vand.u32 $0x1, v8;
	v5 =	vmul.f32 v55, v5  }
0x226: {  	v56 =	vld [tilespmem:s17+$0x51D0];
	vm5 =	veq.s32 v8, $0x1  }
0x227: {  	v57 =	vld [tilespmem:s17+$0x51E0];
	v4 =	vmul.f32 v55, v4;
	v5 =	vsel vm5, v5, v41  }
0x228: {  	v58 =	vld [tilespmem:s17+$0x51F0];
	[tilespmem:s17+$0x5180] =	vst v5;
	v5 =	vmul.f32 v55, v52  }
0x229: {  	v59 =	vld [tilespmem:s17+$0x59E0];
	v60 =	vmul.f32 v53, v55;
	v4 =	vsel vm5, v4, v45;
	v61 =	vpop (erf)  }
0x22a: {  	v62 =	vld [tilespmem:s17+$0x59F0];
	[tilespmem:s17+$0x5190] =	vst v4;
	v4 =	vsel vm5, v5, v46;
	v5 =	vmul.f32 v54, v61  }
0x22b: {  	v63 =	vmul.f32 v56, v61;
	[tilespmem:s17+$0x51A0] =	vst v4;
	v4 =	vsel vm5, v60, v48  }
0x22c: {  	[tilespmem:s17+$0x51B0] =	vst v4;
	v4 =	vsel vm5, v5, v49;
	v5 =	vmul.f32 v57, v61  }
0x22d: {  	v6 =	vmul.f32 v58, v61;
	[tilespmem:s17+$0x51C0] =	vst v4;
	v4 =	vsel vm5, v63, v50  }
0x22e: {  	s31 =	sadd.s32 s15, s16;
	[tilespmem:s17+$0x51D0] =	vst v4;
	v4 =	vsel vm5, v5, v59  }
0x22f: {  	s3 =	sshrl.u32 s31, $0x3;
	[tilespmem:s17+$0x51E0] =	vst v4;
	v4 =	vsel vm5, v6, v62  }
.Ltmp19:
0x230: {  	s3 =	sadd.s32 s11, s3;
	[tilespmem:s17+$0x51F0] =	vst v4;
	(pc) =	sbr.rel .LBB2_28-.Ltmp19, $4  }
0x231: {  	[hbm4b:s3+s14] =	stream.linear.scatter [tilespmem:s25], [sflag:$0x2], $0x800, $0x38;
	[tilespmem:$0x1AA00] =	vst v63  }
0x232: {  	_ =	swait.ge [sflag:s18], $0x800  }
0x233: {  	[sflag:s18] =	ssyncset.done $0x0  }
0x234: {  	[sflag:s18] =	ssyncadd.s32 $0xFFFFF800  }
.LBB2_30:
0x235: {  	_ =	sfence.sel $0x180000  }
0x236: {  	[bflag:$0x0] =	sbarrier.arrive $0xFFFF  }
0x237: {  	_ =	strace $0x9000004D  }
0x238: {  	[bflag:$0x2] =	sbarrier.arrive $0xFFFF  }
0x239: {  	p0 =	sne.s32 s4, $0x0;
	s0 =	rddreg [dreg:$0x3]  }
0x23a: {  	s0 =	sadd.s32 @!p0 $0x100000, s0  }
0x23b: {  	[sflag:s0] =	ssyncadd.tile.s32 @!p0 $0x1;
	_ =	shalt  }
.Lfunc_end2:
_tile_overlayer_lowered:
.L_overlay_start_2:
0x23c: {  	(tag) =	ssettag $0x2  }
0x23d: {  	s0 =	rddreg [dreg:$0x0];
	s2 =	stileid.u32  }
0x23e: {  	s1 =	rddreg [dreg:$0x1];
	p0 =	sne.s32 s2, $0x0  }
0x23f: {  	s3 =	rddreg [dreg:$0x2];
	[bflag:$0x3] =	sbarrier.arrive $0xFFFF;
	s2 =	simm.s32 @!p0 $0x1C02  }
0x240: {  	[timem:s3], [sflag:s2] =	dma.local @!p0 [hbm:s0], s1  }
0x241: {  	s0 =	simm.s32 @!p0 $0x2  }
0x242: {  	_ =	swait.ge @!p0 [sflag:s0], s1  }
0x243: {  	s1 =	ssub.s32 @!p0 $0x0, s1;
	[sflag:s0] =	ssyncset.done @!p0 $0x0  }
0x244: {  	[sflag:s0] =	ssyncadd.s32 @!p0 s1  }
0x245: {  	[bflag:$0x3] =	sbarrier.arrive $0xFFFF  }
0x246: {  	_ =	shalt  }

// kernel: kernel.7.cloned.1.call-start
scs
__scs_entry_jumppad:
0x0: {  	(pc) =	sbr.rel $0x88, $3  }
0x1: {  	(tag) =	ssettag $0x0;
	lr =	simm.s32 $0x1  }
0x2: {  	[smem:$0x3F99] =	sst lr;
	_ =	strace $0xD0000000  }
0x3: {  	_ = 	snop  }
0x4: {  	_ = 	snop  }
0x5: {  	_ = 	snop  }
0x6: {  	_ = 	snop  }
0x7: {  	_ = 	snop  }
__scs_overlays_trampoline_lowered:
0x8: {  	[smem:$0x3FA8] =	sst s0  }
0x9: {  	[smem:$0x3FA9] =	sst s1  }
0xa: {  	[smem:$0x3FAA] =	sst s2  }
0xb: {  	[smem:$0x3FAB] =	sst s3  }
0xc: {  	[smem:$0x3FAC] =	sst s4  }
0xd: {  	[smem:$0x3FAD] =	sst s5  }
0xe: {  	[smem:$0x3FAE] =	sst s6  }
0xf: {  	[smem:$0x3FAF] =	sst s7  }
0x10: {  	[smem:$0x3FB0] =	sst s8  }
0x11: {  	[smem:$0x3FB1] =	sst s9;
	s0 =	simm.s32 @!p0 $0x0  }
0x12: {  	s1 =	sld [smem:$0x3F97];
	s0 =	simm.s32 @p0 $0x1  }
0x13: {  	[smem:$0x3FB2] =	sst s0;
	s0 =	simm.s32 @!p1 $0x0  }
0x14: {  	s2 =	sld [smem:$0x3F96];
	s0 =	simm.s32 @p1 $0x1  }
0x15: {  	[smem:$0x3FB3] =	sst s0;
	s0 =	simm.s32 @!p2 $0x0  }
0x16: {  	s3 =	sld [smem:$0x3FDB];
	s0 =	simm.s32 @p2 $0x1  }
0x17: {  	s4 =	simm.s32 $0x1BF5;
	[smem:$0x3FB5] =	sst s0  }
0x18: {  	s0 =	sld [smem:$0x3F98];
	_ =	swait.ge [sflag:s4], $0x0  }
0x19: {  	s7 =	sld [smem:$0x3F99]  }
0x1a: {  	s8 =	sadd.s32 $0xFFFFE003, lr  }
0x1b: {  	s9 =	sadd.s32 $0xFFFFFEF7, lr;
	s5 =	simm.s32 $0xFFFFFFFF;
	p2 =	slt.u32 s8, $0xFFFFF086  }
0x1c: {  	p1 =	slt.u32 s9, $0xF7A;
	s5 =	simm.s32 @!p2 $0x0  }
0x1d: {  	s5 =	simm.s32 @p1 $0x1;
	p0 =	seq.s32 s7, s2  }
0x1e: {  	s7 =	smul.u32 @!p0 $0xF7A, s2;
	p2 =	seq.s32 @!p0 s5, $0x0  }
0x1f: {  	s9 =	smul.u32 $0xF7A, s1;
	s8 =	simm.s32 @!p0 $0x1BF5;
	p2 =	por !p2, p0  }
0x20: {  	[sflag:s8] =	ssyncset.s32 @!p0 $0xFFFFF086;
	s6 =	sadd.s32 @!p0 s3, s7;
	s7 =	simm.s32 @!p0 $0x108  }
0x21: {  	s3 =	sadd.s32 s3, s9;
	s6 =	sadd.s32 @!p0 $0x88, s6;
	s7 =	simm.s32 @p2 $0x1082  }
0x22: {  	[simem:s7], [sflag:s8] =	dma.local @!p0 [hbm:s6], $0xF7A  }
0x23: {  	s9 =	sor.u32 $0xD0000000, s2;
	s6 =	simm.s32 $0x108;
	_ =	swait.ge @!p0 [sflag:s8], $0x0  }
0x24: {  	s3 =	sadd.s32 $0x88, s3;
	s6 =	simm.s32 @!p1 $0x1082;
	[sflag:s4] =	ssyncset.s32 $0xFFFFF086  }
0x25: {  	[simem:s6], [sflag:s4] =	dma.local [hbm:s3], $0xF7A  }
0x26: {  	[smem:$0x3F99] =	sst s1;
	(tag) =	ssettag s2;
	_ =	strace s9  }
0x27: {  	s1 =	sld [smem:$0x3FA9]  }
0x28: {  	s2 =	sld [smem:$0x3FAA]  }
0x29: {  	s4 =	sld [smem:$0x3FAC]  }
0x2a: {  	p0 =	seq.s32 s5, $0x0;
	s5 =	sld [smem:$0x3FAD]  }
0x2b: {  	s6 =	sld [smem:$0x3FAE]  }
0x2c: {  	s7 =	sld [smem:$0x3FAF]  }
0x2d: {  	s3 =	simm.s32 $0x108;
	s8 =	sld [smem:$0x3FB0]  }
0x2e: {  	s3 =	simm.s32 @!p0 $0x1082;
	s9 =	sld [smem:$0x3FB1]  }
0x2f: {  	lr =	sadd.s32 s0, s3;
	s0 =	sld [smem:$0x3FA8]  }
0x30: {  	s3 =	sld [smem:$0x3FAB]  }
0x31: {  	[smem:$0x3FB4] =	sst s10  }
0x32: {  	s10 =	sld [smem:$0x3FB2];
	_ =	sdelay $0x3  }
0x33: {  	p0 =	seq.s32 s10, $0x1;
	s10 =	sld [smem:$0x3FB4];
	_ =	sdelay $0x3  }
0x34: {  	[smem:$0x3FB4] =	sst s10  }
0x35: {  	s10 =	sld [smem:$0x3FB3];
	_ =	sdelay $0x3  }
0x36: {  	p1 =	seq.s32 s10, $0x1;
	s10 =	sld [smem:$0x3FB4];
	_ =	sdelay $0x3  }
0x37: {  	[smem:$0x3FB4] =	sst s10  }
0x38: {  	s10 =	sld [smem:$0x3FB5]  }
0x39: {  	_ = 	snop;
	(pc) =	sbr.ind lr, $3  }
0x3a: {  	_ = 	snop  }
0x3b: {  	_ = 	snop  }
0x3c: {  	p2 =	seq.s32 s10, $0x1;
	s10 =	sld [smem:$0x3FB4]  }
0x3d: {  	_ =	shalt  }
0x3e: {  	_ =	shalt  }
0x3f: {  	_ =	shalt  }
0x40: {  	_ =	shalt  }
0x41: {  	_ =	shalt  }
0x42: {  	_ =	shalt  }
0x43: {  	_ =	shalt  }
0x44: {  	_ =	shalt  }
0x45: {  	_ =	shalt  }
0x46: {  	_ =	shalt  }
0x47: {  	_ =	shalt  }
0x48: {  	_ =	shalt  }
0x49: {  	_ =	shalt  }
0x4a: {  	_ =	shalt  }
0x4b: {  	_ =	shalt  }
0x4c: {  	_ =	shalt  }
0x4d: {  	_ =	shalt  }
0x4e: {  	_ =	shalt  }
0x4f: {  	_ =	shalt  }
0x50: {  	_ =	shalt  }
0x51: {  	_ =	shalt  }
0x52: {  	_ =	shalt  }
0x53: {  	_ =	shalt  }
0x54: {  	_ =	shalt  }
0x55: {  	_ =	shalt  }
0x56: {  	_ =	shalt  }
0x57: {  	_ =	shalt  }
0x58: {  	_ =	shalt  }
0x59: {  	_ =	shalt  }
0x5a: {  	_ =	shalt  }
0x5b: {  	_ =	shalt  }
0x5c: {  	_ =	shalt  }
0x5d: {  	_ =	shalt  }
0x5e: {  	_ =	shalt  }
0x5f: {  	_ =	shalt  }
0x60: {  	_ =	shalt  }
0x61: {  	_ =	shalt  }
0x62: {  	_ =	shalt  }
0x63: {  	_ =	shalt  }
0x64: {  	_ =	shalt  }
0x65: {  	_ =	shalt  }
0x66: {  	_ =	shalt  }
0x67: {  	_ =	shalt  }
0x68: {  	_ =	shalt  }
0x69: {  	_ =	shalt  }
0x6a: {  	_ =	shalt  }
0x6b: {  	_ =	shalt  }
0x6c: {  	_ =	shalt  }
0x6d: {  	_ =	shalt  }
0x6e: {  	_ =	shalt  }
0x6f: {  	_ =	shalt  }
0x70: {  	_ =	shalt  }
0x71: {  	_ =	shalt  }
0x72: {  	_ =	shalt  }
0x73: {  	_ =	shalt  }
0x74: {  	_ =	shalt  }
0x75: {  	_ =	shalt  }
0x76: {  	_ =	shalt  }
0x77: {  	_ =	shalt  }
0x78: {  	_ =	shalt  }
0x79: {  	_ =	shalt  }
0x7a: {  	_ =	shalt  }
0x7b: {  	_ =	shalt  }
0x7c: {  	_ =	shalt  }
0x7d: {  	_ =	shalt  }
0x7e: {  	_ =	shalt  }
0x7f: {  	_ =	shalt  }
0x80: {  	_ =	shalt  }
0x81: {  	_ =	shalt  }
0x82: {  	_ =	shalt  }
0x83: {  	_ =	shalt  }
0x84: {  	_ =	shalt  }
0x85: {  	_ =	shalt  }
0x86: {  	_ =	shalt  }
0x87: {  	_ =	shalt  }
.Lfunc_end0:
.L_simem_size_0:
called_computation_lowered:
.L_overlay_start_0:
0x88: {  	s2 =	sld [smem:$0x3FD9]  }
0x89: {  	s3 =	sld [smem:$0x3FFE];
	_ =	sdelay $0x1  }
0x8a: {  	s1 =	srdreg.scid  }
0x8b: {  	s0 =	sand.u32 $0x1, s1  }
0x8c: {  	s14 =	sshll.u32 s0, $0xA;
	s2 =	sadd.s32 s3, s2  }
0x8d: {  	s2 =	sadd.s32 s2, s14  }
0x8e: {  	[smem:$0x3FC0] =	sst s2  }
0x8f: {  	_ = 	snop  }
0x90: {  	s2 =	sld [smem:$0x3FD0];
	_ =	sdelay $0x2  }
0x91: {  	s15 =	simm.s32 $0xA;
	s4 =	simm.s32 $0x10  }
0x92: {  	[smem:s4], [sflag:s15] =	dma.local [hbm:s2], $0x1  }
0x93: {  	_ =	swait.eq [sflag:s15], $0x1  }
0x94: {  	[sflag:s15] =	ssyncset.done $0x0  }
0x95: {  	s16 =	sld [smem:$0x10];
	[sflag:s15] =	ssyncadd.s32 $0xFFFFFFFF  }
0x96: {  	s17 =	sld [smem:$0x11];
	(tm) =	ssettm $0x1  }
0x97: {  	s18 =	sld [smem:$0x3FFB];
	_ =	sdelay $0x3  }
0x98: {  	_ =	strace s18  }
0x99: {  	s4 =	sld [smem:$0x3FFC];
	_ =	sdelay $0x3  }
0x9a: {  	_ =	strace s4  }
0x9b: {  	s4 =	sld [smem:$0x3FFD];
	_ =	sdelay $0x3  }
0x9c: {  	_ =	strace s4  }
0x9d: {  	_ =	strace $0x8FFFFFFF  }
0x9e: {  	s19 =	sld [smem:$0x3FDB];
	_ =	sdelay $0x1  }
0x9f: {  	s5 =	simm.s32 $_scs_section_size  }
0xa0: {  	s6 =	simm.s32 $_size__tile_overlayer_lowered;
	s7 =	simm.s32 $_tile_overlayer_lowered  }
0xa1: {  	s22 =	simm.s32 $0x1BFF;
	s21 =	sshll.u32 s7, $0x1;
	s4 =	sadd.s32 s5, s19  }
0xa2: {  	s8 =	simm.s32 $0x0;
	s20 =	sshll.u32 s6, $0x1;
	s6 =	sadd.s32 s21, s4  }
0xa3: {  	[timem:s8], [sflag:s22] =	dma.local [hbm:s6], s20  }
0xa4: {  	_ =	swait.ge [sflag:s22], s20  }
0xa5: {  	s5 =	ssub.s32 $0x0, s20;
	[sflag:s22] =	ssyncset.done $0x0  }
0xa6: {  	[sflag:s22] =	ssyncadd.s32 s5;
	_ =	sdelay $0x1  }
0xa7: {  	s23 =	simm.s32 $0x1B8B  }
0xa8: {  	_ =	swait.ge [sflag:s23], $0x1  }
0xa9: {  	[sflag:s23] =	ssyncset.done $0x0  }
0xaa: {  	s25 =	simm.s32 $0x1B8E;
	s24 =	sld [smem:$0x3FFE];
	[sflag:s23] =	ssyncadd.s32 $0xFFFFFFFF  }
0xab: {  	s26 =	simm.s32 $execute0_lowered;
	[smem:$0x3FD2] =	sst s25  }
0xac: {  	s6 =	sshll.u32 s26, $0x1;
	_ =	strace $0x80000046;
	[dreg:$0x1] =	wrdreg $0xFFFFFFFF  }
0xad: {  	s28 =	simm.s32 $_size_execute0_lowered;
	s4 =	sadd.s32 s4, s6;
	[dreg:$0x0] =	wrdreg $0x0  }
0xae: {  	s6 =	sshll.u32 s28, $0x1;
	[dreg:$0x2] =	wrdreg s4  }
0xaf: {  	[dreg:$0x3] =	wrdreg s6  }
0xb0: {  	[dreg:$0x4] =	wrdreg $0xC0  }
0xb1: {  	_ =	task [dreg:s8], $0x5FFFF  }
0xb2: {  	[dreg:$0x1] =	wrdreg $0xFFFFFFFF  }
0xb3: {  	[dreg:$0x0] =	wrdreg $0x60  }
0xb4: {  	[dreg:$0x2] =	wrdreg s16  }
0xb5: {  	[dreg:$0x3] =	wrdreg s24  }
0xb6: {  	[dreg:$0x4] =	wrdreg s17  }
0xb7: {  	[dreg:$0x5] =	wrdreg $0x9  }
0xb8: {  	_ =	task.clear_ibuf [dreg:s8], $0x6FFFF;
	_ =	strace $0x90000046  }
0xb9: {  	s29 =	simm.s32 $0x9;
	_ =	strace $0x80000048  }
0xba: {  	_ =	swait.ge [sflag:s29], $0x1  }
0xbb: {  	[sflag:s29] =	ssyncadd.s32 $0xFFFFFFFF  }
0xbc: {  	_ =	strace $0x90000048  }
0xbd: {  	_ =	sfence  }
0xbe: {  	s30 =	sld [smem:$0x0];
	_ =	sdelay $0x2  }
0xbf: {  	s31 =	sshll.u32 s1, $0xD;
	s1 =	sshrl.u32 s1, $0x2  }
0xc0: {  	s3 =	sand.u32 $0x4000, s31;
	s1 =	sadd.s32 s1, s30  }
0xc1: {  	s0 =	sor.u32 s3, s0;
	s1 =	sshll.u32 s1, $0x11  }
0xc2: {  	s0 =	sor.u32 s1, s0  }
0xc3: {  	s0 =	sadd.s32 $0x8F2B, s0  }
0xc4: {  	[sflag:s0] =	ssyncadd.remote.s32 $0x1  }
0xc5: {  	_ =	sfence.sel $0xFFFF  }
0xc6: {  	[dreg:$0x0] =	wrdreg $0xFFFFFFFF;
	(pc) =	sbr.abs _section_cstart, $3  }
0xc7: {  	[dreg:$0x1] =	wrdreg $0xFFFFFFFF  }
0xc8: {  	_ =	task.clear_ibuf [dreg:s8], $0x2FFFF;
	_ =	strace $0x9FFFFFFF  }
0xc9: {  	(tm) =	ssettm $0x7FFFFFFF  }
tec
execute0_lowered:
.L_overlay_start_1:
0x0: {  	(tag) =	ssettag $0x1  }
0x1: {  	s1 =	rddreg [dreg:$0x0]  }
0x2: {  	s0 =	rddreg [dreg:$0x1]  }
0x3: {  	s3 =	simm.s32 $0x0;
	s2 =	srdreg.scid;
	s8 =	stileid.u32  }
0x4: {  	s16 =	simm.s32 $0x3;
	s15 =	simm.s32 $0x7900;
	s14 =	simm.s32 $0x8900  }
0x5: {  	s17 =	simm.s32 $0x9900;
	s18 =	simm.s32 $0xA100;
	s19 =	simm.s32 $0x1  }
0x6: {  	s20 =	simm.s32 $0x2;
	s21 =	simm.s32 $0xF100;
	s23 =	simm.s32 $0x0  }
0x7: {  	[smem:$0x7FF] =	sst s3;
	s4 =	sadd.s32 $0x27CE00, s0;
	s6 =	sadd.s32 $0x6C00, s0  }
0x8: {  	s7 =	sadd.s32 $0x1C00, s0;
	s5 =	sadd.s32 $0x27CC00, s0;
	s2 =	sand.u32 $0x1, s2  }
0x9: {  	v2 =	vlaneseq.u32;
	vm0 =	vmmov $0xffff;
	vm1 =	vmmov $0x1;
	s9 =	sadd.s32 $0x3B5600, s0;
	s8 =	sshll.u32 s8, $0x1;
	s10 =	sadd.s32 $0xBC00, s0  }
0xa: {  	vm2 =	vcmask $0x320;
	v3 =	vimm.f32 $0.0e+00;
	s12 =	sadd.s32 $0x100, s1;
	s13 =	sadd.s32 $0x27CF00, s0;
	v0 =	vand.u32 $0x7, v2;
	s30 =	ssub.s32 $0x2, s2  }
0xb: {  	vm9 =	vcmask $0x2320;
	v1 =	vshrl.u32 v2, $0x3;
	v62 =	vor.u32 $0x8, v2;
	s0 =	simm.s32 $0x6900;
	_ =	strace $0x80000047;
	[tilespmem:$0x1FFC0] =	vst v0;
	s11 =	sshrl.u32 s30, $0x1  }
0xc: {  	vm3 =	vcmask $0x720;
	v63 =	vsel vm9, $0x3F800000, v3;
	[dreg:$0x4] =	wrdreg s5;
	s2 =	sor.u32 s2, s8;
	v61 =	vmul.u32 $0x8, v1;
	[tilespmem:$0x1FFE0] =	vst v62;
	s5 =	ssub.s32 s30, s11  }
0xd: {  	vm4 =	vcmask $0xB20;
	vm5 =	vcmask $0xF20;
	vm6 =	vcmask $0x1320;
	s8 =	simm.s32 $0x8100;
	[tilespmem:$0x1FFF0] =	vst v63;
	s11 =	smul.u32 $0x1388, s2;
	s31 =	smax.u32 s5, $0x1  }
0xe: {  	vm7 =	vcmask $0x1720;
	vm8 =	vcmask $0x1B20;
	vm9 =	vmmov $0xff;
	[tilespmem:$0x1FFD0] =	vst v61;
	s2 =	simm.s32 $0x9100;
	s5 =	simm.s32 $0x7100;
	[dreg:$0x5] =	wrdreg s31  }
.LBB2_1:
0xf: {  	[dreg:$0x6] =	wrdreg s23  }
0x10: {  	s22 =	rddreg [dreg:$0x4];
	s31 =	simm.s32 $0x10500  }
0x11: {  	[tilespmem:s31], [sflag:$0x3] =	stream.linear.gather [hbm4b:s22+s3], $0x80, $0x38;
	[tilespmem:$0x10580] =	vst v63  }
0x12: {  	_ =	swait.ge [sflag:s16], $0x80  }
0x13: {  	[sflag:s16] =	ssyncset.done $0x0  }
0x14: {  	[sflag:s16] =	ssyncadd.s32 $0xFFFFFF80  }
0x15: {  	v4 =	vld [tilespmem:$0x10500]  }
0x16: {  	v5 =	vld [tilespmem:$0x10510]  }
0x17: {  	v6 =	vld [tilespmem:$0x10520]  }
0x18: {  	s22 =	simm.s32 $0x0;
	v7 =	vld [tilespmem:$0x10530]  }
.LBB2_2:
0x19: {  	s23 =	smul.u32 $0x28, s22;
	_ =	sdelay $0x1  }
0x1a: {  	s23 =	sadd.s32 s11, s23  }
0x1b: {  	s24 =	sshrl.u32 s23, $0x3  }
0x1c: {  	s26 =	simm.s32 $0x0;
	s25 =	sadd.s32 s6, s24  }
0x1d: {  	[tilespmem:s26], [sflag:$0x3] =	stream.linear.gather [hbm4b:s25+s26], $0x28, $0x38;
	[tilespmem:$0x10580] =	vst v63  }
0x1e: {  	_ =	swait.ge [sflag:s16], $0x28  }
0x1f: {  	[sflag:s16] =	ssyncset.done $0x0  }
0x20: {  	s31 =	simm.s32 $0x80;
	s24 =	sadd.s32 s7, s24;
	[sflag:s16] =	ssyncadd.s32 $0xFFFFFFD8  }
0x21: {  	[tilespmem:s31], [sflag:$0x3] =	stream.linear.gather [hbm4b:s24+s26], $0x28, $0x38;
	[tilespmem:$0x10580] =	vst v63  }
0x22: {  	_ =	swait.ge [sflag:s16], $0x28  }
0x23: {  	[sflag:s16] =	ssyncset.done $0x0  }
0x24: {  	[sflag:s16] =	ssyncadd.s32 $0xFFFFFFD8  }
0x25: {  	v8 =	vld [tilespmem:$0x0];
	_ =	sdelay $0x2  }
0x26: {  	v0 =	vld [tilespmem:$0x1FFC0];
	_ =	sdelay $0x1  }
0x27: {  	v1 =	vld [tilespmem:$0x1FFD0];
	v9 =	vshll.u32 v8, $0x2  }
0x28: {  	v8 =	vand.u32 $0x7, v8;
	v9 =	vand.u32 $0xFFFFFFE0, v9  }
0x29: {  	v2 =	vld [tilespmem:$0x1FFE0];
	v8 =	vor.u32 v8, v9  }
0x2a: {  	v9 =	vperm.xlane v8, v0;
	_ =	sdelay $0x1  }
0x2b: {  	v9 =	vadd.s32 v1, v9;
	_ =	sdelay $0x1  }
0x2c: {  	v8 =	vperm.xlane v8, v2;
	_ =	sdelay $0x1  }
0x2d: {  	s25 =	simm.s32 $0x100;
	v8 =	vadd.s32 v1, v8  }
0x2e: {  	[tilespmem:s25], [sflag:$0x1] =	stream.indirect_vreg.gather [hbm4b:s1+s26], $0x80, v9, vm0, $0xb8;
	[tilespmem:$0x10580] =	vst v63  }
0x2f: {  	s30 =	simm.s32 $0x900  }
0x30: {  	[tilespmem:s30], [sflag:$0x1] =	stream.indirect_vreg.gather [hbm4b:s12+s26], $0x80, v9, vm0, $0xb8;
	[tilespmem:$0x10580] =	vst v63  }
0x31: {  	s31 =	simm.s32 $0x1100  }
0x32: {  	[tilespmem:s31], [sflag:$0x1] =	stream.indirect_vreg.gather [hbm4b:s1+s26], $0x80, v8, vm0, $0xb8;
	[tilespmem:$0x10580] =	vst v63  }
0x33: {  	s25 =	simm.s32 $0x1900  }
0x34: {  	[tilespmem:s25], [sflag:$0x1] =	stream.indirect_vreg.gather [hbm4b:s12+s26], $0x80, v8, vm0, $0xb8;
	[tilespmem:$0x10580] =	vst v63  }
0x35: {  	v8 =	vld [tilespmem:$0x10];
	_ =	sdelay $0x4  }
0x36: {  	v9 =	vshll.u32 v8, $0x2  }
0x37: {  	v8 =	vand.u32 $0x7, v8;
	v9 =	vand.u32 $0xFFFFFFE0, v9  }
0x38: {  	v8 =	vor.u32 v8, v9  }
0x39: {  	v9 =	vperm.xlane v8, v0;
	_ =	sdelay $0x1  }
0x3a: {  	v9 =	vadd.s32 v1, v9;
	_ =	sdelay $0x1  }
0x3b: {  	v8 =	vperm.xlane v8, v2;
	_ =	sdelay $0x1  }
0x3c: {  	s30 =	simm.s32 $0x2100;
	v8 =	vadd.s32 v1, v8  }
0x3d: {  	[tilespmem:s30], [sflag:$0x1] =	stream.indirect_vreg.gather [hbm4b:s1+s26], $0x80, v9, vm0, $0xb8;
	[tilespmem:$0x10580] =	vst v63  }
0x3e: {  	s31 =	simm.s32 $0x2900  }
0x3f: {  	[tilespmem:s31], [sflag:$0x1] =	stream.indirect_vreg.gather [hbm4b:s12+s26], $0x80, v9, vm0, $0xb8;
	[tilespmem:$0x10580] =	vst v63  }
0x40: {  	s25 =	simm.s32 $0x3100  }
0x41: {  	[tilespmem:s25], [sflag:$0x1] =	stream.indirect_vreg.gather [hbm4b:s1+s26], $0x80, v8, vm0, $0xb8;
	[tilespmem:$0x10580] =	vst v63  }
0x42: {  	s30 =	simm.s32 $0x3900  }
0x43: {  	[tilespmem:s30], [sflag:$0x1] =	stream.indirect_vreg.gather [hbm4b:s12+s26], $0x80, v8, vm0, $0xb8;
	[tilespmem:$0x10580] =	vst v63  }
0x44: {  	v8 =	vld.msk [tilespmem:$0x20], $0xff;
	_ =	sdelay $0x4  }
0x45: {  	v9 =	vshll.u32 v8, $0x2  }
0x46: {  	v8 =	vand.u32 $0x7, v8;
	v9 =	vand.u32 $0xFFFFFFE0, v9  }
0x47: {  	v8 =	vor.u32 v8, v9  }
0x48: {  	v8 =	vperm.xlane v8, v0;
	_ =	sdelay $0x1  }
0x49: {  	v8 =	vadd.s32 v1, v8;
	_ =	sdelay $0x3  }
0x4a: {  	s31 =	simm.s32 $0x4100  }
0x4b: {  	[tilespmem:s31], [sflag:$0x1] =	stream.indirect_vreg.gather [hbm4b:s1+s26], $0x80, v8, vm0, $0xb8;
	[tilespmem:$0x10580] =	vst v63  }
0x4c: {  	s25 =	simm.s32 $0x4900  }
0x4d: {  	[tilespmem:s25], [sflag:$0x1] =	stream.indirect_vreg.gather [hbm4b:s12+s26], $0x80, v8, vm0, $0xb8;
	[tilespmem:$0x10580] =	vst v63  }
0x4e: {  	v8 =	vld [tilespmem:$0x80];
	_ =	sdelay $0x4  }
0x4f: {  	v9 =	vshll.u32 v8, $0x2  }
0x50: {  	v8 =	vand.u32 $0x7, v8;
	v9 =	vand.u32 $0xFFFFFFE0, v9  }
0x51: {  	v8 =	vor.u32 v8, v9  }
0x52: {  	v9 =	vperm.xlane v8, v0;
	_ =	sdelay $0x1  }
0x53: {  	v9 =	vadd.s32 v1, v9;
	_ =	sdelay $0x1  }
0x54: {  	v8 =	vperm.xlane v8, v2;
	_ =	sdelay $0x1  }
0x55: {  	s30 =	simm.s32 $0x5100;
	v8 =	vadd.s32 v1, v8  }
0x56: {  	[tilespmem:s30], [sflag:$0x2] =	stream.indirect_vreg.gather [hbm4b:s4+s26], $0x80, v9, vm0, $0xb8;
	[tilespmem:$0x10580] =	vst v63  }
0x57: {  	s31 =	simm.s32 $0x5900  }
0x58: {  	[tilespmem:s31], [sflag:$0x2] =	stream.indirect_vreg.gather [hbm4b:s13+s26], $0x80, v9, vm0, $0xb8;
	[tilespmem:$0x10580] =	vst v63  }
0x59: {  	s25 =	simm.s32 $0x6100  }
0x5a: {  	[tilespmem:s25], [sflag:$0x2] =	stream.indirect_vreg.gather [hbm4b:s4+s26], $0x80, v8, vm0, $0xb8;
	[tilespmem:$0x10580] =	vst v63  }
0x5b: {  	_ = 	snop  }
0x5c: {  	[tilespmem:s0], [sflag:$0x2] =	stream.indirect_vreg.gather [hbm4b:s13+s26], $0x80, v8, vm0, $0xb8;
	[tilespmem:$0x10580] =	vst v63  }
0x5d: {  	v8 =	vld [tilespmem:$0x90];
	_ =	sdelay $0x4  }
0x5e: {  	v9 =	vshll.u32 v8, $0x2  }
0x5f: {  	v8 =	vand.u32 $0x7, v8;
	v9 =	vand.u32 $0xFFFFFFE0, v9  }
0x60: {  	v8 =	vor.u32 v8, v9  }
0x61: {  	v9 =	vperm.xlane v8, v0;
	_ =	sdelay $0x1  }
0x62: {  	v9 =	vadd.s32 v1, v9;
	_ =	sdelay $0x1  }
0x63: {  	v8 =	vperm.xlane v8, v2;
	_ =	sdelay $0x1  }
0x64: {  	v8 =	vadd.s32 v1, v8  }
0x65: {  	[tilespmem:s5], [sflag:$0x2] =	stream.indirect_vreg.gather [hbm4b:s4+s26], $0x80, v9, vm0, $0xb8;
	[tilespmem:$0x10580] =	vst v63  }
0x66: {  	_ = 	snop  }
0x67: {  	[tilespmem:s15], [sflag:$0x2] =	stream.indirect_vreg.gather [hbm4b:s13+s26], $0x80, v9, vm0, $0xb8;
	[tilespmem:$0x10580] =	vst v63  }
0x68: {  	_ = 	snop  }
0x69: {  	[tilespmem:s8], [sflag:$0x2] =	stream.indirect_vreg.gather [hbm4b:s4+s26], $0x80, v8, vm0, $0xb8;
	[tilespmem:$0x10580] =	vst v63  }
0x6a: {  	_ = 	snop  }
0x6b: {  	[tilespmem:s14], [sflag:$0x2] =	stream.indirect_vreg.gather [hbm4b:s13+s26], $0x80, v8, vm0, $0xb8;
	[tilespmem:$0x10580] =	vst v63  }
0x6c: {  	v8 =	vld.msk [tilespmem:$0xA0], $0xff;
	_ =	sdelay $0x4  }
0x6d: {  	v9 =	vshll.u32 v8, $0x2  }
0x6e: {  	v8 =	vand.u32 $0x7, v8;
	v9 =	vand.u32 $0xFFFFFFE0, v9  }
0x6f: {  	v8 =	vor.u32 v8, v9  }
0x70: {  	v8 =	vperm.xlane v8, v0;
	_ =	sdelay $0x1  }
0x71: {  	v8 =	vadd.s32 v1, v8;
	_ =	sdelay $0x4  }
0x72: {  	[tilespmem:s2], [sflag:$0x2] =	stream.indirect_vreg.gather [hbm4b:s4+s26], $0x80, v8, vm0, $0xb8;
	[tilespmem:$0x10580] =	vst v63  }
0x73: {  	s24 =	sshll.u32 s23, $0x6;
	s30 =	rddreg [dreg:$0x2]  }
0x74: {  	[tilespmem:s17], [sflag:$0x2] =	stream.indirect_vreg.gather [hbm4b:s13+s26], $0x80, v8, vm0, $0xb8;
	[tilespmem:$0x10580] =	vst v63  }
0x75: {  	s25 =	sadd.s32 s30, s24  }
0x76: {  	[tilespmem:s18], [sflag:$0x3] =	stream.linear.gather [hbm4b:s25+s26], $0x5000, $0x38;
	[tilespmem:$0x10580] =	vst v63  }
0x77: {  	_ =	swait.ge [sflag:s16], $0x5000  }
0x78: {  	[sflag:s16] =	ssyncset.done $0x0  }
0x79: {  	[sflag:s16] =	ssyncadd.s32 $0xFFFFB000  }
0x7a: {  	_ =	swait.ge [sflag:s19], $0x5000  }
0x7b: {  	[sflag:s19] =	ssyncset.done $0x0  }
0x7c: {  	[sflag:s19] =	ssyncadd.s32 $0xFFFFB000  }
0x7d: {  	_ =	swait.ge [sflag:s20], $0x5000  }
0x7e: {  	s28 =	sand.u32 $0x380, s26;
	s31 =	sand.u32 $0x7000, s26;
	[sflag:s20] =	ssyncset.done $0x0  }
0x7f: {  	s25 =	sor.u32 s28, s31;
	[sflag:s20] =	ssyncadd.s32 $0xFFFFB000  }
0x80: {  	v8 =	vld [tilespmem:s25+$0xAD70]  }
0x81: {  	v9 =	vld [tilespmem:s25+$0xAD30]  }
0x82: {  	v10 =	vld [tilespmem:s25+$0xAD60]  }
0x83: {  	v11 =	vld [tilespmem:s25+$0x5D70]  }
0x84: {  	v12 =	vld [tilespmem:s25+$0xD70]  }
0x85: {  	v13 =	vld [tilespmem:s25+$0xA970]  }
0x86: {  	v14 =	vld [tilespmem:s25+$0xAD20]  }
0x87: {  	v15 =	vld [tilespmem:s25+$0x5D30]  }
0x88: {  	v16 =	vld [tilespmem:s25+$0xD30]  }
0x89: {  	v17 =	vld [tilespmem:s25+$0xAD40]  }
0x8a: {  	v18 =	vld [tilespmem:s25+$0xAD50]  }
0x8b: {  	v19 =	vld [tilespmem:s25+$0x5D60]  }
0x8c: {  	v20 =	vld [tilespmem:s25+$0xD60]  }
0x8d: {  	v21 =	vld [tilespmem:s25+$0xA930]  }
0x8e: {  	v22 =	vld [tilespmem:s25+$0xA960]  }
0x8f: {  	v23 =	vld [tilespmem:s25+$0x5970]  }
0x90: {  	v24 =	vld [tilespmem:s25+$0x970]  }
0x91: {  	v25 =	vld [tilespmem:s25+$0xAD00]  }
0x92: {  	v27 =	vld [tilespmem:s25+$0xAD10]  }
0x93: {  	v28 =	vld [tilespmem:s25+$0x5D20]  }
0x94: {  	v30 =	vld [tilespmem:s25+$0xD20]  }
0x95: {  	v31 =	vld [tilespmem:s25+$0x5D40]  }
0x96: {  	v33 =	vld [tilespmem:s25+$0xD40]  }
0x97: {  	v34 =	vld [tilespmem:s25+$0x5D50]  }
0x98: {  	v35 =	vld [tilespmem:s25+$0xD50]  }
0x99: {  	v37 =	vld [tilespmem:s25+$0xA570]  }
0x9a: {  	v38 =	vld [tilespmem:s25+$0xA920]  }
0x9b: {  	v36 =	vld [tilespmem:s25+$0x5930]  }
0x9c: {  	v39 =	vld [tilespmem:s25+$0x930]  }
0x9d: {  	v40 =	vld [tilespmem:s25+$0xA940]  }
0x9e: {  	v41 =	vld [tilespmem:s25+$0xA950]  }
0x9f: {  	v42 =	vld [tilespmem:s25+$0x5960]  }
0xa0: {  	v43 =	vld [tilespmem:s25+$0x960]  }
0xa1: {  	v44 =	vld [tilespmem:s25+$0x5D00]  }
0xa2: {  	v45 =	vld [tilespmem:s25+$0xD00]  }
0xa3: {  	v46 =	vld [tilespmem:s25+$0x5D10]  }
0xa4: {  	v47 =	vld [tilespmem:s25+$0xD10]  }
0xa5: {  	v48 =	vld [tilespmem:s25+$0xA530]  }
0xa6: {  	v57 =	vld [tilespmem:s25+$0xA560]  }
0xa7: {  	v49 =	vld [tilespmem:s25+$0x5570]  }
0xa8: {  	v50 =	vld [tilespmem:s25+$0x570]  }
0xa9: {  	v51 =	vld [tilespmem:s25+$0xA900]  }
0xaa: {  	v52 =	vld [tilespmem:s25+$0xA910]  }
0xab: {  	v53 =	vld [tilespmem:s25+$0x5920]  }
0xac: {  	v54 =	vld [tilespmem:s25+$0x920]  }
0xad: {  	v55 =	vld [tilespmem:s25+$0x5940]  }
0xae: {  	v56 =	vld [tilespmem:s25+$0x940]  }
0xaf: {  	v58 =	vld [tilespmem:s25+$0x950]  }
0xb0: {  	v59 =	vld [tilespmem:s25+$0xA170]  }
0xb1: {  	v60 =	vld [tilespmem:s25+$0xA520];
	v11 =	vadd.f32 v11, v12  }
0xb2: {  	v61 =	vld [tilespmem:s25+$0x5530]  }
0xb3: {  	v62 =	vld [tilespmem:s25+$0x530];
	v8 =	vadd.f32 v8, v11;
	v11 =	vadd.f32 v19, v20  }
0xb4: {  	v29 =	vld [tilespmem:s25+$0xA540];
	v15 =	vadd.f32 v15, v16  }
0xb5: {  	v2 =	vld [tilespmem:s25+$0x5170];
	v12 =	vmul.f32 $9.999999770e-03, v8;
	v10 =	vadd.f32 v10, v11  }
0xb6: {  	v1 =	vld [tilespmem:s25+$0x170];
	v16 =	vadd.f32 v23, v24;
	v9 =	vadd.f32 v9, v15  }
0xb7: {  	v3 =	vld [tilespmem:s25+$0xA550];
	v8 =	vmax.f32 v8, v12;
	v12 =	vadd.f32 v31, v33;
	v15 =	vmul.f32 $9.999999770e-03, v10  }
0xb8: {  	v63 =	vld [tilespmem:s25+$0x5560];
	v61 =	vadd.f32 v61, v62;
	v19 =	vadd.f32 v34, v35  }
0xb9: {  	v26 =	vld [tilespmem:s25+$0x560];
	v12 =	vadd.f32 v17, v12;
	v10 =	vmax.f32 v10, v15;
	v15 =	vadd.f32 v13, v16  }
0xba: {  	v24 =	vld [tilespmem:s25+$0x5900];
	v13 =	vadd.f32 v18, v19;
	v16 =	vadd.f32 v36, v39  }
0xbb: {  	v62 =	vadd.f32 v2, v1;
	v33 =	vld [tilespmem:s25+$0x900];
	v18 =	vadd.f32 v28, v30  }
0xbc: {  	v32 =	vld [tilespmem:s25+$0xA500];
	v19 =	vmul.f32 $9.999999770e-03, v12;
	v28 =	vmul.f32 $9.999999770e-03, v13;
	v36 =	vadd.f32 v21, v16  }
0xbd: {  	[tilespmem:$0x1FFB0] =	vst v57;
	v57 =	vld [tilespmem:s25+$0x5950];
	v20 =	vmul.f32 $9.999999770e-03, v15;
	v16 =	vadd.f32 v14, v18;
	v14 =	vadd.f32 v42, v43  }
0xbe: {  	v1 =	vld [tilespmem:s25+$0x500];
	v12 =	vmax.f32 v12, v19;
	v13 =	vmax.f32 v13, v28;
	v19 =	vmul.f32 $9.999999770e-03, v36  }
0xbf: {  	v2 =	vld [tilespmem:s25+$0x5510];
	v15 =	vmax.f32 v15, v20;
	v18 =	vmul.f32 v12, v4;
	v20 =	vmul.f32 v13, v5  }
0xc0: {  	v34 =	vld [tilespmem:s25+$0x5910];
	v17 =	vmul.f32 v10, v6;
	v24 =	vadd.f32 v24, v33;
	v22 =	vadd.f32 v22, v14  }
0xc1: {  	v35 =	vld [tilespmem:s25+$0xA160];
	v14 =	vmax.f32 v36, v19;
	v19 =	vadd.f32 v44, v45;
	v18 =	vadd.f32 v20, v18  }
0xc2: {  	v31 =	vld [tilespmem:s25+$0xA130];
	v28 =	vadd.f32 v57, v58;
	v20 =	vadd.f32 v55, v56  }
0xc3: {  	v30 =	vld [tilespmem:s25+$0x910];
	v19 =	vadd.f32 v25, v19;
	v25 =	vadd.f32 v17, v18  }
0xc4: {  	v11 =	vmul.f32 $9.999999770e-03, v9;
	v43 =	vld [tilespmem:s25+$0xA140];
	v17 =	vadd.f32 v40, v20;
	v40 =	vadd.f32 v41, v28  }
0xc5: {  	v58 =	vadd.f32 v53, v54;
	v36 =	vld [tilespmem:s25+$0xA510];
	v39 =	vmul.f32 $9.999999770e-03, v22;
	v20 =	vmul.f32 $9.999999770e-03, v19  }
0xc6: {  	v51 =	vadd.f32 v51, v24;
	v45 =	vld [tilespmem:s25+$0x5520];
	v41 =	vmul.f32 $9.999999770e-03, v17;
	v42 =	vmul.f32 $9.999999770e-03, v40  }
0xc7: {  	v44 =	vld [tilespmem:s25+$0xA150];
	v18 =	vmax.f32 v22, v39;
	v28 =	vadd.f32 v46, v47;
	v39 =	vadd.f32 v49, v50  }
0xc8: {  	v55 =	vld [tilespmem:s25+$0x520];
	v20 =	vmax.f32 v19, v20;
	v19 =	vmax.f32 v17, v41;
	v17 =	vmax.f32 v40, v42  }
0xc9: {  	v56 =	vld [tilespmem:s25+$0x5540];
	v28 =	vadd.f32 v27, v28;
	v53 =	vmul.f32 v19, v4;
	v54 =	vmul.f32 v17, v5  }
0xca: {  	v23 =	vmul.f32 v8, v7;
	v46 =	vld [tilespmem:s25+$0x540];
	v27 =	vadd.f32 v37, v39;
	v37 =	vadd.f32 v38, v58  }
0xcb: {  	v47 =	vld [tilespmem:s25+$0x5550];
	v22 =	vmul.f32 v18, v6;
	v58 =	vadd.f32 v34, v30;
	v38 =	vadd.f32 v54, v53  }
0xcc: {  	v21 =	vmul.f32 $9.999999770e-03, v16;
	v49 =	vld [tilespmem:s25+$0x550];
	v50 =	vadd.f32 v48, v61;
	v48 =	vmul.f32 $9.999999770e-03, v51  }
0xcd: {  	v0 =	vmul.f32 v15, v7;
	v61 =	vld [tilespmem:s25+$0x160];
	v40 =	vadd.f32 v52, v58;
	v22 =	vadd.f32 v22, v38  }
0xce: {  	v57 =	vmul.f32 v14, v7;
	v39 =	vadd.f32 v23, v25;
	v23 =	vmax.f32 v51, v48;
	v48 =	vld [tilespmem:s25+$0xA100]  }
0xcf: {  	v52 =	vmul.f32 $9.999999770e-03, v40;
	v38 =	vadd.f32 v0, v22;
	v0 =	vadd.f32 v59, v62;
	v62 =	vld [tilespmem:$0x1FFB0]  }
0xd0: {  	v25 =	vmul.f32 $9.999999770e-03, v50;
	v45 =	vadd.f32 v45, v55;
	v55 =	vld [tilespmem:s25+$0x5150];
	v30 =	vmul.f32 v20, v4  }
0xd1: {  	v41 =	vld [tilespmem:s25+$0x5130];
	v34 =	vmul.f32 $9.999999770e-03, v28;
	v24 =	vmul.f32 $9.999999770e-03, v37;
	v22 =	vmax.f32 v40, v52  }
0xd2: {  	v26 =	vadd.f32 v63, v26;
	v42 =	vld [tilespmem:s25+$0x130];
	v40 =	vmul.f32 v23, v4;
	v63 =	vmul.f32 v22, v5  }
0xd3: {  	v33 =	vmul.f32 $9.999999770e-03, v27;
	v49 =	vadd.f32 v47, v49;
	v24 =	vmax.f32 v37, v24;
	v54 =	vld [tilespmem:s25+$0x5500]  }
0xd4: {  	v58 =	vld [tilespmem:s25+$0x5160];
	v52 =	vmul.f32 v24, v6;
	v37 =	vadd.f32 v62, v26;
	v26 =	vadd.f32 v63, v40  }
0xd5: {  	v60 =	vadd.f32 v60, v45;
	v59 =	vld [tilespmem:s25+$0x510];
	v51 =	vmul.f32 $9.999999770e-03, v0;
	v63 =	vadd.f32 v56, v46  }
0xd6: {  	v25 =	vmax.f32 v50, v25;
	v50 =	vld [tilespmem:s25+$0x5120];
	v49 =	vadd.f32 v3, v49;
	v52 =	vadd.f32 v52, v26  }
0xd7: {  	v53 =	vld [tilespmem:s25+$0x5140];
	v26 =	vmax.f32 v0, v51;
	v0 =	vmul.f32 $9.999999770e-03, v60;
	v62 =	vadd.f32 v29, v63  }
0xd8: {  	v1 =	vadd.f32 v54, v1;
	v54 =	vld [tilespmem:s25+$0x100];
	v46 =	vmul.f32 v25, v7;
	v40 =	vmul.f32 $9.999999770e-03, v37  }
0xd9: {  	v56 =	vld [tilespmem:s25+$0x140];
	v47 =	vadd.f32 v57, v52;
	v29 =	vmax.f32 v60, v0;
	v0 =	vmul.f32 $9.999999770e-03, v62  }
0xda: {  	v45 =	vmul.f32 v26, v7;
	v57 =	vld [tilespmem:s25+$0x150];
	v60 =	vadd.f32 v2, v59;
	v59 =	vadd.f32 v58, v61  }
0xdb: {  	s29 =	simm.s32 $0x200;
	s28 =	simm.s32 $0x0;
	v52 =	vld [tilespmem:s25+$0x5100];
	v58 =	vadd.f32 v32, v1;
	v51 =	vmul.f32 v29, v6;
	v32 =	vmax.f32 v62, v0  }
.LBB2_3:
0xdc: {  	v0 =	vld [tilespmem:s25+$0x5110]  }
0xdd: {  	v61 =	vld [tilespmem:s25+$0x110];
	_ =	sdelay $0x1  }
0xde: {  	v2 =	vmul.f32 v32, v4;
	v37 =	vmax.f32 v37, v40;
	v1 =	vadd.f32 v36, v60  }
0xdf: {  	v60 =	vmul.f32 $9.999999770e-03, v49;
	v36 =	vadd.f32 v53, v56;
	v53 =	vadd.f32 v35, v59  }
0xe0: {  	v35 =	vmul.f32 $9.999999770e-03, v58;
	v56 =	vld [tilespmem:s25+$0x120];
	v41 =	vadd.f32 v41, v42;
	v62 =	vadd.f32 v55, v57  }
0xe1: {  	v57 =	vld [tilespmem:s25+$0xA110];
	v52 =	vadd.f32 v52, v54;
	v0 =	vadd.f32 v0, v61;
	v63 =	vmul.f32 $9.999999770e-03, v1  }
0xe2: {  	v43 =	vadd.f32 v43, v36;
	v59 =	vmul.f32 $9.999999770e-03, v53;
	v35 =	vmax.f32 v58, v35;
	v58 =	vld [tilespmem:s25+$0xA120]  }
0xe3: {  	v42 =	vadd.f32 v44, v62;
	v49 =	vmax.f32 v49, v60;
	v44 =	vmul.f32 v35, v4  }
0xe4: {  	v36 =	vmax.f32 v1, v63;
	v1 =	vadd.f32 v31, v41;
	v31 =	vmul.f32 $9.999999770e-03, v43  }
0xe5: {  	v63 =	vmul.f32 $9.999999770e-03, v42;
	v62 =	vmul.f32 v36, v5;
	v50 =	vadd.f32 v50, v56  }
0xe6: {  	v0 =	vadd.f32 v57, v0;
	v31 =	vmax.f32 v43, v31;
	v43 =	vadd.f32 v48, v52  }
0xe7: {  	v41 =	vadd.f32 v62, v44;
	v44 =	vadd.f32 v58, v50;
	v48 =	vmul.f32 v31, v4  }
0xe8: {  	(xrf2) =	vadd.scan.msk.f32 $0xffff, v39;
	v39 =	vmax.f32 v42, v63;
	v63 =	vmul.f32 $9.999999770e-03, v0;
	v62 =	vmul.f32 $9.999999770e-03, v43  }
0xe9: {  	(xrf2) =	vadd.scan.msk.f32 $0xffff, v38;
	v42 =	vmax.f32 v53, v59;
	v61 =	vmul.f32 v39, v5;
	v57 =	vmul.f32 $9.999999770e-03, v44  }
0xea: {  	v51 =	vadd.f32 v51, v41;
	v38 =	vmax.f32 v0, v63;
	v41 =	vmax.f32 v43, v62  }
0xeb: {  	v59 =	vadd.f32 v61, v48;
	v61 =	vmul.f32 v38, v5;
	v43 =	vmul.f32 v41, v4  }
0xec: {  	(xrf2) =	vadd.scan.msk.f32 $0xffff, v47;
	v58 =	vmul.f32 v42, v6;
	v62 =	vmul.f32 $9.999999770e-03, v1;
	v44 =	vmax.f32 v44, v57  }
0xed: {  	v3 =	vadd.f32 v46, v51;
	v63 =	vmul.f32 v44, v6;
	v43 =	vadd.f32 v61, v43  }
0xee: {  	v0 =	vadd.f32 v58, v59;
	v51 =	vmul.f32 v49, v5;
	v1 =	vmax.f32 v1, v62  }
0xef: {  	v28 =	vmax.f32 v28, v34;
	(xrf2) =	vadd.scan.msk.f32 $0xffff, v3;
	v53 =	vmul.f32 v1, v7;
	v43 =	vadd.f32 v63, v43  }
0xf0: {  	v40 =	vmul.f32 v37, v6;
	v0 =	vadd.f32 v45, v0;
	v2 =	vadd.f32 v51, v2  }
0xf1: {  	v27 =	vmax.f32 v27, v33;
	v55 =	vmul.f32 v28, v5;
	v54 =	vadd.f32 v53, v43  }
0xf2: {  	v16 =	vmax.f32 v16, v21;
	v52, _, _ =	vpop (xrf2);
	v57 =	vmul.f32 v27, v7;
	(xrf2) =	vadd.scan.msk.f32 $0xffff, v0;
	v2 =	vadd.f32 v40, v2  }
0xf3: {  	v21 =	vadd.f32 v55, v30;
	v30 =	vmul.f32 v16, v6;
	v56, _, _ =	vpop (xrf2);
	(xrf2) =	vadd.scan.msk.f32 $0xffff, v54  }
0xf4: {  	v59 =	vmax.f32 v9, v11;
	v58 =	vadd.f32 v57, v2  }
0xf5: {  	[tilespmem:s25+$0xAD70] =	vst v8;
	v11 =	vadd.f32 v30, v21;
	v21 =	vmul.f32 v59, v7  }
0xf6: {  	[tilespmem:s25+$0xAD60] =	vst v10;
	v9, _, _ =	vpop (xrf2);
	(xrf2) =	vadd.scan.msk.f32 $0xffff, v58  }
0xf7: {  	[tilespmem:s25+$0xA970] =	vst v15;
	v3 =	vadd.f32 v21, v11  }
0xf8: {  	[tilespmem:s25+$0xAD40] =	vst v12  }
0xf9: {  	[tilespmem:s25+$0xAD50] =	vst v13;
	v60, _, _ =	vpop (xrf2);
	(xrf2) =	vadd.scan.msk.f32 $0xffff, v3  }
0xfa: {  	[tilespmem:s25+$0xA930] =	vst v14  }
0xfb: {  	[tilespmem:s25+$0xA960] =	vst v18  }
0xfc: {  	[tilespmem:s25+$0xAD00] =	vst v20;
	v61, _, _ =	vpop (xrf2)  }
0xfd: {  	[tilespmem:s25+$0xA920] =	vst v24;
	v8, _, _ =	vpop (xrf2)  }
0xfe: {  	[tilespmem:s25+$0xA940] =	vst v19;
	v8 =	vbroadcast v8, $0xF  }
0xff: {  	[tilespmem:s25+$0xA950] =	vst v17;
	v0 =	vbroadcast v61, $0xF  }
0x100: {  	[tilespmem:s25+$0xA530] =	vst v25;
	v2 =	vbroadcast v60, $0xF;
	v10, _, _ =	vpop (xrf2);
	v8 =	vnsel vm1, $0x0, v8  }
0x101: {  	[tilespmem:s25+$0xA900] =	vst v23;
	v0 =	vsel vm2, v8, v0;
	v8 =	vbroadcast v10, $0xF  }
0x102: {  	[tilespmem:s25+$0xA910] =	vst v22;
	v62 =	vbroadcast v9, $0xF;
	v0 =	vsel vm3, v0, v2  }
0x103: {  	[tilespmem:s25+$0xA170] =	vst v26;
	v9, _, _ =	vpop (xrf2);
	v0 =	vsel vm4, v0, v8;
	v8 =	vbroadcast v56, $0xF  }
0x104: {  	[tilespmem:s25+$0xA520] =	vst v29;
	v63 =	vbroadcast v9, $0xF;
	v0 =	vsel vm5, v0, v62  }
0x105: {  	[tilespmem:s25+$0xA540] =	vst v32;
	v0 =	vsel vm6, v0, v8;
	v8 =	vbroadcast v52, $0xF  }
0x106: {  	[tilespmem:s25+$0xAD20] =	vst v16;
	v0 =	vsel vm7, v0, v63  }
0x107: {  	[tilespmem:s25+$0xAD10] =	vst v28;
	v0 =	vsel vm8, v0, v8  }
0x108: {  	[tilespmem:s25+$0xA570] =	vst v27;
	v0 =	vmul.f32 $1.442695020e+00, v0  }
0x109: {  	[tilespmem:s25+$0xA560] =	vst v37  }
0x10a: {  	[tilespmem:s25+$0xA550] =	vst v49;
	(erf) = vpow2.f32 v0  }
0x10b: {  	[tilespmem:s25+$0xA500] =	vst v35  }
0x10c: {  	[tilespmem:s25+$0xA510] =	vst v36  }
0x10d: {  	[tilespmem:s25+$0xA160] =	vst v42  }
0x10e: {  	[tilespmem:s25+$0xA140] =	vst v31  }
0x10f: {  	v33 =	vld [tilespmem:$0x1FFF0];
	[tilespmem:s25+$0xA150] =	vst v39  }
0x110: {  	[tilespmem:s25+$0xA110] =	vst v38  }
0x111: {  	[tilespmem:s25+$0xA100] =	vst v41  }
0x112: {  	[tilespmem:s25+$0xAD30] =	vst v59  }
0x113: {  	s26 =	sadd.s32 $0x80, s26;
	[tilespmem:s25+$0xA120] =	vst v44;
	v0 =	vpop (erf)  }
0x114: {  	s30 =	sand.u32 $0x7000, s29;
	s28 =	sshra.s32 s28, $0x2;
	s31 =	sand.u32 $0x380, s26;
	[tilespmem:s25+$0xA130] =	vst v1;
	v0 =	vsel vm9, v0, v33  }
0x115: {  	s25 =	sor.u32 s31, s30;
	[tilespmem:s28+$0xF100] =	vst v0  }
0x116: {  	v0 =	vld [tilespmem:s25+$0xAD70]  }
0x117: {  	v1 =	vld [tilespmem:s25+$0xAD30]  }
0x118: {  	v2 =	vld [tilespmem:s25+$0xAD60]  }
0x119: {  	v8 =	vld [tilespmem:s25+$0x5D70]  }
0x11a: {  	v9 =	vld [tilespmem:s25+$0xD70]  }
0x11b: {  	v13 =	vld [tilespmem:s25+$0xA970]  }
0x11c: {  	v12 =	vld [tilespmem:s25+$0xAD20]  }
0x11d: {  	v10 =	vld [tilespmem:s25+$0x5D30]  }
0x11e: {  	v11 =	vld [tilespmem:s25+$0xD30]  }
0x11f: {  	v15 =	vld [tilespmem:s25+$0xAD40]  }
0x120: {  	v16 =	vld [tilespmem:s25+$0xAD50]  }
0x121: {  	v20 =	vld [tilespmem:s25+$0x5D60]  }
0x122: {  	v21 =	vld [tilespmem:s25+$0xD60]  }
0x123: {  	v27 =	vld [tilespmem:s25+$0xA930]  }
0x124: {  	v14 =	vld [tilespmem:s25+$0xA960]  }
0x125: {  	v28 =	vld [tilespmem:s25+$0x5970]  }
0x126: {  	v30 =	vld [tilespmem:s25+$0x970]  }
0x127: {  	v18 =	vld [tilespmem:s25+$0xAD00]  }
0x128: {  	v17 =	vld [tilespmem:s25+$0xAD10]  }
0x129: {  	v31 =	vld [tilespmem:s25+$0x5D20]  }
0x12a: {  	v33 =	vld [tilespmem:s25+$0xD20]  }
0x12b: {  	v34 =	vld [tilespmem:s25+$0x5D40]  }
0x12c: {  	v35 =	vld [tilespmem:s25+$0xD40]  }
0x12d: {  	v36 =	vld [tilespmem:s25+$0x5D50]  }
0x12e: {  	v38 =	vld [tilespmem:s25+$0xD50]  }
0x12f: {  	v19 =	vld [tilespmem:s25+$0xA570]  }
0x130: {  	v22 =	vld [tilespmem:s25+$0xA920]  }
0x131: {  	v39 =	vld [tilespmem:s25+$0x5930]  }
0x132: {  	v41 =	vld [tilespmem:s25+$0x930]  }
0x133: {  	v42 =	vld [tilespmem:s25+$0xA940]  }
0x134: {  	v43 =	vld [tilespmem:s25+$0xA950]  }
0x135: {  	v44 =	vld [tilespmem:s25+$0x5960]  }
0x136: {  	v46 =	vld [tilespmem:s25+$0x960]  }
0x137: {  	v47 =	vld [tilespmem:s25+$0x5D00]  }
0x138: {  	v48 =	vld [tilespmem:s25+$0xD00]  }
0x139: {  	v49 =	vld [tilespmem:s25+$0x5D10]  }
0x13a: {  	v50 =	vld [tilespmem:s25+$0xD10]  }
0x13b: {  	v23 =	vld [tilespmem:s25+$0xA530]  }
0x13c: {  	v26 =	vld [tilespmem:s25+$0xA560]  }
0x13d: {  	v51 =	vld [tilespmem:s25+$0x5570]  }
0x13e: {  	v52 =	vld [tilespmem:s25+$0x570]  }
0x13f: {  	v24 =	vld [tilespmem:s25+$0xA900]  }
0x140: {  	v37 =	vld [tilespmem:s25+$0xA910]  }
0x141: {  	v53 =	vld [tilespmem:s25+$0x5920]  }
0x142: {  	v54 =	vld [tilespmem:s25+$0x920]  }
0x143: {  	v55 =	vld [tilespmem:s25+$0x5940]  }
0x144: {  	v56 =	vld [tilespmem:s25+$0x940]  }
0x145: {  	v57 =	vld [tilespmem:s25+$0x5950]  }
0x146: {  	v59 =	vld [tilespmem:s25+$0x5530]  }
0x147: {  	v60 =	vld [tilespmem:s25+$0x530]  }
0x148: {  	v58 =	vld [tilespmem:s25+$0x950];
	v8 =	vadd.f32 v8, v9  }
0x149: {  	v25 =	vld [tilespmem:s25+$0xA170];
	v10 =	vadd.f32 v10, v11  }
0x14a: {  	v40 =	vld [tilespmem:s25+$0xA520];
	v34 =	vadd.f32 v34, v35;
	v0 =	vadd.f32 v0, v8  }
0x14b: {  	v29 =	vld [tilespmem:s25+$0xA540];
	v8 =	vadd.f32 v20, v21;
	v20 =	vadd.f32 v28, v30  }
0x14c: {  	v32 =	vld [tilespmem:s25+$0xA550];
	v60 =	vadd.f32 v59, v60;
	v21 =	vadd.f32 v36, v38;
	v9 =	vmul.f32 $9.999999770e-03, v0  }
0x14d: {  	v45 =	vld [tilespmem:s25+$0x5560];
	v2 =	vadd.f32 v2, v8;
	v62 =	vadd.f32 v13, v20  }
0x14e: {  	v61 =	vld [tilespmem:s25+$0x560];
	v13 =	vadd.f32 v16, v21;
	v16 =	vadd.f32 v31, v33;
	v8 =	vmax.f32 v0, v9  }
0x14f: {  	v3 =	vld [tilespmem:s25+$0xA500];
	v9 =	vadd.f32 v1, v10;
	v35 =	vmul.f32 $9.999999770e-03, v2;
	v0 =	vadd.f32 v15, v34  }
0x150: {  	v59 =	vld [tilespmem:s25+$0x160];
	v15 =	vadd.f32 v39, v41;
	v28 =	vmul.f32 $9.999999770e-03, v62;
	v63 =	vmul.f32 $9.999999770e-03, v13  }
0x151: {  	v30 =	vld [tilespmem:s25+$0x5900];
	v16 =	vadd.f32 v12, v16;
	v38 =	vmul.f32 v8, v7;
	v11 =	vmul.f32 $9.999999770e-03, v9  }
0x152: {  	v1 =	vld [tilespmem:s25+$0x900];
	v10 =	vmax.f32 v2, v35;
	v21 =	vmul.f32 $9.999999770e-03, v0;
	v27 =	vadd.f32 v27, v15  }
0x153: {  	v36 =	vld [tilespmem:s25+$0xA510];
	v13 =	vmax.f32 v13, v63;
	v15 =	vmax.f32 v62, v28;
	v28 =	vadd.f32 v55, v56  }
0x154: {  	v33 =	vld [tilespmem:s25+$0x910];
	v20 =	vmul.f32 v10, v6;
	v63 =	vmul.f32 v15, v7;
	v12 =	vmax.f32 v0, v21  }
0x155: {  	v31 =	vld [tilespmem:s25+$0xA130];
	v0 =	vadd.f32 v44, v46;
	v41 =	vmul.f32 $9.999999770e-03, v27;
	v42 =	vadd.f32 v42, v28  }
0x156: {  	v34 =	vld [tilespmem:s25+$0x5910];
	v44 =	vmul.f32 v13, v5;
	v28 =	vadd.f32 v49, v50;
	v50 =	vadd.f32 v23, v60  }
0x157: {  	v35 =	vld [tilespmem:s25+$0xA160];
	v39 =	vmul.f32 v12, v4;
	v1 =	vadd.f32 v30, v1;
	v0 =	vadd.f32 v14, v0  }
0x158: {  	v62 =	vld [tilespmem:s25+$0x170];
	v14 =	vmax.f32 v27, v41;
	v27 =	vadd.f32 v47, v48;
	v41 =	vadd.f32 v51, v52  }
0x159: {  	v46 =	vld [tilespmem:s25+$0x5170];
	v21 =	vmul.f32 $9.999999770e-03, v16;
	v28 =	vadd.f32 v17, v28;
	v2 =	vadd.f32 v44, v39  }
0x15a: {  	v47 =	vld [tilespmem:s25+$0x5520];
	v39 =	vadd.f32 v57, v58;
	v57 =	vmul.f32 v14, v7;
	v58 =	vadd.f32 v53, v54  }
0x15b: {  	v48 =	vld [tilespmem:s25+$0x520];
	v1 =	vadd.f32 v24, v1;
	v55 =	vmul.f32 $9.999999770e-03, v0;
	v27 =	vadd.f32 v18, v27  }
0x15c: {  	v49 =	vld [tilespmem:s25+$0x540];
	v2 =	vadd.f32 v20, v2;
	v39 =	vadd.f32 v43, v39;
	v43 =	vmul.f32 $9.999999770e-03, v42  }
0x15d: {  	v51 =	vld [tilespmem:s25+$0x5550];
	v22 =	vadd.f32 v22, v58;
	v58 =	vadd.f32 v34, v33;
	v34 =	vmul.f32 $9.999999770e-03, v28  }
0x15e: {  	v52 =	vld [tilespmem:s25+$0x550];
	v54 =	vmul.f32 $9.999999770e-03, v1;
	v46 =	vadd.f32 v46, v62;
	v20 =	vmul.f32 $9.999999770e-03, v27  }
0x15f: {  	v18 =	vmax.f32 v0, v55;
	v0 =	vld [tilespmem:s25+$0x5540];
	v56 =	vmul.f32 $9.999999770e-03, v39;
	v37 =	vadd.f32 v37, v58  }
0x160: {  	v58 =	vld [tilespmem:s25+$0x5160];
	v23 =	vmul.f32 $9.999999770e-03, v22;
	v62 =	vadd.f32 v47, v48;
	v20 =	vmax.f32 v27, v20  }
0x161: {  	v48 =	vld [tilespmem:s25+$0xA100];
	v27 =	vadd.f32 v19, v41;
	v19 =	vmax.f32 v42, v43;
	v17 =	vmax.f32 v39, v56  }
0x162: {  	v41 =	vld [tilespmem:s25+$0x5130];
	v56 =	vmul.f32 v19, v4;
	v44 =	vmul.f32 v17, v5  }
0x163: {  	v55 =	vmul.f32 v18, v6;
	v42 =	vld [tilespmem:s25+$0x130];
	v30 =	vmul.f32 v20, v4  }
0x164: {  	v43 =	vld [tilespmem:s25+$0xA140];
	v24 =	vmax.f32 v22, v23;
	v23 =	vmax.f32 v1, v54;
	v39 =	vadd.f32 v44, v56  }
0x165: {  	v1 =	vld [tilespmem:s25+$0x5510];
	v54 =	vadd.f32 v25, v46;
	v62 =	vadd.f32 v40, v62;
	v33 =	vmul.f32 $9.999999770e-03, v27  }
0x166: {  	v47 =	vmul.f32 v24, v6;
	v44 =	vld [tilespmem:s25+$0xA150];
	v60 =	vadd.f32 v55, v39;
	v55 =	vmul.f32 $9.999999770e-03, v37  }
0x167: {  	v0 =	vadd.f32 v0, v49;
	v56 =	vmul.f32 $9.999999770e-03, v50;
	v39 =	vadd.f32 v38, v2;
	v2 =	vld [tilespmem:s25+$0x5500]  }
0x168: {  	v59 =	vadd.f32 v58, v59;
	v38 =	vadd.f32 v63, v60;
	v60 =	vld [tilespmem:s25+$0x500];
	v22 =	vmax.f32 v37, v55  }
0x169: {  	v37 =	vadd.f32 v45, v61;
	v45 =	vmul.f32 v23, v4;
	v61 =	vld [tilespmem:s25+$0x510];
	v53 =	vmul.f32 v22, v5  }
0x16a: {  	v0 =	vadd.f32 v29, v0;
	v25 =	vmax.f32 v50, v56;
	v50 =	vld [tilespmem:s25+$0x5120];
	v63 =	vmul.f32 $9.999999770e-03, v62  }
0x16b: {  	p0 =	sne.s32 s29, $0x4E00;
	v56 =	vld [tilespmem:s25+$0x140];
	v37 =	vadd.f32 v26, v37;
	v26 =	vadd.f32 v53, v45;
	v45 =	vmul.f32 $9.999999770e-03, v54  }
.Ltmp0:
0x16c: {  	v46 =	vmul.f32 v25, v7;
	v55 =	vld [tilespmem:s25+$0x5150];
	v29 =	vmax.f32 v62, v63;
	v62 =	vmul.f32 $9.999999770e-03, v0;
	(pc) =	sbr.rel @p0 .LBB2_3-.Ltmp0, $4  }
0x16d: {  	v53 =	vld [tilespmem:s25+$0x5140];
	v47 =	vadd.f32 v47, v26;
	v26 =	vmax.f32 v54, v45;
	v54 =	vadd.f32 v51, v52  }
0x16e: {  	v40 =	vmul.f32 $9.999999770e-03, v37;
	v2 =	vadd.f32 v2, v60;
	v52 =	vld [tilespmem:s25+$0x5100];
	v60 =	vadd.f32 v1, v61  }
0x16f: {  	v51 =	vmul.f32 v29, v6;
	v45 =	vmul.f32 v26, v7;
	v47 =	vadd.f32 v57, v47;
	v57 =	vld [tilespmem:s25+$0x150]  }
0x170: {  	s28 =	smov.u32 s29;
	s29 =	sadd.s32 $0x200, s29;
	v49 =	vadd.f32 v32, v54;
	v54 =	vld [tilespmem:s25+$0x100];
	v58 =	vadd.f32 v3, v2;
	v32 =	vmax.f32 v0, v62  }
0x171: {  	v0 =	vld [tilespmem:s25+$0x5110];
	v1 =	vadd.f32 v36, v60;
	v2 =	vmul.f32 v32, v4;
	v35 =	vadd.f32 v35, v59  }
0x172: {  	v36 =	vld [tilespmem:s25+$0x110];
	v41 =	vadd.f32 v41, v42;
	v37 =	vmax.f32 v37, v40;
	v28 =	vmax.f32 v28, v34  }
0x173: {  	v59 =	vld [tilespmem:s25+$0x120];
	v3 =	vmul.f32 $9.999999770e-03, v49;
	v53 =	vadd.f32 v53, v56;
	v61 =	vmul.f32 $9.999999770e-03, v58  }
0x174: {  	v60 =	vld [tilespmem:s25+$0xA110];
	v63 =	vmul.f32 $9.999999770e-03, v1;
	v31 =	vadd.f32 v31, v41;
	v62 =	vadd.f32 v55, v57  }
0x175: {  	v43 =	vadd.f32 v43, v53;
	v53 =	vmul.f32 $9.999999770e-03, v35;
	v56 =	vmax.f32 v58, v61;
	v61 =	vld [tilespmem:s25+$0xA120]  }
0x176: {  	v1 =	vmax.f32 v1, v63;
	v52 =	vadd.f32 v52, v54;
	v42 =	vadd.f32 v44, v62  }
0x177: {  	v62 =	vmul.f32 v56, v4;
	v63 =	vmul.f32 $9.999999770e-03, v43;
	v0 =	vadd.f32 v0, v36  }
0x178: {  	v55 =	vmul.f32 v1, v5;
	v50 =	vadd.f32 v50, v59;
	v35 =	vmax.f32 v35, v53  }
0x179: {  	v44 =	vadd.f32 v48, v52;
	v54 =	vmul.f32 $9.999999770e-03, v42;
	v0 =	vadd.f32 v60, v0  }
0x17a: {  	v41 =	vmax.f32 v43, v63;
	v63 =	vmul.f32 v35, v6;
	v58 =	vadd.f32 v61, v50  }
0x17b: {  	v52 =	vmul.f32 $9.999999770e-03, v44;
	v36 =	vmax.f32 v42, v54;
	v61 =	vmul.f32 $9.999999770e-03, v0  }
0x17c: {  	v43 =	vadd.f32 v55, v62;
	v59 =	vmul.f32 v41, v4;
	v60 =	vmul.f32 v36, v5  }
0x17d: {  	v62 =	vmul.f32 $9.999999770e-03, v58;
	v44 =	vmax.f32 v44, v52;
	v0 =	vmax.f32 v0, v61  }
0x17e: {  	v3 =	vmax.f32 v49, v3;
	v54 =	vmul.f32 v44, v4;
	v57 =	vmul.f32 v0, v5  }
0x17f: {  	v48 =	vadd.f32 v60, v59;
	v42 =	vmax.f32 v58, v62;
	v58 =	vmul.f32 $9.999999770e-03, v31  }
0x180: {  	v43 =	vadd.f32 v51, v43;
	v59 =	vmul.f32 v42, v6;
	v50 =	vadd.f32 v57, v54  }
0x181: {  	(xrf2) =	vadd.scan.msk.f32 $0xffff, v39;
	v61 =	vmul.f32 v3, v5;
	v48 =	vadd.f32 v63, v48;
	v31 =	vmax.f32 v31, v58  }
0x182: {  	(xrf2) =	vadd.scan.msk.f32 $0xffff, v38;
	v43 =	vadd.f32 v46, v43;
	v46 =	vmul.f32 v31, v7;
	v62 =	vadd.f32 v59, v50  }
0x183: {  	v40 =	vmul.f32 v37, v6;
	(xrf2) =	vadd.scan.msk.f32 $0xffff, v47;
	v2 =	vadd.f32 v61, v2;
	v60 =	vadd.f32 v45, v48  }
0x184: {  	v27 =	vmax.f32 v27, v33;
	(xrf2) =	vadd.scan.msk.f32 $0xffff, v43;
	v43 =	vmul.f32 v28, v5;
	v63 =	vadd.f32 v46, v62  }
0x185: {  	v16 =	vmax.f32 v16, v21;
	v2 =	vadd.f32 v40, v2;
	v45 =	vmul.f32 v27, v7;
	(xrf2) =	vadd.scan.msk.f32 $0xffff, v60  }
0x186: {  	v47 =	vmul.f32 v16, v6;
	v46 =	vadd.f32 v43, v30;
	(xrf2) =	vadd.scan.msk.f32 $0xffff, v63  }
0x187: {  	v9 =	vmax.f32 v9, v11;
	v2 =	vadd.f32 v45, v2  }
0x188: {  	[tilespmem:s25+$0xAD70] =	vst v8;
	v49 =	vmul.f32 v9, v7;
	v48 =	vadd.f32 v47, v46  }
0x189: {  	[tilespmem:s25+$0xAD60] =	vst v10;
	(xrf2) =	vadd.scan.msk.f32 $0xffff, v2  }
0x18a: {  	[tilespmem:s25+$0xA970] =	vst v15;
	v50 =	vadd.f32 v49, v48  }
0x18b: {  	[tilespmem:s25+$0xAD40] =	vst v12;
	v8, _, _ =	vpop (xrf2)  }
0x18c: {  	[tilespmem:s25+$0xAD50] =	vst v13;
	v51, _, _ =	vpop (xrf2);
	(xrf2) =	vadd.scan.msk.f32 $0xffff, v50  }
0x18d: {  	[tilespmem:s25+$0xA930] =	vst v14;
	v52, _, _ =	vpop (xrf2)  }
0x18e: {  	[tilespmem:s25+$0xA960] =	vst v18;
	v53, _, _ =	vpop (xrf2)  }
0x18f: {  	[tilespmem:s25+$0xAD00] =	vst v20;
	v54, _, _ =	vpop (xrf2)  }
0x190: {  	[tilespmem:s25+$0xA920] =	vst v24;
	v55, _, _ =	vpop (xrf2)  }
0x191: {  	[tilespmem:s25+$0xA940] =	vst v19;
	v12 =	vbroadcast v55, $0xF  }
0x192: {  	[tilespmem:s25+$0xA950] =	vst v17;
	v11 =	vbroadcast v54, $0xF  }
0x193: {  	[tilespmem:s25+$0xA530] =	vst v25;
	v10 =	vbroadcast v53, $0xF;
	v57, _, _ =	vpop (xrf2);
	v12 =	vnsel vm1, $0x0, v12  }
0x194: {  	[tilespmem:s25+$0xA900] =	vst v23;
	v58 =	vbroadcast v57, $0xF;
	v11 =	vsel vm2, v12, v11  }
0x195: {  	[tilespmem:s25+$0xA910] =	vst v22;
	v2 =	vbroadcast v52, $0xF;
	v10 =	vsel vm3, v11, v10  }
0x196: {  	[tilespmem:s25+$0xAD30] =	vst v9;
	v9 =	vbroadcast v51, $0xF;
	v59, _, _ =	vpop (xrf2);
	v10 =	vsel vm4, v10, v58  }
0x197: {  	[tilespmem:s25+$0xA170] =	vst v26;
	v60 =	vbroadcast v59, $0xF;
	v2 =	vsel vm5, v10, v2  }
0x198: {  	[tilespmem:s25+$0xA520] =	vst v29;
	v8 =	vbroadcast v8, $0xF;
	v2 =	vsel vm6, v2, v9  }
0x199: {  	[tilespmem:s25+$0xA540] =	vst v32;
	v2 =	vsel vm7, v2, v60  }
0x19a: {  	[tilespmem:s25+$0xAD20] =	vst v16;
	v2 =	vsel vm8, v2, v8  }
0x19b: {  	[tilespmem:s25+$0xAD10] =	vst v28;
	v2 =	vmul.f32 $1.442695020e+00, v2  }
0x19c: {  	[tilespmem:s25+$0xA570] =	vst v27  }
0x19d: {  	[tilespmem:s25+$0xA560] =	vst v37;
	(erf) = vpow2.f32 v2  }
0x19e: {  	[tilespmem:s25+$0xA550] =	vst v3  }
0x19f: {  	[tilespmem:s25+$0xA500] =	vst v56  }
0x1a0: {  	[tilespmem:s25+$0xA510] =	vst v1  }
0x1a1: {  	[tilespmem:s25+$0xA160] =	vst v35  }
0x1a2: {  	[tilespmem:s25+$0xA140] =	vst v41;
	v62 =	vld [tilespmem:$0x1FFF0]  }
0x1a3: {  	[tilespmem:s25+$0xA150] =	vst v36  }
0x1a4: {  	[tilespmem:s25+$0xA100] =	vst v44  }
0x1a5: {  	[tilespmem:s25+$0xA110] =	vst v0  }
0x1a6: {  	[tilespmem:s25+$0xA120] =	vst v42;
	v61 =	vpop (erf)  }
0x1a7: {  	s31 =	sshra.s32 s28, $0x2;
	[tilespmem:s25+$0xA130] =	vst v31;
	v63 =	vsel vm9, v61, v62  }
0x1a8: {  	s24 =	sadd.s32 s9, s24;
	[tilespmem:s31+$0xF100] =	vst v63  }
0x1a9: {  	[hbm4b:s24+s3] =	stream.linear.scatter [tilespmem:s18], [sflag:$0x3], $0x5000, $0x38;
	[tilespmem:$0x10580] =	vst v63  }
0x1aa: {  	s22 =	sadd.s32 $0x1, s22;
	_ =	swait.ge [sflag:s16], $0x5000  }
0x1ab: {  	s23 =	sshll.u32 s23, $0x4;
	p0 =	sne.s32 s22, $0x7D;
	[sflag:s16] =	ssyncset.done $0x0  }
.Ltmp1:
0x1ac: {  	s23 =	sadd.s32 s10, s23;
	[sflag:s16] =	ssyncadd.s32 $0xFFFFB000;
	(pc) =	sbr.rel @p0 .LBB2_2-.Ltmp1, $4  }
0x1ad: {  	[hbm4b:s23+s3] =	stream.linear.scatter [tilespmem:s21], [sflag:$0x3], $0x1400, $0x38;
	[tilespmem:$0x10580] =	vst v63  }
0x1ae: {  	_ =	swait.ge [sflag:s16], $0x1400  }
0x1af: {  	[sflag:s16] =	ssyncset.done $0x0  }
0x1b0: {  	[sflag:s16] =	ssyncadd.s32 $0xFFFFEC00  }
0x1b1: {  	s23 =	rddreg [dreg:$0x6]  }
0x1b2: {  	s22 =	rddreg [dreg:$0x5];
	s23 =	sadd.s32 $0x1, s23  }
0x1b3: {  	p0 =	sne.s32 s23, s22  }
.Ltmp2:
0x1b4: {  	_ = 	snop;
	(pc) =	sbr.rel @p0 .LBB2_1-.Ltmp2, $1  }
0x1b5: {  	_ =	sdelay $0x3  }
0x1b6: {  	_ =	sfence.sel $0x180000  }
0x1b7: {  	[bflag:$0x0] =	sbarrier.arrive $0xFFFF  }
0x1b8: {  	_ =	strace $0x90000047  }
0x1b9: {  	s0 =	stileid.u32;
	[bflag:$0x2] =	sbarrier.arrive $0xFFFF  }
0x1ba: {  	p0 =	sne.s32 s0, $0x0;
	s0 =	rddreg [dreg:$0x3]  }
0x1bb: {  	s0 =	sadd.s32 @!p0 $0x100000, s0  }
0x1bc: {  	[sflag:s0] =	ssyncadd.tile.s32 @!p0 $0x1;
	_ =	shalt  }
.Lfunc_end2:
_tile_overlayer_lowered:
.L_overlay_start_2:
0x1bd: {  	(tag) =	ssettag $0x2  }
0x1be: {  	s0 =	rddreg [dreg:$0x0];
	s2 =	stileid.u32  }
0x1bf: {  	s1 =	rddreg [dreg:$0x1];
	p0 =	sne.s32 s2, $0x0  }
0x1c0: {  	s3 =	rddreg [dreg:$0x2];
	[bflag:$0x3] =	sbarrier.arrive $0xFFFF;
	s2 =	simm.s32 @!p0 $0x1C03  }
0x1c1: {  	[timem:s3], [sflag:s2] =	dma.local @!p0 [hbm:s0], s1  }
0x1c2: {  	s0 =	simm.s32 @!p0 $0x3  }
0x1c3: {  	_ =	swait.ge @!p0 [sflag:s0], s1  }
0x1c4: {  	s1 =	ssub.s32 @!p0 $0x0, s1;
	[sflag:s0] =	ssyncset.done @!p0 $0x0  }
0x1c5: {  	[sflag:s0] =	ssyncadd.s32 @!p0 s1  }
0x1c6: {  	[bflag:$0x3] =	sbarrier.arrive $0xFFFF  }
0x1c7: {  	_ =	shalt  }

</sc_bundles>
